<compile_context>
chip_gen: v7x
topology: tpu7x:2x2x1
jax: 0.10.2.dev20260603
libtpu: 0.0.44.dev20260713+nightly
codegen_flags: <defaults>
</compile_context>

<pallas_src>
import struct

import jax
import jax.numpy as jnp
from jax import lax
from jax.experimental import pallas as pl
from jax.experimental.pallas import tpu as pltpu, tpu_sc as plsc

K = 2048
RANGE = 8.0
W = RANGE / (K - 1)
INV_W = (K - 1) / RANGE
INV_W_BITS = struct.unpack("<i", struct.pack("<f", INV_W))[0]
NIMG = 16
NROW = 384
NCOL = 384
NPIX = NROW * NCOL
HROWS = NROW // 2
CROWS = 24
CHUNK = CROWS * NCOL
NCHUNK = HROWS // CROWS
GPR = NCOL // 16
NV = K // 16


def _sc_body(logits_ref, targets_ref, out_ref,
             hist, lbuf0, lbuf1, tbuf0, tbuf1,
             nbuf, cbuf, nbuf2, cbuf2, obuf,
             sh_n, sh_c,
             sl0, sl1, st0, st1):
    c = lax.axis_index("c")
    s = lax.axis_index("s")
    w = c * 16 + s
    img = w // 2
    half = s % 2
    lane = lax.iota(jnp.int32, 16)

    base = half * HROWS
    lane_k = lane * K

    lbufs, tbufs = (lbuf0, lbuf1), (tbuf0, tbuf1)
    lsems, tsems = (sl0, sl1), (st0, st1)

    def start(ci, slot):
        r0 = base + ci * CROWS
        return (pltpu.async_copy(logits_ref.at[img, pl.ds(r0, CROWS), :],
                                 lbufs[slot], lsems[slot]),
                pltpu.async_copy(targets_ref.at[img, pl.ds(r0, CROWS), :],
                                 tbufs[slot], tsems[slot]))

    def process(lb, tb):
        @plsc.parallel_loop(0, CROWS * GPR, unroll=8)
        def _grp(g):
            r = g // GPR
            col = (g % GPR) * 16
            x = lb[r, pl.ds(col, 16)]
            t = tb[r, pl.ds(col, 16)]
            m = plsc.bitcast(INV_W_BITS ^ (t << 31), jnp.float32)
            z = x * m + (INV_W + 1.0)
            idv = jnp.minimum(jnp.maximum(z.astype(jnp.int32), 0), K - 1)
            addr = lane_k + idv
            val = (t << 16) + 1
            plsc.addupdate_scatter(hist, [addr], val)

    pend = start(0, 0)

    @plsc.parallel_loop(0, (16 * K) // 16, unroll=16)
    def _zero(i):
        hist[pl.ds(i * 16, 16)] = jnp.zeros((16,), jnp.int32)

    for ci in range(NCHUNK):
        nxt = start(ci + 1, (ci + 1) % 2) if ci + 1 < NCHUNK else None
        pend[0].wait()
        pend[1].wait()
        process(lbufs[ci % 2], tbufs[ci % 2])
        pend = nxt

    @plsc.parallel_loop(0, NV, unroll=2)
    def _red(j):
        vals = [hist[pl.ds(l * K + j * 16, 16)] for l in range(16)]
        while len(vals) > 2:
            vals = [vals[2 * i] + vals[2 * i + 1]
                    for i in range(len(vals) // 2)]
        a, b = vals
        nbuf[pl.ds(j * 16, 16)] = (a & 0xFFFF) + (b & 0xFFFF)
        cbuf[pl.ds(j * 16, 16)] = (a >> 16) + (b >> 16)

    pltpu.sync_copy(nbuf, sh_n.at[s])
    pltpu.sync_copy(cbuf, sh_c.at[s])
    plsc.subcore_barrier()

    @pl.when(half == 0)
    def _scan():
        pltpu.sync_copy(sh_n.at[s + 1], nbuf2)
        pltpu.sync_copy(sh_c.at[s + 1], cbuf2)

        @plsc.parallel_loop(0, NV, unroll=4, carry=jnp.zeros((16,), jnp.int32))
        def pacc(j, acc):
            return acc + cbuf[pl.ds(j * 16, 16)] + cbuf2[pl.ds(j * 16, 16)]
        p = jnp.sum(pacc)

        def scan_body(i, carry):
            carry_n, carry_c, acc_j, acc_j1 = carry
            jj = NV - 1 - i
            nv = nbuf[pl.ds(jj * 16, 16)] + nbuf2[pl.ds(jj * 16, 16)]
            cv = cbuf[pl.ds(jj * 16, 16)] + cbuf2[pl.ds(jj * 16, 16)]
            bid = jj * 16 + lane
            nv = jnp.where(bid > 0, nv, 0)
            cv = jnp.where(bid > 0, cv, 0)
            rn = lax.rev(nv, (0,))
            rc = lax.rev(cv, (0,))
            cn = plsc.cumsum(rn) + carry_n
            cc = plsc.cumsum(rc) + carry_c
            denom = jnp.maximum(p + cn - cc, 1)
            jac = cn.astype(jnp.float32) / denom.astype(jnp.float32)
            bid_desc = jj * 16 + (15 - lane)
            acc_j = acc_j + jnp.where(bid_desc > 0, jac, 0.0)
            acc_j1 = acc_j1 + jnp.where(bid_desc == 1, jac, 0.0)
            carry_n = carry_n + jnp.sum(rn)
            carry_c = carry_c + jnp.sum(rc)
            return carry_n, carry_c, acc_j, acc_j1

        zf = jnp.zeros((16,), jnp.float32)
        _, _, acc_j, acc_j1 = plsc.parallel_loop(
            0, NV, unroll=2,
            carry=(jnp.zeros((), jnp.int32), jnp.zeros((), jnp.int32),
                   zf, zf))(scan_body)
        loss = W * jnp.sum(acc_j) - 0.5 * W * jnp.sum(acc_j1)
        obuf[...] = jnp.broadcast_to(loss, (16,))
        pltpu.sync_copy(obuf, out_ref.at[img])


import functools


@functools.cache
def _make_sc_call():
    mesh = plsc.VectorSubcoreMesh(core_axis_name="c", subcore_axis_name="s",
                                  num_cores=2, num_subcores=16)
    return pl.kernel(
        _sc_body,
        out_type=jax.ShapeDtypeStruct((NIMG, 16), jnp.float32),
        mesh=mesh,
        compiler_params=pltpu.CompilerParams(needs_layout_passes=False,
                                             use_tc_tiling_on_sc=True,
                                             disable_bounds_checks=True,
                                             disable_semaphore_checks=True,
                                             skip_device_barrier=True),
        scratch_types=[
            pltpu.VMEM((16 * K,), jnp.int32),
            pltpu.VMEM((CROWS, NCOL), jnp.float32),
            pltpu.VMEM((CROWS, NCOL), jnp.float32),
            pltpu.VMEM((CROWS, NCOL), jnp.int32),
            pltpu.VMEM((CROWS, NCOL), jnp.int32),
            pltpu.VMEM((K,), jnp.int32),
            pltpu.VMEM((K,), jnp.int32),
            pltpu.VMEM((K,), jnp.int32),
            pltpu.VMEM((K,), jnp.int32),
            pltpu.VMEM((16,), jnp.float32),
            pltpu.VMEM_SHARED((16, K), jnp.int32),
            pltpu.VMEM_SHARED((16, K), jnp.int32),
            pltpu.SemaphoreType.DMA,
            pltpu.SemaphoreType.DMA,
            pltpu.SemaphoreType.DMA,
            pltpu.SemaphoreType.DMA,
        ],
    )


def kernel(logits, targets):
    out = _make_sc_call()(logits, targets.astype(jnp.int32))
    return jnp.mean(out[:, 0])

# --- scband reference (transcript-rebuilt; emitter-appended) ---
"""Pipeline reference for scband-lovasz-hinge-loss-63153199120770 (READ-ONLY COPY).

The authoritative reference and input builder live on the scoring server;
editing this copy changes nothing except your own understanding.
"""

import jax, jax.numpy as jnp
import numpy as np


def _lovasz_grad(gt_sorted):
    gts = jnp.sum(gt_sorted)
    intersection = gts - jnp.cumsum(gt_sorted)
    union = gts + jnp.cumsum(1.0 - gt_sorted)
    jaccard = 1.0 - intersection / union
    jaccard = jnp.concatenate([jaccard[:1], jaccard[1:] - jaccard[:-1]])
    return jaccard


def _lovasz_hinge_flat(logits, labels):
    signs = 2.0 * labels - 1.0
    errors = 1.0 - logits * signs
    perm = jnp.argsort(-errors)
    errors_sorted = errors[perm]
    gt_sorted = labels[perm]
    grad = _lovasz_grad(gt_sorted)
    return jnp.dot(jax.nn.relu(errors_sorted), grad)


def setup_inputs(seed: int = 0) -> dict:
    key = jax.random.key(seed)
    k1, k2 = jax.random.split(key)
    logits = jax.random.normal(k1, (16, 384, 384), dtype=jnp.float32)
    targets = jax.random.randint(k2, (16, 384, 384), 0, 2).astype(jnp.int64)
    return {"logits": logits, "targets": targets}


def reference(logits, targets):
    labels = targets.astype(jnp.float32)
    B = logits.shape[0]
    lf = logits.reshape(B, -1)
    tf = labels.reshape(B, -1)
    losses = jax.vmap(_lovasz_hinge_flat)(lf, tf)
    return jnp.mean(losses)

if __name__ == "__main__":
    import jax
    _d = setup_inputs()
    print(jax.jit(kernel)(*tuple(_d.values())))

</pallas_src>

<mosaic_0001>
#map = affine_map<(d0, d1) -> (0, 0, 0)>
#map1 = affine_map<(d0, d1) -> (0, 0)>
module attributes {stable_mosaic.version = 14 : i64} {
  func.func @_sc_body(%arg0: i32, %arg1: i32, %arg2: memref<16x384x384xf32, #tpu.memory_space<hbm>>, %arg3: memref<16x384x384xi32, #tpu.memory_space<hbm>>, %arg4: memref<16x16xf32, #tpu.memory_space<hbm>>, %arg5: memref<32768xi32, #tpu.memory_space<vmem>>, %arg6: memref<24x384xf32, #tpu.memory_space<vmem>>, %arg7: memref<24x384xf32, #tpu.memory_space<vmem>>, %arg8: memref<24x384xi32, #tpu.memory_space<vmem>>, %arg9: memref<24x384xi32, #tpu.memory_space<vmem>>, %arg10: memref<2048xi32, #tpu.memory_space<vmem>>, %arg11: memref<2048xi32, #tpu.memory_space<vmem>>, %arg12: memref<2048xi32, #tpu.memory_space<vmem>>, %arg13: memref<2048xi32, #tpu.memory_space<vmem>>, %arg14: memref<16xf32, #tpu.memory_space<vmem>>, %arg15: memref<16x2048xi32, #tpu.memory_space<vmem_shared>>, %arg16: memref<16x2048xi32, #tpu.memory_space<vmem_shared>>, %arg17: memref<!tpu.dma_semaphore, #tpu.memory_space<semaphore_mem>>, %arg18: memref<!tpu.dma_semaphore, #tpu.memory_space<semaphore_mem>>, %arg19: memref<!tpu.dma_semaphore, #tpu.memory_space<semaphore_mem>>, %arg20: memref<!tpu.dma_semaphore, #tpu.memory_space<semaphore_mem>>) attributes {dimension_semantics = [#tpu.dimension_semantics<core_parallel>, #tpu.dimension_semantics<subcore_parallel>], iteration_bounds = array<i64: 2, 16>, scalar_prefetch = 0 : i64, scratch_operands = 16 : i64, tpu.core_type = #tpu.core_type<sc_vector_subcore>, window_params = [{transform_indices = #map}, {transform_indices = #map}, {transform_indices = #map1}]} {
    %mul3A = arith.constant 16 : i32
    %mul3A_0 = arith.muli %arg0, %mul3A : i32
    %add3A = arith.addi %mul3A_0, %arg1 : i32
    %jit3A = arith.constant 2 : i32
    %div3A = arith.divsi %add3A, %jit3A : i32
    %sign3A = arith.constant 0 : i32
    %sign3A_1 = arith.cmpi sgt, %add3A, %sign3A : i32
    %sign3A_2 = arith.extui %sign3A_1 : i1 to i32
    %sign3A_3 = arith.constant 0 : i32
    %sign3A_4 = arith.cmpi slt, %add3A, %sign3A_3 : i32
    %sign3A_5 = arith.extui %sign3A_4 : i1 to i32
    %sign3A_6 = arith.subi %sign3A_2, %sign3A_5 : i32
    %sign3A_7 = arith.constant 0 : i32
    %sign3A_8 = arith.cmpi sgt, %jit3A, %sign3A_7 : i32
    %sign3A_9 = arith.extui %sign3A_8 : i1 to i32
    %sign3A_10 = arith.constant 0 : i32
    %sign3A_11 = arith.cmpi slt, %jit3A, %sign3A_10 : i32
    %sign3A_12 = arith.extui %sign3A_11 : i1 to i32
    %sign3A_13 = arith.subi %sign3A_9, %sign3A_12 : i32
    %ne3A = arith.cmpi ne, %sign3A_6, %sign3A_13 : i32
    %rem3A = arith.remsi %add3A, %jit3A : i32
    %ne3A_14 = arith.constant 0 : i32
    %ne3A_15 = arith.cmpi ne, %rem3A, %ne3A_14 : i32
    %and3A = arith.andi %ne3A, %ne3A_15 : i1
    %sub3A = arith.constant 1 : i32
    %sub3A_16 = arith.subi %div3A, %sub3A : i32
    %select_n3A = arith.select %and3A, %sub3A_16, %div3A : i32
    %jit3A_17 = arith.constant 2 : i32
    %eq3A = arith.constant 0 : i32
    %eq3A_18 = arith.cmpi eq, %jit3A_17, %eq3A : i32
    %jit3A_19 = arith.constant 1 : i32
    %select_n3A_20 = arith.select %eq3A_18, %jit3A_19, %jit3A_17 : i32
    %rem3A_21 = arith.remsi %arg1, %select_n3A_20 : i32
    %ne3A_22 = arith.constant 0 : i32
    %ne3A_23 = arith.cmpi ne, %rem3A_21, %ne3A_22 : i32
    %lt3A = arith.constant 0 : i32
    %lt3A_24 = arith.cmpi slt, %rem3A_21, %lt3A : i32
    %lt3A_25 = arith.constant 0 : i32
    %lt3A_26 = arith.cmpi slt, %select_n3A_20, %lt3A_25 : i32
    %ne3A_27 = arith.xori %lt3A_24, %lt3A_26 : i1
    %and3A_28 = arith.andi %ne3A_27, %ne3A_23 : i1
    %add3A_29 = arith.addi %rem3A_21, %select_n3A_20 : i32
    %select_n3A_30 = arith.select %and3A_28, %add3A_29, %rem3A_21 : i32
    %iota3A = tpu.iota {dimensions = array<i32: 0>} : vector<16xi32>
    %mul3A_31 = arith.constant 192 : i32
    %mul3A_32 = arith.muli %select_n3A_30, %mul3A_31 : i32
    %mul3A_33 = arith.constant 2048 : i32
    %mul3A_34 = vector.broadcast %mul3A_33 : i32 to vector<16xi32>
    %mul3A_35 = arith.muli %iota3A, %mul3A_34 : vector<16xi32>
    %add3A_36 = arith.constant 0 : i32
    %add3A_37 = arith.addi %mul3A_32, %add3A_36 : i32
    %dma_start3A = arith.constant 0 : i32
    %dma_start3A_38 = tpu.memref_slice %arg2[%select_n3A, %add3A_37, %dma_start3A] : memref<16x384x384xf32, #tpu.memory_space<hbm>> -> memref<1x24x384xf32, #tpu.memory_space<hbm>>
    %dma_start3A_39 = tpu.memref_squeeze %dma_start3A_38 : memref<1x24x384xf32, #tpu.memory_space<hbm>> -> memref<24x384xf32, #tpu.memory_space<hbm>>
    %dma_start3A_40 = arith.constant 0 : i32
    %dma_start3A_41 = tpu.memref_slice %arg2[%select_n3A, %add3A_37, %dma_start3A_40] : memref<16x384x384xf32, #tpu.memory_space<hbm>> -> memref<1x24x384xf32, #tpu.memory_space<hbm>>
    %dma_start3A_42 = tpu.memref_squeeze %dma_start3A_41 : memref<1x24x384xf32, #tpu.memory_space<hbm>> -> memref<24x384xf32, #tpu.memory_space<hbm>>
    tpu.enqueue_dma source(%dma_start3A_42 : memref<24x384xf32, #tpu.memory_space<hbm>>) target(%arg6 : memref<24x384xf32, #tpu.memory_space<vmem>>) target_semaphore(%arg17 : memref<!tpu.dma_semaphore, #tpu.memory_space<semaphore_mem>>)
    %dma_start3A_43 = arith.constant 0 : i32
    %dma_start3A_44 = tpu.memref_slice %arg3[%select_n3A, %add3A_37, %dma_start3A_43] : memref<16x384x384xi32, #tpu.memory_space<hbm>> -> memref<1x24x384xi32, #tpu.memory_space<hbm>>
    %dma_start3A_45 = tpu.memref_squeeze %dma_start3A_44 : memref<1x24x384xi32, #tpu.memory_space<hbm>> -> memref<24x384xi32, #tpu.memory_space<hbm>>
    %dma_start3A_46 = arith.constant 0 : i32
    %dma_start3A_47 = tpu.memref_slice %arg3[%select_n3A, %add3A_37, %dma_start3A_46] : memref<16x384x384xi32, #tpu.memory_space<hbm>> -> memref<1x24x384xi32, #tpu.memory_space<hbm>>
    %dma_start3A_48 = tpu.memref_squeeze %dma_start3A_47 : memref<1x24x384xi32, #tpu.memory_space<hbm>> -> memref<24x384xi32, #tpu.memory_space<hbm>>
    tpu.enqueue_dma source(%dma_start3A_48 : memref<24x384xi32, #tpu.memory_space<hbm>>) target(%arg8 : memref<24x384xi32, #tpu.memory_space<vmem>>) target_semaphore(%arg19 : memref<!tpu.dma_semaphore, #tpu.memory_space<semaphore_mem>>)
    %parallel_loop3A = arith.constant 0 : i32
    %parallel_loop3A_49 = arith.constant 2048 : i32
    %parallel_loop3A_50 = arith.constant 1 : i32
    scf.for %parallel_loop3A_274 = %parallel_loop3A to %parallel_loop3A_49 step %parallel_loop3A_50  : i32 {
      %parallel_loop3A_275 = arith.constant 0 : i32
      %parallel_loop3A_276 = vector.broadcast %parallel_loop3A_275 : i32 to vector<16xi32>
      %parallel_loop3A_277 = arith.constant 16 : i32
      %parallel_loop3A_278 = arith.muli %parallel_loop3A_274, %parallel_loop3A_277 : i32
      %parallel_loop3A_279 = arith.index_cast %parallel_loop3A_278 : i32 to index
      %parallel_loop3A_280 = tpu.vector_load %arg5[%parallel_loop3A_279] {strides = array<i32>} : memref<32768xi32, #tpu.memory_space<vmem>>, vector<16xi32>,
      tpu.vector_store %arg5[%parallel_loop3A_279], %parallel_loop3A_276 {strides = array<i32>} : memref<32768xi32, #tpu.memory_space<vmem>>, vector<16xi32>,
    } {sc.loop_unroll_factor = 16 : i64, sc.parallel_access}
    %add3A_51 = arith.constant 24 : i32
    %add3A_52 = arith.addi %mul3A_32, %add3A_51 : i32
    %dma_start3A_53 = arith.constant 0 : i32
    %dma_start3A_54 = tpu.memref_slice %arg2[%select_n3A, %add3A_52, %dma_start3A_53] : memref<16x384x384xf32, #tpu.memory_space<hbm>> -> memref<1x24x384xf32, #tpu.memory_space<hbm>>
    %dma_start3A_55 = tpu.memref_squeeze %dma_start3A_54 : memref<1x24x384xf32, #tpu.memory_space<hbm>> -> memref<24x384xf32, #tpu.memory_space<hbm>>
    %dma_start3A_56 = arith.constant 0 : i32
    %dma_start3A_57 = tpu.memref_slice %arg2[%select_n3A, %add3A_52, %dma_start3A_56] : memref<16x384x384xf32, #tpu.memory_space<hbm>> -> memref<1x24x384xf32, #tpu.memory_space<hbm>>
    %dma_start3A_58 = tpu.memref_squeeze %dma_start3A_57 : memref<1x24x384xf32, #tpu.memory_space<hbm>> -> memref<24x384xf32, #tpu.memory_space<hbm>>
    tpu.enqueue_dma source(%dma_start3A_58 : memref<24x384xf32, #tpu.memory_space<hbm>>) target(%arg7 : memref<24x384xf32, #tpu.memory_space<vmem>>) target_semaphore(%arg18 : memref<!tpu.dma_semaphore, #tpu.memory_space<semaphore_mem>>)
    %dma_start3A_59 = arith.constant 0 : i32
    %dma_start3A_60 = tpu.memref_slice %arg3[%select_n3A, %add3A_52, %dma_start3A_59] : memref<16x384x384xi32, #tpu.memory_space<hbm>> -> memref<1x24x384xi32, #tpu.memory_space<hbm>>
    %dma_start3A_61 = tpu.memref_squeeze %dma_start3A_60 : memref<1x24x384xi32, #tpu.memory_space<hbm>> -> memref<24x384xi32, #tpu.memory_space<hbm>>
    %dma_start3A_62 = arith.constant 0 : i32
    %dma_start3A_63 = tpu.memref_slice %arg3[%select_n3A, %add3A_52, %dma_start3A_62] : memref<16x384x384xi32, #tpu.memory_space<hbm>> -> memref<1x24x384xi32, #tpu.memory_space<hbm>>
    %dma_start3A_64 = tpu.memref_squeeze %dma_start3A_63 : memref<1x24x384xi32, #tpu.memory_space<hbm>> -> memref<24x384xi32, #tpu.memory_space<hbm>>
    tpu.enqueue_dma source(%dma_start3A_64 : memref<24x384xi32, #tpu.memory_space<hbm>>) target(%arg9 : memref<24x384xi32, #tpu.memory_space<vmem>>) target_semaphore(%arg20 : memref<!tpu.dma_semaphore, #tpu.memory_space<semaphore_mem>>)
    %dma_wait3A = arith.constant 0 : i32
    %dma_wait3A_65 = tpu.memref_slice %arg2[%select_n3A, %add3A_37, %dma_wait3A] : memref<16x384x384xf32, #tpu.memory_space<hbm>> -> memref<1x24x384xf32, #tpu.memory_space<hbm>>
    %dma_wait3A_66 = tpu.memref_squeeze %dma_wait3A_65 : memref<1x24x384xf32, #tpu.memory_space<hbm>> -> memref<24x384xf32, #tpu.memory_space<hbm>>
    %dma_wait3A_67 = arith.constant 0 : i32
    %dma_wait3A_68 = tpu.memref_slice %arg2[%select_n3A, %add3A_37, %dma_wait3A_67] : memref<16x384x384xf32, #tpu.memory_space<hbm>> -> memref<1x24x384xf32, #tpu.memory_space<hbm>>
    %dma_wait3A_69 = tpu.memref_squeeze %dma_wait3A_68 : memref<1x24x384xf32, #tpu.memory_space<hbm>> -> memref<24x384xf32, #tpu.memory_space<hbm>>
    tpu.wait_dma2 semaphore(%arg17 : memref<!tpu.dma_semaphore, #tpu.memory_space<semaphore_mem>>) src(%dma_wait3A_69 : memref<24x384xf32, #tpu.memory_space<hbm>>) dst(%arg6 : memref<24x384xf32, #tpu.memory_space<vmem>>)
    %dma_wait3A_70 = arith.constant 0 : i32
    %dma_wait3A_71 = tpu.memref_slice %arg3[%select_n3A, %add3A_37, %dma_wait3A_70] : memref<16x384x384xi32, #tpu.memory_space<hbm>> -> memref<1x24x384xi32, #tpu.memory_space<hbm>>
    %dma_wait3A_72 = tpu.memref_squeeze %dma_wait3A_71 : memref<1x24x384xi32, #tpu.memory_space<hbm>> -> memref<24x384xi32, #tpu.memory_space<hbm>>
    %dma_wait3A_73 = arith.constant 0 : i32
    %dma_wait3A_74 = tpu.memref_slice %arg3[%select_n3A, %add3A_37, %dma_wait3A_73] : memref<16x384x384xi32, #tpu.memory_space<hbm>> -> memref<1x24x384xi32, #tpu.memory_space<hbm>>
    %dma_wait3A_75 = tpu.memref_squeeze %dma_wait3A_74 : memref<1x24x384xi32, #tpu.memory_space<hbm>> -> memref<24x384xi32, #tpu.memory_space<hbm>>
    tpu.wait_dma2 semaphore(%arg19 : memref<!tpu.dma_semaphore, #tpu.memory_space<semaphore_mem>>) src(%dma_wait3A_75 : memref<24x384xi32, #tpu.memory_space<hbm>>) dst(%arg8 : memref<24x384xi32, #tpu.memory_space<vmem>>)
    %parallel_loop3A_76 = arith.constant 0 : i32
    %parallel_loop3A_77 = arith.constant 576 : i32
    %parallel_loop3A_78 = arith.constant 1 : i32
    scf.for %parallel_loop3A_274 = %parallel_loop3A_76 to %parallel_loop3A_77 step %parallel_loop3A_78  : i32 {
      %parallel_loop3A_275 = arith.constant 24 : i32
      %parallel_loop3A_276 = arith.divsi %parallel_loop3A_274, %parallel_loop3A_275 : i32
      %parallel_loop3A_277 = arith.constant 0 : i32
      %parallel_loop3A_278 = arith.cmpi sgt, %parallel_loop3A_274, %parallel_loop3A_277 : i32
      %parallel_loop3A_279 = arith.extui %parallel_loop3A_278 : i1 to i32
      %parallel_loop3A_280 = arith.constant 0 : i32
      %parallel_loop3A_281 = arith.cmpi slt, %parallel_loop3A_274, %parallel_loop3A_280 : i32
      %parallel_loop3A_282 = arith.extui %parallel_loop3A_281 : i1 to i32
      %parallel_loop3A_283 = arith.subi %parallel_loop3A_279, %parallel_loop3A_282 : i32
      %parallel_loop3A_284 = arith.constant 0 : i32
      %parallel_loop3A_285 = arith.cmpi sgt, %parallel_loop3A_275, %parallel_loop3A_284 : i32
      %parallel_loop3A_286 = arith.extui %parallel_loop3A_285 : i1 to i32
      %parallel_loop3A_287 = arith.constant 0 : i32
      %parallel_loop3A_288 = arith.cmpi slt, %parallel_loop3A_275, %parallel_loop3A_287 : i32
      %parallel_loop3A_289 = arith.extui %parallel_loop3A_288 : i1 to i32
      %parallel_loop3A_290 = arith.subi %parallel_loop3A_286, %parallel_loop3A_289 : i32
      %parallel_loop3A_291 = arith.cmpi ne, %parallel_loop3A_283, %parallel_loop3A_290 : i32
      %parallel_loop3A_292 = arith.remsi %parallel_loop3A_274, %parallel_loop3A_275 : i32
      %parallel_loop3A_293 = arith.constant 0 : i32
      %parallel_loop3A_294 = arith.cmpi ne, %parallel_loop3A_292, %parallel_loop3A_293 : i32
      %parallel_loop3A_295 = arith.andi %parallel_loop3A_291, %parallel_loop3A_294 : i1
      %parallel_loop3A_296 = arith.constant 1 : i32
      %parallel_loop3A_297 = arith.subi %parallel_loop3A_276, %parallel_loop3A_296 : i32
      %parallel_loop3A_298 = arith.select %parallel_loop3A_295, %parallel_loop3A_297, %parallel_loop3A_276 : i32
      %parallel_loop3A_299 = arith.constant 24 : i32
      %parallel_loop3A_300 = arith.constant 0 : i32
      %parallel_loop3A_301 = arith.cmpi eq, %parallel_loop3A_299, %parallel_loop3A_300 : i32
      %parallel_loop3A_302 = arith.constant 1 : i32
      %parallel_loop3A_303 = arith.select %parallel_loop3A_301, %parallel_loop3A_302, %parallel_loop3A_299 : i32
      %parallel_loop3A_304 = arith.remsi %parallel_loop3A_274, %parallel_loop3A_303 : i32
      %parallel_loop3A_305 = arith.constant 0 : i32
      %parallel_loop3A_306 = arith.cmpi ne, %parallel_loop3A_304, %parallel_loop3A_305 : i32
      %parallel_loop3A_307 = arith.constant 0 : i32
      %parallel_loop3A_308 = arith.cmpi slt, %parallel_loop3A_304, %parallel_loop3A_307 : i32
      %parallel_loop3A_309 = arith.constant 0 : i32
      %parallel_loop3A_310 = arith.cmpi slt, %parallel_loop3A_303, %parallel_loop3A_309 : i32
      %parallel_loop3A_311 = arith.xori %parallel_loop3A_308, %parallel_loop3A_310 : i1
      %parallel_loop3A_312 = arith.andi %parallel_loop3A_311, %parallel_loop3A_306 : i1
      %parallel_loop3A_313 = arith.addi %parallel_loop3A_304, %parallel_loop3A_303 : i32
      %parallel_loop3A_314 = arith.select %parallel_loop3A_312, %parallel_loop3A_313, %parallel_loop3A_304 : i32
      %parallel_loop3A_315 = arith.constant 16 : i32
      %parallel_loop3A_316 = arith.muli %parallel_loop3A_314, %parallel_loop3A_315 : i32
      %parallel_loop3A_317 = arith.index_cast %parallel_loop3A_298 : i32 to index
      %parallel_loop3A_318 = arith.index_cast %parallel_loop3A_316 : i32 to index
      %parallel_loop3A_319 = tpu.vector_load %arg6[%parallel_loop3A_317, %parallel_loop3A_318] {strides = array<i32>} : memref<24x384xf32, #tpu.memory_space<vmem>>, vector<16xf32>,
      %parallel_loop3A_320 = arith.index_cast %parallel_loop3A_298 : i32 to index
      %parallel_loop3A_321 = arith.index_cast %parallel_loop3A_316 : i32 to index
      %parallel_loop3A_322 = tpu.vector_load %arg8[%parallel_loop3A_320, %parallel_loop3A_321] {strides = array<i32>} : memref<24x384xi32, #tpu.memory_space<vmem>>, vector<16xi32>,
      %parallel_loop3A_323 = arith.constant 31 : i32
      %parallel_loop3A_324 = vector.broadcast %parallel_loop3A_323 : i32 to vector<16xi32>
      %parallel_loop3A_325 = arith.shli %parallel_loop3A_322, %parallel_loop3A_324 : vector<16xi32>
      %parallel_loop3A_326 = arith.constant 1132453888 : i32
      %parallel_loop3A_327 = vector.broadcast %parallel_loop3A_326 : i32 to vector<16xi32>
      %parallel_loop3A_328 = arith.xori %parallel_loop3A_327, %parallel_loop3A_325 : vector<16xi32>
      %parallel_loop3A_329 = vector.bitcast %parallel_loop3A_328 : vector<16xi32> to vector<16xf32>
      %parallel_loop3A_330 = arith.mulf %parallel_loop3A_319, %parallel_loop3A_329 : vector<16xf32>
      %parallel_loop3A_331 = arith.constant 2.568750e+02 : f32
      %parallel_loop3A_332 = vector.broadcast %parallel_loop3A_331 : f32 to vector<16xf32>
      %parallel_loop3A_333 = arith.addf %parallel_loop3A_330, %parallel_loop3A_332 : vector<16xf32>
      %parallel_loop3A_334 = arith.fptosi %parallel_loop3A_333 : vector<16xf32> to vector<16xi32>
      %parallel_loop3A_335 = arith.constant 0 : i32
      %parallel_loop3A_336 = vector.broadcast %parallel_loop3A_335 : i32 to vector<16xi32>
      %parallel_loop3A_337 = arith.maxsi %parallel_loop3A_334, %parallel_loop3A_336 : vector<16xi32>
      %parallel_loop3A_338 = arith.constant 2047 : i32
      %parallel_loop3A_339 = vector.broadcast %parallel_loop3A_338 : i32 to vector<16xi32>
      %parallel_loop3A_340 = arith.minsi %parallel_loop3A_337, %parallel_loop3A_339 : vector<16xi32>
      %parallel_loop3A_341 = arith.addi %mul3A_35, %parallel_loop3A_340 : vector<16xi32>
      %parallel_loop3A_342 = arith.constant 16 : i32
      %parallel_loop3A_343 = vector.broadcast %parallel_loop3A_342 : i32 to vector<16xi32>
      %parallel_loop3A_344 = arith.shli %parallel_loop3A_322, %parallel_loop3A_343 : vector<16xi32>
      %parallel_loop3A_345 = arith.constant 1 : i32
      %parallel_loop3A_346 = vector.broadcast %parallel_loop3A_345 : i32 to vector<16xi32>
      %parallel_loop3A_347 = arith.addi %parallel_loop3A_344, %parallel_loop3A_346 : vector<16xi32>
      tpu.vector_store_idx %arg5[%parallel_loop3A_341], %parallel_loop3A_347 {add = true} : memref<32768xi32, #tpu.memory_space<vmem>>[vector<16xi32>], vector<16xi32>,
    } {sc.loop_unroll_factor = 8 : i64, sc.parallel_access}
    %add3A_79 = arith.constant 48 : i32
    %add3A_80 = arith.addi %mul3A_32, %add3A_79 : i32
    %dma_start3A_81 = arith.constant 0 : i32
    %dma_start3A_82 = tpu.memref_slice %arg2[%select_n3A, %add3A_80, %dma_start3A_81] : memref<16x384x384xf32, #tpu.memory_space<hbm>> -> memref<1x24x384xf32, #tpu.memory_space<hbm>>
    %dma_start3A_83 = tpu.memref_squeeze %dma_start3A_82 : memref<1x24x384xf32, #tpu.memory_space<hbm>> -> memref<24x384xf32, #tpu.memory_space<hbm>>
    %dma_start3A_84 = arith.constant 0 : i32
    %dma_start3A_85 = tpu.memref_slice %arg2[%select_n3A, %add3A_80, %dma_start3A_84] : memref<16x384x384xf32, #tpu.memory_space<hbm>> -> memref<1x24x384xf32, #tpu.memory_space<hbm>>
    %dma_start3A_86 = tpu.memref_squeeze %dma_start3A_85 : memref<1x24x384xf32, #tpu.memory_space<hbm>> -> memref<24x384xf32, #tpu.memory_space<hbm>>
    tpu.enqueue_dma source(%dma_start3A_86 : memref<24x384xf32, #tpu.memory_space<hbm>>) target(%arg6 : memref<24x384xf32, #tpu.memory_space<vmem>>) target_semaphore(%arg17 : memref<!tpu.dma_semaphore, #tpu.memory_space<semaphore_mem>>)
    %dma_start3A_87 = arith.constant 0 : i32
    %dma_start3A_88 = tpu.memref_slice %arg3[%select_n3A, %add3A_80, %dma_start3A_87] : memref<16x384x384xi32, #tpu.memory_space<hbm>> -> memref<1x24x384xi32, #tpu.memory_space<hbm>>
    %dma_start3A_89 = tpu.memref_squeeze %dma_start3A_88 : memref<1x24x384xi32, #tpu.memory_space<hbm>> -> memref<24x384xi32, #tpu.memory_space<hbm>>
    %dma_start3A_90 = arith.constant 0 : i32
    %dma_start3A_91 = tpu.memref_slice %arg3[%select_n3A, %add3A_80, %dma_start3A_90] : memref<16x384x384xi32, #tpu.memory_space<hbm>> -> memref<1x24x384xi32, #tpu.memory_space<hbm>>
    %dma_start3A_92 = tpu.memref_squeeze %dma_start3A_91 : memref<1x24x384xi32, #tpu.memory_space<hbm>> -> memref<24x384xi32, #tpu.memory_space<hbm>>
    tpu.enqueue_dma source(%dma_start3A_92 : memref<24x384xi32, #tpu.memory_space<hbm>>) target(%arg8 : memref<24x384xi32, #tpu.memory_space<vmem>>) target_semaphore(%arg19 : memref<!tpu.dma_semaphore, #tpu.memory_space<semaphore_mem>>)
    %dma_wait3A_93 = arith.constant 0 : i32
    %dma_wait3A_94 = tpu.memref_slice %arg2[%select_n3A, %add3A_52, %dma_wait3A_93] : memref<16x384x384xf32, #tpu.memory_space<hbm>> -> memref<1x24x384xf32, #tpu.memory_space<hbm>>
    %dma_wait3A_95 = tpu.memref_squeeze %dma_wait3A_94 : memref<1x24x384xf32, #tpu.memory_space<hbm>> -> memref<24x384xf32, #tpu.memory_space<hbm>>
    %dma_wait3A_96 = arith.constant 0 : i32
    %dma_wait3A_97 = tpu.memref_slice %arg2[%select_n3A, %add3A_52, %dma_wait3A_96] : memref<16x384x384xf32, #tpu.memory_space<hbm>> -> memref<1x24x384xf32, #tpu.memory_space<hbm>>
    %dma_wait3A_98 = tpu.memref_squeeze %dma_wait3A_97 : memref<1x24x384xf32, #tpu.memory_space<hbm>> -> memref<24x384xf32, #tpu.memory_space<hbm>>
    tpu.wait_dma2 semaphore(%arg18 : memref<!tpu.dma_semaphore, #tpu.memory_space<semaphore_mem>>) src(%dma_wait3A_98 : memref<24x384xf32, #tpu.memory_space<hbm>>) dst(%arg7 : memref<24x384xf32, #tpu.memory_space<vmem>>)
    %dma_wait3A_99 = arith.constant 0 : i32
    %dma_wait3A_100 = tpu.memref_slice %arg3[%select_n3A, %add3A_52, %dma_wait3A_99] : memref<16x384x384xi32, #tpu.memory_space<hbm>> -> memref<1x24x384xi32, #tpu.memory_space<hbm>>
    %dma_wait3A_101 = tpu.memref_squeeze %dma_wait3A_100 : memref<1x24x384xi32, #tpu.memory_space<hbm>> -> memref<24x384xi32, #tpu.memory_space<hbm>>
    %dma_wait3A_102 = arith.constant 0 : i32
    %dma_wait3A_103 = tpu.memref_slice %arg3[%select_n3A, %add3A_52, %dma_wait3A_102] : memref<16x384x384xi32, #tpu.memory_space<hbm>> -> memref<1x24x384xi32, #tpu.memory_space<hbm>>
    %dma_wait3A_104 = tpu.memref_squeeze %dma_wait3A_103 : memref<1x24x384xi32, #tpu.memory_space<hbm>> -> memref<24x384xi32, #tpu.memory_space<hbm>>
    tpu.wait_dma2 semaphore(%arg20 : memref<!tpu.dma_semaphore, #tpu.memory_space<semaphore_mem>>) src(%dma_wait3A_104 : memref<24x384xi32, #tpu.memory_space<hbm>>) dst(%arg9 : memref<24x384xi32, #tpu.memory_space<vmem>>)
    %parallel_loop3A_105 = arith.constant 0 : i32
    %parallel_loop3A_106 = arith.constant 576 : i32
    %parallel_loop3A_107 = arith.constant 1 : i32
    scf.for %parallel_loop3A_274 = %parallel_loop3A_105 to %parallel_loop3A_106 step %parallel_loop3A_107  : i32 {
      %parallel_loop3A_275 = arith.constant 24 : i32
      %parallel_loop3A_276 = arith.divsi %parallel_loop3A_274, %parallel_loop3A_275 : i32
      %parallel_loop3A_277 = arith.constant 0 : i32
      %parallel_loop3A_278 = arith.cmpi sgt, %parallel_loop3A_274, %parallel_loop3A_277 : i32
      %parallel_loop3A_279 = arith.extui %parallel_loop3A_278 : i1 to i32
      %parallel_loop3A_280 = arith.constant 0 : i32
      %parallel_loop3A_281 = arith.cmpi slt, %parallel_loop3A_274, %parallel_loop3A_280 : i32
      %parallel_loop3A_282 = arith.extui %parallel_loop3A_281 : i1 to i32
      %parallel_loop3A_283 = arith.subi %parallel_loop3A_279, %parallel_loop3A_282 : i32
      %parallel_loop3A_284 = arith.constant 0 : i32
      %parallel_loop3A_285 = arith.cmpi sgt, %parallel_loop3A_275, %parallel_loop3A_284 : i32
      %parallel_loop3A_286 = arith.extui %parallel_loop3A_285 : i1 to i32
      %parallel_loop3A_287 = arith.constant 0 : i32
      %parallel_loop3A_288 = arith.cmpi slt, %parallel_loop3A_275, %parallel_loop3A_287 : i32
      %parallel_loop3A_289 = arith.extui %parallel_loop3A_288 : i1 to i32
      %parallel_loop3A_290 = arith.subi %parallel_loop3A_286, %parallel_loop3A_289 : i32
      %parallel_loop3A_291 = arith.cmpi ne, %parallel_loop3A_283, %parallel_loop3A_290 : i32
      %parallel_loop3A_292 = arith.remsi %parallel_loop3A_274, %parallel_loop3A_275 : i32
      %parallel_loop3A_293 = arith.constant 0 : i32
      %parallel_loop3A_294 = arith.cmpi ne, %parallel_loop3A_292, %parallel_loop3A_293 : i32
      %parallel_loop3A_295 = arith.andi %parallel_loop3A_291, %parallel_loop3A_294 : i1
      %parallel_loop3A_296 = arith.constant 1 : i32
      %parallel_loop3A_297 = arith.subi %parallel_loop3A_276, %parallel_loop3A_296 : i32
      %parallel_loop3A_298 = arith.select %parallel_loop3A_295, %parallel_loop3A_297, %parallel_loop3A_276 : i32
      %parallel_loop3A_299 = arith.constant 24 : i32
      %parallel_loop3A_300 = arith.constant 0 : i32
      %parallel_loop3A_301 = arith.cmpi eq, %parallel_loop3A_299, %parallel_loop3A_300 : i32
      %parallel_loop3A_302 = arith.constant 1 : i32
      %parallel_loop3A_303 = arith.select %parallel_loop3A_301, %parallel_loop3A_302, %parallel_loop3A_299 : i32
      %parallel_loop3A_304 = arith.remsi %parallel_loop3A_274, %parallel_loop3A_303 : i32
      %parallel_loop3A_305 = arith.constant 0 : i32
      %parallel_loop3A_306 = arith.cmpi ne, %parallel_loop3A_304, %parallel_loop3A_305 : i32
      %parallel_loop3A_307 = arith.constant 0 : i32
      %parallel_loop3A_308 = arith.cmpi slt, %parallel_loop3A_304, %parallel_loop3A_307 : i32
      %parallel_loop3A_309 = arith.constant 0 : i32
      %parallel_loop3A_310 = arith.cmpi slt, %parallel_loop3A_303, %parallel_loop3A_309 : i32
      %parallel_loop3A_311 = arith.xori %parallel_loop3A_308, %parallel_loop3A_310 : i1
      %parallel_loop3A_312 = arith.andi %parallel_loop3A_311, %parallel_loop3A_306 : i1
      %parallel_loop3A_313 = arith.addi %parallel_loop3A_304, %parallel_loop3A_303 : i32
      %parallel_loop3A_314 = arith.select %parallel_loop3A_312, %parallel_loop3A_313, %parallel_loop3A_304 : i32
      %parallel_loop3A_315 = arith.constant 16 : i32
      %parallel_loop3A_316 = arith.muli %parallel_loop3A_314, %parallel_loop3A_315 : i32
      %parallel_loop3A_317 = arith.index_cast %parallel_loop3A_298 : i32 to index
      %parallel_loop3A_318 = arith.index_cast %parallel_loop3A_316 : i32 to index
      %parallel_loop3A_319 = tpu.vector_load %arg7[%parallel_loop3A_317, %parallel_loop3A_318] {strides = array<i32>} : memref<24x384xf32, #tpu.memory_space<vmem>>, vector<16xf32>,
      %parallel_loop3A_320 = arith.index_cast %parallel_loop3A_298 : i32 to index
      %parallel_loop3A_321 = arith.index_cast %parallel_loop3A_316 : i32 to index
      %parallel_loop3A_322 = tpu.vector_load %arg9[%parallel_loop3A_320, %parallel_loop3A_321] {strides = array<i32>} : memref<24x384xi32, #tpu.memory_space<vmem>>, vector<16xi32>,
      %parallel_loop3A_323 = arith.constant 31 : i32
      %parallel_loop3A_324 = vector.broadcast %parallel_loop3A_323 : i32 to vector<16xi32>
      %parallel_loop3A_325 = arith.shli %parallel_loop3A_322, %parallel_loop3A_324 : vector<16xi32>
      %parallel_loop3A_326 = arith.constant 1132453888 : i32
      %parallel_loop3A_327 = vector.broadcast %parallel_loop3A_326 : i32 to vector<16xi32>
      %parallel_loop3A_328 = arith.xori %parallel_loop3A_327, %parallel_loop3A_325 : vector<16xi32>
      %parallel_loop3A_329 = vector.bitcast %parallel_loop3A_328 : vector<16xi32> to vector<16xf32>
      %parallel_loop3A_330 = arith.mulf %parallel_loop3A_319, %parallel_loop3A_329 : vector<16xf32>
      %parallel_loop3A_331 = arith.constant 2.568750e+02 : f32
      %parallel_loop3A_332 = vector.broadcast %parallel_loop3A_331 : f32 to vector<16xf32>
      %parallel_loop3A_333 = arith.addf %parallel_loop3A_330, %parallel_loop3A_332 : vector<16xf32>
      %parallel_loop3A_334 = arith.fptosi %parallel_loop3A_333 : vector<16xf32> to vector<16xi32>
      %parallel_loop3A_335 = arith.constant 0 : i32
      %parallel_loop3A_336 = vector.broadcast %parallel_loop3A_335 : i32 to vector<16xi32>
      %parallel_loop3A_337 = arith.maxsi %parallel_loop3A_334, %parallel_loop3A_336 : vector<16xi32>
      %parallel_loop3A_338 = arith.constant 2047 : i32
      %parallel_loop3A_339 = vector.broadcast %parallel_loop3A_338 : i32 to vector<16xi32>
      %parallel_loop3A_340 = arith.minsi %parallel_loop3A_337, %parallel_loop3A_339 : vector<16xi32>
      %parallel_loop3A_341 = arith.addi %mul3A_35, %parallel_loop3A_340 : vector<16xi32>
      %parallel_loop3A_342 = arith.constant 16 : i32
      %parallel_loop3A_343 = vector.broadcast %parallel_loop3A_342 : i32 to vector<16xi32>
      %parallel_loop3A_344 = arith.shli %parallel_loop3A_322, %parallel_loop3A_343 : vector<16xi32>
      %parallel_loop3A_345 = arith.constant 1 : i32
      %parallel_loop3A_346 = vector.broadcast %parallel_loop3A_345 : i32 to vector<16xi32>
      %parallel_loop3A_347 = arith.addi %parallel_loop3A_344, %parallel_loop3A_346 : vector<16xi32>
      tpu.vector_store_idx %arg5[%parallel_loop3A_341], %parallel_loop3A_347 {add = true} : memref<32768xi32, #tpu.memory_space<vmem>>[vector<16xi32>], vector<16xi32>,
    } {sc.loop_unroll_factor = 8 : i64, sc.parallel_access}
    %add3A_108 = arith.constant 72 : i32
    %add3A_109 = arith.addi %mul3A_32, %add3A_108 : i32
    %dma_start3A_110 = arith.constant 0 : i32
    %dma_start3A_111 = tpu.memref_slice %arg2[%select_n3A, %add3A_109, %dma_start3A_110] : memref<16x384x384xf32, #tpu.memory_space<hbm>> -> memref<1x24x384xf32, #tpu.memory_space<hbm>>
    %dma_start3A_112 = tpu.memref_squeeze %dma_start3A_111 : memref<1x24x384xf32, #tpu.memory_space<hbm>> -> memref<24x384xf32, #tpu.memory_space<hbm>>
    %dma_start3A_113 = arith.constant 0 : i32
    %dma_start3A_114 = tpu.memref_slice %arg2[%select_n3A, %add3A_109, %dma_start3A_113] : memref<16x384x384xf32, #tpu.memory_space<hbm>> -> memref<1x24x384xf32, #tpu.memory_space<hbm>>
    %dma_start3A_115 = tpu.memref_squeeze %dma_start3A_114 : memref<1x24x384xf32, #tpu.memory_space<hbm>> -> memref<24x384xf32, #tpu.memory_space<hbm>>
    tpu.enqueue_dma source(%dma_start3A_115 : memref<24x384xf32, #tpu.memory_space<hbm>>) target(%arg7 : memref<24x384xf32, #tpu.memory_space<vmem>>) target_semaphore(%arg18 : memref<!tpu.dma_semaphore, #tpu.memory_space<semaphore_mem>>)
    %dma_start3A_116 = arith.constant 0 : i32
    %dma_start3A_117 = tpu.memref_slice %arg3[%select_n3A, %add3A_109, %dma_start3A_116] : memref<16x384x384xi32, #tpu.memory_space<hbm>> -> memref<1x24x384xi32, #tpu.memory_space<hbm>>
    %dma_start3A_118 = tpu.memref_squeeze %dma_start3A_117 : memref<1x24x384xi32, #tpu.memory_space<hbm>> -> memref<24x384xi32, #tpu.memory_space<hbm>>
    %dma_start3A_119 = arith.constant 0 : i32
    %dma_start3A_120 = tpu.memref_slice %arg3[%select_n3A, %add3A_109, %dma_start3A_119] : memref<16x384x384xi32, #tpu.memory_space<hbm>> -> memref<1x24x384xi32, #tpu.memory_space<hbm>>
    %dma_start3A_121 = tpu.memref_squeeze %dma_start3A_120 : memref<1x24x384xi32, #tpu.memory_space<hbm>> -> memref<24x384xi32, #tpu.memory_space<hbm>>
    tpu.enqueue_dma source(%dma_start3A_121 : memref<24x384xi32, #tpu.memory_space<hbm>>) target(%arg9 : memref<24x384xi32, #tpu.memory_space<vmem>>) target_semaphore(%arg20 : memref<!tpu.dma_semaphore, #tpu.memory_space<semaphore_mem>>)
    %dma_wait3A_122 = arith.constant 0 : i32
    %dma_wait3A_123 = tpu.memref_slice %arg2[%select_n3A, %add3A_80, %dma_wait3A_122] : memref<16x384x384xf32, #tpu.memory_space<hbm>> -> memref<1x24x384xf32, #tpu.memory_space<hbm>>
    %dma_wait3A_124 = tpu.memref_squeeze %dma_wait3A_123 : memref<1x24x384xf32, #tpu.memory_space<hbm>> -> memref<24x384xf32, #tpu.memory_space<hbm>>
    %dma_wait3A_125 = arith.constant 0 : i32
    %dma_wait3A_126 = tpu.memref_slice %arg2[%select_n3A, %add3A_80, %dma_wait3A_125] : memref<16x384x384xf32, #tpu.memory_space<hbm>> -> memref<1x24x384xf32, #tpu.memory_space<hbm>>
    %dma_wait3A_127 = tpu.memref_squeeze %dma_wait3A_126 : memref<1x24x384xf32, #tpu.memory_space<hbm>> -> memref<24x384xf32, #tpu.memory_space<hbm>>
    tpu.wait_dma2 semaphore(%arg17 : memref<!tpu.dma_semaphore, #tpu.memory_space<semaphore_mem>>) src(%dma_wait3A_127 : memref<24x384xf32, #tpu.memory_space<hbm>>) dst(%arg6 : memref<24x384xf32, #tpu.memory_space<vmem>>)
    %dma_wait3A_128 = arith.constant 0 : i32
    %dma_wait3A_129 = tpu.memref_slice %arg3[%select_n3A, %add3A_80, %dma_wait3A_128] : memref<16x384x384xi32, #tpu.memory_space<hbm>> -> memref<1x24x384xi32, #tpu.memory_space<hbm>>
    %dma_wait3A_130 = tpu.memref_squeeze %dma_wait3A_129 : memref<1x24x384xi32, #tpu.memory_space<hbm>> -> memref<24x384xi32, #tpu.memory_space<hbm>>
    %dma_wait3A_131 = arith.constant 0 : i32
    %dma_wait3A_132 = tpu.memref_slice %arg3[%select_n3A, %add3A_80, %dma_wait3A_131] : memref<16x384x384xi32, #tpu.memory_space<hbm>> -> memref<1x24x384xi32, #tpu.memory_space<hbm>>
    %dma_wait3A_133 = tpu.memref_squeeze %dma_wait3A_132 : memref<1x24x384xi32, #tpu.memory_space<hbm>> -> memref<24x384xi32, #tpu.memory_space<hbm>>
    tpu.wait_dma2 semaphore(%arg19 : memref<!tpu.dma_semaphore, #tpu.memory_space<semaphore_mem>>) src(%dma_wait3A_133 : memref<24x384xi32, #tpu.memory_space<hbm>>) dst(%arg8 : memref<24x384xi32, #tpu.memory_space<vmem>>)
    %parallel_loop3A_134 = arith.constant 0 : i32
    %parallel_loop3A_135 = arith.constant 576 : i32
    %parallel_loop3A_136 = arith.constant 1 : i32
    scf.for %parallel_loop3A_274 = %parallel_loop3A_134 to %parallel_loop3A_135 step %parallel_loop3A_136  : i32 {
      %parallel_loop3A_275 = arith.constant 24 : i32
      %parallel_loop3A_276 = arith.divsi %parallel_loop3A_274, %parallel_loop3A_275 : i32
      %parallel_loop3A_277 = arith.constant 0 : i32
      %parallel_loop3A_278 = arith.cmpi sgt, %parallel_loop3A_274, %parallel_loop3A_277 : i32
      %parallel_loop3A_279 = arith.extui %parallel_loop3A_278 : i1 to i32
      %parallel_loop3A_280 = arith.constant 0 : i32
      %parallel_loop3A_281 = arith.cmpi slt, %parallel_loop3A_274, %parallel_loop3A_280 : i32
      %parallel_loop3A_282 = arith.extui %parallel_loop3A_281 : i1 to i32
      %parallel_loop3A_283 = arith.subi %parallel_loop3A_279, %parallel_loop3A_282 : i32
      %parallel_loop3A_284 = arith.constant 0 : i32
      %parallel_loop3A_285 = arith.cmpi sgt, %parallel_loop3A_275, %parallel_loop3A_284 : i32
      %parallel_loop3A_286 = arith.extui %parallel_loop3A_285 : i1 to i32
      %parallel_loop3A_287 = arith.constant 0 : i32
      %parallel_loop3A_288 = arith.cmpi slt, %parallel_loop3A_275, %parallel_loop3A_287 : i32
      %parallel_loop3A_289 = arith.extui %parallel_loop3A_288 : i1 to i32
      %parallel_loop3A_290 = arith.subi %parallel_loop3A_286, %parallel_loop3A_289 : i32
      %parallel_loop3A_291 = arith.cmpi ne, %parallel_loop3A_283, %parallel_loop3A_290 : i32
      %parallel_loop3A_292 = arith.remsi %parallel_loop3A_274, %parallel_loop3A_275 : i32
      %parallel_loop3A_293 = arith.constant 0 : i32
      %parallel_loop3A_294 = arith.cmpi ne, %parallel_loop3A_292, %parallel_loop3A_293 : i32
      %parallel_loop3A_295 = arith.andi %parallel_loop3A_291, %parallel_loop3A_294 : i1
      %parallel_loop3A_296 = arith.constant 1 : i32
      %parallel_loop3A_297 = arith.subi %parallel_loop3A_276, %parallel_loop3A_296 : i32
      %parallel_loop3A_298 = arith.select %parallel_loop3A_295, %parallel_loop3A_297, %parallel_loop3A_276 : i32
      %parallel_loop3A_299 = arith.constant 24 : i32
      %parallel_loop3A_300 = arith.constant 0 : i32
      %parallel_loop3A_301 = arith.cmpi eq, %parallel_loop3A_299, %parallel_loop3A_300 : i32
      %parallel_loop3A_302 = arith.constant 1 : i32
      %parallel_loop3A_303 = arith.select %parallel_loop3A_301, %parallel_loop3A_302, %parallel_loop3A_299 : i32
      %parallel_loop3A_304 = arith.remsi %parallel_loop3A_274, %parallel_loop3A_303 : i32
      %parallel_loop3A_305 = arith.constant 0 : i32
      %parallel_loop3A_306 = arith.cmpi ne, %parallel_loop3A_304, %parallel_loop3A_305 : i32
      %parallel_loop3A_307 = arith.constant 0 : i32
      %parallel_loop3A_308 = arith.cmpi slt, %parallel_loop3A_304, %parallel_loop3A_307 : i32
      %parallel_loop3A_309 = arith.constant 0 : i32
      %parallel_loop3A_310 = arith.cmpi slt, %parallel_loop3A_303, %parallel_loop3A_309 : i32
      %parallel_loop3A_311 = arith.xori %parallel_loop3A_308, %parallel_loop3A_310 : i1
      %parallel_loop3A_312 = arith.andi %parallel_loop3A_311, %parallel_loop3A_306 : i1
      %parallel_loop3A_313 = arith.addi %parallel_loop3A_304, %parallel_loop3A_303 : i32
      %parallel_loop3A_314 = arith.select %parallel_loop3A_312, %parallel_loop3A_313, %parallel_loop3A_304 : i32
      %parallel_loop3A_315 = arith.constant 16 : i32
      %parallel_loop3A_316 = arith.muli %parallel_loop3A_314, %parallel_loop3A_315 : i32
      %parallel_loop3A_317 = arith.index_cast %parallel_loop3A_298 : i32 to index
      %parallel_loop3A_318 = arith.index_cast %parallel_loop3A_316 : i32 to index
      %parallel_loop3A_319 = tpu.vector_load %arg6[%parallel_loop3A_317, %parallel_loop3A_318] {strides = array<i32>} : memref<24x384xf32, #tpu.memory_space<vmem>>, vector<16xf32>,
      %parallel_loop3A_320 = arith.index_cast %parallel_loop3A_298 : i32 to index
      %parallel_loop3A_321 = arith.index_cast %parallel_loop3A_316 : i32 to index
      %parallel_loop3A_322 = tpu.vector_load %arg8[%parallel_loop3A_320, %parallel_loop3A_321] {strides = array<i32>} : memref<24x384xi32, #tpu.memory_space<vmem>>, vector<16xi32>,
      %parallel_loop3A_323 = arith.constant 31 : i32
      %parallel_loop3A_324 = vector.broadcast %parallel_loop3A_323 : i32 to vector<16xi32>
      %parallel_loop3A_325 = arith.shli %parallel_loop3A_322, %parallel_loop3A_324 : vector<16xi32>
      %parallel_loop3A_326 = arith.constant 1132453888 : i32
      %parallel_loop3A_327 = vector.broadcast %parallel_loop3A_326 : i32 to vector<16xi32>
      %parallel_loop3A_328 = arith.xori %parallel_loop3A_327, %parallel_loop3A_325 : vector<16xi32>
      %parallel_loop3A_329 = vector.bitcast %parallel_loop3A_328 : vector<16xi32> to vector<16xf32>
      %parallel_loop3A_330 = arith.mulf %parallel_loop3A_319, %parallel_loop3A_329 : vector<16xf32>
      %parallel_loop3A_331 = arith.constant 2.568750e+02 : f32
      %parallel_loop3A_332 = vector.broadcast %parallel_loop3A_331 : f32 to vector<16xf32>
      %parallel_loop3A_333 = arith.addf %parallel_loop3A_330, %parallel_loop3A_332 : vector<16xf32>
      %parallel_loop3A_334 = arith.fptosi %parallel_loop3A_333 : vector<16xf32> to vector<16xi32>
      %parallel_loop3A_335 = arith.constant 0 : i32
      %parallel_loop3A_336 = vector.broadcast %parallel_loop3A_335 : i32 to vector<16xi32>
      %parallel_loop3A_337 = arith.maxsi %parallel_loop3A_334, %parallel_loop3A_336 : vector<16xi32>
      %parallel_loop3A_338 = arith.constant 2047 : i32
      %parallel_loop3A_339 = vector.broadcast %parallel_loop3A_338 : i32 to vector<16xi32>
      %parallel_loop3A_340 = arith.minsi %parallel_loop3A_337, %parallel_loop3A_339 : vector<16xi32>
      %parallel_loop3A_341 = arith.addi %mul3A_35, %parallel_loop3A_340 : vector<16xi32>
      %parallel_loop3A_342 = arith.constant 16 : i32
      %parallel_loop3A_343 = vector.broadcast %parallel_loop3A_342 : i32 to vector<16xi32>
      %parallel_loop3A_344 = arith.shli %parallel_loop3A_322, %parallel_loop3A_343 : vector<16xi32>
      %parallel_loop3A_345 = arith.constant 1 : i32
      %parallel_loop3A_346 = vector.broadcast %parallel_loop3A_345 : i32 to vector<16xi32>
      %parallel_loop3A_347 = arith.addi %parallel_loop3A_344, %parallel_loop3A_346 : vector<16xi32>
      tpu.vector_store_idx %arg5[%parallel_loop3A_341], %parallel_loop3A_347 {add = true} : memref<32768xi32, #tpu.memory_space<vmem>>[vector<16xi32>], vector<16xi32>,
    } {sc.loop_unroll_factor = 8 : i64, sc.parallel_access}
    %add3A_137 = arith.constant 96 : i32
    %add3A_138 = arith.addi %mul3A_32, %add3A_137 : i32
    %dma_start3A_139 = arith.constant 0 : i32
    %dma_start3A_140 = tpu.memref_slice %arg2[%select_n3A, %add3A_138, %dma_start3A_139] : memref<16x384x384xf32, #tpu.memory_space<hbm>> -> memref<1x24x384xf32, #tpu.memory_space<hbm>>
    %dma_start3A_141 = tpu.memref_squeeze %dma_start3A_140 : memref<1x24x384xf32, #tpu.memory_space<hbm>> -> memref<24x384xf32, #tpu.memory_space<hbm>>
    %dma_start3A_142 = arith.constant 0 : i32
    %dma_start3A_143 = tpu.memref_slice %arg2[%select_n3A, %add3A_138, %dma_start3A_142] : memref<16x384x384xf32, #tpu.memory_space<hbm>> -> memref<1x24x384xf32, #tpu.memory_space<hbm>>
    %dma_start3A_144 = tpu.memref_squeeze %dma_start3A_143 : memref<1x24x384xf32, #tpu.memory_space<hbm>> -> memref<24x384xf32, #tpu.memory_space<hbm>>
    tpu.enqueue_dma source(%dma_start3A_144 : memref<24x384xf32, #tpu.memory_space<hbm>>) target(%arg6 : memref<24x384xf32, #tpu.memory_space<vmem>>) target_semaphore(%arg17 : memref<!tpu.dma_semaphore, #tpu.memory_space<semaphore_mem>>)
    %dma_start3A_145 = arith.constant 0 : i32
    %dma_start3A_146 = tpu.memref_slice %arg3[%select_n3A, %add3A_138, %dma_start3A_145] : memref<16x384x384xi32, #tpu.memory_space<hbm>> -> memref<1x24x384xi32, #tpu.memory_space<hbm>>
    %dma_start3A_147 = tpu.memref_squeeze %dma_start3A_146 : memref<1x24x384xi32, #tpu.memory_space<hbm>> -> memref<24x384xi32, #tpu.memory_space<hbm>>
    %dma_start3A_148 = arith.constant 0 : i32
    %dma_start3A_149 = tpu.memref_slice %arg3[%select_n3A, %add3A_138, %dma_start3A_148] : memref<16x384x384xi32, #tpu.memory_space<hbm>> -> memref<1x24x384xi32, #tpu.memory_space<hbm>>
    %dma_start3A_150 = tpu.memref_squeeze %dma_start3A_149 : memref<1x24x384xi32, #tpu.memory_space<hbm>> -> memref<24x384xi32, #tpu.memory_space<hbm>>
    tpu.enqueue_dma source(%dma_start3A_150 : memref<24x384xi32, #tpu.memory_space<hbm>>) target(%arg8 : memref<24x384xi32, #tpu.memory_space<vmem>>) target_semaphore(%arg19 : memref<!tpu.dma_semaphore, #tpu.memory_space<semaphore_mem>>)
    %dma_wait3A_151 = arith.constant 0 : i32
    %dma_wait3A_152 = tpu.memref_slice %arg2[%select_n3A, %add3A_109, %dma_wait3A_151] : memref<16x384x384xf32, #tpu.memory_space<hbm>> -> memref<1x24x384xf32, #tpu.memory_space<hbm>>
    %dma_wait3A_153 = tpu.memref_squeeze %dma_wait3A_152 : memref<1x24x384xf32, #tpu.memory_space<hbm>> -> memref<24x384xf32, #tpu.memory_space<hbm>>
    %dma_wait3A_154 = arith.constant 0 : i32
    %dma_wait3A_155 = tpu.memref_slice %arg2[%select_n3A, %add3A_109, %dma_wait3A_154] : memref<16x384x384xf32, #tpu.memory_space<hbm>> -> memref<1x24x384xf32, #tpu.memory_space<hbm>>
    %dma_wait3A_156 = tpu.memref_squeeze %dma_wait3A_155 : memref<1x24x384xf32, #tpu.memory_space<hbm>> -> memref<24x384xf32, #tpu.memory_space<hbm>>
    tpu.wait_dma2 semaphore(%arg18 : memref<!tpu.dma_semaphore, #tpu.memory_space<semaphore_mem>>) src(%dma_wait3A_156 : memref<24x384xf32, #tpu.memory_space<hbm>>) dst(%arg7 : memref<24x384xf32, #tpu.memory_space<vmem>>)
    %dma_wait3A_157 = arith.constant 0 : i32
    %dma_wait3A_158 = tpu.memref_slice %arg3[%select_n3A, %add3A_109, %dma_wait3A_157] : memref<16x384x384xi32, #tpu.memory_space<hbm>> -> memref<1x24x384xi32, #tpu.memory_space<hbm>>
    %dma_wait3A_159 = tpu.memref_squeeze %dma_wait3A_158 : memref<1x24x384xi32, #tpu.memory_space<hbm>> -> memref<24x384xi32, #tpu.memory_space<hbm>>
    %dma_wait3A_160 = arith.constant 0 : i32
    %dma_wait3A_161 = tpu.memref_slice %arg3[%select_n3A, %add3A_109, %dma_wait3A_160] : memref<16x384x384xi32, #tpu.memory_space<hbm>> -> memref<1x24x384xi32, #tpu.memory_space<hbm>>
    %dma_wait3A_162 = tpu.memref_squeeze %dma_wait3A_161 : memref<1x24x384xi32, #tpu.memory_space<hbm>> -> memref<24x384xi32, #tpu.memory_space<hbm>>
    tpu.wait_dma2 semaphore(%arg20 : memref<!tpu.dma_semaphore, #tpu.memory_space<semaphore_mem>>) src(%dma_wait3A_162 : memref<24x384xi32, #tpu.memory_space<hbm>>) dst(%arg9 : memref<24x384xi32, #tpu.memory_space<vmem>>)
    %parallel_loop3A_163 = arith.constant 0 : i32
    %parallel_loop3A_164 = arith.constant 576 : i32
    %parallel_loop3A_165 = arith.constant 1 : i32
    scf.for %parallel_loop3A_274 = %parallel_loop3A_163 to %parallel_loop3A_164 step %parallel_loop3A_165  : i32 {
      %parallel_loop3A_275 = arith.constant 24 : i32
      %parallel_loop3A_276 = arith.divsi %parallel_loop3A_274, %parallel_loop3A_275 : i32
      %parallel_loop3A_277 = arith.constant 0 : i32
      %parallel_loop3A_278 = arith.cmpi sgt, %parallel_loop3A_274, %parallel_loop3A_277 : i32
      %parallel_loop3A_279 = arith.extui %parallel_loop3A_278 : i1 to i32
      %parallel_loop3A_280 = arith.constant 0 : i32
      %parallel_loop3A_281 = arith.cmpi slt, %parallel_loop3A_274, %parallel_loop3A_280 : i32
      %parallel_loop3A_282 = arith.extui %parallel_loop3A_281 : i1 to i32
      %parallel_loop3A_283 = arith.subi %parallel_loop3A_279, %parallel_loop3A_282 : i32
      %parallel_loop3A_284 = arith.constant 0 : i32
      %parallel_loop3A_285 = arith.cmpi sgt, %parallel_loop3A_275, %parallel_loop3A_284 : i32
      %parallel_loop3A_286 = arith.extui %parallel_loop3A_285 : i1 to i32
      %parallel_loop3A_287 = arith.constant 0 : i32
      %parallel_loop3A_288 = arith.cmpi slt, %parallel_loop3A_275, %parallel_loop3A_287 : i32
      %parallel_loop3A_289 = arith.extui %parallel_loop3A_288 : i1 to i32
      %parallel_loop3A_290 = arith.subi %parallel_loop3A_286, %parallel_loop3A_289 : i32
      %parallel_loop3A_291 = arith.cmpi ne, %parallel_loop3A_283, %parallel_loop3A_290 : i32
      %parallel_loop3A_292 = arith.remsi %parallel_loop3A_274, %parallel_loop3A_275 : i32
      %parallel_loop3A_293 = arith.constant 0 : i32
      %parallel_loop3A_294 = arith.cmpi ne, %parallel_loop3A_292, %parallel_loop3A_293 : i32
      %parallel_loop3A_295 = arith.andi %parallel_loop3A_291, %parallel_loop3A_294 : i1
      %parallel_loop3A_296 = arith.constant 1 : i32
      %parallel_loop3A_297 = arith.subi %parallel_loop3A_276, %parallel_loop3A_296 : i32
      %parallel_loop3A_298 = arith.select %parallel_loop3A_295, %parallel_loop3A_297, %parallel_loop3A_276 : i32
      %parallel_loop3A_299 = arith.constant 24 : i32
      %parallel_loop3A_300 = arith.constant 0 : i32
      %parallel_loop3A_301 = arith.cmpi eq, %parallel_loop3A_299, %parallel_loop3A_300 : i32
      %parallel_loop3A_302 = arith.constant 1 : i32
      %parallel_loop3A_303 = arith.select %parallel_loop3A_301, %parallel_loop3A_302, %parallel_loop3A_299 : i32
      %parallel_loop3A_304 = arith.remsi %parallel_loop3A_274, %parallel_loop3A_303 : i32
      %parallel_loop3A_305 = arith.constant 0 : i32
      %parallel_loop3A_306 = arith.cmpi ne, %parallel_loop3A_304, %parallel_loop3A_305 : i32
      %parallel_loop3A_307 = arith.constant 0 : i32
      %parallel_loop3A_308 = arith.cmpi slt, %parallel_loop3A_304, %parallel_loop3A_307 : i32
      %parallel_loop3A_309 = arith.constant 0 : i32
      %parallel_loop3A_310 = arith.cmpi slt, %parallel_loop3A_303, %parallel_loop3A_309 : i32
      %parallel_loop3A_311 = arith.xori %parallel_loop3A_308, %parallel_loop3A_310 : i1
      %parallel_loop3A_312 = arith.andi %parallel_loop3A_311, %parallel_loop3A_306 : i1
      %parallel_loop3A_313 = arith.addi %parallel_loop3A_304, %parallel_loop3A_303 : i32
      %parallel_loop3A_314 = arith.select %parallel_loop3A_312, %parallel_loop3A_313, %parallel_loop3A_304 : i32
      %parallel_loop3A_315 = arith.constant 16 : i32
      %parallel_loop3A_316 = arith.muli %parallel_loop3A_314, %parallel_loop3A_315 : i32
      %parallel_loop3A_317 = arith.index_cast %parallel_loop3A_298 : i32 to index
      %parallel_loop3A_318 = arith.index_cast %parallel_loop3A_316 : i32 to index
      %parallel_loop3A_319 = tpu.vector_load %arg7[%parallel_loop3A_317, %parallel_loop3A_318] {strides = array<i32>} : memref<24x384xf32, #tpu.memory_space<vmem>>, vector<16xf32>,
      %parallel_loop3A_320 = arith.index_cast %parallel_loop3A_298 : i32 to index
      %parallel_loop3A_321 = arith.index_cast %parallel_loop3A_316 : i32 to index
      %parallel_loop3A_322 = tpu.vector_load %arg9[%parallel_loop3A_320, %parallel_loop3A_321] {strides = array<i32>} : memref<24x384xi32, #tpu.memory_space<vmem>>, vector<16xi32>,
      %parallel_loop3A_323 = arith.constant 31 : i32
      %parallel_loop3A_324 = vector.broadcast %parallel_loop3A_323 : i32 to vector<16xi32>
      %parallel_loop3A_325 = arith.shli %parallel_loop3A_322, %parallel_loop3A_324 : vector<16xi32>
      %parallel_loop3A_326 = arith.constant 1132453888 : i32
      %parallel_loop3A_327 = vector.broadcast %parallel_loop3A_326 : i32 to vector<16xi32>
      %parallel_loop3A_328 = arith.xori %parallel_loop3A_327, %parallel_loop3A_325 : vector<16xi32>
      %parallel_loop3A_329 = vector.bitcast %parallel_loop3A_328 : vector<16xi32> to vector<16xf32>
      %parallel_loop3A_330 = arith.mulf %parallel_loop3A_319, %parallel_loop3A_329 : vector<16xf32>
      %parallel_loop3A_331 = arith.constant 2.568750e+02 : f32
      %parallel_loop3A_332 = vector.broadcast %parallel_loop3A_331 : f32 to vector<16xf32>
      %parallel_loop3A_333 = arith.addf %parallel_loop3A_330, %parallel_loop3A_332 : vector<16xf32>
      %parallel_loop3A_334 = arith.fptosi %parallel_loop3A_333 : vector<16xf32> to vector<16xi32>
      %parallel_loop3A_335 = arith.constant 0 : i32
      %parallel_loop3A_336 = vector.broadcast %parallel_loop3A_335 : i32 to vector<16xi32>
      %parallel_loop3A_337 = arith.maxsi %parallel_loop3A_334, %parallel_loop3A_336 : vector<16xi32>
      %parallel_loop3A_338 = arith.constant 2047 : i32
      %parallel_loop3A_339 = vector.broadcast %parallel_loop3A_338 : i32 to vector<16xi32>
      %parallel_loop3A_340 = arith.minsi %parallel_loop3A_337, %parallel_loop3A_339 : vector<16xi32>
      %parallel_loop3A_341 = arith.addi %mul3A_35, %parallel_loop3A_340 : vector<16xi32>
      %parallel_loop3A_342 = arith.constant 16 : i32
      %parallel_loop3A_343 = vector.broadcast %parallel_loop3A_342 : i32 to vector<16xi32>
      %parallel_loop3A_344 = arith.shli %parallel_loop3A_322, %parallel_loop3A_343 : vector<16xi32>
      %parallel_loop3A_345 = arith.constant 1 : i32
      %parallel_loop3A_346 = vector.broadcast %parallel_loop3A_345 : i32 to vector<16xi32>
      %parallel_loop3A_347 = arith.addi %parallel_loop3A_344, %parallel_loop3A_346 : vector<16xi32>
      tpu.vector_store_idx %arg5[%parallel_loop3A_341], %parallel_loop3A_347 {add = true} : memref<32768xi32, #tpu.memory_space<vmem>>[vector<16xi32>], vector<16xi32>,
    } {sc.loop_unroll_factor = 8 : i64, sc.parallel_access}
    %add3A_166 = arith.constant 120 : i32
    %add3A_167 = arith.addi %mul3A_32, %add3A_166 : i32
    %dma_start3A_168 = arith.constant 0 : i32
    %dma_start3A_169 = tpu.memref_slice %arg2[%select_n3A, %add3A_167, %dma_start3A_168] : memref<16x384x384xf32, #tpu.memory_space<hbm>> -> memref<1x24x384xf32, #tpu.memory_space<hbm>>
    %dma_start3A_170 = tpu.memref_squeeze %dma_start3A_169 : memref<1x24x384xf32, #tpu.memory_space<hbm>> -> memref<24x384xf32, #tpu.memory_space<hbm>>
    %dma_start3A_171 = arith.constant 0 : i32
    %dma_start3A_172 = tpu.memref_slice %arg2[%select_n3A, %add3A_167, %dma_start3A_171] : memref<16x384x384xf32, #tpu.memory_space<hbm>> -> memref<1x24x384xf32, #tpu.memory_space<hbm>>
    %dma_start3A_173 = tpu.memref_squeeze %dma_start3A_172 : memref<1x24x384xf32, #tpu.memory_space<hbm>> -> memref<24x384xf32, #tpu.memory_space<hbm>>
    tpu.enqueue_dma source(%dma_start3A_173 : memref<24x384xf32, #tpu.memory_space<hbm>>) target(%arg7 : memref<24x384xf32, #tpu.memory_space<vmem>>) target_semaphore(%arg18 : memref<!tpu.dma_semaphore, #tpu.memory_space<semaphore_mem>>)
    %dma_start3A_174 = arith.constant 0 : i32
    %dma_start3A_175 = tpu.memref_slice %arg3[%select_n3A, %add3A_167, %dma_start3A_174] : memref<16x384x384xi32, #tpu.memory_space<hbm>> -> memref<1x24x384xi32, #tpu.memory_space<hbm>>
    %dma_start3A_176 = tpu.memref_squeeze %dma_start3A_175 : memref<1x24x384xi32, #tpu.memory_space<hbm>> -> memref<24x384xi32, #tpu.memory_space<hbm>>
    %dma_start3A_177 = arith.constant 0 : i32
    %dma_start3A_178 = tpu.memref_slice %arg3[%select_n3A, %add3A_167, %dma_start3A_177] : memref<16x384x384xi32, #tpu.memory_space<hbm>> -> memref<1x24x384xi32, #tpu.memory_space<hbm>>
    %dma_start3A_179 = tpu.memref_squeeze %dma_start3A_178 : memref<1x24x384xi32, #tpu.memory_space<hbm>> -> memref<24x384xi32, #tpu.memory_space<hbm>>
    tpu.enqueue_dma source(%dma_start3A_179 : memref<24x384xi32, #tpu.memory_space<hbm>>) target(%arg9 : memref<24x384xi32, #tpu.memory_space<vmem>>) target_semaphore(%arg20 : memref<!tpu.dma_semaphore, #tpu.memory_space<semaphore_mem>>)
    %dma_wait3A_180 = arith.constant 0 : i32
    %dma_wait3A_181 = tpu.memref_slice %arg2[%select_n3A, %add3A_138, %dma_wait3A_180] : memref<16x384x384xf32, #tpu.memory_space<hbm>> -> memref<1x24x384xf32, #tpu.memory_space<hbm>>
    %dma_wait3A_182 = tpu.memref_squeeze %dma_wait3A_181 : memref<1x24x384xf32, #tpu.memory_space<hbm>> -> memref<24x384xf32, #tpu.memory_space<hbm>>
    %dma_wait3A_183 = arith.constant 0 : i32
    %dma_wait3A_184 = tpu.memref_slice %arg2[%select_n3A, %add3A_138, %dma_wait3A_183] : memref<16x384x384xf32, #tpu.memory_space<hbm>> -> memref<1x24x384xf32, #tpu.memory_space<hbm>>
    %dma_wait3A_185 = tpu.memref_squeeze %dma_wait3A_184 : memref<1x24x384xf32, #tpu.memory_space<hbm>> -> memref<24x384xf32, #tpu.memory_space<hbm>>
    tpu.wait_dma2 semaphore(%arg17 : memref<!tpu.dma_semaphore, #tpu.memory_space<semaphore_mem>>) src(%dma_wait3A_185 : memref<24x384xf32, #tpu.memory_space<hbm>>) dst(%arg6 : memref<24x384xf32, #tpu.memory_space<vmem>>)
    %dma_wait3A_186 = arith.constant 0 : i32
    %dma_wait3A_187 = tpu.memref_slice %arg3[%select_n3A, %add3A_138, %dma_wait3A_186] : memref<16x384x384xi32, #tpu.memory_space<hbm>> -> memref<1x24x384xi32, #tpu.memory_space<hbm>>
    %dma_wait3A_188 = tpu.memref_squeeze %dma_wait3A_187 : memref<1x24x384xi32, #tpu.memory_space<hbm>> -> memref<24x384xi32, #tpu.memory_space<hbm>>
    %dma_wait3A_189 = arith.constant 0 : i32
    %dma_wait3A_190 = tpu.memref_slice %arg3[%select_n3A, %add3A_138, %dma_wait3A_189] : memref<16x384x384xi32, #tpu.memory_space<hbm>> -> memref<1x24x384xi32, #tpu.memory_space<hbm>>
    %dma_wait3A_191 = tpu.memref_squeeze %dma_wait3A_190 : memref<1x24x384xi32, #tpu.memory_space<hbm>> -> memref<24x384xi32, #tpu.memory_space<hbm>>
    tpu.wait_dma2 semaphore(%arg19 : memref<!tpu.dma_semaphore, #tpu.memory_space<semaphore_mem>>) src(%dma_wait3A_191 : memref<24x384xi32, #tpu.memory_space<hbm>>) dst(%arg8 : memref<24x384xi32, #tpu.memory_space<vmem>>)
    %parallel_loop3A_192 = arith.constant 0 : i32
    %parallel_loop3A_193 = arith.constant 576 : i32
    %parallel_loop3A_194 = arith.constant 1 : i32
    scf.for %parallel_loop3A_274 = %parallel_loop3A_192 to %parallel_loop3A_193 step %parallel_loop3A_194  : i32 {
      %parallel_loop3A_275 = arith.constant 24 : i32
      %parallel_loop3A_276 = arith.divsi %parallel_loop3A_274, %parallel_loop3A_275 : i32
      %parallel_loop3A_277 = arith.constant 0 : i32
      %parallel_loop3A_278 = arith.cmpi sgt, %parallel_loop3A_274, %parallel_loop3A_277 : i32
      %parallel_loop3A_279 = arith.extui %parallel_loop3A_278 : i1 to i32
      %parallel_loop3A_280 = arith.constant 0 : i32
      %parallel_loop3A_281 = arith.cmpi slt, %parallel_loop3A_274, %parallel_loop3A_280 : i32
      %parallel_loop3A_282 = arith.extui %parallel_loop3A_281 : i1 to i32
      %parallel_loop3A_283 = arith.subi %parallel_loop3A_279, %parallel_loop3A_282 : i32
      %parallel_loop3A_284 = arith.constant 0 : i32
      %parallel_loop3A_285 = arith.cmpi sgt, %parallel_loop3A_275, %parallel_loop3A_284 : i32
      %parallel_loop3A_286 = arith.extui %parallel_loop3A_285 : i1 to i32
      %parallel_loop3A_287 = arith.constant 0 : i32
      %parallel_loop3A_288 = arith.cmpi slt, %parallel_loop3A_275, %parallel_loop3A_287 : i32
      %parallel_loop3A_289 = arith.extui %parallel_loop3A_288 : i1 to i32
      %parallel_loop3A_290 = arith.subi %parallel_loop3A_286, %parallel_loop3A_289 : i32
      %parallel_loop3A_291 = arith.cmpi ne, %parallel_loop3A_283, %parallel_loop3A_290 : i32
      %parallel_loop3A_292 = arith.remsi %parallel_loop3A_274, %parallel_loop3A_275 : i32
      %parallel_loop3A_293 = arith.constant 0 : i32
      %parallel_loop3A_294 = arith.cmpi ne, %parallel_loop3A_292, %parallel_loop3A_293 : i32
      %parallel_loop3A_295 = arith.andi %parallel_loop3A_291, %parallel_loop3A_294 : i1
      %parallel_loop3A_296 = arith.constant 1 : i32
      %parallel_loop3A_297 = arith.subi %parallel_loop3A_276, %parallel_loop3A_296 : i32
      %parallel_loop3A_298 = arith.select %parallel_loop3A_295, %parallel_loop3A_297, %parallel_loop3A_276 : i32
      %parallel_loop3A_299 = arith.constant 24 : i32
      %parallel_loop3A_300 = arith.constant 0 : i32
      %parallel_loop3A_301 = arith.cmpi eq, %parallel_loop3A_299, %parallel_loop3A_300 : i32
      %parallel_loop3A_302 = arith.constant 1 : i32
      %parallel_loop3A_303 = arith.select %parallel_loop3A_301, %parallel_loop3A_302, %parallel_loop3A_299 : i32
      %parallel_loop3A_304 = arith.remsi %parallel_loop3A_274, %parallel_loop3A_303 : i32
      %parallel_loop3A_305 = arith.constant 0 : i32
      %parallel_loop3A_306 = arith.cmpi ne, %parallel_loop3A_304, %parallel_loop3A_305 : i32
      %parallel_loop3A_307 = arith.constant 0 : i32
      %parallel_loop3A_308 = arith.cmpi slt, %parallel_loop3A_304, %parallel_loop3A_307 : i32
      %parallel_loop3A_309 = arith.constant 0 : i32
      %parallel_loop3A_310 = arith.cmpi slt, %parallel_loop3A_303, %parallel_loop3A_309 : i32
      %parallel_loop3A_311 = arith.xori %parallel_loop3A_308, %parallel_loop3A_310 : i1
      %parallel_loop3A_312 = arith.andi %parallel_loop3A_311, %parallel_loop3A_306 : i1
      %parallel_loop3A_313 = arith.addi %parallel_loop3A_304, %parallel_loop3A_303 : i32
      %parallel_loop3A_314 = arith.select %parallel_loop3A_312, %parallel_loop3A_313, %parallel_loop3A_304 : i32
      %parallel_loop3A_315 = arith.constant 16 : i32
      %parallel_loop3A_316 = arith.muli %parallel_loop3A_314, %parallel_loop3A_315 : i32
      %parallel_loop3A_317 = arith.index_cast %parallel_loop3A_298 : i32 to index
      %parallel_loop3A_318 = arith.index_cast %parallel_loop3A_316 : i32 to index
      %parallel_loop3A_319 = tpu.vector_load %arg6[%parallel_loop3A_317, %parallel_loop3A_318] {strides = array<i32>} : memref<24x384xf32, #tpu.memory_space<vmem>>, vector<16xf32>,
      %parallel_loop3A_320 = arith.index_cast %parallel_loop3A_298 : i32 to index
      %parallel_loop3A_321 = arith.index_cast %parallel_loop3A_316 : i32 to index
      %parallel_loop3A_322 = tpu.vector_load %arg8[%parallel_loop3A_320, %parallel_loop3A_321] {strides = array<i32>} : memref<24x384xi32, #tpu.memory_space<vmem>>, vector<16xi32>,
      %parallel_loop3A_323 = arith.constant 31 : i32
      %parallel_loop3A_324 = vector.broadcast %parallel_loop3A_323 : i32 to vector<16xi32>
      %parallel_loop3A_325 = arith.shli %parallel_loop3A_322, %parallel_loop3A_324 : vector<16xi32>
      %parallel_loop3A_326 = arith.constant 1132453888 : i32
      %parallel_loop3A_327 = vector.broadcast %parallel_loop3A_326 : i32 to vector<16xi32>
      %parallel_loop3A_328 = arith.xori %parallel_loop3A_327, %parallel_loop3A_325 : vector<16xi32>
      %parallel_loop3A_329 = vector.bitcast %parallel_loop3A_328 : vector<16xi32> to vector<16xf32>
      %parallel_loop3A_330 = arith.mulf %parallel_loop3A_319, %parallel_loop3A_329 : vector<16xf32>
      %parallel_loop3A_331 = arith.constant 2.568750e+02 : f32
      %parallel_loop3A_332 = vector.broadcast %parallel_loop3A_331 : f32 to vector<16xf32>
      %parallel_loop3A_333 = arith.addf %parallel_loop3A_330, %parallel_loop3A_332 : vector<16xf32>
      %parallel_loop3A_334 = arith.fptosi %parallel_loop3A_333 : vector<16xf32> to vector<16xi32>
      %parallel_loop3A_335 = arith.constant 0 : i32
      %parallel_loop3A_336 = vector.broadcast %parallel_loop3A_335 : i32 to vector<16xi32>
      %parallel_loop3A_337 = arith.maxsi %parallel_loop3A_334, %parallel_loop3A_336 : vector<16xi32>
      %parallel_loop3A_338 = arith.constant 2047 : i32
      %parallel_loop3A_339 = vector.broadcast %parallel_loop3A_338 : i32 to vector<16xi32>
      %parallel_loop3A_340 = arith.minsi %parallel_loop3A_337, %parallel_loop3A_339 : vector<16xi32>
      %parallel_loop3A_341 = arith.addi %mul3A_35, %parallel_loop3A_340 : vector<16xi32>
      %parallel_loop3A_342 = arith.constant 16 : i32
      %parallel_loop3A_343 = vector.broadcast %parallel_loop3A_342 : i32 to vector<16xi32>
      %parallel_loop3A_344 = arith.shli %parallel_loop3A_322, %parallel_loop3A_343 : vector<16xi32>
      %parallel_loop3A_345 = arith.constant 1 : i32
      %parallel_loop3A_346 = vector.broadcast %parallel_loop3A_345 : i32 to vector<16xi32>
      %parallel_loop3A_347 = arith.addi %parallel_loop3A_344, %parallel_loop3A_346 : vector<16xi32>
      tpu.vector_store_idx %arg5[%parallel_loop3A_341], %parallel_loop3A_347 {add = true} : memref<32768xi32, #tpu.memory_space<vmem>>[vector<16xi32>], vector<16xi32>,
    } {sc.loop_unroll_factor = 8 : i64, sc.parallel_access}
    %add3A_195 = arith.constant 144 : i32
    %add3A_196 = arith.addi %mul3A_32, %add3A_195 : i32
    %dma_start3A_197 = arith.constant 0 : i32
    %dma_start3A_198 = tpu.memref_slice %arg2[%select_n3A, %add3A_196, %dma_start3A_197] : memref<16x384x384xf32, #tpu.memory_space<hbm>> -> memref<1x24x384xf32, #tpu.memory_space<hbm>>
    %dma_start3A_199 = tpu.memref_squeeze %dma_start3A_198 : memref<1x24x384xf32, #tpu.memory_space<hbm>> -> memref<24x384xf32, #tpu.memory_space<hbm>>
    %dma_start3A_200 = arith.constant 0 : i32
    %dma_start3A_201 = tpu.memref_slice %arg2[%select_n3A, %add3A_196, %dma_start3A_200] : memref<16x384x384xf32, #tpu.memory_space<hbm>> -> memref<1x24x384xf32, #tpu.memory_space<hbm>>
    %dma_start3A_202 = tpu.memref_squeeze %dma_start3A_201 : memref<1x24x384xf32, #tpu.memory_space<hbm>> -> memref<24x384xf32, #tpu.memory_space<hbm>>
    tpu.enqueue_dma source(%dma_start3A_202 : memref<24x384xf32, #tpu.memory_space<hbm>>) target(%arg6 : memref<24x384xf32, #tpu.memory_space<vmem>>) target_semaphore(%arg17 : memref<!tpu.dma_semaphore, #tpu.memory_space<semaphore_mem>>)
    %dma_start3A_203 = arith.constant 0 : i32
    %dma_start3A_204 = tpu.memref_slice %arg3[%select_n3A, %add3A_196, %dma_start3A_203] : memref<16x384x384xi32, #tpu.memory_space<hbm>> -> memref<1x24x384xi32, #tpu.memory_space<hbm>>
    %dma_start3A_205 = tpu.memref_squeeze %dma_start3A_204 : memref<1x24x384xi32, #tpu.memory_space<hbm>> -> memref<24x384xi32, #tpu.memory_space<hbm>>
    %dma_start3A_206 = arith.constant 0 : i32
    %dma_start3A_207 = tpu.memref_slice %arg3[%select_n3A, %add3A_196, %dma_start3A_206] : memref<16x384x384xi32, #tpu.memory_space<hbm>> -> memref<1x24x384xi32, #tpu.memory_space<hbm>>
    %dma_start3A_208 = tpu.memref_squeeze %dma_start3A_207 : memref<1x24x384xi32, #tpu.memory_space<hbm>> -> memref<24x384xi32, #tpu.memory_space<hbm>>
    tpu.enqueue_dma source(%dma_start3A_208 : memref<24x384xi32, #tpu.memory_space<hbm>>) target(%arg8 : memref<24x384xi32, #tpu.memory_space<vmem>>) target_semaphore(%arg19 : memref<!tpu.dma_semaphore, #tpu.memory_space<semaphore_mem>>)
    %dma_wait3A_209 = arith.constant 0 : i32
    %dma_wait3A_210 = tpu.memref_slice %arg2[%select_n3A, %add3A_167, %dma_wait3A_209] : memref<16x384x384xf32, #tpu.memory_space<hbm>> -> memref<1x24x384xf32, #tpu.memory_space<hbm>>
    %dma_wait3A_211 = tpu.memref_squeeze %dma_wait3A_210 : memref<1x24x384xf32, #tpu.memory_space<hbm>> -> memref<24x384xf32, #tpu.memory_space<hbm>>
    %dma_wait3A_212 = arith.constant 0 : i32
    %dma_wait3A_213 = tpu.memref_slice %arg2[%select_n3A, %add3A_167, %dma_wait3A_212] : memref<16x384x384xf32, #tpu.memory_space<hbm>> -> memref<1x24x384xf32, #tpu.memory_space<hbm>>
    %dma_wait3A_214 = tpu.memref_squeeze %dma_wait3A_213 : memref<1x24x384xf32, #tpu.memory_space<hbm>> -> memref<24x384xf32, #tpu.memory_space<hbm>>
    tpu.wait_dma2 semaphore(%arg18 : memref<!tpu.dma_semaphore, #tpu.memory_space<semaphore_mem>>) src(%dma_wait3A_214 : memref<24x384xf32, #tpu.memory_space<hbm>>) dst(%arg7 : memref<24x384xf32, #tpu.memory_space<vmem>>)
    %dma_wait3A_215 = arith.constant 0 : i32
    %dma_wait3A_216 = tpu.memref_slice %arg3[%select_n3A, %add3A_167, %dma_wait3A_215] : memref<16x384x384xi32, #tpu.memory_space<hbm>> -> memref<1x24x384xi32, #tpu.memory_space<hbm>>
    %dma_wait3A_217 = tpu.memref_squeeze %dma_wait3A_216 : memref<1x24x384xi32, #tpu.memory_space<hbm>> -> memref<24x384xi32, #tpu.memory_space<hbm>>
    %dma_wait3A_218 = arith.constant 0 : i32
    %dma_wait3A_219 = tpu.memref_slice %arg3[%select_n3A, %add3A_167, %dma_wait3A_218] : memref<16x384x384xi32, #tpu.memory_space<hbm>> -> memref<1x24x384xi32, #tpu.memory_space<hbm>>
    %dma_wait3A_220 = tpu.memref_squeeze %dma_wait3A_219 : memref<1x24x384xi32, #tpu.memory_space<hbm>> -> memref<24x384xi32, #tpu.memory_space<hbm>>
    tpu.wait_dma2 semaphore(%arg20 : memref<!tpu.dma_semaphore, #tpu.memory_space<semaphore_mem>>) src(%dma_wait3A_220 : memref<24x384xi32, #tpu.memory_space<hbm>>) dst(%arg9 : memref<24x384xi32, #tpu.memory_space<vmem>>)
    %parallel_loop3A_221 = arith.constant 0 : i32
    %parallel_loop3A_222 = arith.constant 576 : i32
    %parallel_loop3A_223 = arith.constant 1 : i32
    scf.for %parallel_loop3A_274 = %parallel_loop3A_221 to %parallel_loop3A_222 step %parallel_loop3A_223  : i32 {
      %parallel_loop3A_275 = arith.constant 24 : i32
      %parallel_loop3A_276 = arith.divsi %parallel_loop3A_274, %parallel_loop3A_275 : i32
      %parallel_loop3A_277 = arith.constant 0 : i32
      %parallel_loop3A_278 = arith.cmpi sgt, %parallel_loop3A_274, %parallel_loop3A_277 : i32
      %parallel_loop3A_279 = arith.extui %parallel_loop3A_278 : i1 to i32
      %parallel_loop3A_280 = arith.constant 0 : i32
      %parallel_loop3A_281 = arith.cmpi slt, %parallel_loop3A_274, %parallel_loop3A_280 : i32
      %parallel_loop3A_282 = arith.extui %parallel_loop3A_281 : i1 to i32
      %parallel_loop3A_283 = arith.subi %parallel_loop3A_279, %parallel_loop3A_282 : i32
      %parallel_loop3A_284 = arith.constant 0 : i32
      %parallel_loop3A_285 = arith.cmpi sgt, %parallel_loop3A_275, %parallel_loop3A_284 : i32
      %parallel_loop3A_286 = arith.extui %parallel_loop3A_285 : i1 to i32
      %parallel_loop3A_287 = arith.constant 0 : i32
      %parallel_loop3A_288 = arith.cmpi slt, %parallel_loop3A_275, %parallel_loop3A_287 : i32
      %parallel_loop3A_289 = arith.extui %parallel_loop3A_288 : i1 to i32
      %parallel_loop3A_290 = arith.subi %parallel_loop3A_286, %parallel_loop3A_289 : i32
      %parallel_loop3A_291 = arith.cmpi ne, %parallel_loop3A_283, %parallel_loop3A_290 : i32
      %parallel_loop3A_292 = arith.remsi %parallel_loop3A_274, %parallel_loop3A_275 : i32
      %parallel_loop3A_293 = arith.constant 0 : i32
      %parallel_loop3A_294 = arith.cmpi ne, %parallel_loop3A_292, %parallel_loop3A_293 : i32
      %parallel_loop3A_295 = arith.andi %parallel_loop3A_291, %parallel_loop3A_294 : i1
      %parallel_loop3A_296 = arith.constant 1 : i32
      %parallel_loop3A_297 = arith.subi %parallel_loop3A_276, %parallel_loop3A_296 : i32
      %parallel_loop3A_298 = arith.select %parallel_loop3A_295, %parallel_loop3A_297, %parallel_loop3A_276 : i32
      %parallel_loop3A_299 = arith.constant 24 : i32
      %parallel_loop3A_300 = arith.constant 0 : i32
      %parallel_loop3A_301 = arith.cmpi eq, %parallel_loop3A_299, %parallel_loop3A_300 : i32
      %parallel_loop3A_302 = arith.constant 1 : i32
      %parallel_loop3A_303 = arith.select %parallel_loop3A_301, %parallel_loop3A_302, %parallel_loop3A_299 : i32
      %parallel_loop3A_304 = arith.remsi %parallel_loop3A_274, %parallel_loop3A_303 : i32
      %parallel_loop3A_305 = arith.constant 0 : i32
      %parallel_loop3A_306 = arith.cmpi ne, %parallel_loop3A_304, %parallel_loop3A_305 : i32
      %parallel_loop3A_307 = arith.constant 0 : i32
      %parallel_loop3A_308 = arith.cmpi slt, %parallel_loop3A_304, %parallel_loop3A_307 : i32
      %parallel_loop3A_309 = arith.constant 0 : i32
      %parallel_loop3A_310 = arith.cmpi slt, %parallel_loop3A_303, %parallel_loop3A_309 : i32
      %parallel_loop3A_311 = arith.xori %parallel_loop3A_308, %parallel_loop3A_310 : i1
      %parallel_loop3A_312 = arith.andi %parallel_loop3A_311, %parallel_loop3A_306 : i1
      %parallel_loop3A_313 = arith.addi %parallel_loop3A_304, %parallel_loop3A_303 : i32
      %parallel_loop3A_314 = arith.select %parallel_loop3A_312, %parallel_loop3A_313, %parallel_loop3A_304 : i32
      %parallel_loop3A_315 = arith.constant 16 : i32
      %parallel_loop3A_316 = arith.muli %parallel_loop3A_314, %parallel_loop3A_315 : i32
      %parallel_loop3A_317 = arith.index_cast %parallel_loop3A_298 : i32 to index
      %parallel_loop3A_318 = arith.index_cast %parallel_loop3A_316 : i32 to index
      %parallel_loop3A_319 = tpu.vector_load %arg7[%parallel_loop3A_317, %parallel_loop3A_318] {strides = array<i32>} : memref<24x384xf32, #tpu.memory_space<vmem>>, vector<16xf32>,
      %parallel_loop3A_320 = arith.index_cast %parallel_loop3A_298 : i32 to index
      %parallel_loop3A_321 = arith.index_cast %parallel_loop3A_316 : i32 to index
      %parallel_loop3A_322 = tpu.vector_load %arg9[%parallel_loop3A_320, %parallel_loop3A_321] {strides = array<i32>} : memref<24x384xi32, #tpu.memory_space<vmem>>, vector<16xi32>,
      %parallel_loop3A_323 = arith.constant 31 : i32
      %parallel_loop3A_324 = vector.broadcast %parallel_loop3A_323 : i32 to vector<16xi32>
      %parallel_loop3A_325 = arith.shli %parallel_loop3A_322, %parallel_loop3A_324 : vector<16xi32>
      %parallel_loop3A_326 = arith.constant 1132453888 : i32
      %parallel_loop3A_327 = vector.broadcast %parallel_loop3A_326 : i32 to vector<16xi32>
      %parallel_loop3A_328 = arith.xori %parallel_loop3A_327, %parallel_loop3A_325 : vector<16xi32>
      %parallel_loop3A_329 = vector.bitcast %parallel_loop3A_328 : vector<16xi32> to vector<16xf32>
      %parallel_loop3A_330 = arith.mulf %parallel_loop3A_319, %parallel_loop3A_329 : vector<16xf32>
      %parallel_loop3A_331 = arith.constant 2.568750e+02 : f32
      %parallel_loop3A_332 = vector.broadcast %parallel_loop3A_331 : f32 to vector<16xf32>
      %parallel_loop3A_333 = arith.addf %parallel_loop3A_330, %parallel_loop3A_332 : vector<16xf32>
      %parallel_loop3A_334 = arith.fptosi %parallel_loop3A_333 : vector<16xf32> to vector<16xi32>
      %parallel_loop3A_335 = arith.constant 0 : i32
      %parallel_loop3A_336 = vector.broadcast %parallel_loop3A_335 : i32 to vector<16xi32>
      %parallel_loop3A_337 = arith.maxsi %parallel_loop3A_334, %parallel_loop3A_336 : vector<16xi32>
      %parallel_loop3A_338 = arith.constant 2047 : i32
      %parallel_loop3A_339 = vector.broadcast %parallel_loop3A_338 : i32 to vector<16xi32>
      %parallel_loop3A_340 = arith.minsi %parallel_loop3A_337, %parallel_loop3A_339 : vector<16xi32>
      %parallel_loop3A_341 = arith.addi %mul3A_35, %parallel_loop3A_340 : vector<16xi32>
      %parallel_loop3A_342 = arith.constant 16 : i32
      %parallel_loop3A_343 = vector.broadcast %parallel_loop3A_342 : i32 to vector<16xi32>
      %parallel_loop3A_344 = arith.shli %parallel_loop3A_322, %parallel_loop3A_343 : vector<16xi32>
      %parallel_loop3A_345 = arith.constant 1 : i32
      %parallel_loop3A_346 = vector.broadcast %parallel_loop3A_345 : i32 to vector<16xi32>
      %parallel_loop3A_347 = arith.addi %parallel_loop3A_344, %parallel_loop3A_346 : vector<16xi32>
      tpu.vector_store_idx %arg5[%parallel_loop3A_341], %parallel_loop3A_347 {add = true} : memref<32768xi32, #tpu.memory_space<vmem>>[vector<16xi32>], vector<16xi32>,
    } {sc.loop_unroll_factor = 8 : i64, sc.parallel_access}
    %add3A_224 = arith.constant 168 : i32
    %add3A_225 = arith.addi %mul3A_32, %add3A_224 : i32
    %dma_start3A_226 = arith.constant 0 : i32
    %dma_start3A_227 = tpu.memref_slice %arg2[%select_n3A, %add3A_225, %dma_start3A_226] : memref<16x384x384xf32, #tpu.memory_space<hbm>> -> memref<1x24x384xf32, #tpu.memory_space<hbm>>
    %dma_start3A_228 = tpu.memref_squeeze %dma_start3A_227 : memref<1x24x384xf32, #tpu.memory_space<hbm>> -> memref<24x384xf32, #tpu.memory_space<hbm>>
    %dma_start3A_229 = arith.constant 0 : i32
    %dma_start3A_230 = tpu.memref_slice %arg2[%select_n3A, %add3A_225, %dma_start3A_229] : memref<16x384x384xf32, #tpu.memory_space<hbm>> -> memref<1x24x384xf32, #tpu.memory_space<hbm>>
    %dma_start3A_231 = tpu.memref_squeeze %dma_start3A_230 : memref<1x24x384xf32, #tpu.memory_space<hbm>> -> memref<24x384xf32, #tpu.memory_space<hbm>>
    tpu.enqueue_dma source(%dma_start3A_231 : memref<24x384xf32, #tpu.memory_space<hbm>>) target(%arg7 : memref<24x384xf32, #tpu.memory_space<vmem>>) target_semaphore(%arg18 : memref<!tpu.dma_semaphore, #tpu.memory_space<semaphore_mem>>)
    %dma_start3A_232 = arith.constant 0 : i32
    %dma_start3A_233 = tpu.memref_slice %arg3[%select_n3A, %add3A_225, %dma_start3A_232] : memref<16x384x384xi32, #tpu.memory_space<hbm>> -> memref<1x24x384xi32, #tpu.memory_space<hbm>>
    %dma_start3A_234 = tpu.memref_squeeze %dma_start3A_233 : memref<1x24x384xi32, #tpu.memory_space<hbm>> -> memref<24x384xi32, #tpu.memory_space<hbm>>
    %dma_start3A_235 = arith.constant 0 : i32
    %dma_start3A_236 = tpu.memref_slice %arg3[%select_n3A, %add3A_225, %dma_start3A_235] : memref<16x384x384xi32, #tpu.memory_space<hbm>> -> memref<1x24x384xi32, #tpu.memory_space<hbm>>
    %dma_start3A_237 = tpu.memref_squeeze %dma_start3A_236 : memref<1x24x384xi32, #tpu.memory_space<hbm>> -> memref<24x384xi32, #tpu.memory_space<hbm>>
    tpu.enqueue_dma source(%dma_start3A_237 : memref<24x384xi32, #tpu.memory_space<hbm>>) target(%arg9 : memref<24x384xi32, #tpu.memory_space<vmem>>) target_semaphore(%arg20 : memref<!tpu.dma_semaphore, #tpu.memory_space<semaphore_mem>>)
    %dma_wait3A_238 = arith.constant 0 : i32
    %dma_wait3A_239 = tpu.memref_slice %arg2[%select_n3A, %add3A_196, %dma_wait3A_238] : memref<16x384x384xf32, #tpu.memory_space<hbm>> -> memref<1x24x384xf32, #tpu.memory_space<hbm>>
    %dma_wait3A_240 = tpu.memref_squeeze %dma_wait3A_239 : memref<1x24x384xf32, #tpu.memory_space<hbm>> -> memref<24x384xf32, #tpu.memory_space<hbm>>
    %dma_wait3A_241 = arith.constant 0 : i32
    %dma_wait3A_242 = tpu.memref_slice %arg2[%select_n3A, %add3A_196, %dma_wait3A_241] : memref<16x384x384xf32, #tpu.memory_space<hbm>> -> memref<1x24x384xf32, #tpu.memory_space<hbm>>
    %dma_wait3A_243 = tpu.memref_squeeze %dma_wait3A_242 : memref<1x24x384xf32, #tpu.memory_space<hbm>> -> memref<24x384xf32, #tpu.memory_space<hbm>>
    tpu.wait_dma2 semaphore(%arg17 : memref<!tpu.dma_semaphore, #tpu.memory_space<semaphore_mem>>) src(%dma_wait3A_243 : memref<24x384xf32, #tpu.memory_space<hbm>>) dst(%arg6 : memref<24x384xf32, #tpu.memory_space<vmem>>)
    %dma_wait3A_244 = arith.constant 0 : i32
    %dma_wait3A_245 = tpu.memref_slice %arg3[%select_n3A, %add3A_196, %dma_wait3A_244] : memref<16x384x384xi32, #tpu.memory_space<hbm>> -> memref<1x24x384xi32, #tpu.memory_space<hbm>>
    %dma_wait3A_246 = tpu.memref_squeeze %dma_wait3A_245 : memref<1x24x384xi32, #tpu.memory_space<hbm>> -> memref<24x384xi32, #tpu.memory_space<hbm>>
    %dma_wait3A_247 = arith.constant 0 : i32
    %dma_wait3A_248 = tpu.memref_slice %arg3[%select_n3A, %add3A_196, %dma_wait3A_247] : memref<16x384x384xi32, #tpu.memory_space<hbm>> -> memref<1x24x384xi32, #tpu.memory_space<hbm>>
    %dma_wait3A_249 = tpu.memref_squeeze %dma_wait3A_248 : memref<1x24x384xi32, #tpu.memory_space<hbm>> -> memref<24x384xi32, #tpu.memory_space<hbm>>
    tpu.wait_dma2 semaphore(%arg19 : memref<!tpu.dma_semaphore, #tpu.memory_space<semaphore_mem>>) src(%dma_wait3A_249 : memref<24x384xi32, #tpu.memory_space<hbm>>) dst(%arg8 : memref<24x384xi32, #tpu.memory_space<vmem>>)
    %parallel_loop3A_250 = arith.constant 0 : i32
    %parallel_loop3A_251 = arith.constant 576 : i32
    %parallel_loop3A_252 = arith.constant 1 : i32
    scf.for %parallel_loop3A_274 = %parallel_loop3A_250 to %parallel_loop3A_251 step %parallel_loop3A_252  : i32 {
      %parallel_loop3A_275 = arith.constant 24 : i32
      %parallel_loop3A_276 = arith.divsi %parallel_loop3A_274, %parallel_loop3A_275 : i32
      %parallel_loop3A_277 = arith.constant 0 : i32
      %parallel_loop3A_278 = arith.cmpi sgt, %parallel_loop3A_274, %parallel_loop3A_277 : i32
      %parallel_loop3A_279 = arith.extui %parallel_loop3A_278 : i1 to i32
      %parallel_loop3A_280 = arith.constant 0 : i32
      %parallel_loop3A_281 = arith.cmpi slt, %parallel_loop3A_274, %parallel_loop3A_280 : i32
      %parallel_loop3A_282 = arith.extui %parallel_loop3A_281 : i1 to i32
      %parallel_loop3A_283 = arith.subi %parallel_loop3A_279, %parallel_loop3A_282 : i32
      %parallel_loop3A_284 = arith.constant 0 : i32
      %parallel_loop3A_285 = arith.cmpi sgt, %parallel_loop3A_275, %parallel_loop3A_284 : i32
      %parallel_loop3A_286 = arith.extui %parallel_loop3A_285 : i1 to i32
      %parallel_loop3A_287 = arith.constant 0 : i32
      %parallel_loop3A_288 = arith.cmpi slt, %parallel_loop3A_275, %parallel_loop3A_287 : i32
      %parallel_loop3A_289 = arith.extui %parallel_loop3A_288 : i1 to i32
      %parallel_loop3A_290 = arith.subi %parallel_loop3A_286, %parallel_loop3A_289 : i32
      %parallel_loop3A_291 = arith.cmpi ne, %parallel_loop3A_283, %parallel_loop3A_290 : i32
      %parallel_loop3A_292 = arith.remsi %parallel_loop3A_274, %parallel_loop3A_275 : i32
      %parallel_loop3A_293 = arith.constant 0 : i32
      %parallel_loop3A_294 = arith.cmpi ne, %parallel_loop3A_292, %parallel_loop3A_293 : i32
      %parallel_loop3A_295 = arith.andi %parallel_loop3A_291, %parallel_loop3A_294 : i1
      %parallel_loop3A_296 = arith.constant 1 : i32
      %parallel_loop3A_297 = arith.subi %parallel_loop3A_276, %parallel_loop3A_296 : i32
      %parallel_loop3A_298 = arith.select %parallel_loop3A_295, %parallel_loop3A_297, %parallel_loop3A_276 : i32
      %parallel_loop3A_299 = arith.constant 24 : i32
      %parallel_loop3A_300 = arith.constant 0 : i32
      %parallel_loop3A_301 = arith.cmpi eq, %parallel_loop3A_299, %parallel_loop3A_300 : i32
      %parallel_loop3A_302 = arith.constant 1 : i32
      %parallel_loop3A_303 = arith.select %parallel_loop3A_301, %parallel_loop3A_302, %parallel_loop3A_299 : i32
      %parallel_loop3A_304 = arith.remsi %parallel_loop3A_274, %parallel_loop3A_303 : i32
      %parallel_loop3A_305 = arith.constant 0 : i32
      %parallel_loop3A_306 = arith.cmpi ne, %parallel_loop3A_304, %parallel_loop3A_305 : i32
      %parallel_loop3A_307 = arith.constant 0 : i32
      %parallel_loop3A_308 = arith.cmpi slt, %parallel_loop3A_304, %parallel_loop3A_307 : i32
      %parallel_loop3A_309 = arith.constant 0 : i32
      %parallel_loop3A_310 = arith.cmpi slt, %parallel_loop3A_303, %parallel_loop3A_309 : i32
      %parallel_loop3A_311 = arith.xori %parallel_loop3A_308, %parallel_loop3A_310 : i1
      %parallel_loop3A_312 = arith.andi %parallel_loop3A_311, %parallel_loop3A_306 : i1
      %parallel_loop3A_313 = arith.addi %parallel_loop3A_304, %parallel_loop3A_303 : i32
      %parallel_loop3A_314 = arith.select %parallel_loop3A_312, %parallel_loop3A_313, %parallel_loop3A_304 : i32
      %parallel_loop3A_315 = arith.constant 16 : i32
      %parallel_loop3A_316 = arith.muli %parallel_loop3A_314, %parallel_loop3A_315 : i32
      %parallel_loop3A_317 = arith.index_cast %parallel_loop3A_298 : i32 to index
      %parallel_loop3A_318 = arith.index_cast %parallel_loop3A_316 : i32 to index
      %parallel_loop3A_319 = tpu.vector_load %arg6[%parallel_loop3A_317, %parallel_loop3A_318] {strides = array<i32>} : memref<24x384xf32, #tpu.memory_space<vmem>>, vector<16xf32>,
      %parallel_loop3A_320 = arith.index_cast %parallel_loop3A_298 : i32 to index
      %parallel_loop3A_321 = arith.index_cast %parallel_loop3A_316 : i32 to index
      %parallel_loop3A_322 = tpu.vector_load %arg8[%parallel_loop3A_320, %parallel_loop3A_321] {strides = array<i32>} : memref<24x384xi32, #tpu.memory_space<vmem>>, vector<16xi32>,
      %parallel_loop3A_323 = arith.constant 31 : i32
      %parallel_loop3A_324 = vector.broadcast %parallel_loop3A_323 : i32 to vector<16xi32>
      %parallel_loop3A_325 = arith.shli %parallel_loop3A_322, %parallel_loop3A_324 : vector<16xi32>
      %parallel_loop3A_326 = arith.constant 1132453888 : i32
      %parallel_loop3A_327 = vector.broadcast %parallel_loop3A_326 : i32 to vector<16xi32>
      %parallel_loop3A_328 = arith.xori %parallel_loop3A_327, %parallel_loop3A_325 : vector<16xi32>
      %parallel_loop3A_329 = vector.bitcast %parallel_loop3A_328 : vector<16xi32> to vector<16xf32>
      %parallel_loop3A_330 = arith.mulf %parallel_loop3A_319, %parallel_loop3A_329 : vector<16xf32>
      %parallel_loop3A_331 = arith.constant 2.568750e+02 : f32
      %parallel_loop3A_332 = vector.broadcast %parallel_loop3A_331 : f32 to vector<16xf32>
      %parallel_loop3A_333 = arith.addf %parallel_loop3A_330, %parallel_loop3A_332 : vector<16xf32>
      %parallel_loop3A_334 = arith.fptosi %parallel_loop3A_333 : vector<16xf32> to vector<16xi32>
      %parallel_loop3A_335 = arith.constant 0 : i32
      %parallel_loop3A_336 = vector.broadcast %parallel_loop3A_335 : i32 to vector<16xi32>
      %parallel_loop3A_337 = arith.maxsi %parallel_loop3A_334, %parallel_loop3A_336 : vector<16xi32>
      %parallel_loop3A_338 = arith.constant 2047 : i32
      %parallel_loop3A_339 = vector.broadcast %parallel_loop3A_338 : i32 to vector<16xi32>
      %parallel_loop3A_340 = arith.minsi %parallel_loop3A_337, %parallel_loop3A_339 : vector<16xi32>
      %parallel_loop3A_341 = arith.addi %mul3A_35, %parallel_loop3A_340 : vector<16xi32>
      %parallel_loop3A_342 = arith.constant 16 : i32
      %parallel_loop3A_343 = vector.broadcast %parallel_loop3A_342 : i32 to vector<16xi32>
      %parallel_loop3A_344 = arith.shli %parallel_loop3A_322, %parallel_loop3A_343 : vector<16xi32>
      %parallel_loop3A_345 = arith.constant 1 : i32
      %parallel_loop3A_346 = vector.broadcast %parallel_loop3A_345 : i32 to vector<16xi32>
      %parallel_loop3A_347 = arith.addi %parallel_loop3A_344, %parallel_loop3A_346 : vector<16xi32>
      tpu.vector_store_idx %arg5[%parallel_loop3A_341], %parallel_loop3A_347 {add = true} : memref<32768xi32, #tpu.memory_space<vmem>>[vector<16xi32>], vector<16xi32>,
    } {sc.loop_unroll_factor = 8 : i64, sc.parallel_access}
    %dma_wait3A_253 = arith.constant 0 : i32
    %dma_wait3A_254 = tpu.memref_slice %arg2[%select_n3A, %add3A_225, %dma_wait3A_253] : memref<16x384x384xf32, #tpu.memory_space<hbm>> -> memref<1x24x384xf32, #tpu.memory_space<hbm>>
    %dma_wait3A_255 = tpu.memref_squeeze %dma_wait3A_254 : memref<1x24x384xf32, #tpu.memory_space<hbm>> -> memref<24x384xf32, #tpu.memory_space<hbm>>
    %dma_wait3A_256 = arith.constant 0 : i32
    %dma_wait3A_257 = tpu.memref_slice %arg2[%select_n3A, %add3A_225, %dma_wait3A_256] : memref<16x384x384xf32, #tpu.memory_space<hbm>> -> memref<1x24x384xf32, #tpu.memory_space<hbm>>
    %dma_wait3A_258 = tpu.memref_squeeze %dma_wait3A_257 : memref<1x24x384xf32, #tpu.memory_space<hbm>> -> memref<24x384xf32, #tpu.memory_space<hbm>>
    tpu.wait_dma2 semaphore(%arg18 : memref<!tpu.dma_semaphore, #tpu.memory_space<semaphore_mem>>) src(%dma_wait3A_258 : memref<24x384xf32, #tpu.memory_space<hbm>>) dst(%arg7 : memref<24x384xf32, #tpu.memory_space<vmem>>)
    %dma_wait3A_259 = arith.constant 0 : i32
    %dma_wait3A_260 = tpu.memref_slice %arg3[%select_n3A, %add3A_225, %dma_wait3A_259] : memref<16x384x384xi32, #tpu.memory_space<hbm>> -> memref<1x24x384xi32, #tpu.memory_space<hbm>>
    %dma_wait3A_261 = tpu.memref_squeeze %dma_wait3A_260 : memref<1x24x384xi32, #tpu.memory_space<hbm>> -> memref<24x384xi32, #tpu.memory_space<hbm>>
    %dma_wait3A_262 = arith.constant 0 : i32
    %dma_wait3A_263 = tpu.memref_slice %arg3[%select_n3A, %add3A_225, %dma_wait3A_262] : memref<16x384x384xi32, #tpu.memory_space<hbm>> -> memref<1x24x384xi32, #tpu.memory_space<hbm>>
    %dma_wait3A_264 = tpu.memref_squeeze %dma_wait3A_263 : memref<1x24x384xi32, #tpu.memory_space<hbm>> -> memref<24x384xi32, #tpu.memory_space<hbm>>
    tpu.wait_dma2 semaphore(%arg20 : memref<!tpu.dma_semaphore, #tpu.memory_space<semaphore_mem>>) src(%dma_wait3A_264 : memref<24x384xi32, #tpu.memory_space<hbm>>) dst(%arg9 : memref<24x384xi32, #tpu.memory_space<vmem>>)
    %parallel_loop3A_265 = arith.constant 0 : i32
    %parallel_loop3A_266 = arith.constant 576 : i32
    %parallel_loop3A_267 = arith.constant 1 : i32
    scf.for %parallel_loop3A_274 = %parallel_loop3A_265 to %parallel_loop3A_266 step %parallel_loop3A_267  : i32 {
      %parallel_loop3A_275 = arith.constant 24 : i32
      %parallel_loop3A_276 = arith.divsi %parallel_loop3A_274, %parallel_loop3A_275 : i32
      %parallel_loop3A_277 = arith.constant 0 : i32
      %parallel_loop3A_278 = arith.cmpi sgt, %parallel_loop3A_274, %parallel_loop3A_277 : i32
      %parallel_loop3A_279 = arith.extui %parallel_loop3A_278 : i1 to i32
      %parallel_loop3A_280 = arith.constant 0 : i32
      %parallel_loop3A_281 = arith.cmpi slt, %parallel_loop3A_274, %parallel_loop3A_280 : i32
      %parallel_loop3A_282 = arith.extui %parallel_loop3A_281 : i1 to i32
      %parallel_loop3A_283 = arith.subi %parallel_loop3A_279, %parallel_loop3A_282 : i32
      %parallel_loop3A_284 = arith.constant 0 : i32
      %parallel_loop3A_285 = arith.cmpi sgt, %parallel_loop3A_275, %parallel_loop3A_284 : i32
      %parallel_loop3A_286 = arith.extui %parallel_loop3A_285 : i1 to i32
      %parallel_loop3A_287 = arith.constant 0 : i32
      %parallel_loop3A_288 = arith.cmpi slt, %parallel_loop3A_275, %parallel_loop3A_287 : i32
      %parallel_loop3A_289 = arith.extui %parallel_loop3A_288 : i1 to i32
      %parallel_loop3A_290 = arith.subi %parallel_loop3A_286, %parallel_loop3A_289 : i32
      %parallel_loop3A_291 = arith.cmpi ne, %parallel_loop3A_283, %parallel_loop3A_290 : i32
      %parallel_loop3A_292 = arith.remsi %parallel_loop3A_274, %parallel_loop3A_275 : i32
      %parallel_loop3A_293 = arith.constant 0 : i32
      %parallel_loop3A_294 = arith.cmpi ne, %parallel_loop3A_292, %parallel_loop3A_293 : i32
      %parallel_loop3A_295 = arith.andi %parallel_loop3A_291, %parallel_loop3A_294 : i1
      %parallel_loop3A_296 = arith.constant 1 : i32
      %parallel_loop3A_297 = arith.subi %parallel_loop3A_276, %parallel_loop3A_296 : i32
      %parallel_loop3A_298 = arith.select %parallel_loop3A_295, %parallel_loop3A_297, %parallel_loop3A_276 : i32
      %parallel_loop3A_299 = arith.constant 24 : i32
      %parallel_loop3A_300 = arith.constant 0 : i32
      %parallel_loop3A_301 = arith.cmpi eq, %parallel_loop3A_299, %parallel_loop3A_300 : i32
      %parallel_loop3A_302 = arith.constant 1 : i32
      %parallel_loop3A_303 = arith.select %parallel_loop3A_301, %parallel_loop3A_302, %parallel_loop3A_299 : i32
      %parallel_loop3A_304 = arith.remsi %parallel_loop3A_274, %parallel_loop3A_303 : i32
      %parallel_loop3A_305 = arith.constant 0 : i32
      %parallel_loop3A_306 = arith.cmpi ne, %parallel_loop3A_304, %parallel_loop3A_305 : i32
      %parallel_loop3A_307 = arith.constant 0 : i32
      %parallel_loop3A_308 = arith.cmpi slt, %parallel_loop3A_304, %parallel_loop3A_307 : i32
      %parallel_loop3A_309 = arith.constant 0 : i32
      %parallel_loop3A_310 = arith.cmpi slt, %parallel_loop3A_303, %parallel_loop3A_309 : i32
      %parallel_loop3A_311 = arith.xori %parallel_loop3A_308, %parallel_loop3A_310 : i1
      %parallel_loop3A_312 = arith.andi %parallel_loop3A_311, %parallel_loop3A_306 : i1
      %parallel_loop3A_313 = arith.addi %parallel_loop3A_304, %parallel_loop3A_303 : i32
      %parallel_loop3A_314 = arith.select %parallel_loop3A_312, %parallel_loop3A_313, %parallel_loop3A_304 : i32
      %parallel_loop3A_315 = arith.constant 16 : i32
      %parallel_loop3A_316 = arith.muli %parallel_loop3A_314, %parallel_loop3A_315 : i32
      %parallel_loop3A_317 = arith.index_cast %parallel_loop3A_298 : i32 to index
      %parallel_loop3A_318 = arith.index_cast %parallel_loop3A_316 : i32 to index
      %parallel_loop3A_319 = tpu.vector_load %arg7[%parallel_loop3A_317, %parallel_loop3A_318] {strides = array<i32>} : memref<24x384xf32, #tpu.memory_space<vmem>>, vector<16xf32>,
      %parallel_loop3A_320 = arith.index_cast %parallel_loop3A_298 : i32 to index
      %parallel_loop3A_321 = arith.index_cast %parallel_loop3A_316 : i32 to index
      %parallel_loop3A_322 = tpu.vector_load %arg9[%parallel_loop3A_320, %parallel_loop3A_321] {strides = array<i32>} : memref<24x384xi32, #tpu.memory_space<vmem>>, vector<16xi32>,
      %parallel_loop3A_323 = arith.constant 31 : i32
      %parallel_loop3A_324 = vector.broadcast %parallel_loop3A_323 : i32 to vector<16xi32>
      %parallel_loop3A_325 = arith.shli %parallel_loop3A_322, %parallel_loop3A_324 : vector<16xi32>
      %parallel_loop3A_326 = arith.constant 1132453888 : i32
      %parallel_loop3A_327 = vector.broadcast %parallel_loop3A_326 : i32 to vector<16xi32>
      %parallel_loop3A_328 = arith.xori %parallel_loop3A_327, %parallel_loop3A_325 : vector<16xi32>
      %parallel_loop3A_329 = vector.bitcast %parallel_loop3A_328 : vector<16xi32> to vector<16xf32>
      %parallel_loop3A_330 = arith.mulf %parallel_loop3A_319, %parallel_loop3A_329 : vector<16xf32>
      %parallel_loop3A_331 = arith.constant 2.568750e+02 : f32
      %parallel_loop3A_332 = vector.broadcast %parallel_loop3A_331 : f32 to vector<16xf32>
      %parallel_loop3A_333 = arith.addf %parallel_loop3A_330, %parallel_loop3A_332 : vector<16xf32>
      %parallel_loop3A_334 = arith.fptosi %parallel_loop3A_333 : vector<16xf32> to vector<16xi32>
      %parallel_loop3A_335 = arith.constant 0 : i32
      %parallel_loop3A_336 = vector.broadcast %parallel_loop3A_335 : i32 to vector<16xi32>
      %parallel_loop3A_337 = arith.maxsi %parallel_loop3A_334, %parallel_loop3A_336 : vector<16xi32>
      %parallel_loop3A_338 = arith.constant 2047 : i32
      %parallel_loop3A_339 = vector.broadcast %parallel_loop3A_338 : i32 to vector<16xi32>
      %parallel_loop3A_340 = arith.minsi %parallel_loop3A_337, %parallel_loop3A_339 : vector<16xi32>
      %parallel_loop3A_341 = arith.addi %mul3A_35, %parallel_loop3A_340 : vector<16xi32>
      %parallel_loop3A_342 = arith.constant 16 : i32
      %parallel_loop3A_343 = vector.broadcast %parallel_loop3A_342 : i32 to vector<16xi32>
      %parallel_loop3A_344 = arith.shli %parallel_loop3A_322, %parallel_loop3A_343 : vector<16xi32>
      %parallel_loop3A_345 = arith.constant 1 : i32
      %parallel_loop3A_346 = vector.broadcast %parallel_loop3A_345 : i32 to vector<16xi32>
      %parallel_loop3A_347 = arith.addi %parallel_loop3A_344, %parallel_loop3A_346 : vector<16xi32>
      tpu.vector_store_idx %arg5[%parallel_loop3A_341], %parallel_loop3A_347 {add = true} : memref<32768xi32, #tpu.memory_space<vmem>>[vector<16xi32>], vector<16xi32>,
    } {sc.loop_unroll_factor = 8 : i64, sc.parallel_access}
    %parallel_loop3A_268 = arith.constant 0 : i32
    %parallel_loop3A_269 = arith.constant 128 : i32
    %parallel_loop3A_270 = arith.constant 1 : i32
    scf.for %parallel_loop3A_274 = %parallel_loop3A_268 to %parallel_loop3A_269 step %parallel_loop3A_270  : i32 {
      %parallel_loop3A_275 = arith.constant 16 : i32
      %parallel_loop3A_276 = arith.muli %parallel_loop3A_274, %parallel_loop3A_275 : i32
      %parallel_loop3A_277 = arith.constant 0 : i32
      %parallel_loop3A_278 = arith.addi %parallel_loop3A_277, %parallel_loop3A_276 : i32
      %parallel_loop3A_279 = arith.index_cast %parallel_loop3A_278 : i32 to index
      %parallel_loop3A_280 = tpu.vector_load %arg5[%parallel_loop3A_279] {strides = array<i32>} : memref<32768xi32, #tpu.memory_space<vmem>>, vector<16xi32>,
      %parallel_loop3A_281 = arith.constant 16 : i32
      %parallel_loop3A_282 = arith.muli %parallel_loop3A_274, %parallel_loop3A_281 : i32
      %parallel_loop3A_283 = arith.constant 2048 : i32
      %parallel_loop3A_284 = arith.addi %parallel_loop3A_283, %parallel_loop3A_282 : i32
      %parallel_loop3A_285 = arith.index_cast %parallel_loop3A_284 : i32 to index
      %parallel_loop3A_286 = tpu.vector_load %arg5[%parallel_loop3A_285] {strides = array<i32>} : memref<32768xi32, #tpu.memory_space<vmem>>, vector<16xi32>,
      %parallel_loop3A_287 = arith.constant 16 : i32
      %parallel_loop3A_288 = arith.muli %parallel_loop3A_274, %parallel_loop3A_287 : i32
      %parallel_loop3A_289 = arith.constant 4096 : i32
      %parallel_loop3A_290 = arith.addi %parallel_loop3A_289, %parallel_loop3A_288 : i32
      %parallel_loop3A_291 = arith.index_cast %parallel_loop3A_290 : i32 to index
      %parallel_loop3A_292 = tpu.vector_load %arg5[%parallel_loop3A_291] {strides = array<i32>} : memref<32768xi32, #tpu.memory_space<vmem>>, vector<16xi32>,
      %parallel_loop3A_293 = arith.constant 16 : i32
      %parallel_loop3A_294 = arith.muli %parallel_loop3A_274, %parallel_loop3A_293 : i32
      %parallel_loop3A_295 = arith.constant 6144 : i32
      %parallel_loop3A_296 = arith.addi %parallel_loop3A_295, %parallel_loop3A_294 : i32
      %parallel_loop3A_297 = arith.index_cast %parallel_loop3A_296 : i32 to index
      %parallel_loop3A_298 = tpu.vector_load %arg5[%parallel_loop3A_297] {strides = array<i32>} : memref<32768xi32, #tpu.memory_space<vmem>>, vector<16xi32>,
      %parallel_loop3A_299 = arith.constant 16 : i32
      %parallel_loop3A_300 = arith.muli %parallel_loop3A_274, %parallel_loop3A_299 : i32
      %parallel_loop3A_301 = arith.constant 8192 : i32
      %parallel_loop3A_302 = arith.addi %parallel_loop3A_301, %parallel_loop3A_300 : i32
      %parallel_loop3A_303 = arith.index_cast %parallel_loop3A_302 : i32 to index
      %parallel_loop3A_304 = tpu.vector_load %arg5[%parallel_loop3A_303] {strides = array<i32>} : memref<32768xi32, #tpu.memory_space<vmem>>, vector<16xi32>,
      %parallel_loop3A_305 = arith.constant 16 : i32
      %parallel_loop3A_306 = arith.muli %parallel_loop3A_274, %parallel_loop3A_305 : i32
      %parallel_loop3A_307 = arith.constant 10240 : i32
      %parallel_loop3A_308 = arith.addi %parallel_loop3A_307, %parallel_loop3A_306 : i32
      %parallel_loop3A_309 = arith.index_cast %parallel_loop3A_308 : i32 to index
      %parallel_loop3A_310 = tpu.vector_load %arg5[%parallel_loop3A_309] {strides = array<i32>} : memref<32768xi32, #tpu.memory_space<vmem>>, vector<16xi32>,
      %parallel_loop3A_311 = arith.constant 16 : i32
      %parallel_loop3A_312 = arith.muli %parallel_loop3A_274, %parallel_loop3A_311 : i32
      %parallel_loop3A_313 = arith.constant 12288 : i32
      %parallel_loop3A_314 = arith.addi %parallel_loop3A_313, %parallel_loop3A_312 : i32
      %parallel_loop3A_315 = arith.index_cast %parallel_loop3A_314 : i32 to index
      %parallel_loop3A_316 = tpu.vector_load %arg5[%parallel_loop3A_315] {strides = array<i32>} : memref<32768xi32, #tpu.memory_space<vmem>>, vector<16xi32>,
      %parallel_loop3A_317 = arith.constant 16 : i32
      %parallel_loop3A_318 = arith.muli %parallel_loop3A_274, %parallel_loop3A_317 : i32
      %parallel_loop3A_319 = arith.constant 14336 : i32
      %parallel_loop3A_320 = arith.addi %parallel_loop3A_319, %parallel_loop3A_318 : i32
      %parallel_loop3A_321 = arith.index_cast %parallel_loop3A_320 : i32 to index
      %parallel_loop3A_322 = tpu.vector_load %arg5[%parallel_loop3A_321] {strides = array<i32>} : memref<32768xi32, #tpu.memory_space<vmem>>, vector<16xi32>,
      %parallel_loop3A_323 = arith.constant 16 : i32
      %parallel_loop3A_324 = arith.muli %parallel_loop3A_274, %parallel_loop3A_323 : i32
      %parallel_loop3A_325 = arith.constant 16384 : i32
      %parallel_loop3A_326 = arith.addi %parallel_loop3A_325, %parallel_loop3A_324 : i32
      %parallel_loop3A_327 = arith.index_cast %parallel_loop3A_326 : i32 to index
      %parallel_loop3A_328 = tpu.vector_load %arg5[%parallel_loop3A_327] {strides = array<i32>} : memref<32768xi32, #tpu.memory_space<vmem>>, vector<16xi32>,
      %parallel_loop3A_329 = arith.constant 16 : i32
      %parallel_loop3A_330 = arith.muli %parallel_loop3A_274, %parallel_loop3A_329 : i32
      %parallel_loop3A_331 = arith.constant 18432 : i32
      %parallel_loop3A_332 = arith.addi %parallel_loop3A_331, %parallel_loop3A_330 : i32
      %parallel_loop3A_333 = arith.index_cast %parallel_loop3A_332 : i32 to index
      %parallel_loop3A_334 = tpu.vector_load %arg5[%parallel_loop3A_333] {strides = array<i32>} : memref<32768xi32, #tpu.memory_space<vmem>>, vector<16xi32>,
      %parallel_loop3A_335 = arith.constant 16 : i32
      %parallel_loop3A_336 = arith.muli %parallel_loop3A_274, %parallel_loop3A_335 : i32
      %parallel_loop3A_337 = arith.constant 20480 : i32
      %parallel_loop3A_338 = arith.addi %parallel_loop3A_337, %parallel_loop3A_336 : i32
      %parallel_loop3A_339 = arith.index_cast %parallel_loop3A_338 : i32 to index
      %parallel_loop3A_340 = tpu.vector_load %arg5[%parallel_loop3A_339] {strides = array<i32>} : memref<32768xi32, #tpu.memory_space<vmem>>, vector<16xi32>,
      %parallel_loop3A_341 = arith.constant 16 : i32
      %parallel_loop3A_342 = arith.muli %parallel_loop3A_274, %parallel_loop3A_341 : i32
      %parallel_loop3A_343 = arith.constant 22528 : i32
      %parallel_loop3A_344 = arith.addi %parallel_loop3A_343, %parallel_loop3A_342 : i32
      %parallel_loop3A_345 = arith.index_cast %parallel_loop3A_344 : i32 to index
      %parallel_loop3A_346 = tpu.vector_load %arg5[%parallel_loop3A_345] {strides = array<i32>} : memref<32768xi32, #tpu.memory_space<vmem>>, vector<16xi32>,
      %parallel_loop3A_347 = arith.constant 16 : i32
      %parallel_loop3A_348 = arith.muli %parallel_loop3A_274, %parallel_loop3A_347 : i32
      %parallel_loop3A_349 = arith.constant 24576 : i32
      %parallel_loop3A_350 = arith.addi %parallel_loop3A_349, %parallel_loop3A_348 : i32
      %parallel_loop3A_351 = arith.index_cast %parallel_loop3A_350 : i32 to index
      %parallel_loop3A_352 = tpu.vector_load %arg5[%parallel_loop3A_351] {strides = array<i32>} : memref<32768xi32, #tpu.memory_space<vmem>>, vector<16xi32>,
      %parallel_loop3A_353 = arith.constant 16 : i32
      %parallel_loop3A_354 = arith.muli %parallel_loop3A_274, %parallel_loop3A_353 : i32
      %parallel_loop3A_355 = arith.constant 26624 : i32
      %parallel_loop3A_356 = arith.addi %parallel_loop3A_355, %parallel_loop3A_354 : i32
      %parallel_loop3A_357 = arith.index_cast %parallel_loop3A_356 : i32 to index
      %parallel_loop3A_358 = tpu.vector_load %arg5[%parallel_loop3A_357] {strides = array<i32>} : memref<32768xi32, #tpu.memory_space<vmem>>, vector<16xi32>,
      %parallel_loop3A_359 = arith.constant 16 : i32
      %parallel_loop3A_360 = arith.muli %parallel_loop3A_274, %parallel_loop3A_359 : i32
      %parallel_loop3A_361 = arith.constant 28672 : i32
      %parallel_loop3A_362 = arith.addi %parallel_loop3A_361, %parallel_loop3A_360 : i32
      %parallel_loop3A_363 = arith.index_cast %parallel_loop3A_362 : i32 to index
      %parallel_loop3A_364 = tpu.vector_load %arg5[%parallel_loop3A_363] {strides = array<i32>} : memref<32768xi32, #tpu.memory_space<vmem>>, vector<16xi32>,
      %parallel_loop3A_365 = arith.constant 16 : i32
      %parallel_loop3A_366 = arith.muli %parallel_loop3A_274, %parallel_loop3A_365 : i32
      %parallel_loop3A_367 = arith.constant 30720 : i32
      %parallel_loop3A_368 = arith.addi %parallel_loop3A_367, %parallel_loop3A_366 : i32
      %parallel_loop3A_369 = arith.index_cast %parallel_loop3A_368 : i32 to index
      %parallel_loop3A_370 = tpu.vector_load %arg5[%parallel_loop3A_369] {strides = array<i32>} : memref<32768xi32, #tpu.memory_space<vmem>>, vector<16xi32>,
      %parallel_loop3A_371 = arith.addi %parallel_loop3A_280, %parallel_loop3A_286 : vector<16xi32>
      %parallel_loop3A_372 = arith.addi %parallel_loop3A_292, %parallel_loop3A_298 : vector<16xi32>
      %parallel_loop3A_373 = arith.addi %parallel_loop3A_304, %parallel_loop3A_310 : vector<16xi32>
      %parallel_loop3A_374 = arith.addi %parallel_loop3A_316, %parallel_loop3A_322 : vector<16xi32>
      %parallel_loop3A_375 = arith.addi %parallel_loop3A_328, %parallel_loop3A_334 : vector<16xi32>
      %parallel_loop3A_376 = arith.addi %parallel_loop3A_340, %parallel_loop3A_346 : vector<16xi32>
      %parallel_loop3A_377 = arith.addi %parallel_loop3A_352, %parallel_loop3A_358 : vector<16xi32>
      %parallel_loop3A_378 = arith.addi %parallel_loop3A_364, %parallel_loop3A_370 : vector<16xi32>
      %parallel_loop3A_379 = arith.addi %parallel_loop3A_371, %parallel_loop3A_372 : vector<16xi32>
      %parallel_loop3A_380 = arith.addi %parallel_loop3A_373, %parallel_loop3A_374 : vector<16xi32>
      %parallel_loop3A_381 = arith.addi %parallel_loop3A_375, %parallel_loop3A_376 : vector<16xi32>
      %parallel_loop3A_382 = arith.addi %parallel_loop3A_377, %parallel_loop3A_378 : vector<16xi32>
      %parallel_loop3A_383 = arith.addi %parallel_loop3A_379, %parallel_loop3A_380 : vector<16xi32>
      %parallel_loop3A_384 = arith.addi %parallel_loop3A_381, %parallel_loop3A_382 : vector<16xi32>
      %parallel_loop3A_385 = arith.constant 65535 : i32
      %parallel_loop3A_386 = vector.broadcast %parallel_loop3A_385 : i32 to vector<16xi32>
      %parallel_loop3A_387 = arith.andi %parallel_loop3A_383, %parallel_loop3A_386 : vector<16xi32>
      %parallel_loop3A_388 = arith.constant 65535 : i32
      %parallel_loop3A_389 = vector.broadcast %parallel_loop3A_388 : i32 to vector<16xi32>
      %parallel_loop3A_390 = arith.andi %parallel_loop3A_384, %parallel_loop3A_389 : vector<16xi32>
      %parallel_loop3A_391 = arith.addi %parallel_loop3A_387, %parallel_loop3A_390 : vector<16xi32>
      %parallel_loop3A_392 = arith.constant 16 : i32
      %parallel_loop3A_393 = arith.muli %parallel_loop3A_274, %parallel_loop3A_392 : i32
      %parallel_loop3A_394 = arith.index_cast %parallel_loop3A_393 : i32 to index
      %parallel_loop3A_395 = tpu.vector_load %arg10[%parallel_loop3A_394] {strides = array<i32>} : memref<2048xi32, #tpu.memory_space<vmem>>, vector<16xi32>,
      tpu.vector_store %arg10[%parallel_loop3A_394], %parallel_loop3A_391 {strides = array<i32>} : memref<2048xi32, #tpu.memory_space<vmem>>, vector<16xi32>,
      %parallel_loop3A_396 = arith.constant 16 : i32
      %parallel_loop3A_397 = vector.broadcast %parallel_loop3A_396 : i32 to vector<16xi32>
      %parallel_loop3A_398 = arith.shrsi %parallel_loop3A_383, %parallel_loop3A_397 : vector<16xi32>
      %parallel_loop3A_399 = arith.constant 16 : i32
      %parallel_loop3A_400 = vector.broadcast %parallel_loop3A_399 : i32 to vector<16xi32>
      %parallel_loop3A_401 = arith.shrsi %parallel_loop3A_384, %parallel_loop3A_400 : vector<16xi32>
      %parallel_loop3A_402 = arith.addi %parallel_loop3A_398, %parallel_loop3A_401 : vector<16xi32>
      %parallel_loop3A_403 = arith.constant 16 : i32
      %parallel_loop3A_404 = arith.muli %parallel_loop3A_274, %parallel_loop3A_403 : i32
      %parallel_loop3A_405 = arith.index_cast %parallel_loop3A_404 : i32 to index
      %parallel_loop3A_406 = tpu.vector_load %arg11[%parallel_loop3A_405] {strides = array<i32>} : memref<2048xi32, #tpu.memory_space<vmem>>, vector<16xi32>,
      tpu.vector_store %arg11[%parallel_loop3A_405], %parallel_loop3A_402 {strides = array<i32>} : memref<2048xi32, #tpu.memory_space<vmem>>, vector<16xi32>,
    } {sc.loop_unroll_factor = 2 : i64, sc.parallel_access}
    "tpu.region"() ({
      %run_scoped3A = tpu.sem_alloc : memref<!tpu.dma_semaphore, #tpu.memory_space<semaphore_mem>>
      %dma_start3A_274 = arith.constant 0 : i32
      %dma_start3A_275 = tpu.memref_slice %arg15[%arg1, %dma_start3A_274] : memref<16x2048xi32, #tpu.memory_space<vmem_shared>> -> memref<1x2048xi32, #tpu.memory_space<vmem_shared>>
      %dma_start3A_276 = tpu.memref_squeeze %dma_start3A_275 : memref<1x2048xi32, #tpu.memory_space<vmem_shared>> -> memref<2048xi32, #tpu.memory_space<vmem_shared>>
      %dma_start3A_277 = arith.constant 0 : i32
      %dma_start3A_278 = tpu.memref_slice %arg15[%arg1, %dma_start3A_277] : memref<16x2048xi32, #tpu.memory_space<vmem_shared>> -> memref<1x2048xi32, #tpu.memory_space<vmem_shared>>
      %dma_start3A_279 = tpu.memref_squeeze %dma_start3A_278 : memref<1x2048xi32, #tpu.memory_space<vmem_shared>> -> memref<2048xi32, #tpu.memory_space<vmem_shared>>
      tpu.enqueue_dma source(%arg10 : memref<2048xi32, #tpu.memory_space<vmem>>) target(%dma_start3A_279 : memref<2048xi32, #tpu.memory_space<vmem_shared>>) target_semaphore(%run_scoped3A : memref<!tpu.dma_semaphore, #tpu.memory_space<semaphore_mem>>)
      %dma_wait3A_280 = arith.constant 0 : i32
      %dma_wait3A_281 = tpu.memref_slice %arg15[%arg1, %dma_wait3A_280] : memref<16x2048xi32, #tpu.memory_space<vmem_shared>> -> memref<1x2048xi32, #tpu.memory_space<vmem_shared>>
      %dma_wait3A_282 = tpu.memref_squeeze %dma_wait3A_281 : memref<1x2048xi32, #tpu.memory_space<vmem_shared>> -> memref<2048xi32, #tpu.memory_space<vmem_shared>>
      %dma_wait3A_283 = arith.constant 0 : i32
      %dma_wait3A_284 = tpu.memref_slice %arg15[%arg1, %dma_wait3A_283] : memref<16x2048xi32, #tpu.memory_space<vmem_shared>> -> memref<1x2048xi32, #tpu.memory_space<vmem_shared>>
      %dma_wait3A_285 = tpu.memref_squeeze %dma_wait3A_284 : memref<1x2048xi32, #tpu.memory_space<vmem_shared>> -> memref<2048xi32, #tpu.memory_space<vmem_shared>>
      tpu.wait_dma2 semaphore(%run_scoped3A : memref<!tpu.dma_semaphore, #tpu.memory_space<semaphore_mem>>) src(%arg10 : memref<2048xi32, #tpu.memory_space<vmem>>) dst(%dma_wait3A_285 : memref<2048xi32, #tpu.memory_space<vmem_shared>>)
      tpu.yield
    }) : () -> ()
    "tpu.region"() ({
      %run_scoped3A = tpu.sem_alloc : memref<!tpu.dma_semaphore, #tpu.memory_space<semaphore_mem>>
      %dma_start3A_274 = arith.constant 0 : i32
      %dma_start3A_275 = tpu.memref_slice %arg16[%arg1, %dma_start3A_274] : memref<16x2048xi32, #tpu.memory_space<vmem_shared>> -> memref<1x2048xi32, #tpu.memory_space<vmem_shared>>
      %dma_start3A_276 = tpu.memref_squeeze %dma_start3A_275 : memref<1x2048xi32, #tpu.memory_space<vmem_shared>> -> memref<2048xi32, #tpu.memory_space<vmem_shared>>
      %dma_start3A_277 = arith.constant 0 : i32
      %dma_start3A_278 = tpu.memref_slice %arg16[%arg1, %dma_start3A_277] : memref<16x2048xi32, #tpu.memory_space<vmem_shared>> -> memref<1x2048xi32, #tpu.memory_space<vmem_shared>>
      %dma_start3A_279 = tpu.memref_squeeze %dma_start3A_278 : memref<1x2048xi32, #tpu.memory_space<vmem_shared>> -> memref<2048xi32, #tpu.memory_space<vmem_shared>>
      tpu.enqueue_dma source(%arg11 : memref<2048xi32, #tpu.memory_space<vmem>>) target(%dma_start3A_279 : memref<2048xi32, #tpu.memory_space<vmem_shared>>) target_semaphore(%run_scoped3A : memref<!tpu.dma_semaphore, #tpu.memory_space<semaphore_mem>>)
      %dma_wait3A_280 = arith.constant 0 : i32
      %dma_wait3A_281 = tpu.memref_slice %arg16[%arg1, %dma_wait3A_280] : memref<16x2048xi32, #tpu.memory_space<vmem_shared>> -> memref<1x2048xi32, #tpu.memory_space<vmem_shared>>
      %dma_wait3A_282 = tpu.memref_squeeze %dma_wait3A_281 : memref<1x2048xi32, #tpu.memory_space<vmem_shared>> -> memref<2048xi32, #tpu.memory_space<vmem_shared>>
      %dma_wait3A_283 = arith.constant 0 : i32
      %dma_wait3A_284 = tpu.memref_slice %arg16[%arg1, %dma_wait3A_283] : memref<16x2048xi32, #tpu.memory_space<vmem_shared>> -> memref<1x2048xi32, #tpu.memory_space<vmem_shared>>
      %dma_wait3A_285 = tpu.memref_squeeze %dma_wait3A_284 : memref<1x2048xi32, #tpu.memory_space<vmem_shared>> -> memref<2048xi32, #tpu.memory_space<vmem_shared>>
      tpu.wait_dma2 semaphore(%run_scoped3A : memref<!tpu.dma_semaphore, #tpu.memory_space<semaphore_mem>>) src(%arg11 : memref<2048xi32, #tpu.memory_space<vmem>>) dst(%dma_wait3A_285 : memref<2048xi32, #tpu.memory_space<vmem_shared>>)
      tpu.yield
    }) : () -> ()
    %barrier3A = arith.constant 0 : index
    tpu.barrier barrier_id(%barrier3A)
    %eq3A_271 = arith.constant 0 : i32
    %eq3A_272 = arith.cmpi eq, %select_n3A_30, %eq3A_271 : i32
    %convert_element_type3A = arith.extui %eq3A_272 : i1 to i32
    %cond3A = arith.constant 0 : i32
    %cond3A_273 = arith.cmpi ne, %convert_element_type3A, %cond3A : i32
    scf.if %cond3A_273 {
      %add3A_274 = arith.constant 1 : i32
      %add3A_275 = arith.addi %arg1, %add3A_274 : i32
      "tpu.region"() ({
        %run_scoped3A = tpu.sem_alloc : memref<!tpu.dma_semaphore, #tpu.memory_space<semaphore_mem>>
        %dma_start3A_309 = arith.constant 0 : i32
        %dma_start3A_310 = tpu.memref_slice %arg15[%add3A_275, %dma_start3A_309] : memref<16x2048xi32, #tpu.memory_space<vmem_shared>> -> memref<1x2048xi32, #tpu.memory_space<vmem_shared>>
        %dma_start3A_311 = tpu.memref_squeeze %dma_start3A_310 : memref<1x2048xi32, #tpu.memory_space<vmem_shared>> -> memref<2048xi32, #tpu.memory_space<vmem_shared>>
        %dma_start3A_312 = arith.constant 0 : i32
        %dma_start3A_313 = tpu.memref_slice %arg15[%add3A_275, %dma_start3A_312] : memref<16x2048xi32, #tpu.memory_space<vmem_shared>> -> memref<1x2048xi32, #tpu.memory_space<vmem_shared>>
        %dma_start3A_314 = tpu.memref_squeeze %dma_start3A_313 : memref<1x2048xi32, #tpu.memory_space<vmem_shared>> -> memref<2048xi32, #tpu.memory_space<vmem_shared>>
        tpu.enqueue_dma source(%dma_start3A_314 : memref<2048xi32, #tpu.memory_space<vmem_shared>>) target(%arg12 : memref<2048xi32, #tpu.memory_space<vmem>>) target_semaphore(%run_scoped3A : memref<!tpu.dma_semaphore, #tpu.memory_space<semaphore_mem>>)
        %dma_wait3A_315 = arith.constant 0 : i32
        %dma_wait3A_316 = tpu.memref_slice %arg15[%add3A_275, %dma_wait3A_315] : memref<16x2048xi32, #tpu.memory_space<vmem_shared>> -> memref<1x2048xi32, #tpu.memory_space<vmem_shared>>
        %dma_wait3A_317 = tpu.memref_squeeze %dma_wait3A_316 : memref<1x2048xi32, #tpu.memory_space<vmem_shared>> -> memref<2048xi32, #tpu.memory_space<vmem_shared>>
        %dma_wait3A_318 = arith.constant 0 : i32
        %dma_wait3A_319 = tpu.memref_slice %arg15[%add3A_275, %dma_wait3A_318] : memref<16x2048xi32, #tpu.memory_space<vmem_shared>> -> memref<1x2048xi32, #tpu.memory_space<vmem_shared>>
        %dma_wait3A_320 = tpu.memref_squeeze %dma_wait3A_319 : memref<1x2048xi32, #tpu.memory_space<vmem_shared>> -> memref<2048xi32, #tpu.memory_space<vmem_shared>>
        tpu.wait_dma2 semaphore(%run_scoped3A : memref<!tpu.dma_semaphore, #tpu.memory_space<semaphore_mem>>) src(%dma_wait3A_320 : memref<2048xi32, #tpu.memory_space<vmem_shared>>) dst(%arg12 : memref<2048xi32, #tpu.memory_space<vmem>>)
        tpu.yield
      }) : () -> ()
      %add3A_276 = arith.constant 1 : i32
      %add3A_277 = arith.addi %arg1, %add3A_276 : i32
      "tpu.region"() ({
        %run_scoped3A = tpu.sem_alloc : memref<!tpu.dma_semaphore, #tpu.memory_space<semaphore_mem>>
        %dma_start3A_309 = arith.constant 0 : i32
        %dma_start3A_310 = tpu.memref_slice %arg16[%add3A_277, %dma_start3A_309] : memref<16x2048xi32, #tpu.memory_space<vmem_shared>> -> memref<1x2048xi32, #tpu.memory_space<vmem_shared>>
        %dma_start3A_311 = tpu.memref_squeeze %dma_start3A_310 : memref<1x2048xi32, #tpu.memory_space<vmem_shared>> -> memref<2048xi32, #tpu.memory_space<vmem_shared>>
        %dma_start3A_312 = arith.constant 0 : i32
        %dma_start3A_313 = tpu.memref_slice %arg16[%add3A_277, %dma_start3A_312] : memref<16x2048xi32, #tpu.memory_space<vmem_shared>> -> memref<1x2048xi32, #tpu.memory_space<vmem_shared>>
        %dma_start3A_314 = tpu.memref_squeeze %dma_start3A_313 : memref<1x2048xi32, #tpu.memory_space<vmem_shared>> -> memref<2048xi32, #tpu.memory_space<vmem_shared>>
        tpu.enqueue_dma source(%dma_start3A_314 : memref<2048xi32, #tpu.memory_space<vmem_shared>>) target(%arg13 : memref<2048xi32, #tpu.memory_space<vmem>>) target_semaphore(%run_scoped3A : memref<!tpu.dma_semaphore, #tpu.memory_space<semaphore_mem>>)
        %dma_wait3A_315 = arith.constant 0 : i32
        %dma_wait3A_316 = tpu.memref_slice %arg16[%add3A_277, %dma_wait3A_315] : memref<16x2048xi32, #tpu.memory_space<vmem_shared>> -> memref<1x2048xi32, #tpu.memory_space<vmem_shared>>
        %dma_wait3A_317 = tpu.memref_squeeze %dma_wait3A_316 : memref<1x2048xi32, #tpu.memory_space<vmem_shared>> -> memref<2048xi32, #tpu.memory_space<vmem_shared>>
        %dma_wait3A_318 = arith.constant 0 : i32
        %dma_wait3A_319 = tpu.memref_slice %arg16[%add3A_277, %dma_wait3A_318] : memref<16x2048xi32, #tpu.memory_space<vmem_shared>> -> memref<1x2048xi32, #tpu.memory_space<vmem_shared>>
        %dma_wait3A_320 = tpu.memref_squeeze %dma_wait3A_319 : memref<1x2048xi32, #tpu.memory_space<vmem_shared>> -> memref<2048xi32, #tpu.memory_space<vmem_shared>>
        tpu.wait_dma2 semaphore(%run_scoped3A : memref<!tpu.dma_semaphore, #tpu.memory_space<semaphore_mem>>) src(%dma_wait3A_320 : memref<2048xi32, #tpu.memory_space<vmem_shared>>) dst(%arg13 : memref<2048xi32, #tpu.memory_space<vmem>>)
        tpu.yield
      }) : () -> ()
      %broadcast_in_dim3A = arith.constant 0 : i32
      %broadcast_in_dim3A_278 = vector.broadcast %broadcast_in_dim3A : i32 to vector<16xi32>
      %parallel_loop3A_279 = arith.constant 0 : i32
      %parallel_loop3A_280 = arith.constant 128 : i32
      %parallel_loop3A_281 = arith.constant 1 : i32
      %parallel_loop3A_282 = scf.for %parallel_loop3A_309 = %parallel_loop3A_279 to %parallel_loop3A_280 step %parallel_loop3A_281 iter_args(%parallel_loop3A_310 = %broadcast_in_dim3A_278) -> (vector<16xi32>)  : i32 {
        %parallel_loop3A_311 = arith.constant 16 : i32
        %parallel_loop3A_312 = arith.muli %parallel_loop3A_309, %parallel_loop3A_311 : i32
        %parallel_loop3A_313 = arith.index_cast %parallel_loop3A_312 : i32 to index
        %parallel_loop3A_314 = tpu.vector_load %arg11[%parallel_loop3A_313] {strides = array<i32>} : memref<2048xi32, #tpu.memory_space<vmem>>, vector<16xi32>,
        %parallel_loop3A_315 = arith.addi %parallel_loop3A_310, %parallel_loop3A_314 : vector<16xi32>
        %parallel_loop3A_316 = arith.constant 16 : i32
        %parallel_loop3A_317 = arith.muli %parallel_loop3A_309, %parallel_loop3A_316 : i32
        %parallel_loop3A_318 = arith.index_cast %parallel_loop3A_317 : i32 to index
        %parallel_loop3A_319 = tpu.vector_load %arg13[%parallel_loop3A_318] {strides = array<i32>} : memref<2048xi32, #tpu.memory_space<vmem>>, vector<16xi32>,
        %parallel_loop3A_320 = arith.addi %parallel_loop3A_315, %parallel_loop3A_319 : vector<16xi32>
        scf.yield %parallel_loop3A_320 : vector<16xi32>
      } {sc.loop_unroll_factor = 4 : i64, sc.parallel_access}
      %reduce_sum3A = arith.constant true
      %reduce_sum3A_283 = vector.broadcast %reduce_sum3A : i1 to vector<16xi1>
      %reduce_sum3A_284 = tpu.scan <sum>, %parallel_loop3A_282 masked %reduce_sum3A_283 : vector<16xi32>, vector<16xi1> -> vector<16xi32>
      %reduce_sum3A_285 = vector.extract %reduce_sum3A_284[15] : i32 from vector<16xi32>
      %broadcast_in_dim3A_286 = arith.constant 0.000000e+00 : f32
      %broadcast_in_dim3A_287 = vector.broadcast %broadcast_in_dim3A_286 : f32 to vector<16xf32>
      %parallel_loop3A_288 = arith.constant 0 : i32
      %parallel_loop3A_289 = arith.constant 128 : i32
      %parallel_loop3A_290 = arith.constant 1 : i32
      %parallel_loop3A_291 = arith.constant 0 : i32
      %parallel_loop3A_292 = arith.constant 0 : i32
      %parallel_loop3A_293:4 = scf.for %parallel_loop3A_309 = %parallel_loop3A_288 to %parallel_loop3A_289 step %parallel_loop3A_290 iter_args(%parallel_loop3A_310 = %parallel_loop3A_291, %parallel_loop3A_311 = %parallel_loop3A_292, %parallel_loop3A_312 = %broadcast_in_dim3A_287, %parallel_loop3A_313 = %broadcast_in_dim3A_287) -> (i32, i32, vector<16xf32>, vector<16xf32>)  : i32 {
        %parallel_loop3A_314 = arith.constant 127 : i32
        %parallel_loop3A_315 = arith.subi %parallel_loop3A_314, %parallel_loop3A_309 : i32
        %parallel_loop3A_316 = arith.constant 16 : i32
        %parallel_loop3A_317 = arith.muli %parallel_loop3A_315, %parallel_loop3A_316 : i32
        %parallel_loop3A_318 = arith.index_cast %parallel_loop3A_317 : i32 to index
        %parallel_loop3A_319 = tpu.vector_load %arg10[%parallel_loop3A_318] {strides = array<i32>} : memref<2048xi32, #tpu.memory_space<vmem>>, vector<16xi32>,
        %parallel_loop3A_320 = arith.constant 16 : i32
        %parallel_loop3A_321 = arith.muli %parallel_loop3A_315, %parallel_loop3A_320 : i32
        %parallel_loop3A_322 = arith.index_cast %parallel_loop3A_321 : i32 to index
        %parallel_loop3A_323 = tpu.vector_load %arg12[%parallel_loop3A_322] {strides = array<i32>} : memref<2048xi32, #tpu.memory_space<vmem>>, vector<16xi32>,
        %parallel_loop3A_324 = arith.addi %parallel_loop3A_319, %parallel_loop3A_323 : vector<16xi32>
        %parallel_loop3A_325 = arith.constant 16 : i32
        %parallel_loop3A_326 = arith.muli %parallel_loop3A_315, %parallel_loop3A_325 : i32
        %parallel_loop3A_327 = arith.index_cast %parallel_loop3A_326 : i32 to index
        %parallel_loop3A_328 = tpu.vector_load %arg11[%parallel_loop3A_327] {strides = array<i32>} : memref<2048xi32, #tpu.memory_space<vmem>>, vector<16xi32>,
        %parallel_loop3A_329 = arith.constant 16 : i32
        %parallel_loop3A_330 = arith.muli %parallel_loop3A_315, %parallel_loop3A_329 : i32
        %parallel_loop3A_331 = arith.index_cast %parallel_loop3A_330 : i32 to index
        %parallel_loop3A_332 = tpu.vector_load %arg13[%parallel_loop3A_331] {strides = array<i32>} : memref<2048xi32, #tpu.memory_space<vmem>>, vector<16xi32>,
        %parallel_loop3A_333 = arith.addi %parallel_loop3A_328, %parallel_loop3A_332 : vector<16xi32>
        %parallel_loop3A_334 = arith.constant 16 : i32
        %parallel_loop3A_335 = arith.muli %parallel_loop3A_315, %parallel_loop3A_334 : i32
        %parallel_loop3A_336 = vector.broadcast %parallel_loop3A_335 : i32 to vector<16xi32>
        %parallel_loop3A_337 = arith.addi %parallel_loop3A_336, %iota3A : vector<16xi32>
        %parallel_loop3A_338 = arith.constant 0 : i32
        %parallel_loop3A_339 = vector.broadcast %parallel_loop3A_338 : i32 to vector<16xi32>
        %parallel_loop3A_340 = arith.cmpi sgt, %parallel_loop3A_337, %parallel_loop3A_339 : vector<16xi32>
        %parallel_loop3A_341 = arith.constant 0 : i32
        %parallel_loop3A_342 = vector.broadcast %parallel_loop3A_341 : i32 to vector<16xi32>
        %parallel_loop3A_343 = arith.select %parallel_loop3A_340, %parallel_loop3A_324, %parallel_loop3A_342 : vector<16xi1>, vector<16xi32>
        %parallel_loop3A_344 = arith.constant 0 : i32
        %parallel_loop3A_345 = vector.broadcast %parallel_loop3A_344 : i32 to vector<16xi32>
        %parallel_loop3A_346 = arith.cmpi sgt, %parallel_loop3A_337, %parallel_loop3A_345 : vector<16xi32>
        %parallel_loop3A_347 = arith.constant 0 : i32
        %parallel_loop3A_348 = vector.broadcast %parallel_loop3A_347 : i32 to vector<16xi32>
        %parallel_loop3A_349 = arith.select %parallel_loop3A_346, %parallel_loop3A_333, %parallel_loop3A_348 : vector<16xi1>, vector<16xi32>
        %parallel_loop3A_350 = arith.constant 15 : i32
        %parallel_loop3A_351 = vector.broadcast %parallel_loop3A_350 : i32 to vector<16xi32>
        %parallel_loop3A_352 = tpu.iota {dimensions = array<i32: 0>} : vector<16xi32>
        %parallel_loop3A_353 = arith.subi %parallel_loop3A_351, %parallel_loop3A_352 : vector<16xi32>
        %parallel_loop3A_354 = tpu.dynamic_gather %parallel_loop3A_343[%parallel_loop3A_353] in [0] : vector<16xi32>, vector<16xi32> -> vector<16xi32>
        %parallel_loop3A_355 = arith.constant 15 : i32
        %parallel_loop3A_356 = vector.broadcast %parallel_loop3A_355 : i32 to vector<16xi32>
        %parallel_loop3A_357 = tpu.iota {dimensions = array<i32: 0>} : vector<16xi32>
        %parallel_loop3A_358 = arith.subi %parallel_loop3A_356, %parallel_loop3A_357 : vector<16xi32>
        %parallel_loop3A_359 = tpu.dynamic_gather %parallel_loop3A_349[%parallel_loop3A_358] in [0] : vector<16xi32>, vector<16xi32> -> vector<16xi32>
        %parallel_loop3A_360 = arith.constant true
        %parallel_loop3A_361 = vector.broadcast %parallel_loop3A_360 : i1 to vector<16xi1>
        %parallel_loop3A_362 = tpu.scan <sum>, %parallel_loop3A_354 masked %parallel_loop3A_361 : vector<16xi32>, vector<16xi1> -> vector<16xi32>
        %parallel_loop3A_363 = vector.broadcast %parallel_loop3A_310 : i32 to vector<16xi32>
        %parallel_loop3A_364 = arith.addi %parallel_loop3A_362, %parallel_loop3A_363 : vector<16xi32>
        %parallel_loop3A_365 = arith.constant true
        %parallel_loop3A_366 = vector.broadcast %parallel_loop3A_365 : i1 to vector<16xi1>
        %parallel_loop3A_367 = tpu.scan <sum>, %parallel_loop3A_359 masked %parallel_loop3A_366 : vector<16xi32>, vector<16xi1> -> vector<16xi32>
        %parallel_loop3A_368 = vector.broadcast %parallel_loop3A_311 : i32 to vector<16xi32>
        %parallel_loop3A_369 = arith.addi %parallel_loop3A_367, %parallel_loop3A_368 : vector<16xi32>
        %parallel_loop3A_370 = vector.broadcast %reduce_sum3A_285 : i32 to vector<16xi32>
        %parallel_loop3A_371 = arith.addi %parallel_loop3A_370, %parallel_loop3A_364 : vector<16xi32>
        %parallel_loop3A_372 = arith.subi %parallel_loop3A_371, %parallel_loop3A_369 : vector<16xi32>
        %parallel_loop3A_373 = arith.constant 1 : i32
        %parallel_loop3A_374 = vector.broadcast %parallel_loop3A_373 : i32 to vector<16xi32>
        %parallel_loop3A_375 = arith.maxsi %parallel_loop3A_372, %parallel_loop3A_374 : vector<16xi32>
        %parallel_loop3A_376 = arith.sitofp %parallel_loop3A_364 : vector<16xi32> to vector<16xf32>
        %parallel_loop3A_377 = arith.sitofp %parallel_loop3A_375 : vector<16xi32> to vector<16xf32>
        %parallel_loop3A_378 = arith.divf %parallel_loop3A_376, %parallel_loop3A_377 : vector<16xf32>
        %parallel_loop3A_379 = arith.constant 16 : i32
        %parallel_loop3A_380 = arith.muli %parallel_loop3A_315, %parallel_loop3A_379 : i32
        %parallel_loop3A_381 = arith.constant 15 : i32
        %parallel_loop3A_382 = vector.broadcast %parallel_loop3A_381 : i32 to vector<16xi32>
        %parallel_loop3A_383 = arith.subi %parallel_loop3A_382, %iota3A : vector<16xi32>
        %parallel_loop3A_384 = vector.broadcast %parallel_loop3A_380 : i32 to vector<16xi32>
        %parallel_loop3A_385 = arith.addi %parallel_loop3A_384, %parallel_loop3A_383 : vector<16xi32>
        %parallel_loop3A_386 = arith.constant 0 : i32
        %parallel_loop3A_387 = vector.broadcast %parallel_loop3A_386 : i32 to vector<16xi32>
        %parallel_loop3A_388 = arith.cmpi sgt, %parallel_loop3A_385, %parallel_loop3A_387 : vector<16xi32>
        %parallel_loop3A_389 = arith.constant 0.000000e+00 : f32
        %parallel_loop3A_390 = vector.broadcast %parallel_loop3A_389 : f32 to vector<16xf32>
        %parallel_loop3A_391 = arith.select %parallel_loop3A_388, %parallel_loop3A_378, %parallel_loop3A_390 : vector<16xi1>, vector<16xf32>
        %parallel_loop3A_392 = arith.addf %parallel_loop3A_312, %parallel_loop3A_391 : vector<16xf32>
        %parallel_loop3A_393 = arith.constant 1 : i32
        %parallel_loop3A_394 = vector.broadcast %parallel_loop3A_393 : i32 to vector<16xi32>
        %parallel_loop3A_395 = arith.cmpi eq, %parallel_loop3A_385, %parallel_loop3A_394 : vector<16xi32>
        %parallel_loop3A_396 = arith.constant 0.000000e+00 : f32
        %parallel_loop3A_397 = vector.broadcast %parallel_loop3A_396 : f32 to vector<16xf32>
        %parallel_loop3A_398 = arith.select %parallel_loop3A_395, %parallel_loop3A_378, %parallel_loop3A_397 : vector<16xi1>, vector<16xf32>
        %parallel_loop3A_399 = arith.addf %parallel_loop3A_313, %parallel_loop3A_398 : vector<16xf32>
        %parallel_loop3A_400 = arith.constant true
        %parallel_loop3A_401 = vector.broadcast %parallel_loop3A_400 : i1 to vector<16xi1>
        %parallel_loop3A_402 = tpu.scan <sum>, %parallel_loop3A_354 masked %parallel_loop3A_401 : vector<16xi32>, vector<16xi1> -> vector<16xi32>
        %parallel_loop3A_403 = vector.extract %parallel_loop3A_402[15] : i32 from vector<16xi32>
        %parallel_loop3A_404 = arith.addi %parallel_loop3A_310, %parallel_loop3A_403 : i32
        %parallel_loop3A_405 = arith.constant true
        %parallel_loop3A_406 = vector.broadcast %parallel_loop3A_405 : i1 to vector<16xi1>
        %parallel_loop3A_407 = tpu.scan <sum>, %parallel_loop3A_359 masked %parallel_loop3A_406 : vector<16xi32>, vector<16xi1> -> vector<16xi32>
        %parallel_loop3A_408 = vector.extract %parallel_loop3A_407[15] : i32 from vector<16xi32>
        %parallel_loop3A_409 = arith.addi %parallel_loop3A_311, %parallel_loop3A_408 : i32
        scf.yield %parallel_loop3A_404, %parallel_loop3A_409, %parallel_loop3A_392, %parallel_loop3A_399 : i32, i32, vector<16xf32>, vector<16xf32>
      } {sc.loop_unroll_factor = 2 : i64, sc.parallel_access}
      %reduce_sum3A_294 = arith.constant true
      %reduce_sum3A_295 = vector.broadcast %reduce_sum3A_294 : i1 to vector<16xi1>
      %reduce_sum3A_296 = tpu.scan <sum>, %parallel_loop3A_293#2 masked %reduce_sum3A_295 : vector<16xf32>, vector<16xi1> -> vector<16xf32>
      %reduce_sum3A_297 = vector.extract %reduce_sum3A_296[15] : f32 from vector<16xf32>
      %mul3A_298 = arith.constant 0.00390815828 : f32
      %mul3A_299 = arith.mulf %mul3A_298, %reduce_sum3A_297 : f32
      %reduce_sum3A_300 = arith.constant true
      %reduce_sum3A_301 = vector.broadcast %reduce_sum3A_300 : i1 to vector<16xi1>
      %reduce_sum3A_302 = tpu.scan <sum>, %parallel_loop3A_293#3 masked %reduce_sum3A_301 : vector<16xf32>, vector<16xi1> -> vector<16xf32>
      %reduce_sum3A_303 = vector.extract %reduce_sum3A_302[15] : f32 from vector<16xf32>
      %mul3A_304 = arith.constant 0.00195407914 : f32
      %mul3A_305 = arith.mulf %mul3A_304, %reduce_sum3A_303 : f32
      %sub3A_306 = arith.subf %mul3A_299, %mul3A_305 : f32
      %broadcast_in_dim3A_307 = vector.broadcast %sub3A_306 : f32 to vector<16xf32>
      %swap3A = arith.constant 0 : index
      %swap3A_308 = tpu.vector_load %arg14[%swap3A] {strides = array<i32>} : memref<16xf32, #tpu.memory_space<vmem>>, vector<16xf32>,
      tpu.vector_store %arg14[%swap3A], %broadcast_in_dim3A_307 {strides = array<i32>} : memref<16xf32, #tpu.memory_space<vmem>>, vector<16xf32>,
      "tpu.region"() ({
        %run_scoped3A = tpu.sem_alloc : memref<!tpu.dma_semaphore, #tpu.memory_space<semaphore_mem>>
        %dma_start3A_309 = arith.constant 0 : i32
        %dma_start3A_310 = tpu.memref_slice %arg4[%select_n3A, %dma_start3A_309] : memref<16x16xf32, #tpu.memory_space<hbm>> -> memref<1x16xf32, #tpu.memory_space<hbm>>
        %dma_start3A_311 = tpu.memref_squeeze %dma_start3A_310 : memref<1x16xf32, #tpu.memory_space<hbm>> -> memref<16xf32, #tpu.memory_space<hbm>>
        %dma_start3A_312 = arith.constant 0 : i32
        %dma_start3A_313 = tpu.memref_slice %arg4[%select_n3A, %dma_start3A_312] : memref<16x16xf32, #tpu.memory_space<hbm>> -> memref<1x16xf32, #tpu.memory_space<hbm>>
        %dma_start3A_314 = tpu.memref_squeeze %dma_start3A_313 : memref<1x16xf32, #tpu.memory_space<hbm>> -> memref<16xf32, #tpu.memory_space<hbm>>
        tpu.enqueue_dma source(%arg14 : memref<16xf32, #tpu.memory_space<vmem>>) target(%dma_start3A_314 : memref<16xf32, #tpu.memory_space<hbm>>) target_semaphore(%run_scoped3A : memref<!tpu.dma_semaphore, #tpu.memory_space<semaphore_mem>>)
        %dma_wait3A_315 = arith.constant 0 : i32
        %dma_wait3A_316 = tpu.memref_slice %arg4[%select_n3A, %dma_wait3A_315] : memref<16x16xf32, #tpu.memory_space<hbm>> -> memref<1x16xf32, #tpu.memory_space<hbm>>
        %dma_wait3A_317 = tpu.memref_squeeze %dma_wait3A_316 : memref<1x16xf32, #tpu.memory_space<hbm>> -> memref<16xf32, #tpu.memory_space<hbm>>
        %dma_wait3A_318 = arith.constant 0 : i32
        %dma_wait3A_319 = tpu.memref_slice %arg4[%select_n3A, %dma_wait3A_318] : memref<16x16xf32, #tpu.memory_space<hbm>> -> memref<1x16xf32, #tpu.memory_space<hbm>>
        %dma_wait3A_320 = tpu.memref_squeeze %dma_wait3A_319 : memref<1x16xf32, #tpu.memory_space<hbm>> -> memref<16xf32, #tpu.memory_space<hbm>>
        tpu.wait_dma2 semaphore(%run_scoped3A : memref<!tpu.dma_semaphore, #tpu.memory_space<semaphore_mem>>) src(%arg14 : memref<16xf32, #tpu.memory_space<vmem>>) dst(%dma_wait3A_320 : memref<16xf32, #tpu.memory_space<hbm>>)
        tpu.yield
      }) : () -> ()
    } else {
    }
    return
  }
}

</mosaic_0001>

<sc_bundles>
// kernel: kernel.3.cloned.1.call-start
scs
__scs_entry_jumppad:
0x0: {  	(pc) =	sbr.rel $0x88, $3  }
0x1: {  	(tag) =	ssettag $0x0;
	lr =	simm.s32 $0x1  }
0x2: {  	[smem:$0x3F9F] =	sst lr;
	_ =	strace $0xD0000000  }
0x3: {  	_ = 	snop  }
0x4: {  	_ = 	snop  }
0x5: {  	_ = 	snop  }
0x6: {  	_ = 	snop  }
0x7: {  	_ = 	snop  }
__scs_overlays_trampoline_lowered:
0x8: {  	[smem:$0x3FAE] =	sst s0  }
0x9: {  	[smem:$0x3FAF] =	sst s1  }
0xa: {  	[smem:$0x3FB0] =	sst s2  }
0xb: {  	[smem:$0x3FB1] =	sst s3  }
0xc: {  	[smem:$0x3FB2] =	sst s4  }
0xd: {  	[smem:$0x3FB3] =	sst s5  }
0xe: {  	[smem:$0x3FB4] =	sst s6  }
0xf: {  	[smem:$0x3FB5] =	sst s7  }
0x10: {  	[smem:$0x3FB6] =	sst s8  }
0x11: {  	[smem:$0x3FB7] =	sst s9;
	s0 =	simm.s32 @!p0 $0x0  }
0x12: {  	s1 =	sld [smem:$0x3F9D];
	s0 =	simm.s32 @p0 $0x1  }
0x13: {  	[smem:$0x3FB8] =	sst s0;
	s0 =	simm.s32 @!p1 $0x0  }
0x14: {  	s2 =	sld [smem:$0x3F9C];
	s0 =	simm.s32 @p1 $0x1  }
0x15: {  	[smem:$0x3FB9] =	sst s0;
	s0 =	simm.s32 @!p2 $0x0  }
0x16: {  	s3 =	sld [smem:$0x3FDB];
	s0 =	simm.s32 @p2 $0x1  }
0x17: {  	s4 =	simm.s32 $0x1BF5;
	[smem:$0x3FBB] =	sst s0  }
0x18: {  	s0 =	sld [smem:$0x3F9E];
	_ =	swait.ge [sflag:s4], $0x0  }
0x19: {  	s7 =	sld [smem:$0x3F9F]  }
0x1a: {  	s8 =	sadd.s32 $0xFFFFE003, lr  }
0x1b: {  	s9 =	sadd.s32 $0xFFFFFEF7, lr;
	s5 =	simm.s32 $0xFFFFFFFF;
	p2 =	slt.u32 s8, $0xFFFFF086  }
0x1c: {  	p1 =	slt.u32 s9, $0xF7A;
	s5 =	simm.s32 @!p2 $0x0  }
0x1d: {  	s5 =	simm.s32 @p1 $0x1;
	p0 =	seq.s32 s7, s2  }
0x1e: {  	s7 =	smul.u32 @!p0 $0xF7A, s2;
	p2 =	seq.s32 @!p0 s5, $0x0  }
0x1f: {  	s9 =	smul.u32 $0xF7A, s1;
	s8 =	simm.s32 @!p0 $0x1BF5;
	p2 =	por !p2, p0  }
0x20: {  	[sflag:s8] =	ssyncset.s32 @!p0 $0xFFFFF086;
	s6 =	sadd.s32 @!p0 s3, s7;
	s7 =	simm.s32 @!p0 $0x108  }
0x21: {  	s3 =	sadd.s32 s3, s9;
	s6 =	sadd.s32 @!p0 $0x88, s6;
	s7 =	simm.s32 @p2 $0x1082  }
0x22: {  	[simem:s7], [sflag:s8] =	dma.local @!p0 [hbm:s6], $0xF7A  }
0x23: {  	s9 =	sor.u32 $0xD0000000, s2;
	s6 =	simm.s32 $0x108;
	_ =	swait.ge @!p0 [sflag:s8], $0x0  }
0x24: {  	s3 =	sadd.s32 $0x88, s3;
	s6 =	simm.s32 @!p1 $0x1082;
	[sflag:s4] =	ssyncset.s32 $0xFFFFF086  }
0x25: {  	[simem:s6], [sflag:s4] =	dma.local [hbm:s3], $0xF7A  }
0x26: {  	[smem:$0x3F9F] =	sst s1;
	(tag) =	ssettag s2;
	_ =	strace s9  }
0x27: {  	s1 =	sld [smem:$0x3FAF]  }
0x28: {  	s2 =	sld [smem:$0x3FB0]  }
0x29: {  	s4 =	sld [smem:$0x3FB2]  }
0x2a: {  	p0 =	seq.s32 s5, $0x0;
	s5 =	sld [smem:$0x3FB3]  }
0x2b: {  	s6 =	sld [smem:$0x3FB4]  }
0x2c: {  	s7 =	sld [smem:$0x3FB5]  }
0x2d: {  	s3 =	simm.s32 $0x108;
	s8 =	sld [smem:$0x3FB6]  }
0x2e: {  	s3 =	simm.s32 @!p0 $0x1082;
	s9 =	sld [smem:$0x3FB7]  }
0x2f: {  	lr =	sadd.s32 s0, s3;
	s0 =	sld [smem:$0x3FAE]  }
0x30: {  	s3 =	sld [smem:$0x3FB1]  }
0x31: {  	[smem:$0x3FBA] =	sst s10  }
0x32: {  	s10 =	sld [smem:$0x3FB8];
	_ =	sdelay $0x3  }
0x33: {  	p0 =	seq.s32 s10, $0x1;
	s10 =	sld [smem:$0x3FBA];
	_ =	sdelay $0x3  }
0x34: {  	[smem:$0x3FBA] =	sst s10  }
0x35: {  	s10 =	sld [smem:$0x3FB9];
	_ =	sdelay $0x3  }
0x36: {  	p1 =	seq.s32 s10, $0x1;
	s10 =	sld [smem:$0x3FBA];
	_ =	sdelay $0x3  }
0x37: {  	[smem:$0x3FBA] =	sst s10  }
0x38: {  	s10 =	sld [smem:$0x3FBB]  }
0x39: {  	_ = 	snop;
	(pc) =	sbr.ind lr, $3  }
0x3a: {  	_ = 	snop  }
0x3b: {  	_ = 	snop  }
0x3c: {  	p2 =	seq.s32 s10, $0x1;
	s10 =	sld [smem:$0x3FBA]  }
0x3d: {  	_ =	shalt  }
0x3e: {  	_ =	shalt  }
0x3f: {  	_ =	shalt  }
0x40: {  	_ =	shalt  }
0x41: {  	_ =	shalt  }
0x42: {  	_ =	shalt  }
0x43: {  	_ =	shalt  }
0x44: {  	_ =	shalt  }
0x45: {  	_ =	shalt  }
0x46: {  	_ =	shalt  }
0x47: {  	_ =	shalt  }
0x48: {  	_ =	shalt  }
0x49: {  	_ =	shalt  }
0x4a: {  	_ =	shalt  }
0x4b: {  	_ =	shalt  }
0x4c: {  	_ =	shalt  }
0x4d: {  	_ =	shalt  }
0x4e: {  	_ =	shalt  }
0x4f: {  	_ =	shalt  }
0x50: {  	_ =	shalt  }
0x51: {  	_ =	shalt  }
0x52: {  	_ =	shalt  }
0x53: {  	_ =	shalt  }
0x54: {  	_ =	shalt  }
0x55: {  	_ =	shalt  }
0x56: {  	_ =	shalt  }
0x57: {  	_ =	shalt  }
0x58: {  	_ =	shalt  }
0x59: {  	_ =	shalt  }
0x5a: {  	_ =	shalt  }
0x5b: {  	_ =	shalt  }
0x5c: {  	_ =	shalt  }
0x5d: {  	_ =	shalt  }
0x5e: {  	_ =	shalt  }
0x5f: {  	_ =	shalt  }
0x60: {  	_ =	shalt  }
0x61: {  	_ =	shalt  }
0x62: {  	_ =	shalt  }
0x63: {  	_ =	shalt  }
0x64: {  	_ =	shalt  }
0x65: {  	_ =	shalt  }
0x66: {  	_ =	shalt  }
0x67: {  	_ =	shalt  }
0x68: {  	_ =	shalt  }
0x69: {  	_ =	shalt  }
0x6a: {  	_ =	shalt  }
0x6b: {  	_ =	shalt  }
0x6c: {  	_ =	shalt  }
0x6d: {  	_ =	shalt  }
0x6e: {  	_ =	shalt  }
0x6f: {  	_ =	shalt  }
0x70: {  	_ =	shalt  }
0x71: {  	_ =	shalt  }
0x72: {  	_ =	shalt  }
0x73: {  	_ =	shalt  }
0x74: {  	_ =	shalt  }
0x75: {  	_ =	shalt  }
0x76: {  	_ =	shalt  }
0x77: {  	_ =	shalt  }
0x78: {  	_ =	shalt  }
0x79: {  	_ =	shalt  }
0x7a: {  	_ =	shalt  }
0x7b: {  	_ =	shalt  }
0x7c: {  	_ =	shalt  }
0x7d: {  	_ =	shalt  }
0x7e: {  	_ =	shalt  }
0x7f: {  	_ =	shalt  }
0x80: {  	_ =	shalt  }
0x81: {  	_ =	shalt  }
0x82: {  	_ =	shalt  }
0x83: {  	_ =	shalt  }
0x84: {  	_ =	shalt  }
0x85: {  	_ =	shalt  }
0x86: {  	_ =	shalt  }
0x87: {  	_ =	shalt  }
.Lfunc_end0:
.L_simem_size_0:
called_computation_lowered:
.L_overlay_start_0:
0x88: {  	s2 =	sld [smem:$0x3FD9]  }
0x89: {  	s3 =	sld [smem:$0x3FFE];
	_ =	sdelay $0x1  }
0x8a: {  	s1 =	srdreg.scid  }
0x8b: {  	s0 =	sand.u32 $0x1, s1  }
0x8c: {  	s17 =	sshll.u32 s0, $0xA;
	s2 =	sadd.s32 s3, s2  }
0x8d: {  	s2 =	sadd.s32 s2, s17  }
0x8e: {  	[smem:$0x3FC6] =	sst s2  }
0x8f: {  	_ = 	snop  }
0x90: {  	s2 =	sld [smem:$0x3FC9]  }
0x91: {  	s18 =	sld [smem:$0x3FC8];
	(tm) =	ssettm $0x1  }
0x92: {  	s4 =	sld [smem:$0x3FFB];
	_ =	sdelay $0x3  }
0x93: {  	_ =	strace s4  }
0x94: {  	s4 =	sld [smem:$0x3FFC];
	_ =	sdelay $0x3  }
0x95: {  	_ =	strace s4  }
0x96: {  	s4 =	sld [smem:$0x3FFD];
	_ =	sdelay $0x3  }
0x97: {  	_ =	strace s4  }
0x98: {  	_ =	strace $0x8FFFFFFF  }
0x99: {  	s19 =	sld [smem:$0x3FDB];
	_ =	sdelay $0x1  }
0x9a: {  	s5 =	simm.s32 $_scs_section_size  }
0x9b: {  	s6 =	simm.s32 $_size__tile_overlayer_lowered;
	s7 =	simm.s32 $_tile_overlayer_lowered  }
0x9c: {  	s22 =	simm.s32 $0x1BFF;
	s21 =	sshll.u32 s7, $0x1;
	s4 =	sadd.s32 s5, s19  }
0x9d: {  	s8 =	simm.s32 $0x0;
	s20 =	sshll.u32 s6, $0x1;
	s6 =	sadd.s32 s21, s4  }
0x9e: {  	[timem:s8], [sflag:s22] =	dma.local [hbm:s6], s20  }
0x9f: {  	_ =	swait.ge [sflag:s22], s20  }
0xa0: {  	s5 =	ssub.s32 $0x0, s20;
	[sflag:s22] =	ssyncset.done $0x0  }
0xa1: {  	[sflag:s22] =	ssyncadd.s32 s5;
	_ =	sdelay $0x1  }
0xa2: {  	s23 =	simm.s32 $0x1B8B  }
0xa3: {  	_ =	swait.ge [sflag:s23], $0x1  }
0xa4: {  	[sflag:s23] =	ssyncset.done $0x0  }
0xa5: {  	s25 =	simm.s32 $0x1B8E;
	s24 =	sld [smem:$0x3FFE];
	[sflag:s23] =	ssyncadd.s32 $0xFFFFFFFF  }
0xa6: {  	s26 =	simm.s32 $execute0_lowered;
	[smem:$0x3FD2] =	sst s25  }
0xa7: {  	s6 =	sshll.u32 s26, $0x1;
	_ =	strace $0x80000046;
	[dreg:$0x1] =	wrdreg $0xFFFFFFFF  }
0xa8: {  	s28 =	simm.s32 $_size_execute0_lowered;
	s4 =	sadd.s32 s4, s6;
	[dreg:$0x0] =	wrdreg $0x0  }
0xa9: {  	s6 =	sshll.u32 s28, $0x1;
	[dreg:$0x2] =	wrdreg s4  }
0xaa: {  	[dreg:$0x3] =	wrdreg s6  }
0xab: {  	[dreg:$0x4] =	wrdreg $0xC0  }
0xac: {  	_ =	task [dreg:s8], $0x5FFFF  }
0xad: {  	[dreg:$0x1] =	wrdreg $0xFFFFFFFF  }
0xae: {  	[dreg:$0x0] =	wrdreg $0x60  }
0xaf: {  	[dreg:$0x2] =	wrdreg s2  }
0xb0: {  	[dreg:$0x3] =	wrdreg s18  }
0xb1: {  	[dreg:$0x4] =	wrdreg s24  }
0xb2: {  	[dreg:$0x5] =	wrdreg $0x130800  }
0xb3: {  	[dreg:$0x6] =	wrdreg $0x138800  }
0xb4: {  	[dreg:$0x7] =	wrdreg $0x9  }
0xb5: {  	_ =	task.clear_ibuf [dreg:s8], $0x8FFFF;
	_ =	strace $0x90000046  }
0xb6: {  	s29 =	simm.s32 $0x9;
	_ =	strace $0x80000048  }
0xb7: {  	_ =	swait.ge [sflag:s29], $0x1  }
0xb8: {  	[sflag:s29] =	ssyncadd.s32 $0xFFFFFFFF  }
0xb9: {  	_ =	strace $0x90000048  }
0xba: {  	_ =	sfence  }
0xbb: {  	s30 =	sld [smem:$0x0];
	_ =	sdelay $0x2  }
0xbc: {  	s31 =	sshll.u32 s1, $0xD;
	s1 =	sshrl.u32 s1, $0x2  }
0xbd: {  	s3 =	sand.u32 $0x4000, s31;
	s1 =	sadd.s32 s1, s30  }
0xbe: {  	s0 =	sor.u32 s3, s0;
	s1 =	sshll.u32 s1, $0x11  }
0xbf: {  	s0 =	sor.u32 s1, s0  }
0xc0: {  	s0 =	sadd.s32 $0x8F2B, s0  }
0xc1: {  	[sflag:s0] =	ssyncadd.remote.s32 $0x1  }
0xc2: {  	_ =	sfence.sel $0xFFFF  }
0xc3: {  	[dreg:$0x0] =	wrdreg $0xFFFFFFFF;
	(pc) =	sbr.abs _section_cstart, $3  }
0xc4: {  	[dreg:$0x1] =	wrdreg $0xFFFFFFFF  }
0xc5: {  	_ =	task.clear_ibuf [dreg:s8], $0x2FFFF;
	_ =	strace $0x9FFFFFFF  }
0xc6: {  	(tm) =	ssettm $0x7FFFFFFF  }
0xc7: {  	_ =	shalt  }
tec
execute0_lowered:
.L_overlay_start_1:
0x0: {  	(tag) =	ssettag $0x1  }
0x1: {  	s4 =	rddreg [dreg:$0x0]  }
0x2: {  	s0 =	srdreg.scid;
	s6 =	rddreg [dreg:$0x1]  }
0x3: {  	s15 =	stileid.u32;
	s3 =	rddreg [dreg:$0x3]  }
0x4: {  	s5 =	simm.s32 $0x1;
	s8 =	rddreg [dreg:$0x4];
	s28 =	simm.s32 $0xC800  }
0x5: {  	s29 =	simm.s32 $0xA400;
	s30 =	simm.s32 $0xEC00;
	s1 =	sand.u32 $0x1, s0  }
0x6: {  	s31 =	simm.s32 $0x3;
	s0 =	sshll.u32 s1, $0x4;
	s9 =	ssub.s32 $0x2, s1  }
0x7: {  	s1 =	simm.s32 $0x0;
	s2 =	sor.u32 s15, s0;
	s0 =	sand.u32 $0x1, s15  }
0x8: {  	s12 =	sshrl.u32 s9, $0x1;
	p0 =	seq.s32 s2, $0x0;
	p1 =	seq.s32 s0, $0x1  }
0x9: {  	s2 =	sshrl.u32 s2, $0x1;
	s7 =	smul.u32 $0xC0, s0;
	p0 =	por !p0, !p1  }
0xa: {  	s10 =	smul.u32 $0x12000, s0;
	s9 =	ssub.s32 s9, s12;
	p0 =	por !p0, !p0  }
0xb: {  	s11 =	sshrl.u32 s7, $0x3;
	s18 =	sadd.s32 $0x48, s7;
	s24 =	sadd.s32 $0x78, s7  }
0xc: {  	s5 =	simm.s32 @!p0 $0x0;
	s11 =	smul.u32 $0xC00, s11;
	s12 =	sshrl.u32 s18, $0x3  }
0xd: {  	s7 =	sadd.s32 $0xA8, s7;
	s5 =	ssub.s32 s2, s5;
	s12 =	smul.u32 $0xC00, s12  }
0xe: {  	[smem:$0x7FF] =	sst s1;
	s7 =	sshrl.u32 s7, $0x3;
	s5 =	smul.u32 $0x24000, s5  }
0xf: {  	p0 =	sne.s32 s0, $0x0;
	s0 =	simm.s32 $0x4;
	s7 =	smul.u32 $0xC00, s7  }
0x10: {  	s2 =	sshll.u32 s2, $0x4;
	s10 =	sadd.s32 s10, s5;
	s11 =	sadd.s32 s5, s11  }
0x11: {  	s12 =	sadd.s32 s12, s5;
	s10 =	sshrl.u32 s10, $0x3;
	s19 =	sadd.s32 $0x2400, s11  }
0x12: {  	s14 =	sadd.s32 $0x4800, s11;
	s23 =	sshrl.u32 s12, $0x3;
	s26 =	sadd.s32 $0x9000, s11  }
0x13: {  	s12 =	sshrl.u32 s24, $0x3;
	s24 =	rddreg [dreg:$0x2];
	s13 =	sadd.s32 s4, s10  }
0x14: {  	s11 =	sadd.s32 $0xD800, s11;
	s10 =	sadd.s32 s6, s10;
	[dreg:$0x6] =	wrdreg s13  }
0x15: {  	s21 =	sshrl.u32 s14, $0x3;
	s25 =	sadd.s32 s4, s23;
	[dreg:$0x7] =	wrdreg s10  }
0x16: {  	s14 =	sshrl.u32 s26, $0x3;
	s2 =	sadd.s32 s24, s2;
	[dreg:$0xc] =	wrdreg s25  }
0x17: {  	s12 =	smul.u32 $0xC00, s12;
	s22 =	sadd.s32 s4, s21;
	[dreg:$0x1a] =	wrdreg s2  }
0x18: {  	s11 =	sshrl.u32 s11, $0x3;
	s10 =	sadd.s32 s6, s21;
	[dreg:$0xa] =	wrdreg s22  }
0x19: {  	s24 =	simm.s32 $0x1;
	s18 =	sadd.s32 s4, s11;
	[dreg:$0xb] =	wrdreg s10  }
0x1a: {  	s13 =	sshrl.u32 s19, $0x3;
	s11 =	sadd.s32 s6, s11;
	[dreg:$0x12] =	wrdreg s18  }
0x1b: {  	s19 =	sshll.u32 s15, $0xB;
	s20 =	sadd.s32 s4, s13;
	[dreg:$0x13] =	wrdreg s11  }
0x1c: {  	s13 =	sadd.s32 s6, s13;
	s10 =	sadd.s32 s6, s23;
	[dreg:$0x8] =	wrdreg s20  }
0x1d: {  	s16 =	sadd.s32 s12, s5;
	s5 =	sadd.s32 s7, s5;
	[dreg:$0x9] =	wrdreg s13  }
0x1e: {  	[dreg:$0xd] =	wrdreg s10;
	s13 =	sadd.s32 s4, s14;
	s10 =	sadd.s32 s6, s14  }
0x1f: {  	s20 =	sshll.u32 s15, $0x7;
	[dreg:$0xf] =	wrdreg s10;
	s10 =	sshrl.u32 s16, $0x3  }
0x20: {  	s5 =	sshrl.u32 s5, $0x3;
	[dreg:$0xe] =	wrdreg s13;
	s17 =	sadd.s32 s4, s10  }
0x21: {  	s7 =	sor.u32 s19, s20;
	s10 =	sadd.s32 s6, s10;
	[dreg:$0x10] =	wrdreg s17  }
0x22: {  	s4 =	sadd.s32 s4, s5;
	s21 =	sand.u32 $0x4380, s7;
	[dreg:$0x11] =	wrdreg s10  }
0x23: {  	v0 =	vimm.s32 $0x98BADCFE;
	s7 =	sand.u32 $0x4300, s7;
	s5 =	sadd.s32 s6, s5;
	[dreg:$0x14] =	wrdreg s4  }
0x24: {  	v1 =	vimm.s32 $0x10325476;
	v0 =	vunpack.c.l.s4.s8 v0;
	[dreg:$0x15] =	wrdreg s5;
	s22 =	sadd.s32 s21, s3;
	s23 =	sor.u32 $0x80, s7  }
.Ltmp0:
0x25: {  	v1 =	vunpack.c.l.s4.s8 v1;
	s4 =	sadd.s32 s21, s8;
	[dreg:$0x16] =	wrdreg s22;
	(pc) =	sbr.rel .LBB2_1-.Ltmp0, $4  }
0x26: {  	v2 =	vunpack.c.0.s8.s32 v0;
	s26 =	smax.u32 s9, $0x1;
	[dreg:$0x17] =	wrdreg s4;
	s3 =	sadd.s32 s23, s3  }
0x27: {  	v3 =	vunpack.c.0.s8.s32 v1;
	s2 =	simm.s32 $0x0;
	s25 =	sadd.s32 s23, s8;
	[dreg:$0x18] =	wrdreg s3  }
0x28: {  	v0 =	vlaneseq.u32;
	v4 =	vand.u32 $0xF, v2;
	s19 =	simm.s32 $0x2;
	s21 =	simm.s32 $0x80;
	[dreg:$0x19] =	wrdreg s25  }
0x29: {  	v1 =	vimm.s32 $0x0;
	v2 =	vmul.u32 $0x800, v0;
	v3 =	vcombine.low v4, v3;
	s23 =	simm.s32 $0x8000;
	_ =	strace $0x80000047;
	[dreg:$0x1b] =	wrdreg s26  }
.LBB2_26:
0x2a: {  	(xrf0) =	vadd.scan.msk.s32 $0xffff, v21;
	v6, _, _ =	vpop (xrf0)  }
0x2b: {  	v39, _, _ =	vpop (xrf0)  }
0x2c: {  	(v2sf) =	vpush v6, $0xF;
	v23, _, _ =	vpop (xrf0)  }
0x2d: {  	(v2sf) =	vpush v23, $0xF;
	_ =	sdelay $0x2  }
0x2e: {  	v24, _, _ =	vpop (xrf0)  }
0x2f: {  	(v2sf) =	vpush v24, $0xF;
	_ =	sdelay $0x5  }
0x30: {  	s3 =	spop (v2sf);
	s4 =	sadd.s32 s7, s11  }
0x31: {  	vm3 =	vgt.s32 v22, $0x1;
	s3 =	sadd.s32 s4, s3;
	v26 =	vmov s4  }
0x32: {  	s5 =	spop (v2sf);
	v22 =	vnsel vm3, $0x1, v22;
	v25 =	vmov s3;
	v26 =	vsub.s32 $0x0, v26  }
0x33: {  	v22 =	vcvt.s32.f32 v22;
	s14 =	spop (v2sf);
	v25 =	vsub.s32 $0x0, v25;
	v26 =	vbroadcast v26, $0x0  }
0x34: {  	s5 =	sadd.s32 s6, s5;
	v25 =	vbroadcast v25, $0x0;
	s15 =	spop (v2sf)  }
0x35: {  	v15 =	vadd.s32 s5, v15;
	s4 =	sadd.s32 s5, s14;
	(erf) = vrcp.f32 v22;
	v41 =	vadd.s32 v7, v26;
	s3 =	sadd.s32 s3, s15;
	s16 =	spop (v2sf)  }
0x36: {  	(xrf0) =	vadd.scan.msk.s32 $0xffff, v16;
	v40 =	vadd.s32 v7, v25;
	v16 =	vadd.s32 v14, v41;
	v24 =	vadd.s32 s4, v24;
	s5 =	sadd.s32 s3, s16  }
0x37: {  	v22 =	vadd.s32 v15, v40;
	v13 =	vsub.s32 v16, v13;
	v42 =	vmov s5  }
0x38: {  	v6 =	vsub.s32 v22, v6;
	v43 =	vmov s3;
	v22 =	vsub.s32 $0x0, v42  }
0x39: {  	vm9 =	vgt.s32 v13, $0x1;
	v16 =	vsub.s32 $0x0, v43;
	s17 =	spop (v2sf);
	v22 =	vbroadcast v22, $0x0  }
0x3a: {  	vm8 =	vgt.s32 v6, $0x1;
	v13 =	vnsel vm9, $0x1, v13;
	v16 =	vbroadcast v16, $0x0;
	s3 =	sadd.s32 s4, s17  }
0x3b: {  	v6 =	vnsel vm8, $0x1, v6;
	v44 =	vadd.s32 s3, v39;
	v22 =	vadd.s32 v7, v22  }
0x3c: {  	v46, _, _ =	vpop (xrf0);
	v6 =	vcvt.s32.f32 v6;
	v45 =	vadd.s32 v7, v16;
	v22 =	vadd.s32 v44, v22  }
0x3d: {  	v13 =	vcvt.s32.f32 v13;
	v7 =	vadd.s32 v24, v45;
	v22 =	vsub.s32 v22, v46  }
0x3e: {  	(erf) = vrcp.f32 v6;
	v47 =	vsub.s32 v7, v23;
	vm10 =	vgt.s32 v22, $0x1  }
0x3f: {  	(erf) = vrcp.f32 v13;
	vm11 =	vgt.s32 v47, $0x1;
	v48 =	vnsel vm10, $0x1, v22  }
0x40: {  	v6 =	vnsel vm11, $0x1, v47;
	v7 =	vcvt.s32.f32 v48  }
0x41: {  	v49 =	vmul.f32 v20, v19;
	v6 =	vcvt.s32.f32 v6  }
0x42: {  	(erf) = vrcp.f32 v7  }
0x43: {  	v9 =	vcvt.s32.f32 v9;
	v50 =	vadd.f32 v49, v8;
	v51 =	vpop (erf);
	(erf) = vrcp.f32 v6  }
0x44: {  	v11 =	vcvt.s32.f32 v11;
	v52 =	vpop (erf)  }
0x45: {  	v7 =	vadd.f32 v18, v50;
	v6 =	vmul.f32 v9, v52  }
0x46: {  	v8 =	vmul.f32 v11, v51  }
0x47: {  	vm0 =	vmmov vm0;
	v54 =	vcvt.s32.f32 v14;
	v53 =	vpop (erf);
	v6 =	vadd.f32 v6, v7  }
0x48: {  	vm1 =	vmmov vm1;
	v57 =	vcvt.s32.f32 v15;
	v56 =	vsel vm0, $0x0, v8;
	v55 =	vpop (erf)  }
0x49: {  	vm12 =	vmmov vm2;
	v7 =	vmul.f32 v54, v55;
	v6 =	vadd.f32 v56, v6  }
0x4a: {  	v58 =	vadd.f32 v17, v12;
	vm13 =	veq.s32 v4, v3;
	v4 =	vmul.f32 v57, v53  }
0x4b: {  	vm1 =	vmmov vm1;
	v60 =	vcvt.s32.f32 v24;
	v6 =	vadd.f32 v7, v6;
	v59 =	vpop (erf)  }
0x4c: {  	vm14 =	veq.s32 v5, v3;
	v61 =	vsel vm1, $0x0, v4;
	v62 =	vcvt.s32.f32 v44;
	v63 =	vpop (erf)  }
0x4d: {  	v8 =	vnsel vm13, $0x0, v8;
	v6 =	vadd.f32 v61, v6;
	v9 =	vmul.f32 v60, v63  }
0x4e: {  	vm0 =	vmmov vm12;
	v8 =	vadd.f32 v8, v58;
	v5 =	vmul.f32 v62, v59  }
0x4f: {  	vm0 =	vmmov vm0;
	v4 =	vnsel vm14, $0x0, v4;
	v6 =	vadd.f32 v9, v6  }
0x50: {  	vm15 =	veq.s32 v10, v3;
	v4 =	vadd.f32 v4, v8;
	v7 =	vsel vm0, $0x0, v5  }
0x51: {  	v5 =	vnsel vm15, $0x0, v5;
	v6 =	vadd.f32 v7, v6  }
0x52: {  	v4 =	vadd.f32 v5, v4  }
0x53: {  	(xrf2) =	vadd.scan.msk.f32 $0xffff, v6  }
0x54: {  	(xrf2) =	vadd.scan.msk.f32 $0xffff, v4;
	_ =	sdelay $0x7  }
0x55: {  	(v2sf) =	vpush v39, $0xF  }
0x56: {  	(v2sf) =	vpush v46, $0xF;
	v4, _, _ =	vpop (xrf2)  }
0x57: {  	(v2sf) =	vpush v4, $0xF;
	v4, _, _ =	vpop (xrf2)  }
0x58: {  	(v2sf) =	vpush v4, $0xF;
	_ =	sdelay $0xb  }
0x59: {  	s18 =	spop (v2sf)  }
0x5a: {  	s20 =	spop (v2sf)  }
0x5b: {  	s3 =	spop (v2sf)  }
0x5c: {  	s3 =	smul.f32 $3.908158280e-03, s3;
	s22 =	spop (v2sf)  }
0x5d: {  	s4 =	smul.f32 $-1.954079140e-03, s22;
	_ =	sdelay $0x1  }
0x5e: {  	s3 =	sadd.f32 s4, s3;
	_ =	sdelay $0x1  }
0x5f: {  	v4 =	vmov s3  }
0x60: {  	s25 =	rddreg [dreg:$0x1a];
	s26 =	simm.s32 $0x13000;
	[tilespmem:$0x13000] =	vst v4  }
0x61: {  	[hbm4b:s25+s1] =	stream.linear.scatter [tilespmem:s26], [sflag:$0x5], $0x80, $0x38;
	[tilespmem:$0x14080] =	vst v63  }
0x62: {  	_ =	swait.ge [sflag:s12], $0x80  }
0x63: {  	[sflag:s12] =	ssyncset.done $0x0  }
0x64: {  	[sflag:s12] =	ssyncadd.s32 $0xFFFFFF80  }
.LBB2_27:
0x65: {  	s2 =	sadd.s32 $0x1, s2;
	s3 =	rddreg [dreg:$0x1b]  }
0x66: {  	p1 =	sne.s32 s2, s3  }
.Ltmp1:
0x67: {  	_ = 	snop;
	(pc) =	sbr.rel @!p1 .LBB2_28-.Ltmp1, $1  }
0x68: {  	_ =	sdelay $0x3  }
.LBB2_1:
0x69: {  	s3 =	rddreg [dreg:$0x6]  }
0x6a: {  	[tilespmem:s23], [sflag:$0x1] =	stream.linear.gather [hbm4b:s3+s1], $0x2400, $0x38;
	[tilespmem:$0x14080] =	vst v63  }
0x6b: {  	s26 =	rddreg [dreg:$0x7]  }
0x6c: {  	[tilespmem:s28], [sflag:$0x3] =	stream.linear.gather [hbm4b:s26+s1], $0x2400, $0x38;
	[tilespmem:$0x14080] =	vst v63  }
0x6d: {  	[tilespmem:s21+$0xFFFFFF80] =	vst v1  }
0x6e: {  	[tilespmem:s21+$0x70] =	vst v1  }
0x6f: {  	[tilespmem:s21+$0x60] =	vst v1  }
0x70: {  	[tilespmem:s21+$0x50] =	vst v1  }
0x71: {  	[tilespmem:s21+$0x40] =	vst v1  }
0x72: {  	[tilespmem:s21+$0x30] =	vst v1  }
0x73: {  	[tilespmem:s21+$0x20] =	vst v1  }
0x74: {  	[tilespmem:s21+$0x10] =	vst v1  }
0x75: {  	[tilespmem:s21+$0x0] =	vst v1  }
0x76: {  	[tilespmem:s21+$0xFFFFFFF0] =	vst v1  }
0x77: {  	[tilespmem:s21+$0xFFFFFFE0] =	vst v1  }
0x78: {  	[tilespmem:s21+$0xFFFFFFD0] =	vst v1  }
0x79: {  	[tilespmem:s21+$0xFFFFFFC0] =	vst v1  }
0x7a: {  	[tilespmem:s21+$0xFFFFFFB0] =	vst v1  }
0x7b: {  	s4 =	simm.s32 $0x80;
	s3 =	simm.s32 $0x0;
	[tilespmem:s21+$0xFFFFFFA0] =	vst v1  }
.LBB2_2:
0x7c: {  	s3 =	sadd.s32 $0x10, s3;
	[tilespmem:s4+$0xFFFFFF90] =	vst v1;
	s4 =	sadd.s32 $0x100, s4  }
0x7d: {  	[tilespmem:s4+$0xFFFFFF80] =	vst v1;
	p1 =	slt.u32 s3, $0x7F0  }
0x7e: {  	[tilespmem:s4+$0x70] =	vst v1  }
0x7f: {  	[tilespmem:s4+$0x60] =	vst v1  }
0x80: {  	[tilespmem:s4+$0x50] =	vst v1  }
0x81: {  	[tilespmem:s4+$0x40] =	vst v1  }
0x82: {  	[tilespmem:s4+$0x30] =	vst v1  }
0x83: {  	[tilespmem:s4+$0x20] =	vst v1  }
0x84: {  	[tilespmem:s4+$0x10] =	vst v1  }
0x85: {  	[tilespmem:s4+$0x0] =	vst v1  }
0x86: {  	[tilespmem:s4+$0xFFFFFFF0] =	vst v1  }
.Ltmp2:
0x87: {  	[tilespmem:s4+$0xFFFFFFE0] =	vst v1;
	(pc) =	sbr.rel @p1 .LBB2_2-.Ltmp2, $4  }
0x88: {  	[tilespmem:s4+$0xFFFFFFD0] =	vst v1  }
0x89: {  	[tilespmem:s4+$0xFFFFFFC0] =	vst v1  }
0x8a: {  	[tilespmem:s4+$0xFFFFFFB0] =	vst v1  }
0x8b: {  	[tilespmem:s4+$0xFFFFFFA0] =	vst v1  }
0x8c: {  	[tilespmem:s4+$0xFFFFFF90] =	vst v1  }
0x8d: {  	s3 =	rddreg [dreg:$0x8]  }
0x8e: {  	s18 =	simm.s32 $0x0;
	s17 =	rddreg [dreg:$0x9]  }
0x8f: {  	s7 =	sor.u32 $0x1, s18;
	s8 =	sor.u32 $0x2, s18;
	s10 =	sor.u32 $0x5, s18  }
0x90: {  	[tilespmem:s29], [sflag:$0x2] =	stream.linear.gather [hbm4b:s3+s1], $0x2400, $0x38;
	[tilespmem:$0x14080] =	vst v63  }
0x91: {  	s9 =	sor.u32 $0x3, s18;
	s6 =	smul.u32 $0xAAAB, s18;
	s5 =	sand.u32 $0xFFFF, s10  }
0x92: {  	s11 =	sor.u32 $0x4, s18;
	s12 =	sand.u32 $0xFFFF, s9;
	s5 =	smul.u32 $0xAAAB, s5  }
0x93: {  	s13 =	sor.u32 $0x7, s18;
	s14 =	sand.u32 $0xFFFF, s8;
	s12 =	smul.u32 $0xAAAB, s12  }
0x94: {  	s3 =	sor.u32 $0x6, s18;
	s22 =	sand.u32 $0xFFFF, s7;
	s14 =	smul.u32 $0xAAAB, s14  }
0x95: {  	s26 =	sand.u32 $0xFFFF, s11;
	s20 =	sand.u32 $0xFFFF, s3;
	s18 =	smul.u32 $0xAAAB, s22  }
0x96: {  	[tilespmem:s30], [sflag:$0x4] =	stream.linear.gather [hbm4b:s17+s1], $0x2400, $0x38;
	[tilespmem:$0x14080] =	vst v63  }
0x97: {  	s15 =	sshrl.u32 s6, $0x17;
	s25 =	sshrl.u32 s6, $0xD;
	s16 =	smul.u32 $0xAAAB, s20  }
0x98: {  	s20 =	sand.u32 $0xFFFF, s13;
	s4 =	sand.u32 $0x380, s25;
	_ =	swait.ge [sflag:s24], $0x2400  }
0x99: {  	s17 =	sshrl.u32 s5, $0x11;
	s12 =	sshrl.u32 s12, $0x11;
	s5 =	smul.u32 $0xC00, s15  }
0x9a: {  	s14 =	sshrl.u32 s14, $0x11;
	s15 =	smul.u32 $0xAAAB, s26;
	s18 =	sshrl.u32 s18, $0x11  }
0x9b: {  	s25 =	smul.u32 $0xAAAB, s20;
	[sflag:s24] =	ssyncset.done $0x0;
	s12 =	sand.u32 $0x18, s12  }
0x9c: {  	s14 =	sand.u32 $0x18, s14;
	s26 =	sand.u32 $0x18, s18;
	[sflag:s24] =	ssyncadd.s32 $0xFFFFDC00  }
0x9d: {  	s9 =	sadd.s32 s12, s9;
	s8 =	sadd.s32 s14, s8;
	s22 =	sshrl.u32 s15, $0x11  }
0x9e: {  	s14 =	sshrl.u32 s25, $0x11;
	s7 =	sadd.s32 s26, s7;
	_ =	swait.ge [sflag:s31], $0x2400  }
0x9f: {  	s8 =	sshll.u32 s8, $0x7;
	s12 =	sand.u32 $0x18, s22;
	s9 =	sshll.u32 s9, $0x7  }
0xa0: {  	s7 =	sshll.u32 s7, $0x7;
	s8 =	sand.u32 $0xC00, s8;
	s11 =	sadd.s32 s12, s11  }
0xa1: {  	[sflag:s31] =	ssyncset.done $0x0;
	s8 =	sadd.s32 s8, s5;
	s11 =	sshll.u32 s11, $0x7  }
0xa2: {  	[sflag:s31] =	ssyncadd.s32 $0xFFFFDC00;
	s8 =	sor.u32 s4, s8;
	s11 =	sand.u32 $0xC00, s11  }
0xa3: {  	s22 =	sand.u32 $0x18, s17;
	s9 =	sand.u32 $0xC00, s9;
	v4 =	vld [tilespmem:s8+$0x8020];
	s11 =	sadd.s32 s11, s5  }
0xa4: {  	s10 =	sadd.s32 s22, s10;
	s9 =	sadd.s32 s9, s5;
	v7 =	vld [tilespmem:s8+$0xC820];
	s18 =	sor.u32 s4, s11  }
0xa5: {  	s7 =	sand.u32 $0xC00, s7;
	s25 =	sshll.u32 s10, $0x7;
	s9 =	sor.u32 s4, s9;
	v5 =	vld [tilespmem:s18+$0xC840]  }
0xa6: {  	s7 =	sadd.s32 s7, s5;
	v6 =	vld [tilespmem:s9+$0xC830];
	s8 =	sand.u32 $0xC00, s25  }
0xa7: {  	s26 =	sor.u32 s4, s7;
	s8 =	sadd.s32 s8, s5;
	v8 =	vld [tilespmem:s18+$0x8040]  }
0xa8: {  	s6 =	sshrl.u32 s6, $0x14;
	s20 =	sand.u32 $0x18, s14;
	v11 =	vld [tilespmem:s26+$0xC810];
	s8 =	sor.u32 s4, s8  }
0xa9: {  	s6 =	smul.u32 $0x18, s6;
	s12 =	sshrl.u32 s16, $0x11;
	s11 =	sadd.s32 s20, s13;
	v15 =	vld [tilespmem:s8+$0xC850]  }
0xaa: {  	s10 =	sand.u32 $0x18, s12;
	v9 =	vld [tilespmem:s9+$0x8030];
	s11 =	sshll.u32 s11, $0x7;
	v12 =	vshll.u32 v7, $0x1F;
	v10 =	vshll.u32 v5, $0x1F  }
0xab: {  	s6 =	ssub.s32 $0x0, s6;
	s3 =	sadd.s32 s10, s3;
	v14 =	vld [tilespmem:s26+$0x8010];
	s11 =	sand.u32 $0xC00, s11;
	v12 =	vor.u32 $0x437FE000, v12;
	v10 =	vor.u32 $0x437FE000, v10  }
0xac: {  	s6 =	sshll.u32 s6, $0x7;
	s3 =	sshll.u32 s3, $0x7;
	s11 =	sadd.s32 s11, s5;
	v7 =	vshll.u32 v7, $0x10;
	v4 =	vmul.f32 v12, v4;
	v8 =	vmul.f32 v10, v8  }
0xad: {  	s6 =	sand.u32 $0xFF80, s6;
	s3 =	sand.u32 $0xC00, s3;
	v17 =	vld [tilespmem:s8+$0x8050];
	s7 =	sor.u32 s4, s11;
	v12 =	vshll.u32 v11, $0x1F;
	v11 =	vshll.u32 v11, $0x10;
	v10 =	vshll.u32 v6, $0x1F  }
0xae: {  	s6 =	sadd.s32 s6, s5;
	s5 =	sadd.s32 s3, s5;
	s3 =	simm.s32 $0x8;
	v13 =	vld [tilespmem:s7+$0xC870];
	v16 =	vshll.u32 v15, $0x10;
	v10 =	vor.u32 $0x437FE000, v10;
	v8 =	vadd.f32 $2.568750000e+02, v8  }
0xaf: {  	s16 =	sor.u32 s4, s6;
	s6 =	sor.u32 s4, s5;
	s4 =	sor.u32 $0x5, s3;
	v9 =	vmul.f32 v10, v9;
	v10 =	vadd.f32 $2.568750000e+02, v4;
	v4 =	vor.u32 $0x437FE000, v12  }
0xb0: {  	s17 =	sor.u32 $0x3, s3;
	s8 =	smul.u32 $0xAAAB, s3;
	s13 =	sand.u32 $0xFFFF, s4;
	v20 =	vor.u32 $0x1, v11;
	v4 =	vmul.f32 v4, v14;
	v8 =	vtrunc.f32 v8  }
0xb1: {  	s15 =	sor.u32 $0x2, s3;
	s18 =	sand.u32 $0xFFFF, s17;
	s20 =	smul.u32 $0xAAAB, s13;
	v6 =	vshll.u32 v6, $0x10;
	v14 =	vshll.u32 v15, $0x1F;
	v8 =	vcvt.f32.s32 v8  }
0xb2: {  	s10 =	sor.u32 $0x1, s3;
	s26 =	sand.u32 $0xFFFF, s15;
	v22 =	vld [tilespmem:s7+$0x8070];
	s25 =	smul.u32 $0xAAAB, s18;
	v9 =	vadd.f32 $2.568750000e+02, v9;
	v14 =	vor.u32 $0x437FE000, v14;
	v4 =	vadd.f32 $2.568750000e+02, v4  }
0xb3: {  	s14 =	sor.u32 $0x4, s3;
	s11 =	sor.u32 $0x7, s3;
	s18 =	smul.u32 $0xAAAB, s26;
	v12 =	vshll.u32 v13, $0x1F;
	v14 =	vmul.f32 v14, v17;
	vm0 =	vgt.s32 v8, $0x0  }
0xb4: {  	s9 =	sshrl.u32 s8, $0x14;
	s22 =	sshrl.u32 s8, $0x17;
	s26 =	sand.u32 $0xFFFF, s10;
	v9 =	vtrunc.f32 v9;
	v4 =	vtrunc.f32 v4;
	v8 =	vnsel vm0, $0x0, v8  }
0xb5: {  	s13 =	sshrl.u32 s20, $0x11;
	s25 =	sshrl.u32 s25, $0x11;
	s18 =	sshrl.u32 s18, $0x11;
	v15 =	vcvt.f32.s32 v4;
	v4 =	vmin.u32 v8, $0x7FF;
	v8 =	vadd.f32 $2.568750000e+02, v14;
	v14 =	vld [tilespmem:s6+$0xC860]  }
0xb6: {  	s20 =	smul.u32 $0xAAAB, s26;
	v16 =	vor.u32 $0x1, v16;
	s25 =	sand.u32 $0x18, s25;
	s18 =	sand.u32 $0x18, s18;
	v12 =	vor.u32 $0x437FE000, v12;
	v17 =	vld [tilespmem:s16+$0xC800];
	v9 =	vcvt.f32.s32 v9  }
0xb7: {  	v18 =	vld [tilespmem:s6+$0x8060];
	v27 =	vtrunc.f32 v10;
	v12 =	vmul.f32 v12, v22;
	s6 =	sshrl.u32 s8, $0xD;
	s8 =	smul.u32 $0xC00, s22;
	s22 =	sand.u32 $0xFFFF, s14;
	vm1 =	vgt.s32 v15, $0x0  }
0xb8: {  	v19 =	vld [tilespmem:s16+$0x8000];
	s15 =	sadd.s32 s18, s15;
	s16 =	sshrl.u32 s20, $0x11;
	vm12 =	vgt.s32 v9, $0x0;
	s20 =	smul.u32 $0xAAAB, s22;
	v8 =	vtrunc.f32 v8;
	v15 =	vnsel vm1, $0x0, v15  }
0xb9: {  	s26 =	sand.u32 $0xFFFF, s11;
	s17 =	sadd.s32 s25, s17;
	s15 =	sshll.u32 s15, $0x7;
	v4 =	vor.u32 v2, v4;
	v8 =	vcvt.f32.s32 v8;
	v15 =	vmin.u32 v15, $0x7FF  }
0xba: {  	s17 =	sshll.u32 s17, $0x7;
	v9 =	vnsel vm12, $0x0, v9;
	s22 =	smul.u32 $0xAAAB, s26;
	s26 =	sshrl.u32 s20, $0x11;
	v21 =	vor.u32 v2, v15;
	v11 =	vshll.u32 v14, $0x1F  }
0xbb: {  	s15 =	sand.u32 $0xC00, s15;
	s17 =	sand.u32 $0xC00, s17;
	v15 =	vshll.u32 v17, $0x1F;
	s18 =	sand.u32 $0x18, s26;
	vm13 =	vgt.s32 v8, $0x0;
	v11 =	vor.u32 $0x437FE000, v11  }
0xbc: {  	s6 =	sand.u32 $0x380, s6;
	s15 =	sadd.s32 s15, s8;
	v15 =	vor.u32 $0x437FE000, v15;
	s14 =	sadd.s32 s18, s14;
	v8 =	vnsel vm13, $0x0, v8;
	v11 =	vmul.f32 v11, v18  }
0xbd: {  	s16 =	sand.u32 $0x18, s16;
	v9 =	vmin.u32 v9, $0x7FF;
	s20 =	sor.u32 s6, s15;
	v15 =	vmul.f32 v15, v19;
	s14 =	sshll.u32 s14, $0x7;
	v8 =	vmin.u32 v8, $0x7FF  }
0xbe: {  	s25 =	sadd.s32 s17, s8;
	s26 =	sshrl.u32 s22, $0x11;
	v23 =	vld [tilespmem:s20+$0x8020];
	v19 =	vshll.u32 v14, $0x10;
	s14 =	sand.u32 $0xC00, s14;
	v18 =	vor.u32 v2, v8;
	v11 =	vadd.f32 $2.568750000e+02, v11  }
0xbf: {  	s15 =	sor.u32 s6, s25;
	s18 =	sand.u32 $0x18, s26;
	v14 =	vadd.f32 $2.568750000e+02, v15;
	v15 =	vshll.u32 v13, $0x10;
	v13 =	vshll.u32 v5, $0x10;
	s14 =	sadd.s32 s14, s8;
	v5 =	vld [tilespmem:s20+$0xC820]  }
0xc0: {  	s10 =	sadd.s32 s16, s10;
	s7 =	sadd.s32 s18, s11;
	v26 =	vor.u32 $0x1, v19;
	v19 =	vld [tilespmem:s15+$0x8030];
	v8 =	vor.u32 $0x1, v7;
	s14 =	sor.u32 s6, s14;
	v7 =	vtrunc.f32 v11  }
0xc1: {  	s5 =	sor.u32 $0x6, s3;
	s10 =	sshll.u32 s10, $0x7;
	s7 =	sshll.u32 s7, $0x7;
	v11 =	vtrunc.f32 v14;
	v14 =	vor.u32 $0x1, v6;
	v6 =	vld [tilespmem:s14+$0xC840];
	v24 =	vcvt.f32.s32 v7  }
0xc2: {  	s12 =	sand.u32 $0xFFFF, s5;
	s10 =	sand.u32 $0xC00, s10;
	v9 =	vor.u32 v2, v9;
	v17 =	vshll.u32 v17, $0x10;
	s7 =	sand.u32 $0xC00, s7;
	v13 =	vor.u32 $0x1, v13;
	v7 =	vld [tilespmem:s15+$0xC830]  }
0xc3: {  	s22 =	sand.u32 $0x18, s13;
	s20 =	smul.u32 $0xAAAB, s12;
	s7 =	sadd.s32 s7, s8;
	v25 =	vcvt.f32.s32 v11;
	v11 =	vor.u32 $0x1, v15;
	[tilespmem:v18+s1+$0x0] =	vst.idx.add.s32.msk $0xffff, v16;
	vm14 =	vgt.s32 v24, $0x0  }
0xc4: {  	s10 =	sadd.s32 s10, s8;
	s12 =	sadd.s32 s22, s4;
	s4 =	sor.u32 s6, s7;
	v15 =	vor.u32 $0x1, v17;
	v10 =	vshll.u32 v5, $0x1F;
	v17 =	vnsel vm14, $0x0, v24;
	v24 =	vld [tilespmem:s14+$0x8040]  }
0xc5: {  	s9 =	smul.u32 $0x18, s9;
	s10 =	sor.u32 s6, s10;
	s11 =	sshrl.u32 s20, $0x11;
	vm15 =	vgt.s32 v25, $0x0;
	v22 =	vor.u32 $0x437FE000, v10;
	v10 =	vld [tilespmem:s4+$0xC870];
	v28 =	vmin.u32 v17, $0x7FF  }
0xc6: {  	s25 =	sshll.u32 s12, $0x7;
	s11 =	sand.u32 $0x18, s11;
	v25 =	vnsel vm15, $0x0, v25;
	v16 =	vmul.f32 v22, v23;
	v17 =	vld [tilespmem:s10+$0xC810];
	v28 =	vor.u32 v2, v28  }
0xc7: {  	s9 =	ssub.s32 $0x8, s9;
	[tilespmem:v21+s1+$0x0] =	vst.idx.add.s32.msk $0xffff, v20;
	s7 =	sand.u32 $0xC00, s25;
	s5 =	sadd.s32 s11, s5;
	v23 =	vadd.f32 $2.568750000e+02, v12;
	v20 =	vshll.u32 v6, $0x1F;
	v25 =	vmin.u32 v25, $0x7FF  }
0xc8: {  	s9 =	sshll.u32 s9, $0x7;
	s7 =	sadd.s32 s7, s8;
	s5 =	sshll.u32 s5, $0x7;
	v29 =	vshll.u32 v7, $0x1F;
	v18 =	vor.u32 $0x437FE000, v20;
	v20 =	vld [tilespmem:s10+$0x8010];
	v12 =	vadd.f32 $2.568750000e+02, v16  }
0xc9: {  	s26 =	sand.u32 $0xFF80, s9;
	s13 =	sor.u32 s6, s7;
	s5 =	sand.u32 $0xC00, s5;
	v21 =	vor.u32 $0x437FE000, v29;
	v22 =	vmul.f32 v18, v24;
	v18 =	vor.u32 v2, v25  }
0xca: {  	s7 =	sadd.s32 s26, s8;
	s5 =	sadd.s32 s5, s8;
	v21 =	vmul.f32 v21, v19;
	v19 =	vld [tilespmem:s13+$0xC850];
	v16 =	vshll.u32 v10, $0x1F;
	v24 =	vtrunc.f32 v23  }
0xcb: {  	s12 =	sor.u32 s6, s7;
	s7 =	sor.u32 s6, s5;
	v23 =	vcvt.f32.s32 v27;
	v25 =	vshll.u32 v17, $0x1F;
	v24 =	vcvt.f32.s32 v24;
	[tilespmem:v28+s1+$0x0] =	vst.idx.add.s32.msk $0xffff, v26  }
.LBB2_4:
0xcc: {  	s3 =	sadd.s32 $0x8, s3;
	v25 =	vor.u32 $0x437FE000, v25;
	v21 =	vadd.f32 $2.568750000e+02, v21;
	v22 =	vadd.f32 $2.568750000e+02, v22;
	[tilespmem:v9+s1+$0x0] =	vst.idx.add.s32.msk $0xffff, v14  }
0xcd: {  	s6 =	sor.u32 $0x1, s3;
	s14 =	sor.u32 $0x2, s3;
	s15 =	sor.u32 $0x3, s3;
	v9 =	vmul.f32 v25, v20;
	v14 =	vld [tilespmem:s13+$0x8050];
	vm0 =	vgt.s32 v23, $0x0;
	vm1 =	vgt.s32 v24, $0x0  }
0xce: {  	s13 =	sor.u32 $0x4, s3;
	s8 =	sor.u32 $0x5, s3;
	s5 =	sor.u32 $0x6, s3;
	v20 =	vtrunc.f32 v22;
	[tilespmem:v18+s1+$0x0] =	vst.idx.add.s32.msk $0xffff, v15;
	v15 =	vnsel vm0, $0x0, v23;
	v18 =	vnsel vm1, $0x0, v24  }
0xcf: {  	s16 =	smul.u32 $0xAAAB, s3;
	s9 =	sor.u32 $0x7, s3;
	s10 =	sand.u32 $0xFFFF, s8;
	v22 =	vshll.u32 v19, $0x1F;
	v15 =	vmin.u32 v15, $0x7FF;
	[tilespmem:v4+s1+$0x0] =	vst.idx.add.s32.msk $0xffff, v13;
	v4 =	vmin.u32 v18, $0x7FF  }
0xd0: {  	s11 =	sand.u32 $0xFFFF, s15;
	s17 =	sand.u32 $0xFFFF, s5;
	s10 =	smul.u32 $0xAAAB, s10;
	v13 =	vcvt.f32.s32 v20;
	v15 =	vor.u32 v2, v15;
	v20 =	vor.u32 v2, v4  }
0xd1: {  	s20 =	sand.u32 $0xFFFF, s14;
	s18 =	sshrl.u32 s16, $0x14;
	s22 =	smul.u32 $0xAAAB, s11;
	v18 =	vshll.u32 v19, $0x10;
	v4 =	vadd.f32 $2.568750000e+02, v9;
	v9 =	vor.u32 $0x437FE000, v22  }
0xd2: {  	s25 =	sshrl.u32 s16, $0x17;
	s11 =	smul.u32 $0xAAAB, s17;
	v19 =	vtrunc.f32 v21;
	s10 =	sshrl.u32 s10, $0x11;
	vm0 =	vgt.s32 v13, $0x0;
	v9 =	vmul.f32 v9, v14;
	v14 =	vld [tilespmem:s7+$0x8060]  }
0xd3: {  	s17 =	smul.u32 $0xAAAB, s20;
	v19 =	vcvt.f32.s32 v19;
	s20 =	sshrl.u32 s22, $0x11;
	s22 =	sand.u32 $0x18, s10;
	v4 =	vtrunc.f32 v4;
	v13 =	vnsel vm0, $0x0, v13;
	v21 =	vld [tilespmem:s12+$0xC800]  }
0xd4: {  	s10 =	smul.u32 $0x18, s18;
	s18 =	sand.u32 $0xFFFF, s6;
	s8 =	sadd.s32 s22, s8;
	v22 =	vcvt.f32.s32 v4;
	v4 =	vmin.u32 v13, $0x7FF;
	v9 =	vadd.f32 $2.568750000e+02, v9;
	v13 =	vld [tilespmem:s7+$0xC860]  }
0xd5: {  	v17 =	vshll.u32 v17, $0x10;
	vm0 =	vgt.s32 v19, $0x0;
	s18 =	smul.u32 $0xAAAB, s18;
	s22 =	sand.u32 $0xFFFF, s9;
	s8 =	sshll.u32 s8, $0x7;
	v4 =	vor.u32 v2, v4;
	[tilespmem:v20+s1+$0x0] =	vst.idx.add.s32.msk $0xffff, v11  }
0xd6: {  	s7 =	smul.u32 $0xC00, s25;
	s25 =	sshrl.u32 s16, $0xD;
	s16 =	sand.u32 $0xC00, s8;
	vm1 =	vgt.s32 v22, $0x0;
	v11 =	vnsel vm0, $0x0, v19;
	v9 =	vtrunc.f32 v9;
	[tilespmem:v15+s1+$0x0] =	vst.idx.add.s32.msk $0xffff, v8  }
0xd7: {  	s8 =	sand.u32 $0x380, s25;
	s18 =	sshrl.u32 s18, $0x11;
	s25 =	sand.u32 $0xFFFF, s13;
	v15 =	vnsel vm1, $0x0, v22;
	v11 =	vmin.u32 v11, $0x7FF;
	v8 =	vld [tilespmem:s12+$0x8000];
	v19 =	vcvt.f32.s32 v9  }
0xd8: {  	v17 =	vor.u32 $0x1, v17;
	s12 =	sshrl.u32 s17, $0x11;
	s17 =	sand.u32 $0x18, s20;
	s20 =	smul.u32 $0xAAAB, s25;
	v15 =	vmin.u32 v15, $0x7FF;
	v9 =	vor.u32 v2, v11  }
0xd9: {  	s12 =	sand.u32 $0x18, s12;
	s15 =	sadd.s32 s17, s15;
	s17 =	smul.u32 $0xAAAB, s22;
	v11 =	vor.u32 v2, v15;
	vm0 =	vgt.s32 v19, $0x0;
	v15 =	vshll.u32 v13, $0x1F  }
0xda: {  	s18 =	sand.u32 $0x18, s18;
	v20 =	vshll.u32 v21, $0x1F;
	s12 =	sadd.s32 s12, s14;
	s14 =	sshrl.u32 s20, $0x11;
	v19 =	vnsel vm0, $0x0, v19;
	v15 =	vor.u32 $0x437FE000, v15  }
0xdb: {  	s15 =	sshll.u32 s15, $0x7;
	v20 =	vor.u32 $0x437FE000, v20;
	s12 =	sshll.u32 s12, $0x7;
	s14 =	sand.u32 $0x18, s14;
	v19 =	vmin.u32 v19, $0x7FF;
	v14 =	vmul.f32 v15, v14  }
0xdc: {  	s12 =	sand.u32 $0xC00, s12;
	s13 =	sadd.s32 s14, s13;
	s14 =	sshrl.u32 s17, $0x11;
	v8 =	vmul.f32 v20, v8;
	v19 =	vor.u32 v2, v19;
	v20 =	vshll.u32 v13, $0x10  }
0xdd: {  	v5 =	vshll.u32 v5, $0x10;
	s15 =	sand.u32 $0xC00, s15;
	v15 =	vshll.u32 v21, $0x10;
	s12 =	sadd.s32 s12, s7;
	s13 =	sshll.u32 s13, $0x7;
	v13 =	vadd.f32 $2.568750000e+02, v14;
	v21 =	vld [tilespmem:s4+$0x8070]  }
0xde: {  	v10 =	vshll.u32 v10, $0x10;
	s4 =	sor.u32 s8, s12;
	s12 =	sadd.s32 s15, s7;
	s13 =	sand.u32 $0xC00, s13;
	v14 =	vadd.f32 $2.568750000e+02, v8;
	[tilespmem:v11+s1+$0x0] =	vst.idx.add.s32.msk $0xffff, v17;
	v8 =	vor.u32 $0x1, v5  }
0xdf: {  	v7 =	vshll.u32 v7, $0x10;
	v6 =	vshll.u32 v6, $0x10;
	s15 =	sadd.s32 s16, s7;
	s12 =	sor.u32 s8, s12;
	s13 =	sadd.s32 s13, s7;
	v22 =	vld [tilespmem:s4+$0x8020];
	v11 =	vtrunc.f32 v13  }
0xe0: {  	s6 =	sadd.s32 s18, s6;
	s14 =	sand.u32 $0x18, s14;
	v5 =	vld [tilespmem:s4+$0xC820];
	s4 =	sor.u32 s8, s13;
	v13 =	vtrunc.f32 v14;
	v14 =	vor.u32 $0x1, v7;
	v17 =	vcvt.f32.s32 v11  }
0xe1: {  	s6 =	sshll.u32 s6, $0x7;
	s9 =	sadd.s32 s14, s9;
	s13 =	sor.u32 s8, s15;
	v11 =	vor.u32 $0x1, v10;
	v7 =	vld [tilespmem:s12+$0xC830];
	v23 =	vcvt.f32.s32 v13;
	v13 =	vor.u32 $0x1, v6  }
0xe2: {  	s11 =	sshrl.u32 s11, $0x11;
	s6 =	sand.u32 $0xC00, s6;
	v15 =	vor.u32 $0x1, v15;
	v24 =	vor.u32 $0x1, v20;
	s9 =	sshll.u32 s9, $0x7;
	v6 =	vld [tilespmem:s4+$0xC840];
	vm0 =	vgt.s32 v17, $0x0  }
0xe3: {  	v16 =	vor.u32 $0x437FE000, v16;
	s11 =	sand.u32 $0x18, s11;
	s6 =	sadd.s32 s6, s7;
	s9 =	sand.u32 $0xC00, s9;
	v25 =	vld [tilespmem:s12+$0x8030];
	vm1 =	vgt.s32 v23, $0x0;
	v10 =	vnsel vm0, $0x0, v17  }
0xe4: {  	s10 =	ssub.s32 s3, s10;
	s6 =	sor.u32 s8, s6;
	v26 =	vld [tilespmem:s4+$0x8040];
	s4 =	sadd.s32 s9, s7;
	v20 =	vnsel vm1, $0x0, v23;
	v23 =	vtrunc.f32 v12;
	v12 =	vmin.u32 v10, $0x7FF  }
0xe5: {  	v18 =	vor.u32 $0x1, v18;
	s5 =	sadd.s32 s11, s5;
	v16 =	vmul.f32 v16, v21;
	s9 =	sshll.u32 s10, $0x7;
	v17 =	vld [tilespmem:s6+$0xC810];
	v10 =	vshll.u32 v5, $0x1F;
	s4 =	sor.u32 s8, s4  }
0xe6: {  	p1 =	slt.u32 s3, $0x238;
	s5 =	sshll.u32 s5, $0x7;
	s9 =	sand.u32 $0xFF80, s9;
	v28 =	vor.u32 v2, v12;
	v21 =	vor.u32 $0x437FE000, v10;
	v27 =	vshll.u32 v7, $0x1F;
	v10 =	vld [tilespmem:s4+$0xC870]  }
.Ltmp3:
0xe7: {  	s5 =	sand.u32 $0xC00, s5;
	v29 =	vmin.u32 v20, $0x7FF;
	s9 =	sadd.s32 s9, s7;
	v12 =	vor.u32 $0x437FE000, v27;
	v27 =	vshll.u32 v6, $0x1F;
	[tilespmem:v19+s1+$0x0] =	vst.idx.add.s32.msk $0xffff, v18;
	(pc) =	sbr.rel @p1 .LBB2_4-.Ltmp3, $4  }
0xe8: {  	s5 =	sadd.s32 s5, s7;
	v16 =	vadd.f32 $2.568750000e+02, v16;
	s12 =	sor.u32 s8, s9;
	v19 =	vmul.f32 v21, v22;
	v20 =	vld [tilespmem:s6+$0x8010];
	v18 =	vor.u32 $0x437FE000, v27  }
0xe9: {  	s7 =	sor.u32 s8, s5;
	v21 =	vmul.f32 v12, v25;
	v22 =	vmul.f32 v18, v26;
	v18 =	vor.u32 v2, v29  }
0xea: {  	v12 =	vadd.f32 $2.568750000e+02, v19;
	v26 =	vtrunc.f32 v16;
	v25 =	vshll.u32 v17, $0x1F;
	v19 =	vld [tilespmem:s13+$0xC850]  }
0xeb: {  	v23 =	vcvt.f32.s32 v23;
	v16 =	vshll.u32 v10, $0x1F;
	[tilespmem:v28+s1+$0x0] =	vst.idx.add.s32.msk $0xffff, v24;
	v24 =	vcvt.f32.s32 v26  }
0xec: {  	v25 =	vor.u32 $0x437FE000, v25  }
0xed: {  	v22 =	vadd.f32 $2.568750000e+02, v22;
	v16 =	vor.u32 $0x437FE000, v16;
	v21 =	vadd.f32 $2.568750000e+02, v21  }
0xee: {  	v12 =	vtrunc.f32 v12;
	v7 =	vshll.u32 v7, $0x10;
	v6 =	vshll.u32 v6, $0x10  }
0xef: {  	v26 =	vld [tilespmem:s13+$0x8050];
	v20 =	vmul.f32 v25, v20;
	vm0 =	vgt.s32 v23, $0x0;
	vm14 =	vgt.s32 v24, $0x0  }
0xf0: {  	v27 =	vld [tilespmem:s7+$0xC860];
	v12 =	vcvt.f32.s32 v12;
	v7 =	vor.u32 $0x1, v7;
	v23 =	vnsel vm0, $0x0, v23  }
0xf1: {  	v28 =	vld [tilespmem:s12+$0xC800];
	v22 =	vtrunc.f32 v22;
	v24 =	vnsel vm14, $0x0, v24;
	v21 =	vtrunc.f32 v21  }
0xf2: {  	v31 =	vld [tilespmem:s4+$0x8070];
	v25 =	vshll.u32 v19, $0x1F;
	v23 =	vmin.u32 v23, $0x7FF;
	v22 =	vcvt.f32.s32 v22  }
0xf3: {  	v24 =	vmin.u32 v24, $0x7FF;
	v20 =	vadd.f32 $2.568750000e+02, v20;
	v21 =	vcvt.f32.s32 v21  }
0xf4: {  	v29 =	vld [tilespmem:s7+$0x8060];
	v19 =	vshll.u32 v19, $0x10;
	vm9 =	vgt.s32 v12, $0x0;
	v25 =	vor.u32 $0x437FE000, v25  }
0xf5: {  	v23 =	vor.u32 v2, v23;
	v24 =	vor.u32 v2, v24;
	v12 =	vnsel vm9, $0x0, v12  }
0xf6: {  	v30 =	vld [tilespmem:s12+$0x8000];
	v32 =	vshll.u32 v27, $0x1F;
	v33 =	vshll.u32 v28, $0x1F;
	v25 =	vmul.f32 v25, v26  }
0xf7: {  	v16 =	vmul.f32 v16, v31;
	vm15 =	vgt.s32 v22, $0x0;
	v20 =	vtrunc.f32 v20  }
0xf8: {  	vm4 =	vgt.s32 v21, $0x0;
	v27 =	vshll.u32 v27, $0x10;
	v32 =	vor.u32 $0x437FE000, v32  }
0xf9: {  	v61 =	vor.u32 $0x437FE000, v33;
	v22 =	vnsel vm15, $0x0, v22;
	v26 =	vmul.f32 v32, v29  }
0xfa: {  	v20 =	vcvt.f32.s32 v20;
	v21 =	vnsel vm4, $0x0, v21;
	v25 =	vadd.f32 $2.568750000e+02, v25  }
0xfb: {  	v29 =	vmul.f32 v61, v30;
	v22 =	vmin.u32 v22, $0x7FF;
	v26 =	vadd.f32 $2.568750000e+02, v26  }
0xfc: {  	v21 =	vmin.u32 v21, $0x7FF;
	v16 =	vadd.f32 $2.568750000e+02, v16;
	v25 =	vtrunc.f32 v25  }
0xfd: {  	v22 =	vor.u32 v2, v22;
	v25 =	vcvt.f32.s32 v25;
	v26 =	vtrunc.f32 v26  }
0xfe: {  	vm5 =	vgt.s32 v20, $0x0;
	v29 =	vadd.f32 $2.568750000e+02, v29;
	v26 =	vcvt.f32.s32 v26  }
0xff: {  	[tilespmem:v9+s1+$0x0] =	vst.idx.add.s32.msk $0xffff, v14;
	v21 =	vor.u32 v2, v21;
	v14 =	vtrunc.f32 v16;
	vm6 =	vgt.s32 v25, $0x0  }
0x100: {  	v29 =	vtrunc.f32 v29;
	v25 =	vnsel vm6, $0x0, v25;
	vm7 =	vgt.s32 v26, $0x0  }
0x101: {  	v29 =	vcvt.f32.s32 v29;
	v25 =	vmin.u32 v25, $0x7FF;
	v9 =	vnsel vm7, $0x0, v26  }
0x102: {  	[tilespmem:v18+s1+$0x0] =	vst.idx.add.s32.msk $0xffff, v15;
	v14 =	vcvt.f32.s32 v14;
	v25 =	vor.u32 v2, v25;
	v9 =	vmin.u32 v9, $0x7FF  }
0x103: {  	[tilespmem:v4+s1+$0x0] =	vst.idx.add.s32.msk $0xffff, v13;
	v20 =	vnsel vm5, $0x0, v20;
	vm1 =	vgt.s32 v29, $0x0;
	v9 =	vor.u32 v2, v9  }
0x104: {  	s17 =	simm.s32 $0x0;
	[tilespmem:v24+s1+$0x0] =	vst.idx.add.s32.msk $0xffff, v11;
	v20 =	vmin.u32 v20, $0x7FF;
	vm8 =	vgt.s32 v14, $0x0;
	v4 =	vnsel vm1, $0x0, v29  }
0x105: {  	s7 =	sor.u32 $0x1, s17;
	s10 =	sor.u32 $0x5, s17;
	[tilespmem:v23+s1+$0x0] =	vst.idx.add.s32.msk $0xffff, v8;
	v20 =	vor.u32 v2, v20;
	v8 =	vnsel vm8, $0x0, v14;
	v4 =	vmin.u32 v4, $0x7FF  }
0x106: {  	s9 =	sor.u32 $0x3, s17;
	s6 =	smul.u32 $0xAAAB, s17;
	s5 =	sand.u32 $0xFFFF, s10;
	v11 =	vor.u32 $0x1, v19;
	[tilespmem:v21+s1+$0x0] =	vst.idx.add.s32.msk $0xffff, v7;
	v8 =	vmin.u32 v8, $0x7FF;
	v4 =	vor.u32 v2, v4  }
0x107: {  	s8 =	sor.u32 $0x2, s17;
	s18 =	sand.u32 $0xFFFF, s9;
	s5 =	smul.u32 $0xAAAB, s5;
	v13 =	vor.u32 $0x1, v27;
	v8 =	vor.u32 v2, v8;
	[tilespmem:v25+s1+$0x0] =	vst.idx.add.s32.msk $0xffff, v11;
	v11 =	vmin.u32 v12, $0x7FF  }
0x108: {  	v17 =	vshll.u32 v17, $0x10;
	v6 =	vor.u32 $0x1, v6;
	s11 =	sor.u32 $0x4, s17;
	s14 =	sand.u32 $0xFFFF, s8;
	s12 =	smul.u32 $0xAAAB, s18;
	[tilespmem:v9+s1+$0x0] =	vst.idx.add.s32.msk $0xffff, v13;
	v9 =	vor.u32 v2, v11  }
0x109: {  	v17 =	vor.u32 $0x1, v17;
	s13 =	sor.u32 $0x7, s17;
	s22 =	sand.u32 $0xFFFF, s7;
	s14 =	smul.u32 $0xAAAB, s14;
	[tilespmem:v22+s1+$0x0] =	vst.idx.add.s32.msk $0xffff, v6;
	v12 =	vshll.u32 v28, $0x10  }
0x10a: {  	s26 =	sand.u32 $0xFFFF, s11;
	s15 =	sshrl.u32 s6, $0x17;
	s18 =	smul.u32 $0xAAAB, s22;
	v7 =	vshll.u32 v10, $0x10;
	[tilespmem:v20+s1+$0x0] =	vst.idx.add.s32.msk $0xffff, v17;
	v11 =	vor.u32 $0x1, v12  }
0x10b: {  	s25 =	sshrl.u32 s6, $0xD;
	s12 =	sshrl.u32 s12, $0x11;
	s14 =	sshrl.u32 s14, $0x11;
	[tilespmem:v4+s1+$0x0] =	vst.idx.add.s32.msk $0xffff, v11;
	v4 =	vshll.u32 v5, $0x10;
	v5 =	vor.u32 $0x1, v7  }
0x10c: {  	s4 =	sand.u32 $0x380, s25;
	s12 =	sand.u32 $0x18, s12;
	s14 =	sand.u32 $0x18, s14;
	v4 =	vor.u32 $0x1, v4;
	[tilespmem:v8+s1+$0x0] =	vst.idx.add.s32.msk $0xffff, v5  }
0x10d: {  	s18 =	sshrl.u32 s18, $0x11;
	s9 =	sadd.s32 s12, s9;
	s8 =	sadd.s32 s14, s8;
	[tilespmem:v9+s1+$0x0] =	vst.idx.add.s32.msk $0xffff, v4  }
0x10e: {  	s8 =	sshll.u32 s8, $0x7;
	s9 =	sshll.u32 s9, $0x7;
	s3 =	rddreg [dreg:$0xa]  }
0x10f: {  	[tilespmem:s23], [sflag:$0x1] =	stream.linear.gather [hbm4b:s3+s1], $0x2400, $0x38;
	[tilespmem:$0x14080] =	vst v63  }
0x110: {  	s3 =	sor.u32 $0x6, s17;
	s17 =	sshrl.u32 s5, $0x11;
	s5 =	smul.u32 $0xC00, s15  }
0x111: {  	s8 =	sand.u32 $0xC00, s8;
	s16 =	rddreg [dreg:$0xb];
	s15 =	smul.u32 $0xAAAB, s26  }
0x112: {  	[tilespmem:s28], [sflag:$0x3] =	stream.linear.gather [hbm4b:s16+s1], $0x2400, $0x38;
	[tilespmem:$0x14080] =	vst v63  }
0x113: {  	s9 =	sand.u32 $0xC00, s9;
	s26 =	sand.u32 $0x18, s18;
	_ =	swait.ge [sflag:s19], $0x2400  }
0x114: {  	s20 =	sand.u32 $0xFFFF, s3;
	s22 =	sshrl.u32 s15, $0x11;
	[sflag:s19] =	ssyncset.done $0x0  }
0x115: {  	s7 =	sadd.s32 s26, s7;
	s12 =	sand.u32 $0x18, s22;
	[sflag:s19] =	ssyncadd.s32 $0xFFFFDC00  }
0x116: {  	s16 =	smul.u32 $0xAAAB, s20;
	s11 =	sadd.s32 s12, s11;
	_ =	swait.ge [sflag:s0], $0x2400  }
0x117: {  	s8 =	sadd.s32 s8, s5;
	s11 =	sshll.u32 s11, $0x7;
	[sflag:s0] =	ssyncset.done $0x0  }
0x118: {  	s8 =	sor.u32 s4, s8;
	s11 =	sand.u32 $0xC00, s11;
	[sflag:s0] =	ssyncadd.s32 $0xFFFFDC00  }
0x119: {  	s20 =	sand.u32 $0xFFFF, s13;
	s9 =	sadd.s32 s9, s5;
	s11 =	sadd.s32 s11, s5;
	v4 =	vld [tilespmem:s8+$0xA420]  }
0x11a: {  	s7 =	sshll.u32 s7, $0x7;
	s25 =	smul.u32 $0xAAAB, s20;
	s18 =	sor.u32 s4, s11;
	v7 =	vld [tilespmem:s8+$0xEC20]  }
0x11b: {  	s9 =	sor.u32 s4, s9;
	s22 =	sand.u32 $0x18, s17;
	s7 =	sand.u32 $0xC00, s7;
	v5 =	vld [tilespmem:s18+$0xEC40]  }
0x11c: {  	s6 =	sshrl.u32 s6, $0x14;
	s10 =	sadd.s32 s22, s10;
	s7 =	sadd.s32 s7, s5;
	v6 =	vld [tilespmem:s9+$0xEC30]  }
0x11d: {  	s14 =	sshrl.u32 s25, $0x11;
	s25 =	sshll.u32 s10, $0x7;
	s26 =	sor.u32 s4, s7;
	v8 =	vld [tilespmem:s18+$0xA440]  }
0x11e: {  	s6 =	smul.u32 $0x18, s6;
	s20 =	sand.u32 $0x18, s14;
	s8 =	sand.u32 $0xC00, s25;
	v11 =	vld [tilespmem:s26+$0xEC10]  }
0x11f: {  	s12 =	sshrl.u32 s16, $0x11;
	s11 =	sadd.s32 s20, s13;
	v9 =	vld [tilespmem:s9+$0xA430];
	s8 =	sadd.s32 s8, s5  }
0x120: {  	s10 =	sand.u32 $0x18, s12;
	s11 =	sshll.u32 s11, $0x7;
	v14 =	vld [tilespmem:s26+$0xA410];
	s8 =	sor.u32 s4, s8;
	v10 =	vshll.u32 v5, $0x1F  }
0x121: {  	s6 =	ssub.s32 $0x0, s6;
	s3 =	sadd.s32 s10, s3;
	s11 =	sand.u32 $0xC00, s11;
	v15 =	vld [tilespmem:s8+$0xEC50];
	v12 =	vshll.u32 v7, $0x1F;
	v7 =	vshll.u32 v7, $0x10;
	v10 =	vor.u32 $0x437FE000, v10  }
0x122: {  	s6 =	sshll.u32 s6, $0x7;
	s3 =	sshll.u32 s3, $0x7;
	s11 =	sadd.s32 s11, s5;
	v12 =	vor.u32 $0x437FE000, v12;
	v8 =	vmul.f32 v10, v8;
	v10 =	vshll.u32 v6, $0x1F  }
0x123: {  	s6 =	sand.u32 $0xFF80, s6;
	s3 =	sand.u32 $0xC00, s3;
	s7 =	sor.u32 s4, s11;
	v17 =	vld [tilespmem:s8+$0xA450];
	v4 =	vmul.f32 v12, v4;
	v12 =	vshll.u32 v11, $0x1F;
	v11 =	vshll.u32 v11, $0x10  }
0x124: {  	s6 =	sadd.s32 s6, s5;
	s5 =	sadd.s32 s3, s5;
	s3 =	simm.s32 $0x8;
	v13 =	vld [tilespmem:s7+$0xEC70];
	v6 =	vshll.u32 v6, $0x10;
	v10 =	vor.u32 $0x437FE000, v10;
	v8 =	vadd.f32 $2.568750000e+02, v8  }
0x125: {  	s16 =	sor.u32 s4, s6;
	s6 =	sor.u32 s4, s5;
	s10 =	sor.u32 $0x1, s3;
	v9 =	vmul.f32 v10, v9;
	v10 =	vadd.f32 $2.568750000e+02, v4;
	v4 =	vor.u32 $0x437FE000, v12  }
0x126: {  	s15 =	sor.u32 $0x2, s3;
	s17 =	sor.u32 $0x3, s3;
	s4 =	sor.u32 $0x5, s3;
	v16 =	vshll.u32 v15, $0x10;
	v4 =	vmul.f32 v4, v14;
	v8 =	vtrunc.f32 v8  }
0x127: {  	s14 =	sor.u32 $0x4, s3;
	s8 =	smul.u32 $0xAAAB, s3;
	s13 =	sand.u32 $0xFFFF, s4;
	v20 =	vor.u32 $0x1, v11;
	v14 =	vshll.u32 v15, $0x1F;
	v8 =	vcvt.f32.s32 v8  }
0x128: {  	s11 =	sor.u32 $0x7, s3;
	s18 =	sand.u32 $0xFFFF, s17;
	v22 =	vld [tilespmem:s7+$0xA470];
	s20 =	smul.u32 $0xAAAB, s13;
	v9 =	vadd.f32 $2.568750000e+02, v9;
	v14 =	vor.u32 $0x437FE000, v14;
	v4 =	vadd.f32 $2.568750000e+02, v4  }
0x129: {  	s26 =	sand.u32 $0xFFFF, s15;
	s9 =	sshrl.u32 s8, $0x14;
	s22 =	smul.u32 $0xAAAB, s18;
	v12 =	vshll.u32 v13, $0x1F;
	v14 =	vmul.f32 v14, v17;
	vm10 =	vgt.s32 v8, $0x0  }
0x12a: {  	s25 =	sshrl.u32 s8, $0x17;
	s18 =	smul.u32 $0xAAAB, s26;
	s26 =	sand.u32 $0xFFFF, s10;
	v9 =	vtrunc.f32 v9;
	v4 =	vtrunc.f32 v4;
	v8 =	vnsel vm10, $0x0, v8  }
0x12b: {  	s13 =	sshrl.u32 s20, $0x11;
	s22 =	sshrl.u32 s22, $0x11;
	s20 =	smul.u32 $0xAAAB, s26;
	v15 =	vcvt.f32.s32 v4;
	v4 =	vmin.u32 v8, $0x7FF;
	v8 =	vadd.f32 $2.568750000e+02, v14;
	v14 =	vld [tilespmem:s6+$0xEC60]  }
0x12c: {  	s26 =	sand.u32 $0xFFFF, s11;
	s18 =	sshrl.u32 s18, $0x11;
	s22 =	sand.u32 $0x18, s22;
	v16 =	vor.u32 $0x1, v16;
	v12 =	vor.u32 $0x437FE000, v12;
	v17 =	vld [tilespmem:s16+$0xEC00];
	v9 =	vcvt.f32.s32 v9  }
0x12d: {  	v18 =	vld [tilespmem:s6+$0xA460];
	v27 =	vtrunc.f32 v10;
	v12 =	vmul.f32 v12, v22;
	s6 =	sshrl.u32 s8, $0xD;
	s8 =	smul.u32 $0xC00, s25;
	s25 =	sand.u32 $0xFFFF, s14;
	vm12 =	vgt.s32 v15, $0x0  }
0x12e: {  	v19 =	vld [tilespmem:s16+$0xA400];
	s18 =	sand.u32 $0x18, s18;
	s16 =	sshrl.u32 s20, $0x11;
	vm11 =	vgt.s32 v9, $0x0;
	s20 =	smul.u32 $0xAAAB, s25;
	v8 =	vtrunc.f32 v8;
	v15 =	vnsel vm12, $0x0, v15  }
0x12f: {  	s17 =	sadd.s32 s22, s17;
	s22 =	smul.u32 $0xAAAB, s26;
	s15 =	sadd.s32 s18, s15;
	v4 =	vor.u32 v2, v4;
	v8 =	vcvt.f32.s32 v8;
	v15 =	vmin.u32 v15, $0x7FF  }
0x130: {  	s15 =	sshll.u32 s15, $0x7;
	s17 =	sshll.u32 s17, $0x7;
	v9 =	vnsel vm11, $0x0, v9;
	s26 =	sshrl.u32 s20, $0x11;
	v21 =	vor.u32 v2, v15;
	v11 =	vshll.u32 v14, $0x1F  }
0x131: {  	s15 =	sand.u32 $0xC00, s15;
	s17 =	sand.u32 $0xC00, s17;
	v15 =	vshll.u32 v17, $0x1F;
	s18 =	sand.u32 $0x18, s26;
	vm13 =	vgt.s32 v8, $0x0;
	v11 =	vor.u32 $0x437FE000, v11  }
0x132: {  	s6 =	sand.u32 $0x380, s6;
	s15 =	sadd.s32 s15, s8;
	v15 =	vor.u32 $0x437FE000, v15;
	s14 =	sadd.s32 s18, s14;
	v8 =	vnsel vm13, $0x0, v8;
	v11 =	vmul.f32 v11, v18  }
0x133: {  	s16 =	sand.u32 $0x18, s16;
	v9 =	vmin.u32 v9, $0x7FF;
	s20 =	sor.u32 s6, s15;
	v15 =	vmul.f32 v15, v19;
	s14 =	sshll.u32 s14, $0x7;
	v8 =	vmin.u32 v8, $0x7FF  }
0x134: {  	s25 =	sadd.s32 s17, s8;
	s26 =	sshrl.u32 s22, $0x11;
	v23 =	vld [tilespmem:s20+$0xA420];
	v19 =	vshll.u32 v14, $0x10;
	s14 =	sand.u32 $0xC00, s14;
	v18 =	vor.u32 v2, v8;
	v11 =	vadd.f32 $2.568750000e+02, v11  }
0x135: {  	s15 =	sor.u32 s6, s25;
	s18 =	sand.u32 $0x18, s26;
	v14 =	vadd.f32 $2.568750000e+02, v15;
	v15 =	vshll.u32 v13, $0x10;
	v13 =	vshll.u32 v5, $0x10;
	s14 =	sadd.s32 s14, s8;
	v5 =	vld [tilespmem:s20+$0xEC20]  }
0x136: {  	s10 =	sadd.s32 s16, s10;
	s7 =	sadd.s32 s18, s11;
	v26 =	vor.u32 $0x1, v19;
	v19 =	vld [tilespmem:s15+$0xA430];
	v8 =	vor.u32 $0x1, v7;
	s14 =	sor.u32 s6, s14;
	v7 =	vtrunc.f32 v11  }
0x137: {  	s5 =	sor.u32 $0x6, s3;
	s10 =	sshll.u32 s10, $0x7;
	s7 =	sshll.u32 s7, $0x7;
	v11 =	vtrunc.f32 v14;
	v14 =	vor.u32 $0x1, v6;
	v6 =	vld [tilespmem:s14+$0xEC40];
	v24 =	vcvt.f32.s32 v7  }
0x138: {  	s12 =	sand.u32 $0xFFFF, s5;
	s10 =	sand.u32 $0xC00, s10;
	v9 =	vor.u32 v2, v9;
	v17 =	vshll.u32 v17, $0x10;
	s7 =	sand.u32 $0xC00, s7;
	v13 =	vor.u32 $0x1, v13;
	v7 =	vld [tilespmem:s15+$0xEC30]  }
0x139: {  	s22 =	sand.u32 $0x18, s13;
	s20 =	smul.u32 $0xAAAB, s12;
	s7 =	sadd.s32 s7, s8;
	v25 =	vcvt.f32.s32 v11;
	v11 =	vor.u32 $0x1, v15;
	[tilespmem:v18+s1+$0x0] =	vst.idx.add.s32.msk $0xffff, v16;
	vm14 =	vgt.s32 v24, $0x0  }
0x13a: {  	s10 =	sadd.s32 s10, s8;
	s12 =	sadd.s32 s22, s4;
	s4 =	sor.u32 s6, s7;
	v15 =	vor.u32 $0x1, v17;
	v10 =	vshll.u32 v5, $0x1F;
	v17 =	vnsel vm14, $0x0, v24;
	v24 =	vld [tilespmem:s14+$0xA440]  }
0x13b: {  	s9 =	smul.u32 $0x18, s9;
	s10 =	sor.u32 s6, s10;
	s11 =	sshrl.u32 s20, $0x11;
	vm15 =	vgt.s32 v25, $0x0;
	v22 =	vor.u32 $0x437FE000, v10;
	v10 =	vld [tilespmem:s4+$0xEC70];
	v62 =	vmin.u32 v17, $0x7FF  }
0x13c: {  	s25 =	sshll.u32 s12, $0x7;
	s11 =	sand.u32 $0x18, s11;
	v25 =	vnsel vm15, $0x0, v25;
	v16 =	vmul.f32 v22, v23;
	v17 =	vld [tilespmem:s10+$0xEC10];
	v28 =	vor.u32 v2, v62  }
0x13d: {  	s9 =	ssub.s32 $0x8, s9;
	[tilespmem:v21+s1+$0x0] =	vst.idx.add.s32.msk $0xffff, v20;
	s7 =	sand.u32 $0xC00, s25;
	s5 =	sadd.s32 s11, s5;
	v23 =	vadd.f32 $2.568750000e+02, v12;
	v20 =	vshll.u32 v6, $0x1F;
	v25 =	vmin.u32 v25, $0x7FF  }
0x13e: {  	s9 =	sshll.u32 s9, $0x7;
	s7 =	sadd.s32 s7, s8;
	s5 =	sshll.u32 s5, $0x7;
	v63 =	vshll.u32 v7, $0x1F;
	v18 =	vor.u32 $0x437FE000, v20;
	v20 =	vld [tilespmem:s10+$0xA410];
	v12 =	vadd.f32 $2.568750000e+02, v16  }
0x13f: {  	s26 =	sand.u32 $0xFF80, s9;
	s13 =	sor.u32 s6, s7;
	s5 =	sand.u32 $0xC00, s5;
	v21 =	vor.u32 $0x437FE000, v63;
	v22 =	vmul.f32 v18, v24;
	v18 =	vor.u32 v2, v25  }
0x140: {  	s7 =	sadd.s32 s26, s8;
	s5 =	sadd.s32 s5, s8;
	v21 =	vmul.f32 v21, v19;
	v19 =	vld [tilespmem:s13+$0xEC50];
	v16 =	vshll.u32 v10, $0x1F;
	v24 =	vtrunc.f32 v23  }
0x141: {  	s12 =	sor.u32 s6, s7;
	s7 =	sor.u32 s6, s5;
	v23 =	vcvt.f32.s32 v27;
	v25 =	vshll.u32 v17, $0x1F;
	v24 =	vcvt.f32.s32 v24;
	[tilespmem:v28+s1+$0x0] =	vst.idx.add.s32.msk $0xffff, v26  }
.LBB2_6:
0x142: {  	s3 =	sadd.s32 $0x8, s3;
	v25 =	vor.u32 $0x437FE000, v25;
	v21 =	vadd.f32 $2.568750000e+02, v21;
	v22 =	vadd.f32 $2.568750000e+02, v22;
	[tilespmem:v9+s1+$0x0] =	vst.idx.add.s32.msk $0xffff, v14  }
0x143: {  	s6 =	sor.u32 $0x1, s3;
	s14 =	sor.u32 $0x2, s3;
	s15 =	sor.u32 $0x3, s3;
	v9 =	vmul.f32 v25, v20;
	v14 =	vld [tilespmem:s13+$0xA450];
	vm0 =	vgt.s32 v23, $0x0;
	vm1 =	vgt.s32 v24, $0x0  }
0x144: {  	s13 =	sor.u32 $0x4, s3;
	s8 =	sor.u32 $0x5, s3;
	s5 =	sor.u32 $0x6, s3;
	v20 =	vtrunc.f32 v22;
	[tilespmem:v18+s1+$0x0] =	vst.idx.add.s32.msk $0xffff, v15;
	v15 =	vnsel vm0, $0x0, v23;
	v18 =	vnsel vm1, $0x0, v24  }
0x145: {  	s16 =	smul.u32 $0xAAAB, s3;
	s9 =	sor.u32 $0x7, s3;
	s10 =	sand.u32 $0xFFFF, s8;
	v22 =	vshll.u32 v19, $0x1F;
	v15 =	vmin.u32 v15, $0x7FF;
	[tilespmem:v4+s1+$0x0] =	vst.idx.add.s32.msk $0xffff, v13;
	v4 =	vmin.u32 v18, $0x7FF  }
0x146: {  	s11 =	sand.u32 $0xFFFF, s15;
	s17 =	sand.u32 $0xFFFF, s5;
	s10 =	smul.u32 $0xAAAB, s10;
	v13 =	vcvt.f32.s32 v20;
	v15 =	vor.u32 v2, v15;
	v20 =	vor.u32 v2, v4  }
0x147: {  	s20 =	sand.u32 $0xFFFF, s14;
	s18 =	sshrl.u32 s16, $0x14;
	s22 =	smul.u32 $0xAAAB, s11;
	v18 =	vshll.u32 v19, $0x10;
	v4 =	vadd.f32 $2.568750000e+02, v9;
	v9 =	vor.u32 $0x437FE000, v22  }
0x148: {  	s25 =	sshrl.u32 s16, $0x17;
	s11 =	smul.u32 $0xAAAB, s17;
	v19 =	vtrunc.f32 v21;
	s10 =	sshrl.u32 s10, $0x11;
	vm0 =	vgt.s32 v13, $0x0;
	v9 =	vmul.f32 v9, v14;
	v14 =	vld [tilespmem:s7+$0xA460]  }
0x149: {  	s17 =	smul.u32 $0xAAAB, s20;
	v19 =	vcvt.f32.s32 v19;
	s20 =	sshrl.u32 s22, $0x11;
	s22 =	sand.u32 $0x18, s10;
	v4 =	vtrunc.f32 v4;
	v13 =	vnsel vm0, $0x0, v13;
	v21 =	vld [tilespmem:s12+$0xEC00]  }
0x14a: {  	s10 =	smul.u32 $0x18, s18;
	s18 =	sand.u32 $0xFFFF, s6;
	s8 =	sadd.s32 s22, s8;
	v22 =	vcvt.f32.s32 v4;
	v4 =	vmin.u32 v13, $0x7FF;
	v9 =	vadd.f32 $2.568750000e+02, v9;
	v13 =	vld [tilespmem:s7+$0xEC60]  }
0x14b: {  	v17 =	vshll.u32 v17, $0x10;
	vm0 =	vgt.s32 v19, $0x0;
	s18 =	smul.u32 $0xAAAB, s18;
	s22 =	sand.u32 $0xFFFF, s9;
	s8 =	sshll.u32 s8, $0x7;
	v4 =	vor.u32 v2, v4;
	[tilespmem:v20+s1+$0x0] =	vst.idx.add.s32.msk $0xffff, v11  }
0x14c: {  	s7 =	smul.u32 $0xC00, s25;
	s25 =	sshrl.u32 s16, $0xD;
	s16 =	sand.u32 $0xC00, s8;
	vm1 =	vgt.s32 v22, $0x0;
	v11 =	vnsel vm0, $0x0, v19;
	v9 =	vtrunc.f32 v9;
	[tilespmem:v15+s1+$0x0] =	vst.idx.add.s32.msk $0xffff, v8  }
0x14d: {  	s8 =	sand.u32 $0x380, s25;
	s18 =	sshrl.u32 s18, $0x11;
	s25 =	sand.u32 $0xFFFF, s13;
	v15 =	vnsel vm1, $0x0, v22;
	v11 =	vmin.u32 v11, $0x7FF;
	v8 =	vld [tilespmem:s12+$0xA400];
	v19 =	vcvt.f32.s32 v9  }
0x14e: {  	v17 =	vor.u32 $0x1, v17;
	s12 =	sshrl.u32 s17, $0x11;
	s17 =	sand.u32 $0x18, s20;
	s20 =	smul.u32 $0xAAAB, s25;
	v15 =	vmin.u32 v15, $0x7FF;
	v9 =	vor.u32 v2, v11  }
0x14f: {  	s12 =	sand.u32 $0x18, s12;
	s15 =	sadd.s32 s17, s15;
	s17 =	smul.u32 $0xAAAB, s22;
	v11 =	vor.u32 v2, v15;
	vm0 =	vgt.s32 v19, $0x0;
	v15 =	vshll.u32 v13, $0x1F  }
0x150: {  	s18 =	sand.u32 $0x18, s18;
	v20 =	vshll.u32 v21, $0x1F;
	s12 =	sadd.s32 s12, s14;
	s14 =	sshrl.u32 s20, $0x11;
	v19 =	vnsel vm0, $0x0, v19;
	v15 =	vor.u32 $0x437FE000, v15  }
0x151: {  	s15 =	sshll.u32 s15, $0x7;
	v20 =	vor.u32 $0x437FE000, v20;
	s12 =	sshll.u32 s12, $0x7;
	s14 =	sand.u32 $0x18, s14;
	v19 =	vmin.u32 v19, $0x7FF;
	v14 =	vmul.f32 v15, v14  }
0x152: {  	s12 =	sand.u32 $0xC00, s12;
	s13 =	sadd.s32 s14, s13;
	s14 =	sshrl.u32 s17, $0x11;
	v8 =	vmul.f32 v20, v8;
	v19 =	vor.u32 v2, v19;
	v20 =	vshll.u32 v13, $0x10  }
0x153: {  	v5 =	vshll.u32 v5, $0x10;
	s15 =	sand.u32 $0xC00, s15;
	v15 =	vshll.u32 v21, $0x10;
	s12 =	sadd.s32 s12, s7;
	s13 =	sshll.u32 s13, $0x7;
	v13 =	vadd.f32 $2.568750000e+02, v14;
	v21 =	vld [tilespmem:s4+$0xA470]  }
0x154: {  	v10 =	vshll.u32 v10, $0x10;
	s4 =	sor.u32 s8, s12;
	s12 =	sadd.s32 s15, s7;
	s13 =	sand.u32 $0xC00, s13;
	v14 =	vadd.f32 $2.568750000e+02, v8;
	[tilespmem:v11+s1+$0x0] =	vst.idx.add.s32.msk $0xffff, v17;
	v8 =	vor.u32 $0x1, v5  }
0x155: {  	v7 =	vshll.u32 v7, $0x10;
	v6 =	vshll.u32 v6, $0x10;
	s15 =	sadd.s32 s16, s7;
	s12 =	sor.u32 s8, s12;
	s13 =	sadd.s32 s13, s7;
	v22 =	vld [tilespmem:s4+$0xA420];
	v11 =	vtrunc.f32 v13  }
0x156: {  	s6 =	sadd.s32 s18, s6;
	s14 =	sand.u32 $0x18, s14;
	v5 =	vld [tilespmem:s4+$0xEC20];
	s4 =	sor.u32 s8, s13;
	v13 =	vtrunc.f32 v14;
	v14 =	vor.u32 $0x1, v7;
	v17 =	vcvt.f32.s32 v11  }
0x157: {  	s6 =	sshll.u32 s6, $0x7;
	s9 =	sadd.s32 s14, s9;
	s13 =	sor.u32 s8, s15;
	v11 =	vor.u32 $0x1, v10;
	v7 =	vld [tilespmem:s12+$0xEC30];
	v23 =	vcvt.f32.s32 v13;
	v13 =	vor.u32 $0x1, v6  }
0x158: {  	s11 =	sshrl.u32 s11, $0x11;
	s6 =	sand.u32 $0xC00, s6;
	v15 =	vor.u32 $0x1, v15;
	v24 =	vor.u32 $0x1, v20;
	s9 =	sshll.u32 s9, $0x7;
	v6 =	vld [tilespmem:s4+$0xEC40];
	vm0 =	vgt.s32 v17, $0x0  }
0x159: {  	v16 =	vor.u32 $0x437FE000, v16;
	s11 =	sand.u32 $0x18, s11;
	s6 =	sadd.s32 s6, s7;
	s9 =	sand.u32 $0xC00, s9;
	v25 =	vld [tilespmem:s12+$0xA430];
	vm1 =	vgt.s32 v23, $0x0;
	v10 =	vnsel vm0, $0x0, v17  }
0x15a: {  	s10 =	ssub.s32 s3, s10;
	s6 =	sor.u32 s8, s6;
	v26 =	vld [tilespmem:s4+$0xA440];
	s4 =	sadd.s32 s9, s7;
	v20 =	vnsel vm1, $0x0, v23;
	v23 =	vtrunc.f32 v12;
	v12 =	vmin.u32 v10, $0x7FF  }
0x15b: {  	v18 =	vor.u32 $0x1, v18;
	s5 =	sadd.s32 s11, s5;
	v16 =	vmul.f32 v16, v21;
	s9 =	sshll.u32 s10, $0x7;
	v17 =	vld [tilespmem:s6+$0xEC10];
	v10 =	vshll.u32 v5, $0x1F;
	s4 =	sor.u32 s8, s4  }
0x15c: {  	p1 =	slt.u32 s3, $0x238;
	s5 =	sshll.u32 s5, $0x7;
	s9 =	sand.u32 $0xFF80, s9;
	v28 =	vor.u32 v2, v12;
	v21 =	vor.u32 $0x437FE000, v10;
	v27 =	vshll.u32 v7, $0x1F;
	v10 =	vld [tilespmem:s4+$0xEC70]  }
.Ltmp4:
0x15d: {  	s5 =	sand.u32 $0xC00, s5;
	v29 =	vmin.u32 v20, $0x7FF;
	s9 =	sadd.s32 s9, s7;
	v12 =	vor.u32 $0x437FE000, v27;
	v27 =	vshll.u32 v6, $0x1F;
	[tilespmem:v19+s1+$0x0] =	vst.idx.add.s32.msk $0xffff, v18;
	(pc) =	sbr.rel @p1 .LBB2_6-.Ltmp4, $4  }
0x15e: {  	s5 =	sadd.s32 s5, s7;
	v16 =	vadd.f32 $2.568750000e+02, v16;
	s12 =	sor.u32 s8, s9;
	v19 =	vmul.f32 v21, v22;
	v20 =	vld [tilespmem:s6+$0xA410];
	v18 =	vor.u32 $0x437FE000, v27  }
0x15f: {  	s7 =	sor.u32 s8, s5;
	v21 =	vmul.f32 v12, v25;
	v22 =	vmul.f32 v18, v26;
	v18 =	vor.u32 v2, v29  }
0x160: {  	v12 =	vadd.f32 $2.568750000e+02, v19;
	v26 =	vtrunc.f32 v16;
	v25 =	vshll.u32 v17, $0x1F;
	v19 =	vld [tilespmem:s13+$0xEC50]  }
0x161: {  	v23 =	vcvt.f32.s32 v23;
	v16 =	vshll.u32 v10, $0x1F;
	[tilespmem:v28+s1+$0x0] =	vst.idx.add.s32.msk $0xffff, v24;
	v24 =	vcvt.f32.s32 v26  }
0x162: {  	v25 =	vor.u32 $0x437FE000, v25  }
0x163: {  	v22 =	vadd.f32 $2.568750000e+02, v22;
	v16 =	vor.u32 $0x437FE000, v16;
	v21 =	vadd.f32 $2.568750000e+02, v21  }
0x164: {  	v12 =	vtrunc.f32 v12;
	v7 =	vshll.u32 v7, $0x10;
	v6 =	vshll.u32 v6, $0x10  }
0x165: {  	v26 =	vld [tilespmem:s13+$0xA450];
	v20 =	vmul.f32 v25, v20;
	vm0 =	vgt.s32 v23, $0x0;
	vm14 =	vgt.s32 v24, $0x0  }
0x166: {  	v27 =	vld [tilespmem:s7+$0xEC60];
	v12 =	vcvt.f32.s32 v12;
	v7 =	vor.u32 $0x1, v7;
	v23 =	vnsel vm0, $0x0, v23  }
0x167: {  	v28 =	vld [tilespmem:s12+$0xEC00];
	v22 =	vtrunc.f32 v22;
	v24 =	vnsel vm14, $0x0, v24;
	v21 =	vtrunc.f32 v21  }
0x168: {  	v31 =	vld [tilespmem:s4+$0xA470];
	v25 =	vshll.u32 v19, $0x1F;
	v23 =	vmin.u32 v23, $0x7FF;
	v22 =	vcvt.f32.s32 v22  }
0x169: {  	v24 =	vmin.u32 v24, $0x7FF;
	v20 =	vadd.f32 $2.568750000e+02, v20;
	v21 =	vcvt.f32.s32 v21  }
0x16a: {  	v29 =	vld [tilespmem:s7+$0xA460];
	v19 =	vshll.u32 v19, $0x10;
	vm9 =	vgt.s32 v12, $0x0;
	v25 =	vor.u32 $0x437FE000, v25  }
0x16b: {  	v23 =	vor.u32 v2, v23;
	v24 =	vor.u32 v2, v24;
	v12 =	vnsel vm9, $0x0, v12  }
0x16c: {  	v30 =	vld [tilespmem:s12+$0xA400];
	v32 =	vshll.u32 v27, $0x1F;
	v33 =	vshll.u32 v28, $0x1F;
	v25 =	vmul.f32 v25, v26  }
0x16d: {  	v16 =	vmul.f32 v16, v31;
	vm15 =	vgt.s32 v22, $0x0;
	v20 =	vtrunc.f32 v20  }
0x16e: {  	vm4 =	vgt.s32 v21, $0x0;
	v27 =	vshll.u32 v27, $0x10;
	v32 =	vor.u32 $0x437FE000, v32  }
0x16f: {  	v61 =	vor.u32 $0x437FE000, v33;
	v22 =	vnsel vm15, $0x0, v22;
	v26 =	vmul.f32 v32, v29  }
0x170: {  	v20 =	vcvt.f32.s32 v20;
	v21 =	vnsel vm4, $0x0, v21;
	v25 =	vadd.f32 $2.568750000e+02, v25  }
0x171: {  	v29 =	vmul.f32 v61, v30;
	v22 =	vmin.u32 v22, $0x7FF;
	v26 =	vadd.f32 $2.568750000e+02, v26  }
0x172: {  	v21 =	vmin.u32 v21, $0x7FF;
	v16 =	vadd.f32 $2.568750000e+02, v16;
	v25 =	vtrunc.f32 v25  }
0x173: {  	v22 =	vor.u32 v2, v22;
	v25 =	vcvt.f32.s32 v25;
	v26 =	vtrunc.f32 v26  }
0x174: {  	vm5 =	vgt.s32 v20, $0x0;
	v29 =	vadd.f32 $2.568750000e+02, v29;
	v26 =	vcvt.f32.s32 v26  }
0x175: {  	[tilespmem:v9+s1+$0x0] =	vst.idx.add.s32.msk $0xffff, v14;
	v21 =	vor.u32 v2, v21;
	v14 =	vtrunc.f32 v16;
	vm6 =	vgt.s32 v25, $0x0  }
0x176: {  	v29 =	vtrunc.f32 v29;
	v25 =	vnsel vm6, $0x0, v25;
	vm7 =	vgt.s32 v26, $0x0  }
0x177: {  	v29 =	vcvt.f32.s32 v29;
	v25 =	vmin.u32 v25, $0x7FF;
	v9 =	vnsel vm7, $0x0, v26  }
0x178: {  	[tilespmem:v18+s1+$0x0] =	vst.idx.add.s32.msk $0xffff, v15;
	v14 =	vcvt.f32.s32 v14;
	v25 =	vor.u32 v2, v25;
	v9 =	vmin.u32 v9, $0x7FF  }
0x179: {  	[tilespmem:v4+s1+$0x0] =	vst.idx.add.s32.msk $0xffff, v13;
	v20 =	vnsel vm5, $0x0, v20;
	vm1 =	vgt.s32 v29, $0x0;
	v9 =	vor.u32 v2, v9  }
0x17a: {  	s17 =	simm.s32 $0x0;
	[tilespmem:v24+s1+$0x0] =	vst.idx.add.s32.msk $0xffff, v11;
	v20 =	vmin.u32 v20, $0x7FF;
	vm8 =	vgt.s32 v14, $0x0;
	v4 =	vnsel vm1, $0x0, v29  }
0x17b: {  	s7 =	sor.u32 $0x1, s17;
	s10 =	sor.u32 $0x5, s17;
	[tilespmem:v23+s1+$0x0] =	vst.idx.add.s32.msk $0xffff, v8;
	v20 =	vor.u32 v2, v20;
	v8 =	vnsel vm8, $0x0, v14;
	v4 =	vmin.u32 v4, $0x7FF  }
0x17c: {  	s9 =	sor.u32 $0x3, s17;
	s6 =	smul.u32 $0xAAAB, s17;
	s5 =	sand.u32 $0xFFFF, s10;
	v11 =	vor.u32 $0x1, v19;
	[tilespmem:v21+s1+$0x0] =	vst.idx.add.s32.msk $0xffff, v7;
	v8 =	vmin.u32 v8, $0x7FF;
	v4 =	vor.u32 v2, v4  }
0x17d: {  	s8 =	sor.u32 $0x2, s17;
	s18 =	sand.u32 $0xFFFF, s9;
	s5 =	smul.u32 $0xAAAB, s5;
	v13 =	vor.u32 $0x1, v27;
	v8 =	vor.u32 v2, v8;
	[tilespmem:v25+s1+$0x0] =	vst.idx.add.s32.msk $0xffff, v11;
	v11 =	vmin.u32 v12, $0x7FF  }
0x17e: {  	v17 =	vshll.u32 v17, $0x10;
	v6 =	vor.u32 $0x1, v6;
	s11 =	sor.u32 $0x4, s17;
	s14 =	sand.u32 $0xFFFF, s8;
	s12 =	smul.u32 $0xAAAB, s18;
	[tilespmem:v9+s1+$0x0] =	vst.idx.add.s32.msk $0xffff, v13;
	v9 =	vor.u32 v2, v11  }
0x17f: {  	v17 =	vor.u32 $0x1, v17;
	s13 =	sor.u32 $0x7, s17;
	s22 =	sand.u32 $0xFFFF, s7;
	s14 =	smul.u32 $0xAAAB, s14;
	[tilespmem:v22+s1+$0x0] =	vst.idx.add.s32.msk $0xffff, v6;
	v12 =	vshll.u32 v28, $0x10  }
0x180: {  	s26 =	sand.u32 $0xFFFF, s11;
	s15 =	sshrl.u32 s6, $0x17;
	s18 =	smul.u32 $0xAAAB, s22;
	v7 =	vshll.u32 v10, $0x10;
	[tilespmem:v20+s1+$0x0] =	vst.idx.add.s32.msk $0xffff, v17;
	v11 =	vor.u32 $0x1, v12  }
0x181: {  	s25 =	sshrl.u32 s6, $0xD;
	s12 =	sshrl.u32 s12, $0x11;
	s14 =	sshrl.u32 s14, $0x11;
	[tilespmem:v4+s1+$0x0] =	vst.idx.add.s32.msk $0xffff, v11;
	v4 =	vshll.u32 v5, $0x10;
	v5 =	vor.u32 $0x1, v7  }
0x182: {  	s4 =	sand.u32 $0x380, s25;
	s12 =	sand.u32 $0x18, s12;
	s14 =	sand.u32 $0x18, s14;
	v4 =	vor.u32 $0x1, v4;
	[tilespmem:v8+s1+$0x0] =	vst.idx.add.s32.msk $0xffff, v5  }
0x183: {  	s18 =	sshrl.u32 s18, $0x11;
	s9 =	sadd.s32 s12, s9;
	s8 =	sadd.s32 s14, s8;
	[tilespmem:v9+s1+$0x0] =	vst.idx.add.s32.msk $0xffff, v4  }
0x184: {  	s8 =	sshll.u32 s8, $0x7;
	s9 =	sshll.u32 s9, $0x7;
	s3 =	rddreg [dreg:$0xc]  }
0x185: {  	[tilespmem:s29], [sflag:$0x2] =	stream.linear.gather [hbm4b:s3+s1], $0x2400, $0x38;
	[tilespmem:$0x14080] =	vst v63  }
0x186: {  	s3 =	sor.u32 $0x6, s17;
	s17 =	sshrl.u32 s5, $0x11;
	s5 =	smul.u32 $0xC00, s15  }
0x187: {  	s8 =	sand.u32 $0xC00, s8;
	s16 =	rddreg [dreg:$0xd];
	s15 =	smul.u32 $0xAAAB, s26  }
0x188: {  	[tilespmem:s30], [sflag:$0x4] =	stream.linear.gather [hbm4b:s16+s1], $0x2400, $0x38;
	[tilespmem:$0x14080] =	vst v63  }
0x189: {  	s9 =	sand.u32 $0xC00, s9;
	s26 =	sand.u32 $0x18, s18;
	_ =	swait.ge [sflag:s24], $0x2400  }
0x18a: {  	s20 =	sand.u32 $0xFFFF, s3;
	s22 =	sshrl.u32 s15, $0x11;
	[sflag:s24] =	ssyncset.done $0x0  }
0x18b: {  	s7 =	sadd.s32 s26, s7;
	s12 =	sand.u32 $0x18, s22;
	[sflag:s24] =	ssyncadd.s32 $0xFFFFDC00  }
0x18c: {  	s16 =	smul.u32 $0xAAAB, s20;
	s11 =	sadd.s32 s12, s11;
	_ =	swait.ge [sflag:s31], $0x2400  }
0x18d: {  	s8 =	sadd.s32 s8, s5;
	s11 =	sshll.u32 s11, $0x7;
	[sflag:s31] =	ssyncset.done $0x0  }
0x18e: {  	s8 =	sor.u32 s4, s8;
	s11 =	sand.u32 $0xC00, s11;
	[sflag:s31] =	ssyncadd.s32 $0xFFFFDC00  }
0x18f: {  	s20 =	sand.u32 $0xFFFF, s13;
	s9 =	sadd.s32 s9, s5;
	s11 =	sadd.s32 s11, s5;
	v4 =	vld [tilespmem:s8+$0x8020]  }
0x190: {  	s7 =	sshll.u32 s7, $0x7;
	s25 =	smul.u32 $0xAAAB, s20;
	s18 =	sor.u32 s4, s11;
	v7 =	vld [tilespmem:s8+$0xC820]  }
0x191: {  	s9 =	sor.u32 s4, s9;
	s22 =	sand.u32 $0x18, s17;
	s7 =	sand.u32 $0xC00, s7;
	v5 =	vld [tilespmem:s18+$0xC840]  }
0x192: {  	s6 =	sshrl.u32 s6, $0x14;
	s10 =	sadd.s32 s22, s10;
	s7 =	sadd.s32 s7, s5;
	v6 =	vld [tilespmem:s9+$0xC830]  }
0x193: {  	s14 =	sshrl.u32 s25, $0x11;
	s25 =	sshll.u32 s10, $0x7;
	s26 =	sor.u32 s4, s7;
	v8 =	vld [tilespmem:s18+$0x8040]  }
0x194: {  	s6 =	smul.u32 $0x18, s6;
	s20 =	sand.u32 $0x18, s14;
	s8 =	sand.u32 $0xC00, s25;
	v11 =	vld [tilespmem:s26+$0xC810]  }
0x195: {  	s12 =	sshrl.u32 s16, $0x11;
	s11 =	sadd.s32 s20, s13;
	v9 =	vld [tilespmem:s9+$0x8030];
	s8 =	sadd.s32 s8, s5  }
0x196: {  	s10 =	sand.u32 $0x18, s12;
	s11 =	sshll.u32 s11, $0x7;
	v14 =	vld [tilespmem:s26+$0x8010];
	s8 =	sor.u32 s4, s8;
	v10 =	vshll.u32 v5, $0x1F  }
0x197: {  	s6 =	ssub.s32 $0x0, s6;
	s3 =	sadd.s32 s10, s3;
	s11 =	sand.u32 $0xC00, s11;
	v15 =	vld [tilespmem:s8+$0xC850];
	v12 =	vshll.u32 v7, $0x1F;
	v7 =	vshll.u32 v7, $0x10;
	v10 =	vor.u32 $0x437FE000, v10  }
0x198: {  	s6 =	sshll.u32 s6, $0x7;
	s3 =	sshll.u32 s3, $0x7;
	s11 =	sadd.s32 s11, s5;
	v12 =	vor.u32 $0x437FE000, v12;
	v8 =	vmul.f32 v10, v8;
	v10 =	vshll.u32 v6, $0x1F  }
0x199: {  	s6 =	sand.u32 $0xFF80, s6;
	s3 =	sand.u32 $0xC00, s3;
	s7 =	sor.u32 s4, s11;
	v17 =	vld [tilespmem:s8+$0x8050];
	v4 =	vmul.f32 v12, v4;
	v12 =	vshll.u32 v11, $0x1F;
	v11 =	vshll.u32 v11, $0x10  }
0x19a: {  	s6 =	sadd.s32 s6, s5;
	s5 =	sadd.s32 s3, s5;
	s3 =	simm.s32 $0x8;
	v13 =	vld [tilespmem:s7+$0xC870];
	v6 =	vshll.u32 v6, $0x10;
	v10 =	vor.u32 $0x437FE000, v10;
	v8 =	vadd.f32 $2.568750000e+02, v8  }
0x19b: {  	s16 =	sor.u32 s4, s6;
	s6 =	sor.u32 s4, s5;
	s10 =	sor.u32 $0x1, s3;
	v9 =	vmul.f32 v10, v9;
	v10 =	vadd.f32 $2.568750000e+02, v4;
	v4 =	vor.u32 $0x437FE000, v12  }
0x19c: {  	s15 =	sor.u32 $0x2, s3;
	s17 =	sor.u32 $0x3, s3;
	s4 =	sor.u32 $0x5, s3;
	v16 =	vshll.u32 v15, $0x10;
	v4 =	vmul.f32 v4, v14;
	v8 =	vtrunc.f32 v8  }
0x19d: {  	s14 =	sor.u32 $0x4, s3;
	s8 =	smul.u32 $0xAAAB, s3;
	s13 =	sand.u32 $0xFFFF, s4;
	v20 =	vor.u32 $0x1, v11;
	v14 =	vshll.u32 v15, $0x1F;
	v8 =	vcvt.f32.s32 v8  }
0x19e: {  	s11 =	sor.u32 $0x7, s3;
	s18 =	sand.u32 $0xFFFF, s17;
	v22 =	vld [tilespmem:s7+$0x8070];
	s20 =	smul.u32 $0xAAAB, s13;
	v9 =	vadd.f32 $2.568750000e+02, v9;
	v14 =	vor.u32 $0x437FE000, v14;
	v4 =	vadd.f32 $2.568750000e+02, v4  }
0x19f: {  	s26 =	sand.u32 $0xFFFF, s15;
	s9 =	sshrl.u32 s8, $0x14;
	s22 =	smul.u32 $0xAAAB, s18;
	v12 =	vshll.u32 v13, $0x1F;
	v14 =	vmul.f32 v14, v17;
	vm10 =	vgt.s32 v8, $0x0  }
0x1a0: {  	s25 =	sshrl.u32 s8, $0x17;
	s18 =	smul.u32 $0xAAAB, s26;
	s26 =	sand.u32 $0xFFFF, s10;
	v9 =	vtrunc.f32 v9;
	v4 =	vtrunc.f32 v4;
	v8 =	vnsel vm10, $0x0, v8  }
0x1a1: {  	s13 =	sshrl.u32 s20, $0x11;
	s22 =	sshrl.u32 s22, $0x11;
	s20 =	smul.u32 $0xAAAB, s26;
	v15 =	vcvt.f32.s32 v4;
	v4 =	vmin.u32 v8, $0x7FF;
	v8 =	vadd.f32 $2.568750000e+02, v14;
	v14 =	vld [tilespmem:s6+$0xC860]  }
0x1a2: {  	s26 =	sand.u32 $0xFFFF, s11;
	s18 =	sshrl.u32 s18, $0x11;
	s22 =	sand.u32 $0x18, s22;
	v16 =	vor.u32 $0x1, v16;
	v12 =	vor.u32 $0x437FE000, v12;
	v17 =	vld [tilespmem:s16+$0xC800];
	v9 =	vcvt.f32.s32 v9  }
0x1a3: {  	v18 =	vld [tilespmem:s6+$0x8060];
	v27 =	vtrunc.f32 v10;
	v12 =	vmul.f32 v12, v22;
	s6 =	sshrl.u32 s8, $0xD;
	s8 =	smul.u32 $0xC00, s25;
	s25 =	sand.u32 $0xFFFF, s14;
	vm12 =	vgt.s32 v15, $0x0  }
0x1a4: {  	v19 =	vld [tilespmem:s16+$0x8000];
	s18 =	sand.u32 $0x18, s18;
	s16 =	sshrl.u32 s20, $0x11;
	vm11 =	vgt.s32 v9, $0x0;
	s20 =	smul.u32 $0xAAAB, s25;
	v8 =	vtrunc.f32 v8;
	v15 =	vnsel vm12, $0x0, v15  }
0x1a5: {  	s17 =	sadd.s32 s22, s17;
	s22 =	smul.u32 $0xAAAB, s26;
	s15 =	sadd.s32 s18, s15;
	v4 =	vor.u32 v2, v4;
	v8 =	vcvt.f32.s32 v8;
	v15 =	vmin.u32 v15, $0x7FF  }
0x1a6: {  	s15 =	sshll.u32 s15, $0x7;
	s17 =	sshll.u32 s17, $0x7;
	v9 =	vnsel vm11, $0x0, v9;
	s26 =	sshrl.u32 s20, $0x11;
	v21 =	vor.u32 v2, v15;
	v11 =	vshll.u32 v14, $0x1F  }
0x1a7: {  	s15 =	sand.u32 $0xC00, s15;
	s17 =	sand.u32 $0xC00, s17;
	v15 =	vshll.u32 v17, $0x1F;
	s18 =	sand.u32 $0x18, s26;
	vm13 =	vgt.s32 v8, $0x0;
	v11 =	vor.u32 $0x437FE000, v11  }
0x1a8: {  	s6 =	sand.u32 $0x380, s6;
	s15 =	sadd.s32 s15, s8;
	v15 =	vor.u32 $0x437FE000, v15;
	s14 =	sadd.s32 s18, s14;
	v8 =	vnsel vm13, $0x0, v8;
	v11 =	vmul.f32 v11, v18  }
0x1a9: {  	s16 =	sand.u32 $0x18, s16;
	v9 =	vmin.u32 v9, $0x7FF;
	s20 =	sor.u32 s6, s15;
	v15 =	vmul.f32 v15, v19;
	s14 =	sshll.u32 s14, $0x7;
	v8 =	vmin.u32 v8, $0x7FF  }
0x1aa: {  	s25 =	sadd.s32 s17, s8;
	s26 =	sshrl.u32 s22, $0x11;
	v23 =	vld [tilespmem:s20+$0x8020];
	v19 =	vshll.u32 v14, $0x10;
	s14 =	sand.u32 $0xC00, s14;
	v18 =	vor.u32 v2, v8;
	v11 =	vadd.f32 $2.568750000e+02, v11  }
0x1ab: {  	s15 =	sor.u32 s6, s25;
	s18 =	sand.u32 $0x18, s26;
	v14 =	vadd.f32 $2.568750000e+02, v15;
	v15 =	vshll.u32 v13, $0x10;
	v13 =	vshll.u32 v5, $0x10;
	s14 =	sadd.s32 s14, s8;
	v5 =	vld [tilespmem:s20+$0xC820]  }
0x1ac: {  	s10 =	sadd.s32 s16, s10;
	s7 =	sadd.s32 s18, s11;
	v26 =	vor.u32 $0x1, v19;
	v19 =	vld [tilespmem:s15+$0x8030];
	v8 =	vor.u32 $0x1, v7;
	s14 =	sor.u32 s6, s14;
	v7 =	vtrunc.f32 v11  }
0x1ad: {  	s5 =	sor.u32 $0x6, s3;
	s10 =	sshll.u32 s10, $0x7;
	s7 =	sshll.u32 s7, $0x7;
	v11 =	vtrunc.f32 v14;
	v14 =	vor.u32 $0x1, v6;
	v6 =	vld [tilespmem:s14+$0xC840];
	v24 =	vcvt.f32.s32 v7  }
0x1ae: {  	s12 =	sand.u32 $0xFFFF, s5;
	s10 =	sand.u32 $0xC00, s10;
	v9 =	vor.u32 v2, v9;
	v17 =	vshll.u32 v17, $0x10;
	s7 =	sand.u32 $0xC00, s7;
	v13 =	vor.u32 $0x1, v13;
	v7 =	vld [tilespmem:s15+$0xC830]  }
0x1af: {  	s22 =	sand.u32 $0x18, s13;
	s20 =	smul.u32 $0xAAAB, s12;
	s7 =	sadd.s32 s7, s8;
	v25 =	vcvt.f32.s32 v11;
	v11 =	vor.u32 $0x1, v15;
	[tilespmem:v18+s1+$0x0] =	vst.idx.add.s32.msk $0xffff, v16;
	vm14 =	vgt.s32 v24, $0x0  }
0x1b0: {  	s10 =	sadd.s32 s10, s8;
	s12 =	sadd.s32 s22, s4;
	s4 =	sor.u32 s6, s7;
	v15 =	vor.u32 $0x1, v17;
	v10 =	vshll.u32 v5, $0x1F;
	v17 =	vnsel vm14, $0x0, v24;
	v24 =	vld [tilespmem:s14+$0x8040]  }
0x1b1: {  	s9 =	smul.u32 $0x18, s9;
	s10 =	sor.u32 s6, s10;
	s11 =	sshrl.u32 s20, $0x11;
	vm15 =	vgt.s32 v25, $0x0;
	v22 =	vor.u32 $0x437FE000, v10;
	v10 =	vld [tilespmem:s4+$0xC870];
	v62 =	vmin.u32 v17, $0x7FF  }
0x1b2: {  	s25 =	sshll.u32 s12, $0x7;
	s11 =	sand.u32 $0x18, s11;
	v25 =	vnsel vm15, $0x0, v25;
	v16 =	vmul.f32 v22, v23;
	v17 =	vld [tilespmem:s10+$0xC810];
	v28 =	vor.u32 v2, v62  }
0x1b3: {  	s9 =	ssub.s32 $0x8, s9;
	[tilespmem:v21+s1+$0x0] =	vst.idx.add.s32.msk $0xffff, v20;
	s7 =	sand.u32 $0xC00, s25;
	s5 =	sadd.s32 s11, s5;
	v23 =	vadd.f32 $2.568750000e+02, v12;
	v20 =	vshll.u32 v6, $0x1F;
	v25 =	vmin.u32 v25, $0x7FF  }
0x1b4: {  	s9 =	sshll.u32 s9, $0x7;
	s7 =	sadd.s32 s7, s8;
	s5 =	sshll.u32 s5, $0x7;
	v63 =	vshll.u32 v7, $0x1F;
	v18 =	vor.u32 $0x437FE000, v20;
	v20 =	vld [tilespmem:s10+$0x8010];
	v12 =	vadd.f32 $2.568750000e+02, v16  }
0x1b5: {  	s26 =	sand.u32 $0xFF80, s9;
	s13 =	sor.u32 s6, s7;
	s5 =	sand.u32 $0xC00, s5;
	v21 =	vor.u32 $0x437FE000, v63;
	v22 =	vmul.f32 v18, v24;
	v18 =	vor.u32 v2, v25  }
0x1b6: {  	s7 =	sadd.s32 s26, s8;
	s5 =	sadd.s32 s5, s8;
	v21 =	vmul.f32 v21, v19;
	v19 =	vld [tilespmem:s13+$0xC850];
	v16 =	vshll.u32 v10, $0x1F;
	v24 =	vtrunc.f32 v23  }
0x1b7: {  	s12 =	sor.u32 s6, s7;
	s7 =	sor.u32 s6, s5;
	v23 =	vcvt.f32.s32 v27;
	v25 =	vshll.u32 v17, $0x1F;
	v24 =	vcvt.f32.s32 v24;
	[tilespmem:v28+s1+$0x0] =	vst.idx.add.s32.msk $0xffff, v26  }
.LBB2_8:
0x1b8: {  	s3 =	sadd.s32 $0x8, s3;
	v25 =	vor.u32 $0x437FE000, v25;
	v21 =	vadd.f32 $2.568750000e+02, v21;
	v22 =	vadd.f32 $2.568750000e+02, v22;
	[tilespmem:v9+s1+$0x0] =	vst.idx.add.s32.msk $0xffff, v14  }
0x1b9: {  	s6 =	sor.u32 $0x1, s3;
	s14 =	sor.u32 $0x2, s3;
	s15 =	sor.u32 $0x3, s3;
	v9 =	vmul.f32 v25, v20;
	v14 =	vld [tilespmem:s13+$0x8050];
	vm0 =	vgt.s32 v23, $0x0;
	vm1 =	vgt.s32 v24, $0x0  }
0x1ba: {  	s13 =	sor.u32 $0x4, s3;
	s8 =	sor.u32 $0x5, s3;
	s5 =	sor.u32 $0x6, s3;
	v20 =	vtrunc.f32 v22;
	[tilespmem:v18+s1+$0x0] =	vst.idx.add.s32.msk $0xffff, v15;
	v15 =	vnsel vm0, $0x0, v23;
	v18 =	vnsel vm1, $0x0, v24  }
0x1bb: {  	s16 =	smul.u32 $0xAAAB, s3;
	s9 =	sor.u32 $0x7, s3;
	s10 =	sand.u32 $0xFFFF, s8;
	v22 =	vshll.u32 v19, $0x1F;
	v15 =	vmin.u32 v15, $0x7FF;
	[tilespmem:v4+s1+$0x0] =	vst.idx.add.s32.msk $0xffff, v13;
	v4 =	vmin.u32 v18, $0x7FF  }
0x1bc: {  	s11 =	sand.u32 $0xFFFF, s15;
	s17 =	sand.u32 $0xFFFF, s5;
	s10 =	smul.u32 $0xAAAB, s10;
	v13 =	vcvt.f32.s32 v20;
	v15 =	vor.u32 v2, v15;
	v20 =	vor.u32 v2, v4  }
0x1bd: {  	s20 =	sand.u32 $0xFFFF, s14;
	s18 =	sshrl.u32 s16, $0x14;
	s22 =	smul.u32 $0xAAAB, s11;
	v18 =	vshll.u32 v19, $0x10;
	v4 =	vadd.f32 $2.568750000e+02, v9;
	v9 =	vor.u32 $0x437FE000, v22  }
0x1be: {  	s25 =	sshrl.u32 s16, $0x17;
	s11 =	smul.u32 $0xAAAB, s17;
	v19 =	vtrunc.f32 v21;
	s10 =	sshrl.u32 s10, $0x11;
	vm0 =	vgt.s32 v13, $0x0;
	v9 =	vmul.f32 v9, v14;
	v14 =	vld [tilespmem:s7+$0x8060]  }
0x1bf: {  	s17 =	smul.u32 $0xAAAB, s20;
	v19 =	vcvt.f32.s32 v19;
	s20 =	sshrl.u32 s22, $0x11;
	s22 =	sand.u32 $0x18, s10;
	v4 =	vtrunc.f32 v4;
	v13 =	vnsel vm0, $0x0, v13;
	v21 =	vld [tilespmem:s12+$0xC800]  }
0x1c0: {  	s10 =	smul.u32 $0x18, s18;
	s18 =	sand.u32 $0xFFFF, s6;
	s8 =	sadd.s32 s22, s8;
	v22 =	vcvt.f32.s32 v4;
	v4 =	vmin.u32 v13, $0x7FF;
	v9 =	vadd.f32 $2.568750000e+02, v9;
	v13 =	vld [tilespmem:s7+$0xC860]  }
0x1c1: {  	v17 =	vshll.u32 v17, $0x10;
	vm0 =	vgt.s32 v19, $0x0;
	s18 =	smul.u32 $0xAAAB, s18;
	s22 =	sand.u32 $0xFFFF, s9;
	s8 =	sshll.u32 s8, $0x7;
	v4 =	vor.u32 v2, v4;
	[tilespmem:v20+s1+$0x0] =	vst.idx.add.s32.msk $0xffff, v11  }
0x1c2: {  	s7 =	smul.u32 $0xC00, s25;
	s25 =	sshrl.u32 s16, $0xD;
	s16 =	sand.u32 $0xC00, s8;
	vm1 =	vgt.s32 v22, $0x0;
	v11 =	vnsel vm0, $0x0, v19;
	v9 =	vtrunc.f32 v9;
	[tilespmem:v15+s1+$0x0] =	vst.idx.add.s32.msk $0xffff, v8  }
0x1c3: {  	s8 =	sand.u32 $0x380, s25;
	s18 =	sshrl.u32 s18, $0x11;
	s25 =	sand.u32 $0xFFFF, s13;
	v15 =	vnsel vm1, $0x0, v22;
	v11 =	vmin.u32 v11, $0x7FF;
	v8 =	vld [tilespmem:s12+$0x8000];
	v19 =	vcvt.f32.s32 v9  }
0x1c4: {  	v17 =	vor.u32 $0x1, v17;
	s12 =	sshrl.u32 s17, $0x11;
	s17 =	sand.u32 $0x18, s20;
	s20 =	smul.u32 $0xAAAB, s25;
	v15 =	vmin.u32 v15, $0x7FF;
	v9 =	vor.u32 v2, v11  }
0x1c5: {  	s12 =	sand.u32 $0x18, s12;
	s15 =	sadd.s32 s17, s15;
	s17 =	smul.u32 $0xAAAB, s22;
	v11 =	vor.u32 v2, v15;
	vm0 =	vgt.s32 v19, $0x0;
	v15 =	vshll.u32 v13, $0x1F  }
0x1c6: {  	s18 =	sand.u32 $0x18, s18;
	v20 =	vshll.u32 v21, $0x1F;
	s12 =	sadd.s32 s12, s14;
	s14 =	sshrl.u32 s20, $0x11;
	v19 =	vnsel vm0, $0x0, v19;
	v15 =	vor.u32 $0x437FE000, v15  }
0x1c7: {  	s15 =	sshll.u32 s15, $0x7;
	v20 =	vor.u32 $0x437FE000, v20;
	s12 =	sshll.u32 s12, $0x7;
	s14 =	sand.u32 $0x18, s14;
	v19 =	vmin.u32 v19, $0x7FF;
	v14 =	vmul.f32 v15, v14  }
0x1c8: {  	s12 =	sand.u32 $0xC00, s12;
	s13 =	sadd.s32 s14, s13;
	s14 =	sshrl.u32 s17, $0x11;
	v8 =	vmul.f32 v20, v8;
	v19 =	vor.u32 v2, v19;
	v20 =	vshll.u32 v13, $0x10  }
0x1c9: {  	v5 =	vshll.u32 v5, $0x10;
	s15 =	sand.u32 $0xC00, s15;
	v15 =	vshll.u32 v21, $0x10;
	s12 =	sadd.s32 s12, s7;
	s13 =	sshll.u32 s13, $0x7;
	v13 =	vadd.f32 $2.568750000e+02, v14;
	v21 =	vld [tilespmem:s4+$0x8070]  }
0x1ca: {  	v10 =	vshll.u32 v10, $0x10;
	s4 =	sor.u32 s8, s12;
	s12 =	sadd.s32 s15, s7;
	s13 =	sand.u32 $0xC00, s13;
	v14 =	vadd.f32 $2.568750000e+02, v8;
	[tilespmem:v11+s1+$0x0] =	vst.idx.add.s32.msk $0xffff, v17;
	v8 =	vor.u32 $0x1, v5  }
0x1cb: {  	v7 =	vshll.u32 v7, $0x10;
	v6 =	vshll.u32 v6, $0x10;
	s15 =	sadd.s32 s16, s7;
	s12 =	sor.u32 s8, s12;
	s13 =	sadd.s32 s13, s7;
	v22 =	vld [tilespmem:s4+$0x8020];
	v11 =	vtrunc.f32 v13  }
0x1cc: {  	s6 =	sadd.s32 s18, s6;
	s14 =	sand.u32 $0x18, s14;
	v5 =	vld [tilespmem:s4+$0xC820];
	s4 =	sor.u32 s8, s13;
	v13 =	vtrunc.f32 v14;
	v14 =	vor.u32 $0x1, v7;
	v17 =	vcvt.f32.s32 v11  }
0x1cd: {  	s6 =	sshll.u32 s6, $0x7;
	s9 =	sadd.s32 s14, s9;
	s13 =	sor.u32 s8, s15;
	v11 =	vor.u32 $0x1, v10;
	v7 =	vld [tilespmem:s12+$0xC830];
	v23 =	vcvt.f32.s32 v13;
	v13 =	vor.u32 $0x1, v6  }
0x1ce: {  	s11 =	sshrl.u32 s11, $0x11;
	s6 =	sand.u32 $0xC00, s6;
	v15 =	vor.u32 $0x1, v15;
	v24 =	vor.u32 $0x1, v20;
	s9 =	sshll.u32 s9, $0x7;
	v6 =	vld [tilespmem:s4+$0xC840];
	vm0 =	vgt.s32 v17, $0x0  }
0x1cf: {  	v16 =	vor.u32 $0x437FE000, v16;
	s11 =	sand.u32 $0x18, s11;
	s6 =	sadd.s32 s6, s7;
	s9 =	sand.u32 $0xC00, s9;
	v25 =	vld [tilespmem:s12+$0x8030];
	vm1 =	vgt.s32 v23, $0x0;
	v10 =	vnsel vm0, $0x0, v17  }
0x1d0: {  	s10 =	ssub.s32 s3, s10;
	s6 =	sor.u32 s8, s6;
	v26 =	vld [tilespmem:s4+$0x8040];
	s4 =	sadd.s32 s9, s7;
	v20 =	vnsel vm1, $0x0, v23;
	v23 =	vtrunc.f32 v12;
	v12 =	vmin.u32 v10, $0x7FF  }
0x1d1: {  	v18 =	vor.u32 $0x1, v18;
	s5 =	sadd.s32 s11, s5;
	v16 =	vmul.f32 v16, v21;
	s9 =	sshll.u32 s10, $0x7;
	v17 =	vld [tilespmem:s6+$0xC810];
	v10 =	vshll.u32 v5, $0x1F;
	s4 =	sor.u32 s8, s4  }
0x1d2: {  	p1 =	slt.u32 s3, $0x238;
	s5 =	sshll.u32 s5, $0x7;
	s9 =	sand.u32 $0xFF80, s9;
	v28 =	vor.u32 v2, v12;
	v21 =	vor.u32 $0x437FE000, v10;
	v27 =	vshll.u32 v7, $0x1F;
	v10 =	vld [tilespmem:s4+$0xC870]  }
.Ltmp5:
0x1d3: {  	s5 =	sand.u32 $0xC00, s5;
	v29 =	vmin.u32 v20, $0x7FF;
	s9 =	sadd.s32 s9, s7;
	v12 =	vor.u32 $0x437FE000, v27;
	v27 =	vshll.u32 v6, $0x1F;
	[tilespmem:v19+s1+$0x0] =	vst.idx.add.s32.msk $0xffff, v18;
	(pc) =	sbr.rel @p1 .LBB2_8-.Ltmp5, $4  }
0x1d4: {  	s5 =	sadd.s32 s5, s7;
	v16 =	vadd.f32 $2.568750000e+02, v16;
	s12 =	sor.u32 s8, s9;
	v19 =	vmul.f32 v21, v22;
	v20 =	vld [tilespmem:s6+$0x8010];
	v18 =	vor.u32 $0x437FE000, v27  }
0x1d5: {  	s7 =	sor.u32 s8, s5;
	v21 =	vmul.f32 v12, v25;
	v22 =	vmul.f32 v18, v26;
	v18 =	vor.u32 v2, v29  }
0x1d6: {  	v12 =	vadd.f32 $2.568750000e+02, v19;
	v26 =	vtrunc.f32 v16;
	v25 =	vshll.u32 v17, $0x1F;
	v19 =	vld [tilespmem:s13+$0xC850]  }
0x1d7: {  	v23 =	vcvt.f32.s32 v23;
	v16 =	vshll.u32 v10, $0x1F;
	[tilespmem:v28+s1+$0x0] =	vst.idx.add.s32.msk $0xffff, v24;
	v24 =	vcvt.f32.s32 v26  }
0x1d8: {  	v25 =	vor.u32 $0x437FE000, v25  }
0x1d9: {  	v22 =	vadd.f32 $2.568750000e+02, v22;
	v16 =	vor.u32 $0x437FE000, v16;
	v21 =	vadd.f32 $2.568750000e+02, v21  }
0x1da: {  	v12 =	vtrunc.f32 v12;
	v7 =	vshll.u32 v7, $0x10;
	v6 =	vshll.u32 v6, $0x10  }
0x1db: {  	v26 =	vld [tilespmem:s13+$0x8050];
	v20 =	vmul.f32 v25, v20;
	vm0 =	vgt.s32 v23, $0x0;
	vm14 =	vgt.s32 v24, $0x0  }
0x1dc: {  	v27 =	vld [tilespmem:s7+$0xC860];
	v12 =	vcvt.f32.s32 v12;
	v7 =	vor.u32 $0x1, v7;
	v23 =	vnsel vm0, $0x0, v23  }
0x1dd: {  	v28 =	vld [tilespmem:s12+$0xC800];
	v22 =	vtrunc.f32 v22;
	v24 =	vnsel vm14, $0x0, v24;
	v21 =	vtrunc.f32 v21  }
0x1de: {  	v31 =	vld [tilespmem:s4+$0x8070];
	v25 =	vshll.u32 v19, $0x1F;
	v23 =	vmin.u32 v23, $0x7FF;
	v22 =	vcvt.f32.s32 v22  }
0x1df: {  	v24 =	vmin.u32 v24, $0x7FF;
	v20 =	vadd.f32 $2.568750000e+02, v20;
	v21 =	vcvt.f32.s32 v21  }
0x1e0: {  	v29 =	vld [tilespmem:s7+$0x8060];
	v19 =	vshll.u32 v19, $0x10;
	vm9 =	vgt.s32 v12, $0x0;
	v25 =	vor.u32 $0x437FE000, v25  }
0x1e1: {  	v23 =	vor.u32 v2, v23;
	v24 =	vor.u32 v2, v24;
	v12 =	vnsel vm9, $0x0, v12  }
0x1e2: {  	v30 =	vld [tilespmem:s12+$0x8000];
	v32 =	vshll.u32 v27, $0x1F;
	v33 =	vshll.u32 v28, $0x1F;
	v25 =	vmul.f32 v25, v26  }
0x1e3: {  	v16 =	vmul.f32 v16, v31;
	vm15 =	vgt.s32 v22, $0x0;
	v20 =	vtrunc.f32 v20  }
0x1e4: {  	vm4 =	vgt.s32 v21, $0x0;
	v27 =	vshll.u32 v27, $0x10;
	v32 =	vor.u32 $0x437FE000, v32  }
0x1e5: {  	v61 =	vor.u32 $0x437FE000, v33;
	v22 =	vnsel vm15, $0x0, v22;
	v26 =	vmul.f32 v32, v29  }
0x1e6: {  	v20 =	vcvt.f32.s32 v20;
	v21 =	vnsel vm4, $0x0, v21;
	v25 =	vadd.f32 $2.568750000e+02, v25  }
0x1e7: {  	v29 =	vmul.f32 v61, v30;
	v22 =	vmin.u32 v22, $0x7FF;
	v26 =	vadd.f32 $2.568750000e+02, v26  }
0x1e8: {  	v21 =	vmin.u32 v21, $0x7FF;
	v16 =	vadd.f32 $2.568750000e+02, v16;
	v25 =	vtrunc.f32 v25  }
0x1e9: {  	v22 =	vor.u32 v2, v22;
	v25 =	vcvt.f32.s32 v25;
	v26 =	vtrunc.f32 v26  }
0x1ea: {  	vm5 =	vgt.s32 v20, $0x0;
	v29 =	vadd.f32 $2.568750000e+02, v29;
	v26 =	vcvt.f32.s32 v26  }
0x1eb: {  	[tilespmem:v9+s1+$0x0] =	vst.idx.add.s32.msk $0xffff, v14;
	v21 =	vor.u32 v2, v21;
	v14 =	vtrunc.f32 v16;
	vm6 =	vgt.s32 v25, $0x0  }
0x1ec: {  	v29 =	vtrunc.f32 v29;
	v25 =	vnsel vm6, $0x0, v25;
	vm7 =	vgt.s32 v26, $0x0  }
0x1ed: {  	v29 =	vcvt.f32.s32 v29;
	v25 =	vmin.u32 v25, $0x7FF;
	v9 =	vnsel vm7, $0x0, v26  }
0x1ee: {  	[tilespmem:v18+s1+$0x0] =	vst.idx.add.s32.msk $0xffff, v15;
	v14 =	vcvt.f32.s32 v14;
	v25 =	vor.u32 v2, v25;
	v9 =	vmin.u32 v9, $0x7FF  }
0x1ef: {  	[tilespmem:v4+s1+$0x0] =	vst.idx.add.s32.msk $0xffff, v13;
	v20 =	vnsel vm5, $0x0, v20;
	vm1 =	vgt.s32 v29, $0x0;
	v9 =	vor.u32 v2, v9  }
0x1f0: {  	s17 =	simm.s32 $0x0;
	[tilespmem:v24+s1+$0x0] =	vst.idx.add.s32.msk $0xffff, v11;
	v20 =	vmin.u32 v20, $0x7FF;
	vm8 =	vgt.s32 v14, $0x0;
	v4 =	vnsel vm1, $0x0, v29  }
0x1f1: {  	s7 =	sor.u32 $0x1, s17;
	s10 =	sor.u32 $0x5, s17;
	[tilespmem:v23+s1+$0x0] =	vst.idx.add.s32.msk $0xffff, v8;
	v20 =	vor.u32 v2, v20;
	v8 =	vnsel vm8, $0x0, v14;
	v4 =	vmin.u32 v4, $0x7FF  }
0x1f2: {  	s9 =	sor.u32 $0x3, s17;
	s6 =	smul.u32 $0xAAAB, s17;
	s5 =	sand.u32 $0xFFFF, s10;
	v11 =	vor.u32 $0x1, v19;
	[tilespmem:v21+s1+$0x0] =	vst.idx.add.s32.msk $0xffff, v7;
	v8 =	vmin.u32 v8, $0x7FF;
	v4 =	vor.u32 v2, v4  }
0x1f3: {  	s8 =	sor.u32 $0x2, s17;
	s18 =	sand.u32 $0xFFFF, s9;
	s5 =	smul.u32 $0xAAAB, s5;
	v13 =	vor.u32 $0x1, v27;
	v8 =	vor.u32 v2, v8;
	[tilespmem:v25+s1+$0x0] =	vst.idx.add.s32.msk $0xffff, v11;
	v11 =	vmin.u32 v12, $0x7FF  }
0x1f4: {  	v17 =	vshll.u32 v17, $0x10;
	v6 =	vor.u32 $0x1, v6;
	s11 =	sor.u32 $0x4, s17;
	s14 =	sand.u32 $0xFFFF, s8;
	s12 =	smul.u32 $0xAAAB, s18;
	[tilespmem:v9+s1+$0x0] =	vst.idx.add.s32.msk $0xffff, v13;
	v9 =	vor.u32 v2, v11  }
0x1f5: {  	v17 =	vor.u32 $0x1, v17;
	s13 =	sor.u32 $0x7, s17;
	s22 =	sand.u32 $0xFFFF, s7;
	s14 =	smul.u32 $0xAAAB, s14;
	[tilespmem:v22+s1+$0x0] =	vst.idx.add.s32.msk $0xffff, v6;
	v12 =	vshll.u32 v28, $0x10  }
0x1f6: {  	s26 =	sand.u32 $0xFFFF, s11;
	s15 =	sshrl.u32 s6, $0x17;
	s18 =	smul.u32 $0xAAAB, s22;
	v7 =	vshll.u32 v10, $0x10;
	[tilespmem:v20+s1+$0x0] =	vst.idx.add.s32.msk $0xffff, v17;
	v11 =	vor.u32 $0x1, v12  }
0x1f7: {  	s25 =	sshrl.u32 s6, $0xD;
	s12 =	sshrl.u32 s12, $0x11;
	s14 =	sshrl.u32 s14, $0x11;
	[tilespmem:v4+s1+$0x0] =	vst.idx.add.s32.msk $0xffff, v11;
	v4 =	vshll.u32 v5, $0x10;
	v5 =	vor.u32 $0x1, v7  }
0x1f8: {  	s4 =	sand.u32 $0x380, s25;
	s12 =	sand.u32 $0x18, s12;
	s14 =	sand.u32 $0x18, s14;
	v4 =	vor.u32 $0x1, v4;
	[tilespmem:v8+s1+$0x0] =	vst.idx.add.s32.msk $0xffff, v5  }
0x1f9: {  	s18 =	sshrl.u32 s18, $0x11;
	s9 =	sadd.s32 s12, s9;
	s8 =	sadd.s32 s14, s8;
	[tilespmem:v9+s1+$0x0] =	vst.idx.add.s32.msk $0xffff, v4  }
0x1fa: {  	s8 =	sshll.u32 s8, $0x7;
	s9 =	sshll.u32 s9, $0x7;
	s3 =	rddreg [dreg:$0xe]  }
0x1fb: {  	[tilespmem:s23], [sflag:$0x1] =	stream.linear.gather [hbm4b:s3+s1], $0x2400, $0x38;
	[tilespmem:$0x14080] =	vst v63  }
0x1fc: {  	s3 =	sor.u32 $0x6, s17;
	s17 =	sshrl.u32 s5, $0x11;
	s5 =	smul.u32 $0xC00, s15  }
0x1fd: {  	s8 =	sand.u32 $0xC00, s8;
	s16 =	rddreg [dreg:$0xf];
	s15 =	smul.u32 $0xAAAB, s26  }
0x1fe: {  	[tilespmem:s28], [sflag:$0x3] =	stream.linear.gather [hbm4b:s16+s1], $0x2400, $0x38;
	[tilespmem:$0x14080] =	vst v63  }
0x1ff: {  	s9 =	sand.u32 $0xC00, s9;
	s26 =	sand.u32 $0x18, s18;
	_ =	swait.ge [sflag:s19], $0x2400  }
0x200: {  	s20 =	sand.u32 $0xFFFF, s3;
	s22 =	sshrl.u32 s15, $0x11;
	[sflag:s19] =	ssyncset.done $0x0  }
0x201: {  	s7 =	sadd.s32 s26, s7;
	s12 =	sand.u32 $0x18, s22;
	[sflag:s19] =	ssyncadd.s32 $0xFFFFDC00  }
0x202: {  	s16 =	smul.u32 $0xAAAB, s20;
	s11 =	sadd.s32 s12, s11;
	_ =	swait.ge [sflag:s0], $0x2400  }
0x203: {  	s8 =	sadd.s32 s8, s5;
	s11 =	sshll.u32 s11, $0x7;
	[sflag:s0] =	ssyncset.done $0x0  }
0x204: {  	s8 =	sor.u32 s4, s8;
	s11 =	sand.u32 $0xC00, s11;
	[sflag:s0] =	ssyncadd.s32 $0xFFFFDC00  }
0x205: {  	s20 =	sand.u32 $0xFFFF, s13;
	s9 =	sadd.s32 s9, s5;
	s11 =	sadd.s32 s11, s5;
	v4 =	vld [tilespmem:s8+$0xA420]  }
0x206: {  	s7 =	sshll.u32 s7, $0x7;
	s25 =	smul.u32 $0xAAAB, s20;
	s18 =	sor.u32 s4, s11;
	v7 =	vld [tilespmem:s8+$0xEC20]  }
0x207: {  	s9 =	sor.u32 s4, s9;
	s22 =	sand.u32 $0x18, s17;
	s7 =	sand.u32 $0xC00, s7;
	v5 =	vld [tilespmem:s18+$0xEC40]  }
0x208: {  	s6 =	sshrl.u32 s6, $0x14;
	s10 =	sadd.s32 s22, s10;
	s7 =	sadd.s32 s7, s5;
	v6 =	vld [tilespmem:s9+$0xEC30]  }
0x209: {  	s14 =	sshrl.u32 s25, $0x11;
	s25 =	sshll.u32 s10, $0x7;
	s26 =	sor.u32 s4, s7;
	v8 =	vld [tilespmem:s18+$0xA440]  }
0x20a: {  	s6 =	smul.u32 $0x18, s6;
	s20 =	sand.u32 $0x18, s14;
	s8 =	sand.u32 $0xC00, s25;
	v11 =	vld [tilespmem:s26+$0xEC10]  }
0x20b: {  	s12 =	sshrl.u32 s16, $0x11;
	s11 =	sadd.s32 s20, s13;
	v9 =	vld [tilespmem:s9+$0xA430];
	s8 =	sadd.s32 s8, s5  }
0x20c: {  	s10 =	sand.u32 $0x18, s12;
	s11 =	sshll.u32 s11, $0x7;
	v14 =	vld [tilespmem:s26+$0xA410];
	s8 =	sor.u32 s4, s8;
	v10 =	vshll.u32 v5, $0x1F  }
0x20d: {  	s6 =	ssub.s32 $0x0, s6;
	s3 =	sadd.s32 s10, s3;
	s11 =	sand.u32 $0xC00, s11;
	v15 =	vld [tilespmem:s8+$0xEC50];
	v12 =	vshll.u32 v7, $0x1F;
	v7 =	vshll.u32 v7, $0x10;
	v10 =	vor.u32 $0x437FE000, v10  }
0x20e: {  	s6 =	sshll.u32 s6, $0x7;
	s3 =	sshll.u32 s3, $0x7;
	s11 =	sadd.s32 s11, s5;
	v12 =	vor.u32 $0x437FE000, v12;
	v8 =	vmul.f32 v10, v8;
	v10 =	vshll.u32 v6, $0x1F  }
0x20f: {  	s6 =	sand.u32 $0xFF80, s6;
	s3 =	sand.u32 $0xC00, s3;
	s7 =	sor.u32 s4, s11;
	v17 =	vld [tilespmem:s8+$0xA450];
	v4 =	vmul.f32 v12, v4;
	v12 =	vshll.u32 v11, $0x1F;
	v11 =	vshll.u32 v11, $0x10  }
0x210: {  	s6 =	sadd.s32 s6, s5;
	s5 =	sadd.s32 s3, s5;
	s3 =	simm.s32 $0x8;
	v13 =	vld [tilespmem:s7+$0xEC70];
	v6 =	vshll.u32 v6, $0x10;
	v10 =	vor.u32 $0x437FE000, v10;
	v8 =	vadd.f32 $2.568750000e+02, v8  }
0x211: {  	s16 =	sor.u32 s4, s6;
	s6 =	sor.u32 s4, s5;
	s10 =	sor.u32 $0x1, s3;
	v9 =	vmul.f32 v10, v9;
	v10 =	vadd.f32 $2.568750000e+02, v4;
	v4 =	vor.u32 $0x437FE000, v12  }
0x212: {  	s15 =	sor.u32 $0x2, s3;
	s17 =	sor.u32 $0x3, s3;
	s4 =	sor.u32 $0x5, s3;
	v16 =	vshll.u32 v15, $0x10;
	v4 =	vmul.f32 v4, v14;
	v8 =	vtrunc.f32 v8  }
0x213: {  	s14 =	sor.u32 $0x4, s3;
	s8 =	smul.u32 $0xAAAB, s3;
	s13 =	sand.u32 $0xFFFF, s4;
	v20 =	vor.u32 $0x1, v11;
	v14 =	vshll.u32 v15, $0x1F;
	v8 =	vcvt.f32.s32 v8  }
0x214: {  	s11 =	sor.u32 $0x7, s3;
	s18 =	sand.u32 $0xFFFF, s17;
	v22 =	vld [tilespmem:s7+$0xA470];
	s20 =	smul.u32 $0xAAAB, s13;
	v9 =	vadd.f32 $2.568750000e+02, v9;
	v14 =	vor.u32 $0x437FE000, v14;
	v4 =	vadd.f32 $2.568750000e+02, v4  }
0x215: {  	s26 =	sand.u32 $0xFFFF, s15;
	s9 =	sshrl.u32 s8, $0x14;
	s22 =	smul.u32 $0xAAAB, s18;
	v12 =	vshll.u32 v13, $0x1F;
	v14 =	vmul.f32 v14, v17;
	vm10 =	vgt.s32 v8, $0x0  }
0x216: {  	s25 =	sshrl.u32 s8, $0x17;
	s18 =	smul.u32 $0xAAAB, s26;
	s26 =	sand.u32 $0xFFFF, s10;
	v9 =	vtrunc.f32 v9;
	v4 =	vtrunc.f32 v4;
	v8 =	vnsel vm10, $0x0, v8  }
0x217: {  	s13 =	sshrl.u32 s20, $0x11;
	s22 =	sshrl.u32 s22, $0x11;
	s20 =	smul.u32 $0xAAAB, s26;
	v15 =	vcvt.f32.s32 v4;
	v4 =	vmin.u32 v8, $0x7FF;
	v8 =	vadd.f32 $2.568750000e+02, v14;
	v14 =	vld [tilespmem:s6+$0xEC60]  }
0x218: {  	s26 =	sand.u32 $0xFFFF, s11;
	s18 =	sshrl.u32 s18, $0x11;
	s22 =	sand.u32 $0x18, s22;
	v16 =	vor.u32 $0x1, v16;
	v12 =	vor.u32 $0x437FE000, v12;
	v17 =	vld [tilespmem:s16+$0xEC00];
	v9 =	vcvt.f32.s32 v9  }
0x219: {  	v18 =	vld [tilespmem:s6+$0xA460];
	v27 =	vtrunc.f32 v10;
	v12 =	vmul.f32 v12, v22;
	s6 =	sshrl.u32 s8, $0xD;
	s8 =	smul.u32 $0xC00, s25;
	s25 =	sand.u32 $0xFFFF, s14;
	vm12 =	vgt.s32 v15, $0x0  }
0x21a: {  	v19 =	vld [tilespmem:s16+$0xA400];
	s18 =	sand.u32 $0x18, s18;
	s16 =	sshrl.u32 s20, $0x11;
	vm11 =	vgt.s32 v9, $0x0;
	s20 =	smul.u32 $0xAAAB, s25;
	v8 =	vtrunc.f32 v8;
	v15 =	vnsel vm12, $0x0, v15  }
0x21b: {  	s17 =	sadd.s32 s22, s17;
	s22 =	smul.u32 $0xAAAB, s26;
	s15 =	sadd.s32 s18, s15;
	v4 =	vor.u32 v2, v4;
	v8 =	vcvt.f32.s32 v8;
	v15 =	vmin.u32 v15, $0x7FF  }
0x21c: {  	s15 =	sshll.u32 s15, $0x7;
	s17 =	sshll.u32 s17, $0x7;
	v9 =	vnsel vm11, $0x0, v9;
	s26 =	sshrl.u32 s20, $0x11;
	v21 =	vor.u32 v2, v15;
	v11 =	vshll.u32 v14, $0x1F  }
0x21d: {  	s15 =	sand.u32 $0xC00, s15;
	s17 =	sand.u32 $0xC00, s17;
	v15 =	vshll.u32 v17, $0x1F;
	s18 =	sand.u32 $0x18, s26;
	vm13 =	vgt.s32 v8, $0x0;
	v11 =	vor.u32 $0x437FE000, v11  }
0x21e: {  	s6 =	sand.u32 $0x380, s6;
	s15 =	sadd.s32 s15, s8;
	v15 =	vor.u32 $0x437FE000, v15;
	s14 =	sadd.s32 s18, s14;
	v8 =	vnsel vm13, $0x0, v8;
	v11 =	vmul.f32 v11, v18  }
0x21f: {  	s16 =	sand.u32 $0x18, s16;
	v9 =	vmin.u32 v9, $0x7FF;
	s20 =	sor.u32 s6, s15;
	v15 =	vmul.f32 v15, v19;
	s14 =	sshll.u32 s14, $0x7;
	v8 =	vmin.u32 v8, $0x7FF  }
0x220: {  	s25 =	sadd.s32 s17, s8;
	s26 =	sshrl.u32 s22, $0x11;
	v23 =	vld [tilespmem:s20+$0xA420];
	v19 =	vshll.u32 v14, $0x10;
	s14 =	sand.u32 $0xC00, s14;
	v18 =	vor.u32 v2, v8;
	v11 =	vadd.f32 $2.568750000e+02, v11  }
0x221: {  	s15 =	sor.u32 s6, s25;
	s18 =	sand.u32 $0x18, s26;
	v14 =	vadd.f32 $2.568750000e+02, v15;
	v15 =	vshll.u32 v13, $0x10;
	v13 =	vshll.u32 v5, $0x10;
	s14 =	sadd.s32 s14, s8;
	v5 =	vld [tilespmem:s20+$0xEC20]  }
0x222: {  	s10 =	sadd.s32 s16, s10;
	s7 =	sadd.s32 s18, s11;
	v26 =	vor.u32 $0x1, v19;
	v19 =	vld [tilespmem:s15+$0xA430];
	v8 =	vor.u32 $0x1, v7;
	s14 =	sor.u32 s6, s14;
	v7 =	vtrunc.f32 v11  }
0x223: {  	s5 =	sor.u32 $0x6, s3;
	s10 =	sshll.u32 s10, $0x7;
	s7 =	sshll.u32 s7, $0x7;
	v11 =	vtrunc.f32 v14;
	v14 =	vor.u32 $0x1, v6;
	v6 =	vld [tilespmem:s14+$0xEC40];
	v24 =	vcvt.f32.s32 v7  }
0x224: {  	s12 =	sand.u32 $0xFFFF, s5;
	s10 =	sand.u32 $0xC00, s10;
	v9 =	vor.u32 v2, v9;
	v17 =	vshll.u32 v17, $0x10;
	s7 =	sand.u32 $0xC00, s7;
	v13 =	vor.u32 $0x1, v13;
	v7 =	vld [tilespmem:s15+$0xEC30]  }
0x225: {  	s22 =	sand.u32 $0x18, s13;
	s20 =	smul.u32 $0xAAAB, s12;
	s7 =	sadd.s32 s7, s8;
	v25 =	vcvt.f32.s32 v11;
	v11 =	vor.u32 $0x1, v15;
	[tilespmem:v18+s1+$0x0] =	vst.idx.add.s32.msk $0xffff, v16;
	vm14 =	vgt.s32 v24, $0x0  }
0x226: {  	s10 =	sadd.s32 s10, s8;
	s12 =	sadd.s32 s22, s4;
	s4 =	sor.u32 s6, s7;
	v15 =	vor.u32 $0x1, v17;
	v10 =	vshll.u32 v5, $0x1F;
	v17 =	vnsel vm14, $0x0, v24;
	v24 =	vld [tilespmem:s14+$0xA440]  }
0x227: {  	s9 =	smul.u32 $0x18, s9;
	s10 =	sor.u32 s6, s10;
	s11 =	sshrl.u32 s20, $0x11;
	vm15 =	vgt.s32 v25, $0x0;
	v22 =	vor.u32 $0x437FE000, v10;
	v10 =	vld [tilespmem:s4+$0xEC70];
	v62 =	vmin.u32 v17, $0x7FF  }
0x228: {  	s25 =	sshll.u32 s12, $0x7;
	s11 =	sand.u32 $0x18, s11;
	v25 =	vnsel vm15, $0x0, v25;
	v16 =	vmul.f32 v22, v23;
	v17 =	vld [tilespmem:s10+$0xEC10];
	v28 =	vor.u32 v2, v62  }
0x229: {  	s9 =	ssub.s32 $0x8, s9;
	[tilespmem:v21+s1+$0x0] =	vst.idx.add.s32.msk $0xffff, v20;
	s7 =	sand.u32 $0xC00, s25;
	s5 =	sadd.s32 s11, s5;
	v23 =	vadd.f32 $2.568750000e+02, v12;
	v20 =	vshll.u32 v6, $0x1F;
	v25 =	vmin.u32 v25, $0x7FF  }
0x22a: {  	s9 =	sshll.u32 s9, $0x7;
	s7 =	sadd.s32 s7, s8;
	s5 =	sshll.u32 s5, $0x7;
	v63 =	vshll.u32 v7, $0x1F;
	v18 =	vor.u32 $0x437FE000, v20;
	v20 =	vld [tilespmem:s10+$0xA410];
	v12 =	vadd.f32 $2.568750000e+02, v16  }
0x22b: {  	s26 =	sand.u32 $0xFF80, s9;
	s13 =	sor.u32 s6, s7;
	s5 =	sand.u32 $0xC00, s5;
	v21 =	vor.u32 $0x437FE000, v63;
	v22 =	vmul.f32 v18, v24;
	v18 =	vor.u32 v2, v25  }
0x22c: {  	s7 =	sadd.s32 s26, s8;
	s5 =	sadd.s32 s5, s8;
	v21 =	vmul.f32 v21, v19;
	v19 =	vld [tilespmem:s13+$0xEC50];
	v16 =	vshll.u32 v10, $0x1F;
	v24 =	vtrunc.f32 v23  }
0x22d: {  	s12 =	sor.u32 s6, s7;
	s7 =	sor.u32 s6, s5;
	v23 =	vcvt.f32.s32 v27;
	v25 =	vshll.u32 v17, $0x1F;
	v24 =	vcvt.f32.s32 v24;
	[tilespmem:v28+s1+$0x0] =	vst.idx.add.s32.msk $0xffff, v26  }
.LBB2_10:
0x22e: {  	s3 =	sadd.s32 $0x8, s3;
	v25 =	vor.u32 $0x437FE000, v25;
	v21 =	vadd.f32 $2.568750000e+02, v21;
	v22 =	vadd.f32 $2.568750000e+02, v22;
	[tilespmem:v9+s1+$0x0] =	vst.idx.add.s32.msk $0xffff, v14  }
0x22f: {  	s6 =	sor.u32 $0x1, s3;
	s14 =	sor.u32 $0x2, s3;
	s15 =	sor.u32 $0x3, s3;
	v9 =	vmul.f32 v25, v20;
	v14 =	vld [tilespmem:s13+$0xA450];
	vm0 =	vgt.s32 v23, $0x0;
	vm1 =	vgt.s32 v24, $0x0  }
0x230: {  	s13 =	sor.u32 $0x4, s3;
	s8 =	sor.u32 $0x5, s3;
	s5 =	sor.u32 $0x6, s3;
	v20 =	vtrunc.f32 v22;
	[tilespmem:v18+s1+$0x0] =	vst.idx.add.s32.msk $0xffff, v15;
	v15 =	vnsel vm0, $0x0, v23;
	v18 =	vnsel vm1, $0x0, v24  }
0x231: {  	s16 =	smul.u32 $0xAAAB, s3;
	s9 =	sor.u32 $0x7, s3;
	s10 =	sand.u32 $0xFFFF, s8;
	v22 =	vshll.u32 v19, $0x1F;
	v15 =	vmin.u32 v15, $0x7FF;
	[tilespmem:v4+s1+$0x0] =	vst.idx.add.s32.msk $0xffff, v13;
	v4 =	vmin.u32 v18, $0x7FF  }
0x232: {  	s11 =	sand.u32 $0xFFFF, s15;
	s17 =	sand.u32 $0xFFFF, s5;
	s10 =	smul.u32 $0xAAAB, s10;
	v13 =	vcvt.f32.s32 v20;
	v15 =	vor.u32 v2, v15;
	v20 =	vor.u32 v2, v4  }
0x233: {  	s20 =	sand.u32 $0xFFFF, s14;
	s18 =	sshrl.u32 s16, $0x14;
	s22 =	smul.u32 $0xAAAB, s11;
	v18 =	vshll.u32 v19, $0x10;
	v4 =	vadd.f32 $2.568750000e+02, v9;
	v9 =	vor.u32 $0x437FE000, v22  }
0x234: {  	s25 =	sshrl.u32 s16, $0x17;
	s11 =	smul.u32 $0xAAAB, s17;
	v19 =	vtrunc.f32 v21;
	s10 =	sshrl.u32 s10, $0x11;
	vm0 =	vgt.s32 v13, $0x0;
	v9 =	vmul.f32 v9, v14;
	v14 =	vld [tilespmem:s7+$0xA460]  }
0x235: {  	s17 =	smul.u32 $0xAAAB, s20;
	v19 =	vcvt.f32.s32 v19;
	s20 =	sshrl.u32 s22, $0x11;
	s22 =	sand.u32 $0x18, s10;
	v4 =	vtrunc.f32 v4;
	v13 =	vnsel vm0, $0x0, v13;
	v21 =	vld [tilespmem:s12+$0xEC00]  }
0x236: {  	s10 =	smul.u32 $0x18, s18;
	s18 =	sand.u32 $0xFFFF, s6;
	s8 =	sadd.s32 s22, s8;
	v22 =	vcvt.f32.s32 v4;
	v4 =	vmin.u32 v13, $0x7FF;
	v9 =	vadd.f32 $2.568750000e+02, v9;
	v13 =	vld [tilespmem:s7+$0xEC60]  }
0x237: {  	v17 =	vshll.u32 v17, $0x10;
	vm0 =	vgt.s32 v19, $0x0;
	s18 =	smul.u32 $0xAAAB, s18;
	s22 =	sand.u32 $0xFFFF, s9;
	s8 =	sshll.u32 s8, $0x7;
	v4 =	vor.u32 v2, v4;
	[tilespmem:v20+s1+$0x0] =	vst.idx.add.s32.msk $0xffff, v11  }
0x238: {  	s7 =	smul.u32 $0xC00, s25;
	s25 =	sshrl.u32 s16, $0xD;
	s16 =	sand.u32 $0xC00, s8;
	vm1 =	vgt.s32 v22, $0x0;
	v11 =	vnsel vm0, $0x0, v19;
	v9 =	vtrunc.f32 v9;
	[tilespmem:v15+s1+$0x0] =	vst.idx.add.s32.msk $0xffff, v8  }
0x239: {  	s8 =	sand.u32 $0x380, s25;
	s18 =	sshrl.u32 s18, $0x11;
	s25 =	sand.u32 $0xFFFF, s13;
	v15 =	vnsel vm1, $0x0, v22;
	v11 =	vmin.u32 v11, $0x7FF;
	v8 =	vld [tilespmem:s12+$0xA400];
	v19 =	vcvt.f32.s32 v9  }
0x23a: {  	v17 =	vor.u32 $0x1, v17;
	s12 =	sshrl.u32 s17, $0x11;
	s17 =	sand.u32 $0x18, s20;
	s20 =	smul.u32 $0xAAAB, s25;
	v15 =	vmin.u32 v15, $0x7FF;
	v9 =	vor.u32 v2, v11  }
0x23b: {  	s12 =	sand.u32 $0x18, s12;
	s15 =	sadd.s32 s17, s15;
	s17 =	smul.u32 $0xAAAB, s22;
	v11 =	vor.u32 v2, v15;
	vm0 =	vgt.s32 v19, $0x0;
	v15 =	vshll.u32 v13, $0x1F  }
0x23c: {  	s18 =	sand.u32 $0x18, s18;
	v20 =	vshll.u32 v21, $0x1F;
	s12 =	sadd.s32 s12, s14;
	s14 =	sshrl.u32 s20, $0x11;
	v19 =	vnsel vm0, $0x0, v19;
	v15 =	vor.u32 $0x437FE000, v15  }
0x23d: {  	s15 =	sshll.u32 s15, $0x7;
	v20 =	vor.u32 $0x437FE000, v20;
	s12 =	sshll.u32 s12, $0x7;
	s14 =	sand.u32 $0x18, s14;
	v19 =	vmin.u32 v19, $0x7FF;
	v14 =	vmul.f32 v15, v14  }
0x23e: {  	s12 =	sand.u32 $0xC00, s12;
	s13 =	sadd.s32 s14, s13;
	s14 =	sshrl.u32 s17, $0x11;
	v8 =	vmul.f32 v20, v8;
	v19 =	vor.u32 v2, v19;
	v20 =	vshll.u32 v13, $0x10  }
0x23f: {  	v5 =	vshll.u32 v5, $0x10;
	s15 =	sand.u32 $0xC00, s15;
	v15 =	vshll.u32 v21, $0x10;
	s12 =	sadd.s32 s12, s7;
	s13 =	sshll.u32 s13, $0x7;
	v13 =	vadd.f32 $2.568750000e+02, v14;
	v21 =	vld [tilespmem:s4+$0xA470]  }
0x240: {  	v10 =	vshll.u32 v10, $0x10;
	s4 =	sor.u32 s8, s12;
	s12 =	sadd.s32 s15, s7;
	s13 =	sand.u32 $0xC00, s13;
	v14 =	vadd.f32 $2.568750000e+02, v8;
	[tilespmem:v11+s1+$0x0] =	vst.idx.add.s32.msk $0xffff, v17;
	v8 =	vor.u32 $0x1, v5  }
0x241: {  	v7 =	vshll.u32 v7, $0x10;
	v6 =	vshll.u32 v6, $0x10;
	s15 =	sadd.s32 s16, s7;
	s12 =	sor.u32 s8, s12;
	s13 =	sadd.s32 s13, s7;
	v22 =	vld [tilespmem:s4+$0xA420];
	v11 =	vtrunc.f32 v13  }
0x242: {  	s6 =	sadd.s32 s18, s6;
	s14 =	sand.u32 $0x18, s14;
	v5 =	vld [tilespmem:s4+$0xEC20];
	s4 =	sor.u32 s8, s13;
	v13 =	vtrunc.f32 v14;
	v14 =	vor.u32 $0x1, v7;
	v17 =	vcvt.f32.s32 v11  }
0x243: {  	s6 =	sshll.u32 s6, $0x7;
	s9 =	sadd.s32 s14, s9;
	s13 =	sor.u32 s8, s15;
	v11 =	vor.u32 $0x1, v10;
	v7 =	vld [tilespmem:s12+$0xEC30];
	v23 =	vcvt.f32.s32 v13;
	v13 =	vor.u32 $0x1, v6  }
0x244: {  	s11 =	sshrl.u32 s11, $0x11;
	s6 =	sand.u32 $0xC00, s6;
	v15 =	vor.u32 $0x1, v15;
	v24 =	vor.u32 $0x1, v20;
	s9 =	sshll.u32 s9, $0x7;
	v6 =	vld [tilespmem:s4+$0xEC40];
	vm0 =	vgt.s32 v17, $0x0  }
0x245: {  	v16 =	vor.u32 $0x437FE000, v16;
	s11 =	sand.u32 $0x18, s11;
	s6 =	sadd.s32 s6, s7;
	s9 =	sand.u32 $0xC00, s9;
	v25 =	vld [tilespmem:s12+$0xA430];
	vm1 =	vgt.s32 v23, $0x0;
	v10 =	vnsel vm0, $0x0, v17  }
0x246: {  	s10 =	ssub.s32 s3, s10;
	s6 =	sor.u32 s8, s6;
	v26 =	vld [tilespmem:s4+$0xA440];
	s4 =	sadd.s32 s9, s7;
	v20 =	vnsel vm1, $0x0, v23;
	v23 =	vtrunc.f32 v12;
	v12 =	vmin.u32 v10, $0x7FF  }
0x247: {  	v18 =	vor.u32 $0x1, v18;
	s5 =	sadd.s32 s11, s5;
	v16 =	vmul.f32 v16, v21;
	s9 =	sshll.u32 s10, $0x7;
	v17 =	vld [tilespmem:s6+$0xEC10];
	v10 =	vshll.u32 v5, $0x1F;
	s4 =	sor.u32 s8, s4  }
0x248: {  	p1 =	slt.u32 s3, $0x238;
	s5 =	sshll.u32 s5, $0x7;
	s9 =	sand.u32 $0xFF80, s9;
	v28 =	vor.u32 v2, v12;
	v21 =	vor.u32 $0x437FE000, v10;
	v27 =	vshll.u32 v7, $0x1F;
	v10 =	vld [tilespmem:s4+$0xEC70]  }
.Ltmp6:
0x249: {  	s5 =	sand.u32 $0xC00, s5;
	v29 =	vmin.u32 v20, $0x7FF;
	s9 =	sadd.s32 s9, s7;
	v12 =	vor.u32 $0x437FE000, v27;
	v27 =	vshll.u32 v6, $0x1F;
	[tilespmem:v19+s1+$0x0] =	vst.idx.add.s32.msk $0xffff, v18;
	(pc) =	sbr.rel @p1 .LBB2_10-.Ltmp6, $4  }
0x24a: {  	s5 =	sadd.s32 s5, s7;
	v16 =	vadd.f32 $2.568750000e+02, v16;
	s12 =	sor.u32 s8, s9;
	v19 =	vmul.f32 v21, v22;
	v20 =	vld [tilespmem:s6+$0xA410];
	v18 =	vor.u32 $0x437FE000, v27  }
0x24b: {  	s7 =	sor.u32 s8, s5;
	v21 =	vmul.f32 v12, v25;
	v22 =	vmul.f32 v18, v26;
	v18 =	vor.u32 v2, v29  }
0x24c: {  	v12 =	vadd.f32 $2.568750000e+02, v19;
	v26 =	vtrunc.f32 v16;
	v25 =	vshll.u32 v17, $0x1F;
	v19 =	vld [tilespmem:s13+$0xEC50]  }
0x24d: {  	v23 =	vcvt.f32.s32 v23;
	v16 =	vshll.u32 v10, $0x1F;
	[tilespmem:v28+s1+$0x0] =	vst.idx.add.s32.msk $0xffff, v24;
	v24 =	vcvt.f32.s32 v26  }
0x24e: {  	v25 =	vor.u32 $0x437FE000, v25  }
0x24f: {  	v22 =	vadd.f32 $2.568750000e+02, v22;
	v16 =	vor.u32 $0x437FE000, v16;
	v21 =	vadd.f32 $2.568750000e+02, v21  }
0x250: {  	v12 =	vtrunc.f32 v12;
	v7 =	vshll.u32 v7, $0x10;
	v6 =	vshll.u32 v6, $0x10  }
0x251: {  	v26 =	vld [tilespmem:s13+$0xA450];
	v20 =	vmul.f32 v25, v20;
	vm0 =	vgt.s32 v23, $0x0;
	vm14 =	vgt.s32 v24, $0x0  }
0x252: {  	v27 =	vld [tilespmem:s7+$0xEC60];
	v12 =	vcvt.f32.s32 v12;
	v7 =	vor.u32 $0x1, v7;
	v23 =	vnsel vm0, $0x0, v23  }
0x253: {  	v28 =	vld [tilespmem:s12+$0xEC00];
	v22 =	vtrunc.f32 v22;
	v24 =	vnsel vm14, $0x0, v24;
	v21 =	vtrunc.f32 v21  }
0x254: {  	v31 =	vld [tilespmem:s4+$0xA470];
	v25 =	vshll.u32 v19, $0x1F;
	v23 =	vmin.u32 v23, $0x7FF;
	v22 =	vcvt.f32.s32 v22  }
0x255: {  	v24 =	vmin.u32 v24, $0x7FF;
	v20 =	vadd.f32 $2.568750000e+02, v20;
	v21 =	vcvt.f32.s32 v21  }
0x256: {  	v29 =	vld [tilespmem:s7+$0xA460];
	v19 =	vshll.u32 v19, $0x10;
	vm9 =	vgt.s32 v12, $0x0;
	v25 =	vor.u32 $0x437FE000, v25  }
0x257: {  	v23 =	vor.u32 v2, v23;
	v24 =	vor.u32 v2, v24;
	v12 =	vnsel vm9, $0x0, v12  }
0x258: {  	v30 =	vld [tilespmem:s12+$0xA400];
	v32 =	vshll.u32 v27, $0x1F;
	v33 =	vshll.u32 v28, $0x1F;
	v25 =	vmul.f32 v25, v26  }
0x259: {  	v16 =	vmul.f32 v16, v31;
	vm15 =	vgt.s32 v22, $0x0;
	v20 =	vtrunc.f32 v20  }
0x25a: {  	vm4 =	vgt.s32 v21, $0x0;
	v27 =	vshll.u32 v27, $0x10;
	v32 =	vor.u32 $0x437FE000, v32  }
0x25b: {  	v61 =	vor.u32 $0x437FE000, v33;
	v22 =	vnsel vm15, $0x0, v22;
	v26 =	vmul.f32 v32, v29  }
0x25c: {  	v20 =	vcvt.f32.s32 v20;
	v21 =	vnsel vm4, $0x0, v21;
	v25 =	vadd.f32 $2.568750000e+02, v25  }
0x25d: {  	v29 =	vmul.f32 v61, v30;
	v22 =	vmin.u32 v22, $0x7FF;
	v26 =	vadd.f32 $2.568750000e+02, v26  }
0x25e: {  	v21 =	vmin.u32 v21, $0x7FF;
	v16 =	vadd.f32 $2.568750000e+02, v16;
	v25 =	vtrunc.f32 v25  }
0x25f: {  	v22 =	vor.u32 v2, v22;
	v25 =	vcvt.f32.s32 v25;
	v26 =	vtrunc.f32 v26  }
0x260: {  	vm5 =	vgt.s32 v20, $0x0;
	v29 =	vadd.f32 $2.568750000e+02, v29;
	v26 =	vcvt.f32.s32 v26  }
0x261: {  	[tilespmem:v9+s1+$0x0] =	vst.idx.add.s32.msk $0xffff, v14;
	v21 =	vor.u32 v2, v21;
	v14 =	vtrunc.f32 v16;
	vm6 =	vgt.s32 v25, $0x0  }
0x262: {  	v29 =	vtrunc.f32 v29;
	v25 =	vnsel vm6, $0x0, v25;
	vm7 =	vgt.s32 v26, $0x0  }
0x263: {  	v29 =	vcvt.f32.s32 v29;
	v25 =	vmin.u32 v25, $0x7FF;
	v9 =	vnsel vm7, $0x0, v26  }
0x264: {  	[tilespmem:v18+s1+$0x0] =	vst.idx.add.s32.msk $0xffff, v15;
	v14 =	vcvt.f32.s32 v14;
	v25 =	vor.u32 v2, v25;
	v9 =	vmin.u32 v9, $0x7FF  }
0x265: {  	[tilespmem:v4+s1+$0x0] =	vst.idx.add.s32.msk $0xffff, v13;
	v20 =	vnsel vm5, $0x0, v20;
	vm1 =	vgt.s32 v29, $0x0;
	v9 =	vor.u32 v2, v9  }
0x266: {  	s17 =	simm.s32 $0x0;
	[tilespmem:v24+s1+$0x0] =	vst.idx.add.s32.msk $0xffff, v11;
	v20 =	vmin.u32 v20, $0x7FF;
	vm8 =	vgt.s32 v14, $0x0;
	v4 =	vnsel vm1, $0x0, v29  }
0x267: {  	s7 =	sor.u32 $0x1, s17;
	s10 =	sor.u32 $0x5, s17;
	[tilespmem:v23+s1+$0x0] =	vst.idx.add.s32.msk $0xffff, v8;
	v20 =	vor.u32 v2, v20;
	v8 =	vnsel vm8, $0x0, v14;
	v4 =	vmin.u32 v4, $0x7FF  }
0x268: {  	s9 =	sor.u32 $0x3, s17;
	s6 =	smul.u32 $0xAAAB, s17;
	s5 =	sand.u32 $0xFFFF, s10;
	v11 =	vor.u32 $0x1, v19;
	[tilespmem:v21+s1+$0x0] =	vst.idx.add.s32.msk $0xffff, v7;
	v8 =	vmin.u32 v8, $0x7FF;
	v4 =	vor.u32 v2, v4  }
0x269: {  	s8 =	sor.u32 $0x2, s17;
	s18 =	sand.u32 $0xFFFF, s9;
	s5 =	smul.u32 $0xAAAB, s5;
	v13 =	vor.u32 $0x1, v27;
	v8 =	vor.u32 v2, v8;
	[tilespmem:v25+s1+$0x0] =	vst.idx.add.s32.msk $0xffff, v11;
	v11 =	vmin.u32 v12, $0x7FF  }
0x26a: {  	v17 =	vshll.u32 v17, $0x10;
	v6 =	vor.u32 $0x1, v6;
	s11 =	sor.u32 $0x4, s17;
	s14 =	sand.u32 $0xFFFF, s8;
	s12 =	smul.u32 $0xAAAB, s18;
	[tilespmem:v9+s1+$0x0] =	vst.idx.add.s32.msk $0xffff, v13;
	v9 =	vor.u32 v2, v11  }
0x26b: {  	v17 =	vor.u32 $0x1, v17;
	s13 =	sor.u32 $0x7, s17;
	s22 =	sand.u32 $0xFFFF, s7;
	s14 =	smul.u32 $0xAAAB, s14;
	[tilespmem:v22+s1+$0x0] =	vst.idx.add.s32.msk $0xffff, v6;
	v12 =	vshll.u32 v28, $0x10  }
0x26c: {  	s26 =	sand.u32 $0xFFFF, s11;
	s15 =	sshrl.u32 s6, $0x17;
	s18 =	smul.u32 $0xAAAB, s22;
	v7 =	vshll.u32 v10, $0x10;
	[tilespmem:v20+s1+$0x0] =	vst.idx.add.s32.msk $0xffff, v17;
	v11 =	vor.u32 $0x1, v12  }
0x26d: {  	s25 =	sshrl.u32 s6, $0xD;
	s12 =	sshrl.u32 s12, $0x11;
	s14 =	sshrl.u32 s14, $0x11;
	[tilespmem:v4+s1+$0x0] =	vst.idx.add.s32.msk $0xffff, v11;
	v4 =	vshll.u32 v5, $0x10;
	v5 =	vor.u32 $0x1, v7  }
0x26e: {  	s4 =	sand.u32 $0x380, s25;
	s12 =	sand.u32 $0x18, s12;
	s14 =	sand.u32 $0x18, s14;
	v4 =	vor.u32 $0x1, v4;
	[tilespmem:v8+s1+$0x0] =	vst.idx.add.s32.msk $0xffff, v5  }
0x26f: {  	s18 =	sshrl.u32 s18, $0x11;
	s9 =	sadd.s32 s12, s9;
	s8 =	sadd.s32 s14, s8;
	[tilespmem:v9+s1+$0x0] =	vst.idx.add.s32.msk $0xffff, v4  }
0x270: {  	s8 =	sshll.u32 s8, $0x7;
	s9 =	sshll.u32 s9, $0x7;
	s3 =	rddreg [dreg:$0x10]  }
0x271: {  	[tilespmem:s29], [sflag:$0x2] =	stream.linear.gather [hbm4b:s3+s1], $0x2400, $0x38;
	[tilespmem:$0x14080] =	vst v63  }
0x272: {  	s3 =	sor.u32 $0x6, s17;
	s17 =	sshrl.u32 s5, $0x11;
	s5 =	smul.u32 $0xC00, s15  }
0x273: {  	s8 =	sand.u32 $0xC00, s8;
	s16 =	rddreg [dreg:$0x11];
	s15 =	smul.u32 $0xAAAB, s26  }
0x274: {  	[tilespmem:s30], [sflag:$0x4] =	stream.linear.gather [hbm4b:s16+s1], $0x2400, $0x38;
	[tilespmem:$0x14080] =	vst v63  }
0x275: {  	s9 =	sand.u32 $0xC00, s9;
	s26 =	sand.u32 $0x18, s18;
	_ =	swait.ge [sflag:s24], $0x2400  }
0x276: {  	s20 =	sand.u32 $0xFFFF, s3;
	s22 =	sshrl.u32 s15, $0x11;
	[sflag:s24] =	ssyncset.done $0x0  }
0x277: {  	s7 =	sadd.s32 s26, s7;
	s12 =	sand.u32 $0x18, s22;
	[sflag:s24] =	ssyncadd.s32 $0xFFFFDC00  }
0x278: {  	s16 =	smul.u32 $0xAAAB, s20;
	s11 =	sadd.s32 s12, s11;
	_ =	swait.ge [sflag:s31], $0x2400  }
0x279: {  	s8 =	sadd.s32 s8, s5;
	s11 =	sshll.u32 s11, $0x7;
	[sflag:s31] =	ssyncset.done $0x0  }
0x27a: {  	s8 =	sor.u32 s4, s8;
	s11 =	sand.u32 $0xC00, s11;
	[sflag:s31] =	ssyncadd.s32 $0xFFFFDC00  }
0x27b: {  	s20 =	sand.u32 $0xFFFF, s13;
	s9 =	sadd.s32 s9, s5;
	s11 =	sadd.s32 s11, s5;
	v4 =	vld [tilespmem:s8+$0x8020]  }
0x27c: {  	s7 =	sshll.u32 s7, $0x7;
	s25 =	smul.u32 $0xAAAB, s20;
	s18 =	sor.u32 s4, s11;
	v7 =	vld [tilespmem:s8+$0xC820]  }
0x27d: {  	s9 =	sor.u32 s4, s9;
	s22 =	sand.u32 $0x18, s17;
	s7 =	sand.u32 $0xC00, s7;
	v5 =	vld [tilespmem:s18+$0xC840]  }
0x27e: {  	s6 =	sshrl.u32 s6, $0x14;
	s10 =	sadd.s32 s22, s10;
	s7 =	sadd.s32 s7, s5;
	v6 =	vld [tilespmem:s9+$0xC830]  }
0x27f: {  	s14 =	sshrl.u32 s25, $0x11;
	s25 =	sshll.u32 s10, $0x7;
	s26 =	sor.u32 s4, s7;
	v8 =	vld [tilespmem:s18+$0x8040]  }
0x280: {  	s6 =	smul.u32 $0x18, s6;
	s20 =	sand.u32 $0x18, s14;
	s8 =	sand.u32 $0xC00, s25;
	v11 =	vld [tilespmem:s26+$0xC810]  }
0x281: {  	s12 =	sshrl.u32 s16, $0x11;
	s11 =	sadd.s32 s20, s13;
	v9 =	vld [tilespmem:s9+$0x8030];
	s8 =	sadd.s32 s8, s5  }
0x282: {  	s10 =	sand.u32 $0x18, s12;
	s11 =	sshll.u32 s11, $0x7;
	v14 =	vld [tilespmem:s26+$0x8010];
	s8 =	sor.u32 s4, s8;
	v10 =	vshll.u32 v5, $0x1F  }
0x283: {  	s6 =	ssub.s32 $0x0, s6;
	s3 =	sadd.s32 s10, s3;
	s11 =	sand.u32 $0xC00, s11;
	v15 =	vld [tilespmem:s8+$0xC850];
	v12 =	vshll.u32 v7, $0x1F;
	v7 =	vshll.u32 v7, $0x10;
	v10 =	vor.u32 $0x437FE000, v10  }
0x284: {  	s6 =	sshll.u32 s6, $0x7;
	s3 =	sshll.u32 s3, $0x7;
	s11 =	sadd.s32 s11, s5;
	v12 =	vor.u32 $0x437FE000, v12;
	v8 =	vmul.f32 v10, v8;
	v10 =	vshll.u32 v6, $0x1F  }
0x285: {  	s6 =	sand.u32 $0xFF80, s6;
	s3 =	sand.u32 $0xC00, s3;
	s7 =	sor.u32 s4, s11;
	v17 =	vld [tilespmem:s8+$0x8050];
	v4 =	vmul.f32 v12, v4;
	v12 =	vshll.u32 v11, $0x1F;
	v11 =	vshll.u32 v11, $0x10  }
0x286: {  	s6 =	sadd.s32 s6, s5;
	s5 =	sadd.s32 s3, s5;
	s3 =	simm.s32 $0x8;
	v13 =	vld [tilespmem:s7+$0xC870];
	v6 =	vshll.u32 v6, $0x10;
	v10 =	vor.u32 $0x437FE000, v10;
	v8 =	vadd.f32 $2.568750000e+02, v8  }
0x287: {  	s16 =	sor.u32 s4, s6;
	s6 =	sor.u32 s4, s5;
	s10 =	sor.u32 $0x1, s3;
	v9 =	vmul.f32 v10, v9;
	v10 =	vadd.f32 $2.568750000e+02, v4;
	v4 =	vor.u32 $0x437FE000, v12  }
0x288: {  	s15 =	sor.u32 $0x2, s3;
	s17 =	sor.u32 $0x3, s3;
	s4 =	sor.u32 $0x5, s3;
	v16 =	vshll.u32 v15, $0x10;
	v4 =	vmul.f32 v4, v14;
	v8 =	vtrunc.f32 v8  }
0x289: {  	s14 =	sor.u32 $0x4, s3;
	s8 =	smul.u32 $0xAAAB, s3;
	s13 =	sand.u32 $0xFFFF, s4;
	v20 =	vor.u32 $0x1, v11;
	v14 =	vshll.u32 v15, $0x1F;
	v8 =	vcvt.f32.s32 v8  }
0x28a: {  	s11 =	sor.u32 $0x7, s3;
	s18 =	sand.u32 $0xFFFF, s17;
	v22 =	vld [tilespmem:s7+$0x8070];
	s20 =	smul.u32 $0xAAAB, s13;
	v9 =	vadd.f32 $2.568750000e+02, v9;
	v14 =	vor.u32 $0x437FE000, v14;
	v4 =	vadd.f32 $2.568750000e+02, v4  }
0x28b: {  	s26 =	sand.u32 $0xFFFF, s15;
	s9 =	sshrl.u32 s8, $0x14;
	s22 =	smul.u32 $0xAAAB, s18;
	v12 =	vshll.u32 v13, $0x1F;
	v14 =	vmul.f32 v14, v17;
	vm10 =	vgt.s32 v8, $0x0  }
0x28c: {  	s25 =	sshrl.u32 s8, $0x17;
	s18 =	smul.u32 $0xAAAB, s26;
	s26 =	sand.u32 $0xFFFF, s10;
	v9 =	vtrunc.f32 v9;
	v4 =	vtrunc.f32 v4;
	v8 =	vnsel vm10, $0x0, v8  }
0x28d: {  	s13 =	sshrl.u32 s20, $0x11;
	s22 =	sshrl.u32 s22, $0x11;
	s20 =	smul.u32 $0xAAAB, s26;
	v15 =	vcvt.f32.s32 v4;
	v4 =	vmin.u32 v8, $0x7FF;
	v8 =	vadd.f32 $2.568750000e+02, v14;
	v14 =	vld [tilespmem:s6+$0xC860]  }
0x28e: {  	s26 =	sand.u32 $0xFFFF, s11;
	s18 =	sshrl.u32 s18, $0x11;
	s22 =	sand.u32 $0x18, s22;
	v16 =	vor.u32 $0x1, v16;
	v12 =	vor.u32 $0x437FE000, v12;
	v17 =	vld [tilespmem:s16+$0xC800];
	v9 =	vcvt.f32.s32 v9  }
0x28f: {  	v18 =	vld [tilespmem:s6+$0x8060];
	v27 =	vtrunc.f32 v10;
	v12 =	vmul.f32 v12, v22;
	s6 =	sshrl.u32 s8, $0xD;
	s8 =	smul.u32 $0xC00, s25;
	s25 =	sand.u32 $0xFFFF, s14;
	vm12 =	vgt.s32 v15, $0x0  }
0x290: {  	v19 =	vld [tilespmem:s16+$0x8000];
	s18 =	sand.u32 $0x18, s18;
	s16 =	sshrl.u32 s20, $0x11;
	vm11 =	vgt.s32 v9, $0x0;
	s20 =	smul.u32 $0xAAAB, s25;
	v8 =	vtrunc.f32 v8;
	v15 =	vnsel vm12, $0x0, v15  }
0x291: {  	s17 =	sadd.s32 s22, s17;
	s22 =	smul.u32 $0xAAAB, s26;
	s15 =	sadd.s32 s18, s15;
	v4 =	vor.u32 v2, v4;
	v8 =	vcvt.f32.s32 v8;
	v15 =	vmin.u32 v15, $0x7FF  }
0x292: {  	s15 =	sshll.u32 s15, $0x7;
	s17 =	sshll.u32 s17, $0x7;
	v9 =	vnsel vm11, $0x0, v9;
	s26 =	sshrl.u32 s20, $0x11;
	v21 =	vor.u32 v2, v15;
	v11 =	vshll.u32 v14, $0x1F  }
0x293: {  	s15 =	sand.u32 $0xC00, s15;
	s17 =	sand.u32 $0xC00, s17;
	v15 =	vshll.u32 v17, $0x1F;
	s18 =	sand.u32 $0x18, s26;
	vm13 =	vgt.s32 v8, $0x0;
	v11 =	vor.u32 $0x437FE000, v11  }
0x294: {  	s6 =	sand.u32 $0x380, s6;
	s15 =	sadd.s32 s15, s8;
	v15 =	vor.u32 $0x437FE000, v15;
	s14 =	sadd.s32 s18, s14;
	v8 =	vnsel vm13, $0x0, v8;
	v11 =	vmul.f32 v11, v18  }
0x295: {  	s16 =	sand.u32 $0x18, s16;
	v9 =	vmin.u32 v9, $0x7FF;
	s20 =	sor.u32 s6, s15;
	v15 =	vmul.f32 v15, v19;
	s14 =	sshll.u32 s14, $0x7;
	v8 =	vmin.u32 v8, $0x7FF  }
0x296: {  	s25 =	sadd.s32 s17, s8;
	s26 =	sshrl.u32 s22, $0x11;
	v23 =	vld [tilespmem:s20+$0x8020];
	v19 =	vshll.u32 v14, $0x10;
	s14 =	sand.u32 $0xC00, s14;
	v18 =	vor.u32 v2, v8;
	v11 =	vadd.f32 $2.568750000e+02, v11  }
0x297: {  	s15 =	sor.u32 s6, s25;
	s18 =	sand.u32 $0x18, s26;
	v14 =	vadd.f32 $2.568750000e+02, v15;
	v15 =	vshll.u32 v13, $0x10;
	v13 =	vshll.u32 v5, $0x10;
	s14 =	sadd.s32 s14, s8;
	v5 =	vld [tilespmem:s20+$0xC820]  }
0x298: {  	s10 =	sadd.s32 s16, s10;
	s7 =	sadd.s32 s18, s11;
	v26 =	vor.u32 $0x1, v19;
	v19 =	vld [tilespmem:s15+$0x8030];
	v8 =	vor.u32 $0x1, v7;
	s14 =	sor.u32 s6, s14;
	v7 =	vtrunc.f32 v11  }
0x299: {  	s5 =	sor.u32 $0x6, s3;
	s10 =	sshll.u32 s10, $0x7;
	s7 =	sshll.u32 s7, $0x7;
	v11 =	vtrunc.f32 v14;
	v14 =	vor.u32 $0x1, v6;
	v6 =	vld [tilespmem:s14+$0xC840];
	v24 =	vcvt.f32.s32 v7  }
0x29a: {  	s12 =	sand.u32 $0xFFFF, s5;
	s10 =	sand.u32 $0xC00, s10;
	v9 =	vor.u32 v2, v9;
	v17 =	vshll.u32 v17, $0x10;
	s7 =	sand.u32 $0xC00, s7;
	v13 =	vor.u32 $0x1, v13;
	v7 =	vld [tilespmem:s15+$0xC830]  }
0x29b: {  	s22 =	sand.u32 $0x18, s13;
	s20 =	smul.u32 $0xAAAB, s12;
	s7 =	sadd.s32 s7, s8;
	v25 =	vcvt.f32.s32 v11;
	v11 =	vor.u32 $0x1, v15;
	[tilespmem:v18+s1+$0x0] =	vst.idx.add.s32.msk $0xffff, v16;
	vm14 =	vgt.s32 v24, $0x0  }
0x29c: {  	s10 =	sadd.s32 s10, s8;
	s12 =	sadd.s32 s22, s4;
	s4 =	sor.u32 s6, s7;
	v15 =	vor.u32 $0x1, v17;
	v10 =	vshll.u32 v5, $0x1F;
	v17 =	vnsel vm14, $0x0, v24;
	v24 =	vld [tilespmem:s14+$0x8040]  }
0x29d: {  	s9 =	smul.u32 $0x18, s9;
	s10 =	sor.u32 s6, s10;
	s11 =	sshrl.u32 s20, $0x11;
	vm15 =	vgt.s32 v25, $0x0;
	v22 =	vor.u32 $0x437FE000, v10;
	v10 =	vld [tilespmem:s4+$0xC870];
	v62 =	vmin.u32 v17, $0x7FF  }
0x29e: {  	s25 =	sshll.u32 s12, $0x7;
	s11 =	sand.u32 $0x18, s11;
	v25 =	vnsel vm15, $0x0, v25;
	v16 =	vmul.f32 v22, v23;
	v17 =	vld [tilespmem:s10+$0xC810];
	v28 =	vor.u32 v2, v62  }
0x29f: {  	s9 =	ssub.s32 $0x8, s9;
	[tilespmem:v21+s1+$0x0] =	vst.idx.add.s32.msk $0xffff, v20;
	s7 =	sand.u32 $0xC00, s25;
	s5 =	sadd.s32 s11, s5;
	v23 =	vadd.f32 $2.568750000e+02, v12;
	v20 =	vshll.u32 v6, $0x1F;
	v25 =	vmin.u32 v25, $0x7FF  }
0x2a0: {  	s9 =	sshll.u32 s9, $0x7;
	s7 =	sadd.s32 s7, s8;
	s5 =	sshll.u32 s5, $0x7;
	v63 =	vshll.u32 v7, $0x1F;
	v18 =	vor.u32 $0x437FE000, v20;
	v20 =	vld [tilespmem:s10+$0x8010];
	v12 =	vadd.f32 $2.568750000e+02, v16  }
0x2a1: {  	s26 =	sand.u32 $0xFF80, s9;
	s13 =	sor.u32 s6, s7;
	s5 =	sand.u32 $0xC00, s5;
	v21 =	vor.u32 $0x437FE000, v63;
	v22 =	vmul.f32 v18, v24;
	v18 =	vor.u32 v2, v25  }
0x2a2: {  	s7 =	sadd.s32 s26, s8;
	s5 =	sadd.s32 s5, s8;
	v21 =	vmul.f32 v21, v19;
	v19 =	vld [tilespmem:s13+$0xC850];
	v16 =	vshll.u32 v10, $0x1F;
	v24 =	vtrunc.f32 v23  }
0x2a3: {  	s12 =	sor.u32 s6, s7;
	s7 =	sor.u32 s6, s5;
	v23 =	vcvt.f32.s32 v27;
	v25 =	vshll.u32 v17, $0x1F;
	v24 =	vcvt.f32.s32 v24;
	[tilespmem:v28+s1+$0x0] =	vst.idx.add.s32.msk $0xffff, v26  }
.LBB2_12:
0x2a4: {  	s3 =	sadd.s32 $0x8, s3;
	v25 =	vor.u32 $0x437FE000, v25;
	v21 =	vadd.f32 $2.568750000e+02, v21;
	v22 =	vadd.f32 $2.568750000e+02, v22;
	[tilespmem:v9+s1+$0x0] =	vst.idx.add.s32.msk $0xffff, v14  }
0x2a5: {  	s6 =	sor.u32 $0x1, s3;
	s14 =	sor.u32 $0x2, s3;
	s15 =	sor.u32 $0x3, s3;
	v9 =	vmul.f32 v25, v20;
	v14 =	vld [tilespmem:s13+$0x8050];
	vm0 =	vgt.s32 v23, $0x0;
	vm1 =	vgt.s32 v24, $0x0  }
0x2a6: {  	s13 =	sor.u32 $0x4, s3;
	s8 =	sor.u32 $0x5, s3;
	s5 =	sor.u32 $0x6, s3;
	v20 =	vtrunc.f32 v22;
	[tilespmem:v18+s1+$0x0] =	vst.idx.add.s32.msk $0xffff, v15;
	v15 =	vnsel vm0, $0x0, v23;
	v18 =	vnsel vm1, $0x0, v24  }
0x2a7: {  	s16 =	smul.u32 $0xAAAB, s3;
	s9 =	sor.u32 $0x7, s3;
	s10 =	sand.u32 $0xFFFF, s8;
	v22 =	vshll.u32 v19, $0x1F;
	v15 =	vmin.u32 v15, $0x7FF;
	[tilespmem:v4+s1+$0x0] =	vst.idx.add.s32.msk $0xffff, v13;
	v4 =	vmin.u32 v18, $0x7FF  }
0x2a8: {  	s11 =	sand.u32 $0xFFFF, s15;
	s17 =	sand.u32 $0xFFFF, s5;
	s10 =	smul.u32 $0xAAAB, s10;
	v13 =	vcvt.f32.s32 v20;
	v15 =	vor.u32 v2, v15;
	v20 =	vor.u32 v2, v4  }
0x2a9: {  	s20 =	sand.u32 $0xFFFF, s14;
	s18 =	sshrl.u32 s16, $0x14;
	s22 =	smul.u32 $0xAAAB, s11;
	v18 =	vshll.u32 v19, $0x10;
	v4 =	vadd.f32 $2.568750000e+02, v9;
	v9 =	vor.u32 $0x437FE000, v22  }
0x2aa: {  	s25 =	sshrl.u32 s16, $0x17;
	s11 =	smul.u32 $0xAAAB, s17;
	v19 =	vtrunc.f32 v21;
	s10 =	sshrl.u32 s10, $0x11;
	vm0 =	vgt.s32 v13, $0x0;
	v9 =	vmul.f32 v9, v14;
	v14 =	vld [tilespmem:s7+$0x8060]  }
0x2ab: {  	s17 =	smul.u32 $0xAAAB, s20;
	v19 =	vcvt.f32.s32 v19;
	s20 =	sshrl.u32 s22, $0x11;
	s22 =	sand.u32 $0x18, s10;
	v4 =	vtrunc.f32 v4;
	v13 =	vnsel vm0, $0x0, v13;
	v21 =	vld [tilespmem:s12+$0xC800]  }
0x2ac: {  	s10 =	smul.u32 $0x18, s18;
	s18 =	sand.u32 $0xFFFF, s6;
	s8 =	sadd.s32 s22, s8;
	v22 =	vcvt.f32.s32 v4;
	v4 =	vmin.u32 v13, $0x7FF;
	v9 =	vadd.f32 $2.568750000e+02, v9;
	v13 =	vld [tilespmem:s7+$0xC860]  }
0x2ad: {  	v17 =	vshll.u32 v17, $0x10;
	vm0 =	vgt.s32 v19, $0x0;
	s18 =	smul.u32 $0xAAAB, s18;
	s22 =	sand.u32 $0xFFFF, s9;
	s8 =	sshll.u32 s8, $0x7;
	v4 =	vor.u32 v2, v4;
	[tilespmem:v20+s1+$0x0] =	vst.idx.add.s32.msk $0xffff, v11  }
0x2ae: {  	s7 =	smul.u32 $0xC00, s25;
	s25 =	sshrl.u32 s16, $0xD;
	s16 =	sand.u32 $0xC00, s8;
	vm1 =	vgt.s32 v22, $0x0;
	v11 =	vnsel vm0, $0x0, v19;
	v9 =	vtrunc.f32 v9;
	[tilespmem:v15+s1+$0x0] =	vst.idx.add.s32.msk $0xffff, v8  }
0x2af: {  	s8 =	sand.u32 $0x380, s25;
	s18 =	sshrl.u32 s18, $0x11;
	s25 =	sand.u32 $0xFFFF, s13;
	v15 =	vnsel vm1, $0x0, v22;
	v11 =	vmin.u32 v11, $0x7FF;
	v8 =	vld [tilespmem:s12+$0x8000];
	v19 =	vcvt.f32.s32 v9  }
0x2b0: {  	v17 =	vor.u32 $0x1, v17;
	s12 =	sshrl.u32 s17, $0x11;
	s17 =	sand.u32 $0x18, s20;
	s20 =	smul.u32 $0xAAAB, s25;
	v15 =	vmin.u32 v15, $0x7FF;
	v9 =	vor.u32 v2, v11  }
0x2b1: {  	s12 =	sand.u32 $0x18, s12;
	s15 =	sadd.s32 s17, s15;
	s17 =	smul.u32 $0xAAAB, s22;
	v11 =	vor.u32 v2, v15;
	vm0 =	vgt.s32 v19, $0x0;
	v15 =	vshll.u32 v13, $0x1F  }
0x2b2: {  	s18 =	sand.u32 $0x18, s18;
	v20 =	vshll.u32 v21, $0x1F;
	s12 =	sadd.s32 s12, s14;
	s14 =	sshrl.u32 s20, $0x11;
	v19 =	vnsel vm0, $0x0, v19;
	v15 =	vor.u32 $0x437FE000, v15  }
0x2b3: {  	s15 =	sshll.u32 s15, $0x7;
	v20 =	vor.u32 $0x437FE000, v20;
	s12 =	sshll.u32 s12, $0x7;
	s14 =	sand.u32 $0x18, s14;
	v19 =	vmin.u32 v19, $0x7FF;
	v14 =	vmul.f32 v15, v14  }
0x2b4: {  	s12 =	sand.u32 $0xC00, s12;
	s13 =	sadd.s32 s14, s13;
	s14 =	sshrl.u32 s17, $0x11;
	v8 =	vmul.f32 v20, v8;
	v19 =	vor.u32 v2, v19;
	v20 =	vshll.u32 v13, $0x10  }
0x2b5: {  	v5 =	vshll.u32 v5, $0x10;
	s15 =	sand.u32 $0xC00, s15;
	v15 =	vshll.u32 v21, $0x10;
	s12 =	sadd.s32 s12, s7;
	s13 =	sshll.u32 s13, $0x7;
	v13 =	vadd.f32 $2.568750000e+02, v14;
	v21 =	vld [tilespmem:s4+$0x8070]  }
0x2b6: {  	v10 =	vshll.u32 v10, $0x10;
	s4 =	sor.u32 s8, s12;
	s12 =	sadd.s32 s15, s7;
	s13 =	sand.u32 $0xC00, s13;
	v14 =	vadd.f32 $2.568750000e+02, v8;
	[tilespmem:v11+s1+$0x0] =	vst.idx.add.s32.msk $0xffff, v17;
	v8 =	vor.u32 $0x1, v5  }
0x2b7: {  	v7 =	vshll.u32 v7, $0x10;
	v6 =	vshll.u32 v6, $0x10;
	s15 =	sadd.s32 s16, s7;
	s12 =	sor.u32 s8, s12;
	s13 =	sadd.s32 s13, s7;
	v22 =	vld [tilespmem:s4+$0x8020];
	v11 =	vtrunc.f32 v13  }
0x2b8: {  	s6 =	sadd.s32 s18, s6;
	s14 =	sand.u32 $0x18, s14;
	v5 =	vld [tilespmem:s4+$0xC820];
	s4 =	sor.u32 s8, s13;
	v13 =	vtrunc.f32 v14;
	v14 =	vor.u32 $0x1, v7;
	v17 =	vcvt.f32.s32 v11  }
0x2b9: {  	s6 =	sshll.u32 s6, $0x7;
	s9 =	sadd.s32 s14, s9;
	s13 =	sor.u32 s8, s15;
	v11 =	vor.u32 $0x1, v10;
	v7 =	vld [tilespmem:s12+$0xC830];
	v23 =	vcvt.f32.s32 v13;
	v13 =	vor.u32 $0x1, v6  }
0x2ba: {  	s11 =	sshrl.u32 s11, $0x11;
	s6 =	sand.u32 $0xC00, s6;
	v15 =	vor.u32 $0x1, v15;
	v24 =	vor.u32 $0x1, v20;
	s9 =	sshll.u32 s9, $0x7;
	v6 =	vld [tilespmem:s4+$0xC840];
	vm0 =	vgt.s32 v17, $0x0  }
0x2bb: {  	v16 =	vor.u32 $0x437FE000, v16;
	s11 =	sand.u32 $0x18, s11;
	s6 =	sadd.s32 s6, s7;
	s9 =	sand.u32 $0xC00, s9;
	v25 =	vld [tilespmem:s12+$0x8030];
	vm1 =	vgt.s32 v23, $0x0;
	v10 =	vnsel vm0, $0x0, v17  }
0x2bc: {  	s10 =	ssub.s32 s3, s10;
	s6 =	sor.u32 s8, s6;
	v26 =	vld [tilespmem:s4+$0x8040];
	s4 =	sadd.s32 s9, s7;
	v20 =	vnsel vm1, $0x0, v23;
	v23 =	vtrunc.f32 v12;
	v12 =	vmin.u32 v10, $0x7FF  }
0x2bd: {  	v18 =	vor.u32 $0x1, v18;
	s5 =	sadd.s32 s11, s5;
	v16 =	vmul.f32 v16, v21;
	s9 =	sshll.u32 s10, $0x7;
	v17 =	vld [tilespmem:s6+$0xC810];
	v10 =	vshll.u32 v5, $0x1F;
	s4 =	sor.u32 s8, s4  }
0x2be: {  	p1 =	slt.u32 s3, $0x238;
	s5 =	sshll.u32 s5, $0x7;
	s9 =	sand.u32 $0xFF80, s9;
	v28 =	vor.u32 v2, v12;
	v21 =	vor.u32 $0x437FE000, v10;
	v27 =	vshll.u32 v7, $0x1F;
	v10 =	vld [tilespmem:s4+$0xC870]  }
.Ltmp7:
0x2bf: {  	s5 =	sand.u32 $0xC00, s5;
	v29 =	vmin.u32 v20, $0x7FF;
	s9 =	sadd.s32 s9, s7;
	v12 =	vor.u32 $0x437FE000, v27;
	v27 =	vshll.u32 v6, $0x1F;
	[tilespmem:v19+s1+$0x0] =	vst.idx.add.s32.msk $0xffff, v18;
	(pc) =	sbr.rel @p1 .LBB2_12-.Ltmp7, $4  }
0x2c0: {  	s5 =	sadd.s32 s5, s7;
	v16 =	vadd.f32 $2.568750000e+02, v16;
	s12 =	sor.u32 s8, s9;
	v19 =	vmul.f32 v21, v22;
	v20 =	vld [tilespmem:s6+$0x8010];
	v18 =	vor.u32 $0x437FE000, v27  }
0x2c1: {  	s7 =	sor.u32 s8, s5;
	v21 =	vmul.f32 v12, v25;
	v22 =	vmul.f32 v18, v26;
	v18 =	vor.u32 v2, v29  }
0x2c2: {  	v12 =	vadd.f32 $2.568750000e+02, v19;
	v26 =	vtrunc.f32 v16;
	v25 =	vshll.u32 v17, $0x1F;
	v19 =	vld [tilespmem:s13+$0xC850]  }
0x2c3: {  	v23 =	vcvt.f32.s32 v23;
	v16 =	vshll.u32 v10, $0x1F;
	[tilespmem:v28+s1+$0x0] =	vst.idx.add.s32.msk $0xffff, v24;
	v24 =	vcvt.f32.s32 v26  }
0x2c4: {  	v25 =	vor.u32 $0x437FE000, v25  }
0x2c5: {  	v22 =	vadd.f32 $2.568750000e+02, v22;
	v16 =	vor.u32 $0x437FE000, v16;
	v21 =	vadd.f32 $2.568750000e+02, v21  }
0x2c6: {  	v12 =	vtrunc.f32 v12;
	v7 =	vshll.u32 v7, $0x10;
	v6 =	vshll.u32 v6, $0x10  }
0x2c7: {  	v26 =	vld [tilespmem:s13+$0x8050];
	v20 =	vmul.f32 v25, v20;
	vm0 =	vgt.s32 v23, $0x0;
	vm14 =	vgt.s32 v24, $0x0  }
0x2c8: {  	v27 =	vld [tilespmem:s7+$0xC860];
	v12 =	vcvt.f32.s32 v12;
	v7 =	vor.u32 $0x1, v7;
	v23 =	vnsel vm0, $0x0, v23  }
0x2c9: {  	v28 =	vld [tilespmem:s12+$0xC800];
	v22 =	vtrunc.f32 v22;
	v24 =	vnsel vm14, $0x0, v24;
	v21 =	vtrunc.f32 v21  }
0x2ca: {  	v31 =	vld [tilespmem:s4+$0x8070];
	v25 =	vshll.u32 v19, $0x1F;
	v23 =	vmin.u32 v23, $0x7FF;
	v22 =	vcvt.f32.s32 v22  }
0x2cb: {  	v24 =	vmin.u32 v24, $0x7FF;
	v20 =	vadd.f32 $2.568750000e+02, v20;
	v21 =	vcvt.f32.s32 v21  }
0x2cc: {  	v29 =	vld [tilespmem:s7+$0x8060];
	v19 =	vshll.u32 v19, $0x10;
	vm9 =	vgt.s32 v12, $0x0;
	v25 =	vor.u32 $0x437FE000, v25  }
0x2cd: {  	v23 =	vor.u32 v2, v23;
	v24 =	vor.u32 v2, v24;
	v12 =	vnsel vm9, $0x0, v12  }
0x2ce: {  	v30 =	vld [tilespmem:s12+$0x8000];
	v32 =	vshll.u32 v27, $0x1F;
	v33 =	vshll.u32 v28, $0x1F;
	v25 =	vmul.f32 v25, v26  }
0x2cf: {  	v16 =	vmul.f32 v16, v31;
	vm15 =	vgt.s32 v22, $0x0;
	v20 =	vtrunc.f32 v20  }
0x2d0: {  	vm4 =	vgt.s32 v21, $0x0;
	v27 =	vshll.u32 v27, $0x10;
	v32 =	vor.u32 $0x437FE000, v32  }
0x2d1: {  	v61 =	vor.u32 $0x437FE000, v33;
	v22 =	vnsel vm15, $0x0, v22;
	v26 =	vmul.f32 v32, v29  }
0x2d2: {  	v20 =	vcvt.f32.s32 v20;
	v21 =	vnsel vm4, $0x0, v21;
	v25 =	vadd.f32 $2.568750000e+02, v25  }
0x2d3: {  	v29 =	vmul.f32 v61, v30;
	v22 =	vmin.u32 v22, $0x7FF;
	v26 =	vadd.f32 $2.568750000e+02, v26  }
0x2d4: {  	v21 =	vmin.u32 v21, $0x7FF;
	v16 =	vadd.f32 $2.568750000e+02, v16;
	v25 =	vtrunc.f32 v25  }
0x2d5: {  	v22 =	vor.u32 v2, v22;
	v25 =	vcvt.f32.s32 v25;
	v26 =	vtrunc.f32 v26  }
0x2d6: {  	vm5 =	vgt.s32 v20, $0x0;
	v29 =	vadd.f32 $2.568750000e+02, v29;
	v26 =	vcvt.f32.s32 v26  }
0x2d7: {  	[tilespmem:v9+s1+$0x0] =	vst.idx.add.s32.msk $0xffff, v14;
	v21 =	vor.u32 v2, v21;
	v14 =	vtrunc.f32 v16;
	vm6 =	vgt.s32 v25, $0x0  }
0x2d8: {  	v29 =	vtrunc.f32 v29;
	v25 =	vnsel vm6, $0x0, v25;
	vm7 =	vgt.s32 v26, $0x0  }
0x2d9: {  	v29 =	vcvt.f32.s32 v29;
	v25 =	vmin.u32 v25, $0x7FF;
	v9 =	vnsel vm7, $0x0, v26  }
0x2da: {  	[tilespmem:v18+s1+$0x0] =	vst.idx.add.s32.msk $0xffff, v15;
	v14 =	vcvt.f32.s32 v14;
	v25 =	vor.u32 v2, v25;
	v9 =	vmin.u32 v9, $0x7FF  }
0x2db: {  	[tilespmem:v4+s1+$0x0] =	vst.idx.add.s32.msk $0xffff, v13;
	v20 =	vnsel vm5, $0x0, v20;
	vm1 =	vgt.s32 v29, $0x0;
	v9 =	vor.u32 v2, v9  }
0x2dc: {  	s20 =	simm.s32 $0x0;
	[tilespmem:v24+s1+$0x0] =	vst.idx.add.s32.msk $0xffff, v11;
	v20 =	vmin.u32 v20, $0x7FF;
	vm8 =	vgt.s32 v14, $0x0;
	v4 =	vnsel vm1, $0x0, v29  }
0x2dd: {  	s7 =	sor.u32 $0x1, s20;
	[tilespmem:v23+s1+$0x0] =	vst.idx.add.s32.msk $0xffff, v8;
	v20 =	vor.u32 v2, v20;
	v8 =	vnsel vm8, $0x0, v14;
	v4 =	vmin.u32 v4, $0x7FF  }
0x2de: {  	s8 =	sor.u32 $0x2, s20;
	s9 =	sor.u32 $0x3, s20;
	s10 =	sor.u32 $0x5, s20;
	v11 =	vor.u32 $0x1, v19;
	[tilespmem:v21+s1+$0x0] =	vst.idx.add.s32.msk $0xffff, v7;
	v8 =	vmin.u32 v8, $0x7FF;
	v4 =	vor.u32 v2, v4  }
0x2df: {  	s11 =	sor.u32 $0x4, s20;
	s6 =	smul.u32 $0xAAAB, s20;
	s5 =	sand.u32 $0xFFFF, s10;
	v13 =	vor.u32 $0x1, v27;
	v8 =	vor.u32 v2, v8;
	[tilespmem:v25+s1+$0x0] =	vst.idx.add.s32.msk $0xffff, v11;
	v11 =	vmin.u32 v12, $0x7FF  }
0x2e0: {  	v17 =	vshll.u32 v17, $0x10;
	v6 =	vor.u32 $0x1, v6;
	s13 =	sor.u32 $0x7, s20;
	s14 =	sand.u32 $0xFFFF, s8;
	s5 =	smul.u32 $0xAAAB, s5;
	[tilespmem:v9+s1+$0x0] =	vst.idx.add.s32.msk $0xffff, v13;
	v9 =	vor.u32 v2, v11  }
0x2e1: {  	v17 =	vor.u32 $0x1, v17;
	s22 =	sand.u32 $0xFFFF, s9;
	s25 =	sand.u32 $0xFFFF, s7;
	s14 =	smul.u32 $0xAAAB, s14;
	[tilespmem:v22+s1+$0x0] =	vst.idx.add.s32.msk $0xffff, v6;
	v12 =	vshll.u32 v28, $0x10  }
0x2e2: {  	s12 =	smul.u32 $0xAAAB, s22;
	s15 =	sshrl.u32 s6, $0x17;
	s26 =	sshrl.u32 s6, $0xD;
	v7 =	vshll.u32 v10, $0x10;
	[tilespmem:v20+s1+$0x0] =	vst.idx.add.s32.msk $0xffff, v17;
	v11 =	vor.u32 $0x1, v12  }
0x2e3: {  	s6 =	sshrl.u32 s6, $0x14;
	s4 =	sand.u32 $0x380, s26;
	s14 =	sshrl.u32 s14, $0x11;
	[tilespmem:v4+s1+$0x0] =	vst.idx.add.s32.msk $0xffff, v11;
	v4 =	vshll.u32 v5, $0x10;
	v5 =	vor.u32 $0x1, v7  }
0x2e4: {  	s17 =	sshrl.u32 s5, $0x11;
	s12 =	sshrl.u32 s12, $0x11;
	s14 =	sand.u32 $0x18, s14;
	v4 =	vor.u32 $0x1, v4;
	[tilespmem:v8+s1+$0x0] =	vst.idx.add.s32.msk $0xffff, v5  }
0x2e5: {  	s5 =	smul.u32 $0xC00, s15;
	s12 =	sand.u32 $0x18, s12;
	s8 =	sadd.s32 s14, s8;
	[tilespmem:v9+s1+$0x0] =	vst.idx.add.s32.msk $0xffff, v4  }
0x2e6: {  	s9 =	sadd.s32 s12, s9;
	s8 =	sshll.u32 s8, $0x7;
	s3 =	rddreg [dreg:$0x12]  }
0x2e7: {  	[tilespmem:s23], [sflag:$0x1] =	stream.linear.gather [hbm4b:s3+s1], $0x2400, $0x38;
	[tilespmem:$0x14080] =	vst v63  }
0x2e8: {  	s9 =	sshll.u32 s9, $0x7;
	s8 =	sand.u32 $0xC00, s8;
	s18 =	rddreg [dreg:$0x13]  }
0x2e9: {  	[tilespmem:s28], [sflag:$0x3] =	stream.linear.gather [hbm4b:s18+s1], $0x2400, $0x38;
	[tilespmem:$0x14080] =	vst v63  }
0x2ea: {  	s9 =	sand.u32 $0xC00, s9;
	s8 =	sadd.s32 s8, s5;
	s28 =	sand.u32 $0xFFFF, s11  }
0x2eb: {  	s8 =	sor.u32 s4, s8;
	s3 =	sor.u32 $0x6, s20;
	s15 =	smul.u32 $0xAAAB, s28  }
0x2ec: {  	s20 =	sand.u32 $0xFFFF, s13;
	s23 =	sand.u32 $0xFFFF, s3;
	_ =	swait.ge [sflag:s19], $0x2400  }
0x2ed: {  	s16 =	smul.u32 $0xAAAB, s23;
	[sflag:s19] =	ssyncset.done $0x0;
	s22 =	sshrl.u32 s15, $0x11  }
0x2ee: {  	s18 =	smul.u32 $0xAAAB, s25;
	[sflag:s19] =	ssyncadd.s32 $0xFFFFDC00;
	s12 =	sand.u32 $0x18, s22  }
0x2ef: {  	s23 =	smul.u32 $0xAAAB, s20;
	_ =	swait.ge [sflag:s0], $0x2400;
	s11 =	sadd.s32 s12, s11  }
0x2f0: {  	s18 =	sshrl.u32 s18, $0x11;
	[sflag:s0] =	ssyncset.done $0x0;
	s11 =	sshll.u32 s11, $0x7  }
0x2f1: {  	s25 =	sand.u32 $0x18, s18;
	[sflag:s0] =	ssyncadd.s32 $0xFFFFDC00;
	s11 =	sand.u32 $0xC00, s11  }
0x2f2: {  	s9 =	sadd.s32 s9, s5;
	s7 =	sadd.s32 s25, s7;
	v4 =	vld [tilespmem:s8+$0xA420];
	s11 =	sadd.s32 s11, s5  }
0x2f3: {  	s26 =	sshrl.u32 s23, $0x11;
	s7 =	sshll.u32 s7, $0x7;
	v7 =	vld [tilespmem:s8+$0xEC20];
	s28 =	sor.u32 s4, s11  }
0x2f4: {  	s9 =	sor.u32 s4, s9;
	s12 =	sand.u32 $0x18, s26;
	s7 =	sand.u32 $0xC00, s7;
	v5 =	vld [tilespmem:s28+$0xEC40]  }
0x2f5: {  	v6 =	vld [tilespmem:s9+$0xEC30];
	s7 =	sadd.s32 s7, s5;
	s11 =	sadd.s32 s12, s13;
	s13 =	sand.u32 $0x18, s17  }
0x2f6: {  	s15 =	sor.u32 s4, s7;
	s11 =	sshll.u32 s11, $0x7;
	s10 =	sadd.s32 s13, s10;
	v8 =	vld [tilespmem:s28+$0xA440]  }
0x2f7: {  	s6 =	smul.u32 $0x18, s6;
	v11 =	vld [tilespmem:s15+$0xEC10];
	s11 =	sand.u32 $0xC00, s11;
	s14 =	sshll.u32 s10, $0x7  }
0x2f8: {  	s18 =	sshrl.u32 s16, $0x11;
	v9 =	vld [tilespmem:s9+$0xA430];
	s17 =	sadd.s32 s11, s5;
	s8 =	sand.u32 $0xC00, s14  }
0x2f9: {  	v14 =	vld [tilespmem:s15+$0xA410];
	s10 =	sand.u32 $0x18, s18;
	v12 =	vshll.u32 v7, $0x1F;
	s7 =	sor.u32 s4, s17;
	s8 =	sadd.s32 s8, s5;
	v10 =	vshll.u32 v5, $0x1F  }
0x2fa: {  	s6 =	ssub.s32 $0x0, s6;
	s3 =	sadd.s32 s10, s3;
	v12 =	vor.u32 $0x437FE000, v12;
	v13 =	vld [tilespmem:s7+$0xEC70];
	s8 =	sor.u32 s4, s8;
	v10 =	vor.u32 $0x437FE000, v10  }
0x2fb: {  	s6 =	sshll.u32 s6, $0x7;
	v7 =	vshll.u32 v7, $0x10;
	s3 =	sshll.u32 s3, $0x7;
	v4 =	vmul.f32 v12, v4;
	v15 =	vld [tilespmem:s8+$0xEC50];
	v8 =	vmul.f32 v10, v8  }
0x2fc: {  	s6 =	sand.u32 $0xFF80, s6;
	s3 =	sand.u32 $0xC00, s3;
	v12 =	vshll.u32 v11, $0x1F;
	v11 =	vshll.u32 v11, $0x10;
	v10 =	vshll.u32 v6, $0x1F  }
0x2fd: {  	s6 =	sadd.s32 s6, s5;
	v17 =	vld [tilespmem:s8+$0xA450];
	s5 =	sadd.s32 s3, s5;
	s3 =	simm.s32 $0x8;
	v20 =	vor.u32 $0x1, v11;
	v10 =	vor.u32 $0x437FE000, v10;
	v8 =	vadd.f32 $2.568750000e+02, v8  }
0x2fe: {  	s16 =	sor.u32 s4, s6;
	s6 =	sor.u32 s4, s5;
	s10 =	sor.u32 $0x1, s3;
	v9 =	vmul.f32 v10, v9;
	v10 =	vadd.f32 $2.568750000e+02, v4;
	v4 =	vor.u32 $0x437FE000, v12  }
0x2ff: {  	s15 =	sor.u32 $0x2, s3;
	s17 =	sor.u32 $0x3, s3;
	s4 =	sor.u32 $0x5, s3;
	v6 =	vshll.u32 v6, $0x10;
	v4 =	vmul.f32 v4, v14;
	v8 =	vtrunc.f32 v8  }
0x300: {  	s14 =	sor.u32 $0x4, s3;
	s8 =	smul.u32 $0xAAAB, s3;
	s20 =	sand.u32 $0xFFFF, s4;
	v12 =	vshll.u32 v13, $0x1F;
	v14 =	vshll.u32 v15, $0x1F;
	v8 =	vcvt.f32.s32 v8  }
0x301: {  	v22 =	vld [tilespmem:s7+$0xA470];
	s11 =	sor.u32 $0x7, s3;
	s22 =	sand.u32 $0xFFFF, s17;
	s23 =	smul.u32 $0xAAAB, s20;
	v9 =	vadd.f32 $2.568750000e+02, v9;
	v14 =	vor.u32 $0x437FE000, v14;
	v4 =	vadd.f32 $2.568750000e+02, v4  }
0x302: {  	s26 =	sand.u32 $0xFFFF, s15;
	s28 =	sand.u32 $0xFFFF, s10;
	s22 =	smul.u32 $0xAAAB, s22;
	v16 =	vshll.u32 v15, $0x10;
	v14 =	vmul.f32 v14, v17;
	vm10 =	vgt.s32 v8, $0x0  }
0x303: {  	s9 =	sshrl.u32 s8, $0x14;
	s25 =	sshrl.u32 s8, $0x17;
	s18 =	smul.u32 $0xAAAB, s26;
	v9 =	vtrunc.f32 v9;
	v4 =	vtrunc.f32 v4;
	v8 =	vnsel vm10, $0x0, v8  }
0x304: {  	s20 =	smul.u32 $0xAAAB, s28;
	s26 =	sand.u32 $0xFFFF, s11;
	s13 =	sshrl.u32 s23, $0x11;
	v15 =	vcvt.f32.s32 v4;
	v4 =	vmin.u32 v8, $0x7FF;
	v8 =	vadd.f32 $2.568750000e+02, v14;
	v14 =	vld [tilespmem:s6+$0xEC60]  }
0x305: {  	s22 =	sshrl.u32 s22, $0x11;
	s23 =	sshrl.u32 s8, $0xD;
	s8 =	smul.u32 $0xC00, s25;
	v12 =	vor.u32 $0x437FE000, v12;
	v27 =	vtrunc.f32 v10;
	v17 =	vld [tilespmem:s16+$0xEC00];
	v9 =	vcvt.f32.s32 v9  }
0x306: {  	v18 =	vld [tilespmem:s6+$0xA460];
	s18 =	sshrl.u32 s18, $0x11;
	v16 =	vor.u32 $0x1, v16;
	v12 =	vmul.f32 v12, v22;
	s6 =	sand.u32 $0x380, s23;
	s23 =	sand.u32 $0xFFFF, s14;
	vm12 =	vgt.s32 v15, $0x0  }
0x307: {  	v19 =	vld [tilespmem:s16+$0xA400];
	s28 =	sshrl.u32 s20, $0x11;
	s18 =	sand.u32 $0x18, s18;
	vm11 =	vgt.s32 v9, $0x0;
	s20 =	smul.u32 $0xAAAB, s23;
	v8 =	vtrunc.f32 v8;
	v15 =	vnsel vm12, $0x0, v15  }
0x308: {  	s25 =	smul.u32 $0xAAAB, s26;
	s22 =	sand.u32 $0x18, s22;
	s15 =	sadd.s32 s18, s15;
	v4 =	vor.u32 v2, v4;
	v8 =	vcvt.f32.s32 v8;
	v15 =	vmin.u32 v15, $0x7FF  }
0x309: {  	s17 =	sadd.s32 s22, s17;
	s15 =	sshll.u32 s15, $0x7;
	v9 =	vnsel vm11, $0x0, v9;
	s26 =	sshrl.u32 s20, $0x11;
	v21 =	vor.u32 v2, v15;
	v11 =	vshll.u32 v14, $0x1F  }
0x30a: {  	s16 =	sand.u32 $0x18, s28;
	s15 =	sand.u32 $0xC00, s15;
	v15 =	vshll.u32 v17, $0x1F;
	s18 =	sand.u32 $0x18, s26;
	vm13 =	vgt.s32 v8, $0x0;
	v11 =	vor.u32 $0x437FE000, v11  }
0x30b: {  	s17 =	sshll.u32 s17, $0x7;
	s15 =	sadd.s32 s15, s8;
	v15 =	vor.u32 $0x437FE000, v15;
	s14 =	sadd.s32 s18, s14;
	v8 =	vnsel vm13, $0x0, v8;
	v11 =	vmul.f32 v11, v18  }
0x30c: {  	s17 =	sand.u32 $0xC00, s17;
	s28 =	sor.u32 s6, s15;
	v9 =	vmin.u32 v9, $0x7FF;
	v15 =	vmul.f32 v15, v19;
	s14 =	sshll.u32 s14, $0x7;
	v8 =	vmin.u32 v8, $0x7FF  }
0x30d: {  	v23 =	vld [tilespmem:s28+$0xA420];
	s20 =	sshrl.u32 s25, $0x11;
	s18 =	sadd.s32 s17, s8;
	v19 =	vshll.u32 v14, $0x10;
	s14 =	sand.u32 $0xC00, s14;
	v18 =	vor.u32 v2, v8;
	v11 =	vadd.f32 $2.568750000e+02, v11  }
0x30e: {  	s22 =	sand.u32 $0x18, s20;
	s15 =	sor.u32 s6, s18;
	v14 =	vadd.f32 $2.568750000e+02, v15;
	v15 =	vshll.u32 v13, $0x10;
	v13 =	vshll.u32 v5, $0x10;
	s14 =	sadd.s32 s14, s8;
	v5 =	vld [tilespmem:s28+$0xEC20]  }
0x30f: {  	s10 =	sadd.s32 s16, s10;
	s7 =	sadd.s32 s22, s11;
	v26 =	vor.u32 $0x1, v19;
	v19 =	vld [tilespmem:s15+$0xA430];
	v8 =	vor.u32 $0x1, v7;
	s14 =	sor.u32 s6, s14;
	v7 =	vtrunc.f32 v11  }
0x310: {  	s5 =	sor.u32 $0x6, s3;
	s10 =	sshll.u32 s10, $0x7;
	s7 =	sshll.u32 s7, $0x7;
	v11 =	vtrunc.f32 v14;
	v14 =	vor.u32 $0x1, v6;
	v6 =	vld [tilespmem:s14+$0xEC40];
	v24 =	vcvt.f32.s32 v7  }
0x311: {  	s12 =	sand.u32 $0xFFFF, s5;
	s10 =	sand.u32 $0xC00, s10;
	v9 =	vor.u32 v2, v9;
	v17 =	vshll.u32 v17, $0x10;
	s7 =	sand.u32 $0xC00, s7;
	v13 =	vor.u32 $0x1, v13;
	v7 =	vld [tilespmem:s15+$0xEC30]  }
0x312: {  	s23 =	smul.u32 $0xAAAB, s12;
	s25 =	sand.u32 $0x18, s13;
	s7 =	sadd.s32 s7, s8;
	v25 =	vcvt.f32.s32 v11;
	v11 =	vor.u32 $0x1, v15;
	[tilespmem:v18+s1+$0x0] =	vst.idx.add.s32.msk $0xffff, v16;
	vm14 =	vgt.s32 v24, $0x0  }
0x313: {  	s10 =	sadd.s32 s10, s8;
	s12 =	sadd.s32 s25, s4;
	s4 =	sor.u32 s6, s7;
	v15 =	vor.u32 $0x1, v17;
	v10 =	vshll.u32 v5, $0x1F;
	v17 =	vnsel vm14, $0x0, v24;
	v24 =	vld [tilespmem:s14+$0xA440]  }
0x314: {  	s9 =	smul.u32 $0x18, s9;
	s10 =	sor.u32 s6, s10;
	s11 =	sshrl.u32 s23, $0x11;
	vm15 =	vgt.s32 v25, $0x0;
	v22 =	vor.u32 $0x437FE000, v10;
	v10 =	vld [tilespmem:s4+$0xEC70];
	v62 =	vmin.u32 v17, $0x7FF  }
0x315: {  	s26 =	sshll.u32 s12, $0x7;
	s11 =	sand.u32 $0x18, s11;
	v25 =	vnsel vm15, $0x0, v25;
	v16 =	vmul.f32 v22, v23;
	v17 =	vld [tilespmem:s10+$0xEC10];
	v28 =	vor.u32 v2, v62  }
0x316: {  	s9 =	ssub.s32 $0x8, s9;
	s5 =	sadd.s32 s11, s5;
	[tilespmem:v21+s1+$0x0] =	vst.idx.add.s32.msk $0xffff, v20;
	s7 =	sand.u32 $0xC00, s26;
	v23 =	vadd.f32 $2.568750000e+02, v12;
	v20 =	vshll.u32 v6, $0x1F;
	v25 =	vmin.u32 v25, $0x7FF  }
0x317: {  	s9 =	sshll.u32 s9, $0x7;
	s5 =	sshll.u32 s5, $0x7;
	s7 =	sadd.s32 s7, s8;
	v63 =	vshll.u32 v7, $0x1F;
	v18 =	vor.u32 $0x437FE000, v20;
	v20 =	vld [tilespmem:s10+$0xA410];
	v12 =	vadd.f32 $2.568750000e+02, v16  }
0x318: {  	s28 =	sand.u32 $0xFF80, s9;
	s5 =	sand.u32 $0xC00, s5;
	s13 =	sor.u32 s6, s7;
	v21 =	vor.u32 $0x437FE000, v63;
	v22 =	vmul.f32 v18, v24;
	v18 =	vor.u32 v2, v25  }
0x319: {  	s5 =	sadd.s32 s5, s8;
	s7 =	sadd.s32 s28, s8;
	v21 =	vmul.f32 v21, v19;
	v19 =	vld [tilespmem:s13+$0xEC50];
	v16 =	vshll.u32 v10, $0x1F;
	v24 =	vtrunc.f32 v23  }
0x31a: {  	s12 =	sor.u32 s6, s7;
	s7 =	sor.u32 s6, s5;
	v23 =	vcvt.f32.s32 v27;
	v25 =	vshll.u32 v17, $0x1F;
	v24 =	vcvt.f32.s32 v24;
	[tilespmem:v28+s1+$0x0] =	vst.idx.add.s32.msk $0xffff, v26  }
.LBB2_14:
0x31b: {  	s3 =	sadd.s32 $0x8, s3;
	v25 =	vor.u32 $0x437FE000, v25;
	v21 =	vadd.f32 $2.568750000e+02, v21;
	v22 =	vadd.f32 $2.568750000e+02, v22;
	[tilespmem:v9+s1+$0x0] =	vst.idx.add.s32.msk $0xffff, v14  }
0x31c: {  	s6 =	sor.u32 $0x1, s3;
	s14 =	sor.u32 $0x2, s3;
	s15 =	sor.u32 $0x3, s3;
	v9 =	vmul.f32 v25, v20;
	v14 =	vld [tilespmem:s13+$0xA450];
	vm0 =	vgt.s32 v23, $0x0;
	vm1 =	vgt.s32 v24, $0x0  }
0x31d: {  	s13 =	sor.u32 $0x4, s3;
	s8 =	sor.u32 $0x5, s3;
	s5 =	sor.u32 $0x6, s3;
	v20 =	vtrunc.f32 v22;
	[tilespmem:v18+s1+$0x0] =	vst.idx.add.s32.msk $0xffff, v15;
	v15 =	vnsel vm0, $0x0, v23;
	v18 =	vnsel vm1, $0x0, v24  }
0x31e: {  	s16 =	smul.u32 $0xAAAB, s3;
	s9 =	sor.u32 $0x7, s3;
	s10 =	sand.u32 $0xFFFF, s8;
	v22 =	vshll.u32 v19, $0x1F;
	v15 =	vmin.u32 v15, $0x7FF;
	[tilespmem:v4+s1+$0x0] =	vst.idx.add.s32.msk $0xffff, v13;
	v4 =	vmin.u32 v18, $0x7FF  }
0x31f: {  	s11 =	sand.u32 $0xFFFF, s15;
	s17 =	sand.u32 $0xFFFF, s5;
	s10 =	smul.u32 $0xAAAB, s10;
	v13 =	vcvt.f32.s32 v20;
	v15 =	vor.u32 v2, v15;
	v20 =	vor.u32 v2, v4  }
0x320: {  	s20 =	sand.u32 $0xFFFF, s14;
	s18 =	sshrl.u32 s16, $0x14;
	s22 =	smul.u32 $0xAAAB, s11;
	v18 =	vshll.u32 v19, $0x10;
	v4 =	vadd.f32 $2.568750000e+02, v9;
	v9 =	vor.u32 $0x437FE000, v22  }
0x321: {  	s25 =	sshrl.u32 s16, $0x17;
	s11 =	smul.u32 $0xAAAB, s17;
	v19 =	vtrunc.f32 v21;
	s10 =	sshrl.u32 s10, $0x11;
	vm0 =	vgt.s32 v13, $0x0;
	v9 =	vmul.f32 v9, v14;
	v14 =	vld [tilespmem:s7+$0xA460]  }
0x322: {  	s17 =	smul.u32 $0xAAAB, s20;
	v19 =	vcvt.f32.s32 v19;
	s20 =	sshrl.u32 s22, $0x11;
	s22 =	sand.u32 $0x18, s10;
	v4 =	vtrunc.f32 v4;
	v13 =	vnsel vm0, $0x0, v13;
	v21 =	vld [tilespmem:s12+$0xEC00]  }
0x323: {  	s10 =	smul.u32 $0x18, s18;
	s18 =	sand.u32 $0xFFFF, s6;
	s8 =	sadd.s32 s22, s8;
	v22 =	vcvt.f32.s32 v4;
	v4 =	vmin.u32 v13, $0x7FF;
	v9 =	vadd.f32 $2.568750000e+02, v9;
	v13 =	vld [tilespmem:s7+$0xEC60]  }
0x324: {  	v17 =	vshll.u32 v17, $0x10;
	vm0 =	vgt.s32 v19, $0x0;
	s18 =	smul.u32 $0xAAAB, s18;
	s22 =	sand.u32 $0xFFFF, s9;
	s8 =	sshll.u32 s8, $0x7;
	v4 =	vor.u32 v2, v4;
	[tilespmem:v20+s1+$0x0] =	vst.idx.add.s32.msk $0xffff, v11  }
0x325: {  	s7 =	smul.u32 $0xC00, s25;
	s25 =	sshrl.u32 s16, $0xD;
	s16 =	sand.u32 $0xC00, s8;
	vm1 =	vgt.s32 v22, $0x0;
	v11 =	vnsel vm0, $0x0, v19;
	v9 =	vtrunc.f32 v9;
	[tilespmem:v15+s1+$0x0] =	vst.idx.add.s32.msk $0xffff, v8  }
0x326: {  	s8 =	sand.u32 $0x380, s25;
	s18 =	sshrl.u32 s18, $0x11;
	s25 =	sand.u32 $0xFFFF, s13;
	v15 =	vnsel vm1, $0x0, v22;
	v11 =	vmin.u32 v11, $0x7FF;
	v8 =	vld [tilespmem:s12+$0xA400];
	v19 =	vcvt.f32.s32 v9  }
0x327: {  	v17 =	vor.u32 $0x1, v17;
	s12 =	sshrl.u32 s17, $0x11;
	s17 =	sand.u32 $0x18, s20;
	s20 =	smul.u32 $0xAAAB, s25;
	v15 =	vmin.u32 v15, $0x7FF;
	v9 =	vor.u32 v2, v11  }
0x328: {  	s12 =	sand.u32 $0x18, s12;
	s15 =	sadd.s32 s17, s15;
	s17 =	smul.u32 $0xAAAB, s22;
	v11 =	vor.u32 v2, v15;
	vm0 =	vgt.s32 v19, $0x0;
	v15 =	vshll.u32 v13, $0x1F  }
0x329: {  	s18 =	sand.u32 $0x18, s18;
	v20 =	vshll.u32 v21, $0x1F;
	s12 =	sadd.s32 s12, s14;
	s14 =	sshrl.u32 s20, $0x11;
	v19 =	vnsel vm0, $0x0, v19;
	v15 =	vor.u32 $0x437FE000, v15  }
0x32a: {  	s15 =	sshll.u32 s15, $0x7;
	v20 =	vor.u32 $0x437FE000, v20;
	s12 =	sshll.u32 s12, $0x7;
	s14 =	sand.u32 $0x18, s14;
	v19 =	vmin.u32 v19, $0x7FF;
	v14 =	vmul.f32 v15, v14  }
0x32b: {  	s12 =	sand.u32 $0xC00, s12;
	s13 =	sadd.s32 s14, s13;
	s14 =	sshrl.u32 s17, $0x11;
	v8 =	vmul.f32 v20, v8;
	v19 =	vor.u32 v2, v19;
	v20 =	vshll.u32 v13, $0x10  }
0x32c: {  	v5 =	vshll.u32 v5, $0x10;
	s15 =	sand.u32 $0xC00, s15;
	v15 =	vshll.u32 v21, $0x10;
	s12 =	sadd.s32 s12, s7;
	s13 =	sshll.u32 s13, $0x7;
	v13 =	vadd.f32 $2.568750000e+02, v14;
	v21 =	vld [tilespmem:s4+$0xA470]  }
0x32d: {  	v10 =	vshll.u32 v10, $0x10;
	s4 =	sor.u32 s8, s12;
	s12 =	sadd.s32 s15, s7;
	s13 =	sand.u32 $0xC00, s13;
	v14 =	vadd.f32 $2.568750000e+02, v8;
	[tilespmem:v11+s1+$0x0] =	vst.idx.add.s32.msk $0xffff, v17;
	v8 =	vor.u32 $0x1, v5  }
0x32e: {  	v7 =	vshll.u32 v7, $0x10;
	v6 =	vshll.u32 v6, $0x10;
	s15 =	sadd.s32 s16, s7;
	s12 =	sor.u32 s8, s12;
	s13 =	sadd.s32 s13, s7;
	v22 =	vld [tilespmem:s4+$0xA420];
	v11 =	vtrunc.f32 v13  }
0x32f: {  	s6 =	sadd.s32 s18, s6;
	s14 =	sand.u32 $0x18, s14;
	v5 =	vld [tilespmem:s4+$0xEC20];
	s4 =	sor.u32 s8, s13;
	v13 =	vtrunc.f32 v14;
	v14 =	vor.u32 $0x1, v7;
	v17 =	vcvt.f32.s32 v11  }
0x330: {  	s6 =	sshll.u32 s6, $0x7;
	s9 =	sadd.s32 s14, s9;
	s13 =	sor.u32 s8, s15;
	v11 =	vor.u32 $0x1, v10;
	v7 =	vld [tilespmem:s12+$0xEC30];
	v23 =	vcvt.f32.s32 v13;
	v13 =	vor.u32 $0x1, v6  }
0x331: {  	s11 =	sshrl.u32 s11, $0x11;
	s6 =	sand.u32 $0xC00, s6;
	v15 =	vor.u32 $0x1, v15;
	v24 =	vor.u32 $0x1, v20;
	s9 =	sshll.u32 s9, $0x7;
	v6 =	vld [tilespmem:s4+$0xEC40];
	vm0 =	vgt.s32 v17, $0x0  }
0x332: {  	v16 =	vor.u32 $0x437FE000, v16;
	s11 =	sand.u32 $0x18, s11;
	s6 =	sadd.s32 s6, s7;
	s9 =	sand.u32 $0xC00, s9;
	v25 =	vld [tilespmem:s12+$0xA430];
	vm1 =	vgt.s32 v23, $0x0;
	v10 =	vnsel vm0, $0x0, v17  }
0x333: {  	s10 =	ssub.s32 s3, s10;
	s6 =	sor.u32 s8, s6;
	v26 =	vld [tilespmem:s4+$0xA440];
	s4 =	sadd.s32 s9, s7;
	v20 =	vnsel vm1, $0x0, v23;
	v23 =	vtrunc.f32 v12;
	v12 =	vmin.u32 v10, $0x7FF  }
0x334: {  	v18 =	vor.u32 $0x1, v18;
	s5 =	sadd.s32 s11, s5;
	v16 =	vmul.f32 v16, v21;
	s9 =	sshll.u32 s10, $0x7;
	v17 =	vld [tilespmem:s6+$0xEC10];
	v10 =	vshll.u32 v5, $0x1F;
	s4 =	sor.u32 s8, s4  }
0x335: {  	p1 =	slt.u32 s3, $0x238;
	s5 =	sshll.u32 s5, $0x7;
	s9 =	sand.u32 $0xFF80, s9;
	v28 =	vor.u32 v2, v12;
	v21 =	vor.u32 $0x437FE000, v10;
	v27 =	vshll.u32 v7, $0x1F;
	v10 =	vld [tilespmem:s4+$0xEC70]  }
.Ltmp8:
0x336: {  	s5 =	sand.u32 $0xC00, s5;
	v29 =	vmin.u32 v20, $0x7FF;
	s9 =	sadd.s32 s9, s7;
	v12 =	vor.u32 $0x437FE000, v27;
	v27 =	vshll.u32 v6, $0x1F;
	[tilespmem:v19+s1+$0x0] =	vst.idx.add.s32.msk $0xffff, v18;
	(pc) =	sbr.rel @p1 .LBB2_14-.Ltmp8, $4  }
0x337: {  	s5 =	sadd.s32 s5, s7;
	v16 =	vadd.f32 $2.568750000e+02, v16;
	s12 =	sor.u32 s8, s9;
	v19 =	vmul.f32 v21, v22;
	v20 =	vld [tilespmem:s6+$0xA410];
	v18 =	vor.u32 $0x437FE000, v27  }
0x338: {  	s7 =	sor.u32 s8, s5;
	v21 =	vmul.f32 v12, v25;
	v22 =	vmul.f32 v18, v26;
	v18 =	vor.u32 v2, v29  }
0x339: {  	v12 =	vadd.f32 $2.568750000e+02, v19;
	v26 =	vtrunc.f32 v16;
	v25 =	vshll.u32 v17, $0x1F;
	v19 =	vld [tilespmem:s13+$0xEC50]  }
0x33a: {  	v23 =	vcvt.f32.s32 v23;
	v16 =	vshll.u32 v10, $0x1F;
	[tilespmem:v28+s1+$0x0] =	vst.idx.add.s32.msk $0xffff, v24;
	v24 =	vcvt.f32.s32 v26  }
0x33b: {  	v25 =	vor.u32 $0x437FE000, v25  }
0x33c: {  	v22 =	vadd.f32 $2.568750000e+02, v22;
	v16 =	vor.u32 $0x437FE000, v16;
	v21 =	vadd.f32 $2.568750000e+02, v21  }
0x33d: {  	v12 =	vtrunc.f32 v12;
	v7 =	vshll.u32 v7, $0x10;
	v6 =	vshll.u32 v6, $0x10  }
0x33e: {  	v26 =	vld [tilespmem:s13+$0xA450];
	v20 =	vmul.f32 v25, v20;
	vm0 =	vgt.s32 v23, $0x0;
	vm14 =	vgt.s32 v24, $0x0  }
0x33f: {  	v27 =	vld [tilespmem:s7+$0xEC60];
	v12 =	vcvt.f32.s32 v12;
	v7 =	vor.u32 $0x1, v7;
	v23 =	vnsel vm0, $0x0, v23  }
0x340: {  	v28 =	vld [tilespmem:s12+$0xEC00];
	v22 =	vtrunc.f32 v22;
	v24 =	vnsel vm14, $0x0, v24;
	v21 =	vtrunc.f32 v21  }
0x341: {  	v31 =	vld [tilespmem:s4+$0xA470];
	v25 =	vshll.u32 v19, $0x1F;
	v23 =	vmin.u32 v23, $0x7FF;
	v22 =	vcvt.f32.s32 v22  }
0x342: {  	v24 =	vmin.u32 v24, $0x7FF;
	v20 =	vadd.f32 $2.568750000e+02, v20;
	v21 =	vcvt.f32.s32 v21  }
0x343: {  	v29 =	vld [tilespmem:s7+$0xA460];
	v19 =	vshll.u32 v19, $0x10;
	vm9 =	vgt.s32 v12, $0x0;
	v25 =	vor.u32 $0x437FE000, v25  }
0x344: {  	v23 =	vor.u32 v2, v23;
	v24 =	vor.u32 v2, v24;
	v12 =	vnsel vm9, $0x0, v12  }
0x345: {  	v30 =	vld [tilespmem:s12+$0xA400];
	v32 =	vshll.u32 v27, $0x1F;
	v33 =	vshll.u32 v28, $0x1F;
	v25 =	vmul.f32 v25, v26  }
0x346: {  	v16 =	vmul.f32 v16, v31;
	vm15 =	vgt.s32 v22, $0x0;
	v20 =	vtrunc.f32 v20  }
0x347: {  	vm4 =	vgt.s32 v21, $0x0;
	v27 =	vshll.u32 v27, $0x10;
	v32 =	vor.u32 $0x437FE000, v32  }
0x348: {  	v61 =	vor.u32 $0x437FE000, v33;
	v22 =	vnsel vm15, $0x0, v22;
	v26 =	vmul.f32 v32, v29  }
0x349: {  	v20 =	vcvt.f32.s32 v20;
	v21 =	vnsel vm4, $0x0, v21;
	v25 =	vadd.f32 $2.568750000e+02, v25  }
0x34a: {  	v29 =	vmul.f32 v61, v30;
	v22 =	vmin.u32 v22, $0x7FF;
	v26 =	vadd.f32 $2.568750000e+02, v26  }
0x34b: {  	v21 =	vmin.u32 v21, $0x7FF;
	v16 =	vadd.f32 $2.568750000e+02, v16;
	v25 =	vtrunc.f32 v25  }
0x34c: {  	v22 =	vor.u32 v2, v22;
	v25 =	vcvt.f32.s32 v25;
	v26 =	vtrunc.f32 v26  }
0x34d: {  	vm5 =	vgt.s32 v20, $0x0;
	v29 =	vadd.f32 $2.568750000e+02, v29;
	v26 =	vcvt.f32.s32 v26  }
0x34e: {  	[tilespmem:v9+s1+$0x0] =	vst.idx.add.s32.msk $0xffff, v14;
	v21 =	vor.u32 v2, v21;
	v14 =	vtrunc.f32 v16;
	vm6 =	vgt.s32 v25, $0x0  }
0x34f: {  	v29 =	vtrunc.f32 v29;
	v25 =	vnsel vm6, $0x0, v25;
	vm7 =	vgt.s32 v26, $0x0  }
0x350: {  	v29 =	vcvt.f32.s32 v29;
	v25 =	vmin.u32 v25, $0x7FF;
	v9 =	vnsel vm7, $0x0, v26  }
0x351: {  	[tilespmem:v18+s1+$0x0] =	vst.idx.add.s32.msk $0xffff, v15;
	v14 =	vcvt.f32.s32 v14;
	v25 =	vor.u32 v2, v25;
	v9 =	vmin.u32 v9, $0x7FF  }
0x352: {  	[tilespmem:v4+s1+$0x0] =	vst.idx.add.s32.msk $0xffff, v13;
	v20 =	vnsel vm5, $0x0, v20;
	vm1 =	vgt.s32 v29, $0x0;
	v9 =	vor.u32 v2, v9  }
0x353: {  	[tilespmem:v24+s1+$0x0] =	vst.idx.add.s32.msk $0xffff, v11;
	v20 =	vmin.u32 v20, $0x7FF;
	vm8 =	vgt.s32 v14, $0x0;
	v4 =	vnsel vm1, $0x0, v29  }
0x354: {  	[tilespmem:v23+s1+$0x0] =	vst.idx.add.s32.msk $0xffff, v8;
	v20 =	vor.u32 v2, v20;
	v8 =	vnsel vm8, $0x0, v14;
	v4 =	vmin.u32 v4, $0x7FF  }
0x355: {  	v11 =	vor.u32 $0x1, v19;
	[tilespmem:v21+s1+$0x0] =	vst.idx.add.s32.msk $0xffff, v7;
	v8 =	vmin.u32 v8, $0x7FF;
	v4 =	vor.u32 v2, v4  }
0x356: {  	v13 =	vor.u32 $0x1, v27;
	v8 =	vor.u32 v2, v8;
	[tilespmem:v25+s1+$0x0] =	vst.idx.add.s32.msk $0xffff, v11;
	v11 =	vmin.u32 v12, $0x7FF  }
0x357: {  	v17 =	vshll.u32 v17, $0x10;
	v6 =	vor.u32 $0x1, v6;
	[tilespmem:v9+s1+$0x0] =	vst.idx.add.s32.msk $0xffff, v13;
	v9 =	vor.u32 v2, v11  }
0x358: {  	v17 =	vor.u32 $0x1, v17;
	[tilespmem:v22+s1+$0x0] =	vst.idx.add.s32.msk $0xffff, v6;
	v12 =	vshll.u32 v28, $0x10  }
0x359: {  	v7 =	vshll.u32 v10, $0x10;
	[tilespmem:v20+s1+$0x0] =	vst.idx.add.s32.msk $0xffff, v17;
	v11 =	vor.u32 $0x1, v12  }
0x35a: {  	[tilespmem:v4+s1+$0x0] =	vst.idx.add.s32.msk $0xffff, v11;
	v4 =	vshll.u32 v5, $0x10;
	v5 =	vor.u32 $0x1, v7  }
0x35b: {  	v4 =	vor.u32 $0x1, v4;
	[tilespmem:v8+s1+$0x0] =	vst.idx.add.s32.msk $0xffff, v5  }
0x35c: {  	[tilespmem:v9+s1+$0x0] =	vst.idx.add.s32.msk $0xffff, v4  }
0x35d: {  	s3 =	rddreg [dreg:$0x14]  }
0x35e: {  	[tilespmem:s29], [sflag:$0x2] =	stream.linear.gather [hbm4b:s3+s1], $0x2400, $0x38;
	[tilespmem:$0x14080] =	vst v63  }
0x35f: {  	s29 =	simm.s32 $0x0  }
0x360: {  	s28 =	rddreg [dreg:$0x15];
	s8 =	sor.u32 $0x2, s29;
	s9 =	sor.u32 $0x3, s29  }
0x361: {  	s10 =	sor.u32 $0x5, s29;
	s11 =	sor.u32 $0x4, s29;
	s6 =	smul.u32 $0xAAAB, s29  }
0x362: {  	[tilespmem:s30], [sflag:$0x4] =	stream.linear.gather [hbm4b:s28+s1], $0x2400, $0x38;
	[tilespmem:$0x14080] =	vst v63  }
0x363: {  	s3 =	sor.u32 $0x6, s29;
	s13 =	sor.u32 $0x7, s29;
	s5 =	sand.u32 $0xFFFF, s10  }
0x364: {  	s30 =	sor.u32 $0x1, s29;
	s17 =	sand.u32 $0xFFFF, s9;
	s5 =	smul.u32 $0xAAAB, s5  }
0x365: {  	s18 =	sand.u32 $0xFFFF, s3;
	s14 =	sand.u32 $0xFFFF, s8;
	s12 =	smul.u32 $0xAAAB, s17  }
0x366: {  	s23 =	sand.u32 $0xFFFF, s11;
	_ =	swait.ge [sflag:s24], $0x2400;
	s16 =	smul.u32 $0xAAAB, s18  }
0x367: {  	s15 =	sshrl.u32 s6, $0x17;
	s14 =	smul.u32 $0xAAAB, s14;
	s20 =	sand.u32 $0xFFFF, s30  }
0x368: {  	s22 =	sshrl.u32 s6, $0xD;
	[sflag:s24] =	ssyncset.done $0x0;
	s18 =	smul.u32 $0xAAAB, s20  }
0x369: {  	s20 =	sand.u32 $0xFFFF, s13;
	s17 =	sshrl.u32 s5, $0x11;
	s5 =	smul.u32 $0xC00, s15  }
0x36a: {  	s4 =	sand.u32 $0x380, s22;
	[sflag:s24] =	ssyncadd.s32 $0xFFFFDC00;
	s15 =	smul.u32 $0xAAAB, s23  }
0x36b: {  	s12 =	sshrl.u32 s12, $0x11;
	s14 =	sshrl.u32 s14, $0x11;
	s26 =	smul.u32 $0xAAAB, s20  }
0x36c: {  	_ =	swait.ge [sflag:s31], $0x2400;
	s18 =	sshrl.u32 s18, $0x11;
	s12 =	sand.u32 $0x18, s12  }
0x36d: {  	s14 =	sand.u32 $0x18, s14;
	[sflag:s31] =	ssyncset.done $0x0;
	s9 =	sadd.s32 s12, s9  }
0x36e: {  	s8 =	sadd.s32 s14, s8;
	s25 =	sshrl.u32 s15, $0x11;
	s28 =	sand.u32 $0x18, s18  }
0x36f: {  	s15 =	sand.u32 $0x18, s17;
	s8 =	sshll.u32 s8, $0x7;
	s12 =	sand.u32 $0x18, s25  }
0x370: {  	[sflag:s31] =	ssyncadd.s32 $0xFFFFDC00;
	s8 =	sand.u32 $0xC00, s8;
	s11 =	sadd.s32 s12, s11  }
0x371: {  	s9 =	sshll.u32 s9, $0x7;
	s8 =	sadd.s32 s8, s5;
	s11 =	sshll.u32 s11, $0x7  }
0x372: {  	s7 =	sadd.s32 s28, s30;
	s8 =	sor.u32 s4, s8;
	s11 =	sand.u32 $0xC00, s11  }
0x373: {  	s10 =	sadd.s32 s15, s10;
	s9 =	sand.u32 $0xC00, s9;
	v4 =	vld [tilespmem:s8+$0x8020];
	s11 =	sadd.s32 s11, s5  }
0x374: {  	s7 =	sshll.u32 s7, $0x7;
	s9 =	sadd.s32 s9, s5;
	v7 =	vld [tilespmem:s8+$0xC820];
	s30 =	sor.u32 s4, s11  }
0x375: {  	s17 =	sshll.u32 s10, $0x7;
	s7 =	sand.u32 $0xC00, s7;
	s9 =	sor.u32 s4, s9;
	v5 =	vld [tilespmem:s30+$0xC840]  }
0x376: {  	s7 =	sadd.s32 s7, s5;
	v6 =	vld [tilespmem:s9+$0xC830];
	s8 =	sand.u32 $0xC00, s17  }
0x377: {  	s29 =	sshrl.u32 s26, $0x11;
	s18 =	sor.u32 s4, s7;
	s8 =	sadd.s32 s8, s5;
	v8 =	vld [tilespmem:s30+$0x8040]  }
0x378: {  	s6 =	sshrl.u32 s6, $0x14;
	s14 =	sand.u32 $0x18, s29;
	v11 =	vld [tilespmem:s18+$0xC810];
	s8 =	sor.u32 s4, s8  }
0x379: {  	s6 =	smul.u32 $0x18, s6;
	s22 =	sshrl.u32 s16, $0x11;
	s11 =	sadd.s32 s14, s13;
	v15 =	vld [tilespmem:s8+$0xC850]  }
0x37a: {  	s10 =	sand.u32 $0x18, s22;
	v9 =	vld [tilespmem:s9+$0x8030];
	s11 =	sshll.u32 s11, $0x7;
	v12 =	vshll.u32 v7, $0x1F;
	v10 =	vshll.u32 v5, $0x1F  }
0x37b: {  	s6 =	ssub.s32 $0x0, s6;
	s3 =	sadd.s32 s10, s3;
	v14 =	vld [tilespmem:s18+$0x8010];
	s11 =	sand.u32 $0xC00, s11;
	v12 =	vor.u32 $0x437FE000, v12;
	v10 =	vor.u32 $0x437FE000, v10  }
0x37c: {  	s6 =	sshll.u32 s6, $0x7;
	s3 =	sshll.u32 s3, $0x7;
	s20 =	sadd.s32 s11, s5;
	v7 =	vshll.u32 v7, $0x10;
	v4 =	vmul.f32 v12, v4;
	v8 =	vmul.f32 v10, v8  }
0x37d: {  	s6 =	sand.u32 $0xFF80, s6;
	s3 =	sand.u32 $0xC00, s3;
	v17 =	vld [tilespmem:s8+$0x8050];
	s7 =	sor.u32 s4, s20;
	v12 =	vshll.u32 v11, $0x1F;
	v11 =	vshll.u32 v11, $0x10;
	v10 =	vshll.u32 v6, $0x1F  }
0x37e: {  	s6 =	sadd.s32 s6, s5;
	s5 =	sadd.s32 s3, s5;
	s3 =	simm.s32 $0x8;
	v13 =	vld [tilespmem:s7+$0xC870];
	v16 =	vshll.u32 v15, $0x10;
	v10 =	vor.u32 $0x437FE000, v10;
	v8 =	vadd.f32 $2.568750000e+02, v8  }
0x37f: {  	s16 =	sor.u32 s4, s6;
	s6 =	sor.u32 s4, s5;
	s10 =	sor.u32 $0x1, s3;
	v9 =	vmul.f32 v10, v9;
	v10 =	vadd.f32 $2.568750000e+02, v4;
	v4 =	vor.u32 $0x437FE000, v12  }
0x380: {  	s15 =	sor.u32 $0x2, s3;
	s17 =	sor.u32 $0x3, s3;
	s4 =	sor.u32 $0x5, s3;
	v20 =	vor.u32 $0x1, v11;
	v4 =	vmul.f32 v4, v14;
	v8 =	vtrunc.f32 v8  }
0x381: {  	s14 =	sor.u32 $0x4, s3;
	s8 =	smul.u32 $0xAAAB, s3;
	s23 =	sand.u32 $0xFFFF, s4;
	v6 =	vshll.u32 v6, $0x10;
	v14 =	vshll.u32 v15, $0x1F;
	v8 =	vcvt.f32.s32 v8  }
0x382: {  	s11 =	sor.u32 $0x7, s3;
	s25 =	sand.u32 $0xFFFF, s17;
	v22 =	vld [tilespmem:s7+$0x8070];
	s26 =	smul.u32 $0xAAAB, s23;
	v9 =	vadd.f32 $2.568750000e+02, v9;
	v14 =	vor.u32 $0x437FE000, v14;
	v4 =	vadd.f32 $2.568750000e+02, v4  }
0x383: {  	s28 =	sand.u32 $0xFFFF, s15;
	s30 =	sand.u32 $0xFFFF, s10;
	s22 =	smul.u32 $0xAAAB, s25;
	v12 =	vshll.u32 v13, $0x1F;
	v14 =	vmul.f32 v14, v17;
	vm10 =	vgt.s32 v8, $0x0  }
0x384: {  	s9 =	sshrl.u32 s8, $0x14;
	s25 =	sshrl.u32 s8, $0x17;
	s29 =	smul.u32 $0xAAAB, s28;
	v9 =	vtrunc.f32 v9;
	v4 =	vtrunc.f32 v4;
	v8 =	vnsel vm10, $0x0, v8  }
0x385: {  	s20 =	smul.u32 $0xAAAB, s30;
	s23 =	sshrl.u32 s8, $0xD;
	s28 =	sand.u32 $0xFFFF, s14;
	v15 =	vcvt.f32.s32 v4;
	v4 =	vmin.u32 v8, $0x7FF;
	v8 =	vadd.f32 $2.568750000e+02, v14;
	v14 =	vld [tilespmem:s6+$0xC860]  }
0x386: {  	s8 =	smul.u32 $0xC00, s25;
	s13 =	sshrl.u32 s26, $0x11;
	s22 =	sshrl.u32 s22, $0x11;
	v16 =	vor.u32 $0x1, v16;
	v12 =	vor.u32 $0x437FE000, v12;
	v17 =	vld [tilespmem:s16+$0xC800];
	v9 =	vcvt.f32.s32 v9  }
0x387: {  	v18 =	vld [tilespmem:s6+$0x8060];
	s25 =	sshrl.u32 s20, $0x11;
	s18 =	sshrl.u32 s29, $0x11;
	s20 =	smul.u32 $0xAAAB, s28;
	v27 =	vtrunc.f32 v10;
	v12 =	vmul.f32 v12, v22;
	vm12 =	vgt.s32 v15, $0x0  }
0x388: {  	v19 =	vld [tilespmem:s16+$0x8000];
	s26 =	sand.u32 $0xFFFF, s11;
	s22 =	sand.u32 $0x18, s22;
	s18 =	sand.u32 $0x18, s18;
	vm11 =	vgt.s32 v9, $0x0;
	v8 =	vtrunc.f32 v8;
	v15 =	vnsel vm12, $0x0, v15  }
0x389: {  	s29 =	smul.u32 $0xAAAB, s26;
	s15 =	sadd.s32 s18, s15;
	s30 =	sshrl.u32 s20, $0x11;
	v4 =	vor.u32 v2, v4;
	v8 =	vcvt.f32.s32 v8;
	v15 =	vmin.u32 v15, $0x7FF  }
0x38a: {  	s17 =	sadd.s32 s22, s17;
	s15 =	sshll.u32 s15, $0x7;
	s18 =	sand.u32 $0x18, s30;
	v9 =	vnsel vm11, $0x0, v9;
	v21 =	vor.u32 v2, v15;
	v11 =	vshll.u32 v14, $0x1F  }
0x38b: {  	s17 =	sshll.u32 s17, $0x7;
	s15 =	sand.u32 $0xC00, s15;
	s14 =	sadd.s32 s18, s14;
	v15 =	vshll.u32 v17, $0x1F;
	vm13 =	vgt.s32 v8, $0x0;
	v11 =	vor.u32 $0x437FE000, v11  }
0x38c: {  	s17 =	sand.u32 $0xC00, s17;
	s15 =	sadd.s32 s15, s8;
	s6 =	sand.u32 $0x380, s23;
	v15 =	vor.u32 $0x437FE000, v15;
	v8 =	vnsel vm13, $0x0, v8;
	v11 =	vmul.f32 v11, v18  }
0x38d: {  	s16 =	sand.u32 $0x18, s25;
	s14 =	sshll.u32 s14, $0x7;
	s18 =	sor.u32 s6, s15;
	v9 =	vmin.u32 v9, $0x7FF;
	v15 =	vmul.f32 v15, v19;
	v8 =	vmin.u32 v8, $0x7FF  }
0x38e: {  	s20 =	sadd.s32 s17, s8;
	s14 =	sand.u32 $0xC00, s14;
	s23 =	sshrl.u32 s29, $0x11;
	v23 =	vld [tilespmem:s18+$0x8020];
	v19 =	vshll.u32 v14, $0x10;
	v18 =	vor.u32 v2, v8;
	v11 =	vadd.f32 $2.568750000e+02, v11  }
0x38f: {  	s14 =	sadd.s32 s14, s8;
	s15 =	sor.u32 s6, s20;
	s25 =	sand.u32 $0x18, s23;
	v14 =	vadd.f32 $2.568750000e+02, v15;
	v15 =	vshll.u32 v13, $0x10;
	v13 =	vshll.u32 v5, $0x10;
	v5 =	vld [tilespmem:s18+$0xC820]  }
0x390: {  	s5 =	sor.u32 $0x6, s3;
	s14 =	sor.u32 s6, s14;
	s7 =	sadd.s32 s25, s11;
	v26 =	vor.u32 $0x1, v19;
	v19 =	vld [tilespmem:s15+$0x8030];
	v8 =	vor.u32 $0x1, v7;
	v7 =	vtrunc.f32 v11  }
0x391: {  	s12 =	sand.u32 $0xFFFF, s5;
	s10 =	sadd.s32 s16, s10;
	s7 =	sshll.u32 s7, $0x7;
	v11 =	vtrunc.f32 v14;
	v14 =	vor.u32 $0x1, v6;
	v6 =	vld [tilespmem:s14+$0xC840];
	v24 =	vcvt.f32.s32 v7  }
0x392: {  	s26 =	smul.u32 $0xAAAB, s12;
	s10 =	sshll.u32 s10, $0x7;
	v9 =	vor.u32 v2, v9;
	v17 =	vshll.u32 v17, $0x10;
	s7 =	sand.u32 $0xC00, s7;
	v13 =	vor.u32 $0x1, v13;
	v7 =	vld [tilespmem:s15+$0xC830]  }
0x393: {  	s28 =	sand.u32 $0x18, s13;
	s10 =	sand.u32 $0xC00, s10;
	s7 =	sadd.s32 s7, s8;
	v25 =	vcvt.f32.s32 v11;
	v11 =	vor.u32 $0x1, v15;
	[tilespmem:v18+s1+$0x0] =	vst.idx.add.s32.msk $0xffff, v16;
	vm14 =	vgt.s32 v24, $0x0  }
0x394: {  	s12 =	sadd.s32 s28, s4;
	s10 =	sadd.s32 s10, s8;
	s4 =	sor.u32 s6, s7;
	v15 =	vor.u32 $0x1, v17;
	v10 =	vshll.u32 v5, $0x1F;
	v17 =	vnsel vm14, $0x0, v24;
	v24 =	vld [tilespmem:s14+$0x8040]  }
0x395: {  	s9 =	smul.u32 $0x18, s9;
	s10 =	sor.u32 s6, s10;
	s11 =	sshrl.u32 s26, $0x11;
	vm15 =	vgt.s32 v25, $0x0;
	v22 =	vor.u32 $0x437FE000, v10;
	v10 =	vld [tilespmem:s4+$0xC870];
	v62 =	vmin.u32 v17, $0x7FF  }
0x396: {  	s29 =	sshll.u32 s12, $0x7;
	s11 =	sand.u32 $0x18, s11;
	v25 =	vnsel vm15, $0x0, v25;
	v16 =	vmul.f32 v22, v23;
	v17 =	vld [tilespmem:s10+$0xC810];
	v28 =	vor.u32 v2, v62  }
0x397: {  	s9 =	ssub.s32 $0x8, s9;
	s5 =	sadd.s32 s11, s5;
	s7 =	sand.u32 $0xC00, s29;
	[tilespmem:v21+s1+$0x0] =	vst.idx.add.s32.msk $0xffff, v20;
	v23 =	vadd.f32 $2.568750000e+02, v12;
	v20 =	vshll.u32 v6, $0x1F;
	v25 =	vmin.u32 v25, $0x7FF  }
0x398: {  	s9 =	sshll.u32 s9, $0x7;
	s5 =	sshll.u32 s5, $0x7;
	s7 =	sadd.s32 s7, s8;
	v63 =	vshll.u32 v7, $0x1F;
	v18 =	vor.u32 $0x437FE000, v20;
	v20 =	vld [tilespmem:s10+$0x8010];
	v12 =	vadd.f32 $2.568750000e+02, v16  }
0x399: {  	s30 =	sand.u32 $0xFF80, s9;
	s5 =	sand.u32 $0xC00, s5;
	s13 =	sor.u32 s6, s7;
	v21 =	vor.u32 $0x437FE000, v63;
	v22 =	vmul.f32 v18, v24;
	v18 =	vor.u32 v2, v25  }
0x39a: {  	s5 =	sadd.s32 s5, s8;
	s7 =	sadd.s32 s30, s8;
	v21 =	vmul.f32 v21, v19;
	v19 =	vld [tilespmem:s13+$0xC850];
	v16 =	vshll.u32 v10, $0x1F;
	v24 =	vtrunc.f32 v23  }
0x39b: {  	s12 =	sor.u32 s6, s7;
	s7 =	sor.u32 s6, s5;
	v23 =	vcvt.f32.s32 v27;
	v25 =	vshll.u32 v17, $0x1F;
	v24 =	vcvt.f32.s32 v24;
	[tilespmem:v28+s1+$0x0] =	vst.idx.add.s32.msk $0xffff, v26  }
.LBB2_16:
0x39c: {  	s3 =	sadd.s32 $0x8, s3;
	v25 =	vor.u32 $0x437FE000, v25;
	v21 =	vadd.f32 $2.568750000e+02, v21;
	v22 =	vadd.f32 $2.568750000e+02, v22;
	[tilespmem:v9+s1+$0x0] =	vst.idx.add.s32.msk $0xffff, v14  }
0x39d: {  	s6 =	sor.u32 $0x1, s3;
	s14 =	sor.u32 $0x2, s3;
	s15 =	sor.u32 $0x3, s3;
	v9 =	vmul.f32 v25, v20;
	v14 =	vld [tilespmem:s13+$0x8050];
	vm0 =	vgt.s32 v23, $0x0;
	vm1 =	vgt.s32 v24, $0x0  }
0x39e: {  	s13 =	sor.u32 $0x4, s3;
	s8 =	sor.u32 $0x5, s3;
	s5 =	sor.u32 $0x6, s3;
	v20 =	vtrunc.f32 v22;
	[tilespmem:v18+s1+$0x0] =	vst.idx.add.s32.msk $0xffff, v15;
	v15 =	vnsel vm0, $0x0, v23;
	v18 =	vnsel vm1, $0x0, v24  }
0x39f: {  	s16 =	smul.u32 $0xAAAB, s3;
	s9 =	sor.u32 $0x7, s3;
	s10 =	sand.u32 $0xFFFF, s8;
	v22 =	vshll.u32 v19, $0x1F;
	v15 =	vmin.u32 v15, $0x7FF;
	[tilespmem:v4+s1+$0x0] =	vst.idx.add.s32.msk $0xffff, v13;
	v4 =	vmin.u32 v18, $0x7FF  }
0x3a0: {  	s11 =	sand.u32 $0xFFFF, s15;
	s17 =	sand.u32 $0xFFFF, s5;
	s10 =	smul.u32 $0xAAAB, s10;
	v13 =	vcvt.f32.s32 v20;
	v15 =	vor.u32 v2, v15;
	v20 =	vor.u32 v2, v4  }
0x3a1: {  	s20 =	sand.u32 $0xFFFF, s14;
	s18 =	sshrl.u32 s16, $0x14;
	s22 =	smul.u32 $0xAAAB, s11;
	v18 =	vshll.u32 v19, $0x10;
	v4 =	vadd.f32 $2.568750000e+02, v9;
	v9 =	vor.u32 $0x437FE000, v22  }
0x3a2: {  	s25 =	sshrl.u32 s16, $0x17;
	s11 =	smul.u32 $0xAAAB, s17;
	v19 =	vtrunc.f32 v21;
	s10 =	sshrl.u32 s10, $0x11;
	vm0 =	vgt.s32 v13, $0x0;
	v9 =	vmul.f32 v9, v14;
	v14 =	vld [tilespmem:s7+$0x8060]  }
0x3a3: {  	s17 =	smul.u32 $0xAAAB, s20;
	v19 =	vcvt.f32.s32 v19;
	s20 =	sshrl.u32 s22, $0x11;
	s22 =	sand.u32 $0x18, s10;
	v4 =	vtrunc.f32 v4;
	v13 =	vnsel vm0, $0x0, v13;
	v21 =	vld [tilespmem:s12+$0xC800]  }
0x3a4: {  	s10 =	smul.u32 $0x18, s18;
	s18 =	sand.u32 $0xFFFF, s6;
	s8 =	sadd.s32 s22, s8;
	v22 =	vcvt.f32.s32 v4;
	v4 =	vmin.u32 v13, $0x7FF;
	v9 =	vadd.f32 $2.568750000e+02, v9;
	v13 =	vld [tilespmem:s7+$0xC860]  }
0x3a5: {  	v17 =	vshll.u32 v17, $0x10;
	vm0 =	vgt.s32 v19, $0x0;
	s18 =	smul.u32 $0xAAAB, s18;
	s22 =	sand.u32 $0xFFFF, s9;
	s8 =	sshll.u32 s8, $0x7;
	v4 =	vor.u32 v2, v4;
	[tilespmem:v20+s1+$0x0] =	vst.idx.add.s32.msk $0xffff, v11  }
0x3a6: {  	s7 =	smul.u32 $0xC00, s25;
	s25 =	sshrl.u32 s16, $0xD;
	s16 =	sand.u32 $0xC00, s8;
	vm1 =	vgt.s32 v22, $0x0;
	v11 =	vnsel vm0, $0x0, v19;
	v9 =	vtrunc.f32 v9;
	[tilespmem:v15+s1+$0x0] =	vst.idx.add.s32.msk $0xffff, v8  }
0x3a7: {  	s8 =	sand.u32 $0x380, s25;
	s18 =	sshrl.u32 s18, $0x11;
	s25 =	sand.u32 $0xFFFF, s13;
	v15 =	vnsel vm1, $0x0, v22;
	v11 =	vmin.u32 v11, $0x7FF;
	v8 =	vld [tilespmem:s12+$0x8000];
	v19 =	vcvt.f32.s32 v9  }
0x3a8: {  	v17 =	vor.u32 $0x1, v17;
	s12 =	sshrl.u32 s17, $0x11;
	s17 =	sand.u32 $0x18, s20;
	s20 =	smul.u32 $0xAAAB, s25;
	v15 =	vmin.u32 v15, $0x7FF;
	v9 =	vor.u32 v2, v11  }
0x3a9: {  	s12 =	sand.u32 $0x18, s12;
	s15 =	sadd.s32 s17, s15;
	s17 =	smul.u32 $0xAAAB, s22;
	v11 =	vor.u32 v2, v15;
	vm0 =	vgt.s32 v19, $0x0;
	v15 =	vshll.u32 v13, $0x1F  }
0x3aa: {  	s18 =	sand.u32 $0x18, s18;
	v20 =	vshll.u32 v21, $0x1F;
	s12 =	sadd.s32 s12, s14;
	s14 =	sshrl.u32 s20, $0x11;
	v19 =	vnsel vm0, $0x0, v19;
	v15 =	vor.u32 $0x437FE000, v15  }
0x3ab: {  	s15 =	sshll.u32 s15, $0x7;
	v20 =	vor.u32 $0x437FE000, v20;
	s12 =	sshll.u32 s12, $0x7;
	s14 =	sand.u32 $0x18, s14;
	v19 =	vmin.u32 v19, $0x7FF;
	v14 =	vmul.f32 v15, v14  }
0x3ac: {  	s12 =	sand.u32 $0xC00, s12;
	s13 =	sadd.s32 s14, s13;
	s14 =	sshrl.u32 s17, $0x11;
	v8 =	vmul.f32 v20, v8;
	v19 =	vor.u32 v2, v19;
	v20 =	vshll.u32 v13, $0x10  }
0x3ad: {  	v5 =	vshll.u32 v5, $0x10;
	s15 =	sand.u32 $0xC00, s15;
	v15 =	vshll.u32 v21, $0x10;
	s12 =	sadd.s32 s12, s7;
	s13 =	sshll.u32 s13, $0x7;
	v13 =	vadd.f32 $2.568750000e+02, v14;
	v21 =	vld [tilespmem:s4+$0x8070]  }
0x3ae: {  	v10 =	vshll.u32 v10, $0x10;
	s4 =	sor.u32 s8, s12;
	s12 =	sadd.s32 s15, s7;
	s13 =	sand.u32 $0xC00, s13;
	v14 =	vadd.f32 $2.568750000e+02, v8;
	[tilespmem:v11+s1+$0x0] =	vst.idx.add.s32.msk $0xffff, v17;
	v8 =	vor.u32 $0x1, v5  }
0x3af: {  	v7 =	vshll.u32 v7, $0x10;
	v6 =	vshll.u32 v6, $0x10;
	s15 =	sadd.s32 s16, s7;
	s12 =	sor.u32 s8, s12;
	s13 =	sadd.s32 s13, s7;
	v22 =	vld [tilespmem:s4+$0x8020];
	v11 =	vtrunc.f32 v13  }
0x3b0: {  	s6 =	sadd.s32 s18, s6;
	s14 =	sand.u32 $0x18, s14;
	v5 =	vld [tilespmem:s4+$0xC820];
	s4 =	sor.u32 s8, s13;
	v13 =	vtrunc.f32 v14;
	v14 =	vor.u32 $0x1, v7;
	v17 =	vcvt.f32.s32 v11  }
0x3b1: {  	s6 =	sshll.u32 s6, $0x7;
	s9 =	sadd.s32 s14, s9;
	s13 =	sor.u32 s8, s15;
	v11 =	vor.u32 $0x1, v10;
	v7 =	vld [tilespmem:s12+$0xC830];
	v23 =	vcvt.f32.s32 v13;
	v13 =	vor.u32 $0x1, v6  }
0x3b2: {  	s11 =	sshrl.u32 s11, $0x11;
	s6 =	sand.u32 $0xC00, s6;
	v15 =	vor.u32 $0x1, v15;
	v24 =	vor.u32 $0x1, v20;
	s9 =	sshll.u32 s9, $0x7;
	v6 =	vld [tilespmem:s4+$0xC840];
	vm0 =	vgt.s32 v17, $0x0  }
0x3b3: {  	v16 =	vor.u32 $0x437FE000, v16;
	s11 =	sand.u32 $0x18, s11;
	s6 =	sadd.s32 s6, s7;
	s9 =	sand.u32 $0xC00, s9;
	v25 =	vld [tilespmem:s12+$0x8030];
	vm1 =	vgt.s32 v23, $0x0;
	v10 =	vnsel vm0, $0x0, v17  }
0x3b4: {  	s10 =	ssub.s32 s3, s10;
	s6 =	sor.u32 s8, s6;
	v26 =	vld [tilespmem:s4+$0x8040];
	s4 =	sadd.s32 s9, s7;
	v20 =	vnsel vm1, $0x0, v23;
	v23 =	vtrunc.f32 v12;
	v12 =	vmin.u32 v10, $0x7FF  }
0x3b5: {  	v18 =	vor.u32 $0x1, v18;
	s5 =	sadd.s32 s11, s5;
	v16 =	vmul.f32 v16, v21;
	s9 =	sshll.u32 s10, $0x7;
	v17 =	vld [tilespmem:s6+$0xC810];
	v10 =	vshll.u32 v5, $0x1F;
	s4 =	sor.u32 s8, s4  }
0x3b6: {  	p1 =	slt.u32 s3, $0x238;
	s5 =	sshll.u32 s5, $0x7;
	s9 =	sand.u32 $0xFF80, s9;
	v28 =	vor.u32 v2, v12;
	v21 =	vor.u32 $0x437FE000, v10;
	v27 =	vshll.u32 v7, $0x1F;
	v10 =	vld [tilespmem:s4+$0xC870]  }
.Ltmp9:
0x3b7: {  	s5 =	sand.u32 $0xC00, s5;
	v29 =	vmin.u32 v20, $0x7FF;
	s9 =	sadd.s32 s9, s7;
	v12 =	vor.u32 $0x437FE000, v27;
	v27 =	vshll.u32 v6, $0x1F;
	[tilespmem:v19+s1+$0x0] =	vst.idx.add.s32.msk $0xffff, v18;
	(pc) =	sbr.rel @p1 .LBB2_16-.Ltmp9, $4  }
0x3b8: {  	s5 =	sadd.s32 s5, s7;
	v16 =	vadd.f32 $2.568750000e+02, v16;
	s12 =	sor.u32 s8, s9;
	v19 =	vmul.f32 v21, v22;
	v20 =	vld [tilespmem:s6+$0x8010];
	v18 =	vor.u32 $0x437FE000, v27  }
0x3b9: {  	s7 =	sor.u32 s8, s5;
	v21 =	vmul.f32 v12, v25;
	v22 =	vmul.f32 v18, v26;
	v18 =	vor.u32 v2, v29  }
0x3ba: {  	v12 =	vadd.f32 $2.568750000e+02, v19;
	v26 =	vtrunc.f32 v16;
	v25 =	vshll.u32 v17, $0x1F;
	v19 =	vld [tilespmem:s13+$0xC850]  }
0x3bb: {  	v23 =	vcvt.f32.s32 v23;
	v16 =	vshll.u32 v10, $0x1F;
	[tilespmem:v28+s1+$0x0] =	vst.idx.add.s32.msk $0xffff, v24;
	v24 =	vcvt.f32.s32 v26  }
0x3bc: {  	v25 =	vor.u32 $0x437FE000, v25  }
0x3bd: {  	v22 =	vadd.f32 $2.568750000e+02, v22;
	v16 =	vor.u32 $0x437FE000, v16;
	v21 =	vadd.f32 $2.568750000e+02, v21  }
0x3be: {  	v12 =	vtrunc.f32 v12;
	v7 =	vshll.u32 v7, $0x10;
	v6 =	vshll.u32 v6, $0x10  }
0x3bf: {  	v26 =	vld [tilespmem:s13+$0x8050];
	v20 =	vmul.f32 v25, v20;
	vm0 =	vgt.s32 v23, $0x0;
	vm13 =	vgt.s32 v24, $0x0  }
0x3c0: {  	v27 =	vld [tilespmem:s7+$0xC860];
	v12 =	vcvt.f32.s32 v12;
	v7 =	vor.u32 $0x1, v7;
	v23 =	vnsel vm0, $0x0, v23  }
0x3c1: {  	v28 =	vld [tilespmem:s12+$0xC800];
	v22 =	vtrunc.f32 v22;
	v24 =	vnsel vm13, $0x0, v24;
	v21 =	vtrunc.f32 v21  }
0x3c2: {  	v31 =	vld [tilespmem:s4+$0x8070];
	v60 =	vshll.u32 v19, $0x1F;
	v23 =	vmin.u32 v23, $0x7FF;
	v22 =	vcvt.f32.s32 v22  }
0x3c3: {  	v24 =	vmin.u32 v24, $0x7FF;
	v20 =	vadd.f32 $2.568750000e+02, v20;
	v21 =	vcvt.f32.s32 v21  }
0x3c4: {  	v29 =	vld [tilespmem:s7+$0x8060];
	v19 =	vshll.u32 v19, $0x10;
	vm1 =	vgt.s32 v12, $0x0;
	v25 =	vor.u32 $0x437FE000, v60  }
0x3c5: {  	v23 =	vor.u32 v2, v23;
	v24 =	vor.u32 v2, v24;
	v12 =	vnsel vm1, $0x0, v12  }
0x3c6: {  	v30 =	vld [tilespmem:s12+$0x8000];
	v32 =	vshll.u32 v27, $0x1F;
	v33 =	vshll.u32 v28, $0x1F;
	v25 =	vmul.f32 v25, v26  }
0x3c7: {  	v16 =	vmul.f32 v16, v31;
	vm14 =	vgt.s32 v22, $0x0;
	v20 =	vtrunc.f32 v20  }
0x3c8: {  	vm15 =	vgt.s32 v21, $0x0;
	v27 =	vshll.u32 v27, $0x10;
	v32 =	vor.u32 $0x437FE000, v32  }
0x3c9: {  	v62 =	vor.u32 $0x437FE000, v33;
	v22 =	vnsel vm14, $0x0, v22;
	v61 =	vmul.f32 v32, v29  }
0x3ca: {  	v20 =	vcvt.f32.s32 v20;
	v21 =	vnsel vm15, $0x0, v21;
	v25 =	vadd.f32 $2.568750000e+02, v25  }
0x3cb: {  	v29 =	vmul.f32 v62, v30;
	v22 =	vmin.u32 v22, $0x7FF;
	v26 =	vadd.f32 $2.568750000e+02, v61  }
0x3cc: {  	v21 =	vmin.u32 v21, $0x7FF;
	v16 =	vadd.f32 $2.568750000e+02, v16;
	v25 =	vtrunc.f32 v25  }
0x3cd: {  	v22 =	vor.u32 v2, v22;
	v25 =	vcvt.f32.s32 v25;
	v26 =	vtrunc.f32 v26  }
0x3ce: {  	vm4 =	vgt.s32 v20, $0x0;
	v29 =	vadd.f32 $2.568750000e+02, v29;
	v26 =	vcvt.f32.s32 v26  }
0x3cf: {  	[tilespmem:v9+s1+$0x0] =	vst.idx.add.s32.msk $0xffff, v14;
	v21 =	vor.u32 v2, v21;
	v14 =	vtrunc.f32 v16;
	vm5 =	vgt.s32 v25, $0x0  }
0x3d0: {  	v29 =	vtrunc.f32 v29;
	v25 =	vnsel vm5, $0x0, v25;
	vm6 =	vgt.s32 v26, $0x0  }
0x3d1: {  	v29 =	vcvt.f32.s32 v29;
	v25 =	vmin.u32 v25, $0x7FF;
	v9 =	vnsel vm6, $0x0, v26  }
0x3d2: {  	[tilespmem:v18+s1+$0x0] =	vst.idx.add.s32.msk $0xffff, v15;
	v14 =	vcvt.f32.s32 v14;
	v25 =	vor.u32 v2, v25;
	v9 =	vmin.u32 v9, $0x7FF  }
0x3d3: {  	[tilespmem:v4+s1+$0x0] =	vst.idx.add.s32.msk $0xffff, v13;
	s4 =	simm.s32 $0x0;
	v20 =	vnsel vm4, $0x0, v20;
	vm7 =	vgt.s32 v29, $0x0;
	v9 =	vor.u32 v2, v9  }
0x3d4: {  	s5 =	sor.u32 $0x1, s4;
	s7 =	sor.u32 $0x2, s4;
	[tilespmem:v24+s1+$0x0] =	vst.idx.add.s32.msk $0xffff, v11;
	v20 =	vmin.u32 v20, $0x7FF;
	vm8 =	vgt.s32 v14, $0x0;
	v4 =	vnsel vm7, $0x0, v29  }
0x3d5: {  	s6 =	sor.u32 $0x3, s4;
	s8 =	sor.u32 $0x4, s4;
	s10 =	sor.u32 $0x7, s4;
	[tilespmem:v23+s1+$0x0] =	vst.idx.add.s32.msk $0xffff, v8;
	v20 =	vor.u32 v2, v20;
	v8 =	vnsel vm8, $0x0, v14;
	v4 =	vmin.u32 v4, $0x7FF  }
0x3d6: {  	s9 =	sor.u32 $0x5, s4;
	s11 =	smul.u32 $0xAAAB, s4;
	s20 =	sand.u32 $0xFFFF, s10;
	v11 =	vor.u32 $0x1, v19;
	[tilespmem:v21+s1+$0x0] =	vst.idx.add.s32.msk $0xffff, v7;
	v8 =	vmin.u32 v8, $0x7FF;
	v4 =	vor.u32 v2, v4  }
0x3d7: {  	s4 =	sor.u32 $0x6, s4;
	s3 =	sand.u32 $0xFFFF, s5;
	s13 =	smul.u32 $0xAAAB, s20;
	v13 =	vor.u32 $0x1, v27;
	v8 =	vor.u32 v2, v8;
	[tilespmem:v25+s1+$0x0] =	vst.idx.add.s32.msk $0xffff, v11;
	v11 =	vmin.u32 v12, $0x7FF  }
0x3d8: {  	v17 =	vshll.u32 v17, $0x10;
	v6 =	vor.u32 $0x1, v6;
	s30 =	sand.u32 $0xFFFF, s9;
	s16 =	sand.u32 $0xFFFF, s8;
	s18 =	smul.u32 $0xAAAB, s3;
	[tilespmem:v9+s1+$0x0] =	vst.idx.add.s32.msk $0xffff, v13;
	v9 =	vor.u32 v2, v11  }
0x3d9: {  	v17 =	vor.u32 $0x1, v17;
	s14 =	sand.u32 $0xFFFF, s7;
	s15 =	sshrl.u32 s11, $0x14;
	s16 =	smul.u32 $0xAAAB, s16;
	[tilespmem:v22+s1+$0x0] =	vst.idx.add.s32.msk $0xffff, v6;
	v12 =	vshll.u32 v28, $0x10  }
0x3da: {  	s17 =	sshrl.u32 s11, $0x17;
	s20 =	sand.u32 $0xFFFF, s6;
	s12 =	smul.u32 $0xAAAB, s30;
	v7 =	vshll.u32 v10, $0x10;
	[tilespmem:v20+s1+$0x0] =	vst.idx.add.s32.msk $0xffff, v17;
	v11 =	vor.u32 $0x1, v12  }
0x3db: {  	s11 =	sshrl.u32 s11, $0xD;
	s3 =	smul.u32 $0xC00, s17;
	s13 =	sshrl.u32 s13, $0x11;
	[tilespmem:v4+s1+$0x0] =	vst.idx.add.s32.msk $0xffff, v11;
	v4 =	vshll.u32 v5, $0x10;
	v5 =	vor.u32 $0x1, v7  }
0x3dc: {  	s22 =	sshrl.u32 s18, $0x11;
	s16 =	sshrl.u32 s16, $0x11;
	s12 =	sshrl.u32 s12, $0x11;
	v4 =	vor.u32 $0x1, v4;
	[tilespmem:v8+s1+$0x0] =	vst.idx.add.s32.msk $0xffff, v5  }
0x3dd: {  	s13 =	sand.u32 $0x18, s13;
	s23 =	sand.u32 $0x18, s22;
	s30 =	sand.u32 $0x18, s16;
	[tilespmem:v9+s1+$0x0] =	vst.idx.add.s32.msk $0xffff, v4  }
0x3de: {  	s12 =	sand.u32 $0x18, s12;
	s10 =	sadd.s32 s13, s10;
	_ =	swait.ge [sflag:s19], $0x2400  }
0x3df: {  	s13 =	sadd.s32 s23, s5;
	s5 =	sand.u32 $0x380, s11;
	[sflag:s19] =	ssyncset.done $0x0  }
0x3e0: {  	s8 =	sadd.s32 s30, s8;
	s26 =	sshll.u32 s13, $0x7;
	[sflag:s19] =	ssyncadd.s32 $0xFFFFDC00  }
0x3e1: {  	s10 =	sshll.u32 s10, $0x7;
	s11 =	sand.u32 $0xC00, s26;
	_ =	swait.ge [sflag:s0], $0x2400  }
0x3e2: {  	s10 =	sand.u32 $0xC00, s10;
	s11 =	sadd.s32 s11, s3;
	[sflag:s0] =	ssyncset.done $0x0  }
0x3e3: {  	s10 =	sadd.s32 s10, s3;
	s11 =	sor.u32 s5, s11;
	[sflag:s0] =	ssyncadd.s32 $0xFFFFDC00  }
0x3e4: {  	s9 =	sadd.s32 s12, s9;
	s8 =	sshll.u32 s8, $0x7;
	s10 =	sor.u32 s5, s10;
	v4 =	vld [tilespmem:s11+$0xEC10]  }
0x3e5: {  	s28 =	smul.u32 $0xAAAB, s14;
	s9 =	sshll.u32 s9, $0x7;
	s8 =	sand.u32 $0xC00, s8;
	v5 =	vld [tilespmem:s10+$0xEC70]  }
0x3e6: {  	s25 =	smul.u32 $0xAAAB, s20;
	s9 =	sand.u32 $0xC00, s9;
	s8 =	sadd.s32 s8, s3;
	v6 =	vld [tilespmem:s11+$0xA410]  }
0x3e7: {  	s13 =	sshrl.u32 s28, $0x11;
	s9 =	sadd.s32 s9, s3;
	s8 =	sor.u32 s5, s8;
	v7 =	vld [tilespmem:s10+$0xA470]  }
0x3e8: {  	s15 =	smul.u32 $0x18, s15;
	s13 =	sand.u32 $0x18, s13;
	s9 =	sor.u32 s5, s9;
	v11 =	vld [tilespmem:s8+$0xEC40]  }
0x3e9: {  	s17 =	sand.u32 $0xFFFF, s4;
	s29 =	sshrl.u32 s25, $0x11;
	s7 =	sadd.s32 s13, s7;
	v12 =	vld [tilespmem:s9+$0xEC50];
	v8 =	vshll.u32 v4, $0x1F  }
0x3ea: {  	s18 =	ssub.s32 $0x0, s15;
	s16 =	sand.u32 $0x18, s29;
	s7 =	sshll.u32 s7, $0x7;
	v9 =	vshll.u32 v5, $0x1F;
	v8 =	vor.u32 $0x437FE000, v8  }
0x3eb: {  	s6 =	sadd.s32 s16, s6;
	s7 =	sand.u32 $0xC00, s7;
	s11 =	sshll.u32 s18, $0x7;
	v6 =	vmul.f32 v8, v6;
	v8 =	vor.u32 $0x437FE000, v9  }
0x3ec: {  	s7 =	sadd.s32 s7, s3;
	s10 =	smul.u32 $0xAAAB, s17;
	s20 =	sand.u32 $0xFF80, s11;
	v7 =	vmul.f32 v8, v7;
	v8 =	vld [tilespmem:s8+$0xA440]  }
0x3ed: {  	s6 =	sshll.u32 s6, $0x7;
	s7 =	sor.u32 s5, s7;
	v13 =	vld [tilespmem:s9+$0xA450];
	s8 =	sadd.s32 s20, s3  }
0x3ee: {  	s6 =	sand.u32 $0xC00, s6;
	v10 =	vld [tilespmem:s7+$0xEC20];
	s22 =	sshrl.u32 s10, $0x11;
	v14 =	vshll.u32 v11, $0x1F;
	v17 =	vshll.u32 v12, $0x1F;
	v6 =	vadd.f32 $2.568750000e+02, v6;
	s8 =	sor.u32 s5, s8  }
0x3ef: {  	s6 =	sadd.s32 s6, s3;
	s9 =	sand.u32 $0x18, s22;
	v12 =	vshll.u32 v12, $0x10;
	v11 =	vshll.u32 v11, $0x10;
	v20 =	vshll.u32 v4, $0x10;
	v16 =	vld [tilespmem:s8+$0xEC00]  }
0x3f0: {  	s6 =	sor.u32 s5, s6;
	s4 =	sadd.s32 s9, s4;
	v14 =	vor.u32 $0x437FE000, v14;
	v12 =	vor.u32 $0x1, v12;
	v6 =	vtrunc.f32 v6  }
0x3f1: {  	v15 =	vld [tilespmem:s6+$0xEC30];
	s9 =	sshll.u32 s4, $0x7;
	s4 =	simm.s32 $0x8;
	v6 =	vcvt.f32.s32 v6;
	v8 =	vmul.f32 v14, v8;
	v14 =	vor.u32 $0x437FE000, v17  }
0x3f2: {  	s23 =	sand.u32 $0xC00, s9;
	s16 =	sor.u32 $0x1, s4;
	s13 =	sor.u32 $0x2, s4;
	v11 =	vor.u32 $0x1, v11;
	v9 =	vadd.f32 $2.568750000e+02, v7;
	v17 =	vld [tilespmem:s8+$0xA400];
	v13 =	vmul.f32 v14, v13  }
0x3f3: {  	s9 =	sor.u32 $0x3, s4;
	s12 =	sor.u32 $0x4, s4;
	s10 =	sor.u32 $0x5, s4;
	v7 =	vshll.u32 v10, $0x1F;
	vm9 =	vgt.s32 v6, $0x0;
	v8 =	vadd.f32 $2.568750000e+02, v8  }
0x3f4: {  	s17 =	sor.u32 $0x7, s4;
	s18 =	smul.u32 $0xAAAB, s4;
	s15 =	sand.u32 $0xFFFF, s10;
	v6 =	vnsel vm9, $0x0, v6;
	v18 =	vshll.u32 v16, $0x1F;
	v13 =	vadd.f32 $2.568750000e+02, v13  }
0x3f5: {  	v19 =	vld [tilespmem:s6+$0xA430];
	s28 =	sand.u32 $0xFFFF, s16;
	s22 =	sand.u32 $0xFFFF, s13;
	s25 =	sand.u32 $0xFFFF, s17;
	v6 =	vmin.u32 v6, $0x7FF;
	v18 =	vor.u32 $0x437FE000, v18;
	v8 =	vtrunc.f32 v8  }
0x3f6: {  	s26 =	sand.u32 $0xFFFF, s12;
	s29 =	sshrl.u32 s18, $0x14;
	s25 =	smul.u32 $0xAAAB, s25;
	v14 =	vor.u32 v2, v6;
	v8 =	vcvt.f32.s32 v8;
	v13 =	vtrunc.f32 v13  }
0x3f7: {  	s3 =	sadd.s32 s23, s3;
	s30 =	sshrl.u32 s18, $0x17;
	s20 =	smul.u32 $0xAAAB, s28;
	v6 =	vshll.u32 v15, $0x1F;
	v17 =	vmul.f32 v18, v17;
	v13 =	vcvt.f32.s32 v13  }
0x3f8: {  	v21 =	vld [tilespmem:s7+$0xA420];
	s28 =	sand.u32 $0xFFFF, s9;
	s3 =	sor.u32 s5, s3;
	s25 =	sshrl.u32 s25, $0x11;
	v10 =	vshll.u32 v10, $0x10;
	v6 =	vor.u32 $0x437FE000, v6;
	vm10 =	vgt.s32 v8, $0x0  }
0x3f9: {  	s18 =	sshrl.u32 s18, $0xD;
	s5 =	smul.u32 $0xC00, s30;
	s25 =	sand.u32 $0x18, s25;
	v18 =	vld [tilespmem:s3+$0xEC60];
	v17 =	vadd.f32 $2.568750000e+02, v17;
	v8 =	vnsel vm10, $0x0, v8;
	vm11 =	vgt.s32 v13, $0x0  }
0x3fa: {  	s14 =	smul.u32 $0x18, s29;
	s23 =	sshrl.u32 s20, $0x11;
	s17 =	sadd.s32 s25, s17;
	v6 =	vmul.f32 v6, v19;
	v8 =	vmin.u32 v8, $0x7FF;
	v13 =	vnsel vm11, $0x0, v13  }
0x3fb: {  	s30 =	smul.u32 $0xAAAB, s28;
	s29 =	sand.u32 $0x18, s23;
	s23 =	sshll.u32 s17, $0x7;
	v17 =	vtrunc.f32 v17;
	v19 =	vor.u32 v2, v8;
	v8 =	vmin.u32 v13, $0x7FF;
	v13 =	vld [tilespmem:s3+$0xA460]  }
0x3fc: {  	s6 =	sand.u32 $0x380, s18;
	v7 =	vor.u32 $0x437FE000, v7;
	v9 =	vtrunc.f32 v9;
	s16 =	sadd.s32 s29, s16;
	s17 =	sand.u32 $0xC00, s23;
	v17 =	vcvt.f32.s32 v17  }
0x3fd: {  	s28 =	smul.u32 $0xAAAB, s22;
	v21 =	vmul.f32 v7, v21;
	s16 =	sshll.u32 s16, $0x7;
	v16 =	vshll.u32 v16, $0x10;
	s17 =	sadd.s32 s17, s5;
	v6 =	vadd.f32 $2.568750000e+02, v6  }
0x3fe: {  	s15 =	smul.u32 $0xAAAB, s15;
	s16 =	sand.u32 $0xC00, s16;
	s17 =	sor.u32 s6, s17;
	v4 =	vshll.u32 v18, $0x1F;
	v8 =	vor.u32 v2, v8;
	vm12 =	vgt.s32 v17, $0x0  }
0x3ff: {  	s18 =	sshrl.u32 s28, $0x11;
	s29 =	smul.u32 $0xAAAB, s26;
	s16 =	sadd.s32 s16, s5;
	v22 =	vld [tilespmem:s17+$0xA470];
	v6 =	vtrunc.f32 v6;
	v4 =	vor.u32 $0x437FE000, v4;
	v17 =	vnsel vm12, $0x0, v17  }
0x400: {  	s30 =	sshrl.u32 s30, $0x11;
	s18 =	sand.u32 $0x18, s18;
	s16 =	sor.u32 s6, s16;
	v23 =	vcvt.f32.s32 v6;
	v17 =	vmin.u32 v17, $0x7FF;
	v6 =	vmul.f32 v4, v13;
	v4 =	vld [tilespmem:s17+$0xEC70]  }
0x401: {  	s13 =	sadd.s32 s18, s13;
	s20 =	sshrl.u32 s29, $0x11;
	s3 =	simm.s32 $0x0;
	v13 =	vor.u32 v2, v17;
	v17 =	vor.u32 $0x1, v20;
	v20 =	vshll.u32 v5, $0x10;
	v5 =	vld [tilespmem:s16+$0xEC10]  }
0x402: {  	s26 =	sshrl.u32 s15, $0x11;
	v9 =	vcvt.f32.s32 v9;
	s25 =	sshll.u32 s13, $0x7;
	s22 =	sand.u32 $0x18, s20;
	v16 =	vor.u32 $0x1, v16;
	v15 =	vshll.u32 v15, $0x10;
	[tilespmem:v19+s3+$0x0] =	vst.idx.add.s32.msk $0xffff, v11  }
0x403: {  	s8 =	sor.u32 $0x6, s4;
	s7 =	sand.u32 $0xC00, s25;
	s12 =	sadd.s32 s22, s12;
	v18 =	vshll.u32 v18, $0x10;
	vm13 =	vgt.s32 v23, $0x0;
	[tilespmem:v8+s3+$0x0] =	vst.idx.add.s32.msk $0xffff, v12;
	v8 =	vor.u32 $0x1, v20  }
0x404: {  	s11 =	sand.u32 $0xFFFF, s8;
	s7 =	sadd.s32 s7, s5;
	s12 =	sshll.u32 s12, $0x7;
	v20 =	vld [tilespmem:s16+$0xA410];
	v63 =	vadd.f32 $2.568750000e+02, v6;
	v6 =	vor.u32 $0x1, v10;
	v10 =	vnsel vm13, $0x0, v23  }
0x405: {  	s13 =	sand.u32 $0x18, s26;
	s7 =	sor.u32 s6, s7;
	s12 =	sand.u32 $0xC00, s12;
	v11 =	vor.u32 $0x1, v18;
	v18 =	vadd.f32 $2.568750000e+02, v21;
	[tilespmem:v14+s3+$0x0] =	vst.idx.add.s32.msk $0xffff, v17;
	v7 =	vmin.u32 v10, $0x7FF  }
0x406: {  	s23 =	sand.u32 $0x18, s30;
	s10 =	sadd.s32 s13, s10;
	s12 =	sadd.s32 s12, s5;
	v23 =	vor.u32 $0x1, v15;
	v10 =	vtrunc.f32 v63;
	v17 =	vor.u32 v2, v7;
	v7 =	vld [tilespmem:s7+$0xEC20]  }
0x407: {  	s11 =	smul.u32 $0xAAAB, s11;
	s10 =	sshll.u32 s10, $0x7;
	s12 =	sor.u32 s6, s12;
	v10 =	vcvt.f32.s32 v10;
	v14 =	vshll.u32 v4, $0x1F;
	v12 =	vshll.u32 v5, $0x1F;
	[tilespmem:v13+s3+$0x0] =	vst.idx.add.s32.msk $0xffff, v16  }
0x408: {  	s28 =	ssub.s32 $0x8, s14;
	s9 =	sadd.s32 s23, s9;
	s10 =	sand.u32 $0xC00, s10;
	v16 =	vtrunc.f32 v18;
	v15 =	vor.u32 $0x437FE000, v12;
	v12 =	vld [tilespmem:s12+$0xEC40];
	v14 =	vor.u32 $0x437FE000, v14  }
0x409: {  	s13 =	sshll.u32 s28, $0x7;
	s11 =	sshrl.u32 s11, $0x11;
	s10 =	sadd.s32 s10, s5;
	vm14 =	vgt.s32 v10, $0x0;
	v15 =	vmul.f32 v15, v20;
	v14 =	vmul.f32 v14, v22  }
0x40a: {  	vm15 =	vgt.s32 v9, $0x0;
	s9 =	sshll.u32 s9, $0x7;
	s11 =	sand.u32 $0x18, s11;
	s10 =	sor.u32 s6, s10;
	v13 =	vld [tilespmem:s12+$0xA440];
	v18 =	vcvt.f32.s32 v16;
	v10 =	vnsel vm14, $0x0, v10  }
0x40b: {  	s29 =	sand.u32 $0xFF80, s13;
	s9 =	sand.u32 $0xC00, s9;
	s8 =	sadd.s32 s11, s8;
	v10 =	vmin.u32 v10, $0x7FF;
	v19 =	vadd.f32 $2.568750000e+02, v15;
	v15 =	vld [tilespmem:s10+$0xEC50];
	v21 =	vadd.f32 $2.568750000e+02, v14  }
0x40c: {  	s30 =	sadd.s32 s29, s5;
	s9 =	sadd.s32 s9, s5;
	s8 =	sshll.u32 s8, $0x7;
	v16 =	vshll.u32 v7, $0x1F;
	[tilespmem:v17+s3+$0x0] =	vst.idx.add.s32.msk $0xffff, v23;
	v17 =	vnsel vm15, $0x0, v9;
	v14 =	vor.u32 v2, v10  }
0x40d: {  	s18 =	sor.u32 s6, s30;
	s13 =	sor.u32 s6, s9;
	s16 =	sand.u32 $0xC00, s8;
	v10 =	vor.u32 $0x437FE000, v16;
	v16 =	vld [tilespmem:s10+$0xA450];
	v20 =	vshll.u32 v12, $0x1F;
	v9 =	vtrunc.f32 v21  }
.LBB2_18:
0x40e: {  	s4 =	sadd.s32 $0x8, s4;
	v19 =	vtrunc.f32 v19;
	v20 =	vor.u32 $0x437FE000, v20;
	vm0 =	vgt.s32 v18, $0x0  }
0x40f: {  	s17 =	sor.u32 $0x1, s4;
	s11 =	sor.u32 $0x2, s4;
	s14 =	sor.u32 $0x3, s4;
	v19 =	vcvt.f32.s32 v19;
	v21 =	vld [tilespmem:s13+$0xEC30];
	v20 =	vmul.f32 v20, v13;
	v18 =	vnsel vm0, $0x0, v18  }
0x410: {  	s10 =	sor.u32 $0x4, s4;
	s12 =	sor.u32 $0x5, s4;
	s22 =	sor.u32 $0x7, s4;
	v22 =	vld [tilespmem:s18+$0xEC00];
	v23 =	vshll.u32 v15, $0x1F;
	v13 =	vshll.u32 v15, $0x10;
	v15 =	vmin.u32 v18, $0x7FF  }
0x411: {  	s25 =	smul.u32 $0xAAAB, s4;
	s8 =	sor.u32 $0x6, s4;
	s15 =	sand.u32 $0xFFFF, s12;
	vm0 =	vgt.s32 v19, $0x0;
	v18 =	vor.u32 $0x437FE000, v23;
	[tilespmem:v14+s3+$0x0] =	vst.idx.add.s32.msk $0xffff, v11;
	v11 =	vmin.u32 v17, $0x7FF  }
0x412: {  	s26 =	sand.u32 $0xFFFF, s17;
	s20 =	sand.u32 $0xFFFF, s11;
	s9 =	sand.u32 $0xFFFF, s8;
	v14 =	vld [tilespmem:s18+$0xA400];
	v17 =	vnsel vm0, $0x0, v19;
	v16 =	vmul.f32 v18, v16;
	v11 =	vor.u32 v2, v11  }
0x413: {  	s29 =	sand.u32 $0xFFFF, s22;
	s28 =	sshrl.u32 s25, $0x14;
	v15 =	vor.u32 v2, v15;
	s18 =	sand.u32 $0xFFFF, s10;
	v18 =	vadd.f32 $2.568750000e+02, v20;
	v17 =	vmin.u32 v17, $0x7FF  }
0x414: {  	p1 =	slt.u32 s4, $0x238;
	s30 =	sshrl.u32 s25, $0x17;
	s29 =	smul.u32 $0xAAAB, s29;
	v17 =	vor.u32 v2, v17;
	v19 =	vshll.u32 v21, $0x1F;
	v16 =	vadd.f32 $2.568750000e+02, v16  }
0x415: {  	s23 =	sand.u32 $0xFFFF, s14;
	s26 =	smul.u32 $0xAAAB, s26;
	v18 =	vtrunc.f32 v18;
	v20 =	vshll.u32 v22, $0x1F;
	v22 =	vshll.u32 v22, $0x10;
	v23 =	vld [tilespmem:s13+$0xA430]  }
0x416: {  	s16 =	sadd.s32 s16, s5;
	s5 =	smul.u32 $0xC00, s30;
	s13 =	sshrl.u32 s29, $0x11;
	v18 =	vcvt.f32.s32 v18;
	v20 =	vor.u32 $0x437FE000, v20;
	v16 =	vtrunc.f32 v16  }
0x417: {  	v12 =	vshll.u32 v12, $0x10;
	s28 =	smul.u32 $0x18, s28;
	s26 =	sshrl.u32 s26, $0x11;
	s13 =	sand.u32 $0x18, s13;
	v20 =	vmul.f32 v20, v14;
	v16 =	vcvt.f32.s32 v16;
	[tilespmem:v11+s3+$0x0] =	vst.idx.add.s32.msk $0xffff, v8  }
0x418: {  	s16 =	sor.u32 s6, s16;
	s25 =	sshrl.u32 s25, $0xD;
	s13 =	sadd.s32 s13, s22;
	v14 =	vor.u32 $0x1, v22;
	v8 =	vor.u32 $0x437FE000, v19;
	vm0 =	vgt.s32 v18, $0x0;
	[tilespmem:v15+s3+$0x0] =	vst.idx.add.s32.msk $0xffff, v6  }
0x419: {  	s23 =	smul.u32 $0xAAAB, s23;
	s22 =	sand.u32 $0x18, s26;
	s13 =	sshll.u32 s13, $0x7;
	v11 =	vnsel vm0, $0x0, v18;
	v6 =	vadd.f32 $2.568750000e+02, v20;
	vm0 =	vgt.s32 v16, $0x0;
	v15 =	vld [tilespmem:s16+$0xEC60]  }
0x41a: {  	s6 =	sand.u32 $0x380, s25;
	s13 =	sand.u32 $0xC00, s13;
	v11 =	vmin.u32 v11, $0x7FF;
	v8 =	vmul.f32 v8, v23;
	v16 =	vnsel vm0, $0x0, v16  }
0x41b: {  	s20 =	smul.u32 $0xAAAB, s20;
	s17 =	sadd.s32 s22, s17;
	s13 =	sadd.s32 s13, s5;
	v11 =	vor.u32 v2, v11;
	v6 =	vtrunc.f32 v6;
	v16 =	vmin.u32 v16, $0x7FF;
	v18 =	vld [tilespmem:s16+$0xA460]  }
0x41c: {  	s18 =	smul.u32 $0xAAAB, s18;
	s16 =	sshrl.u32 s23, $0x11;
	s22 =	sor.u32 s6, s13;
	v6 =	vcvt.f32.s32 v6;
	v8 =	vadd.f32 $2.568750000e+02, v8;
	v16 =	vor.u32 v2, v16  }
0x41d: {  	v5 =	vshll.u32 v5, $0x10;
	v7 =	vshll.u32 v7, $0x10;
	s20 =	sshrl.u32 s20, $0x11;
	v20 =	vshll.u32 v21, $0x10;
	s13 =	ssub.s32 s4, s28;
	s16 =	sand.u32 $0x18, s16;
	v19 =	vld [tilespmem:s22+$0xA470]  }
0x41e: {  	s15 =	smul.u32 $0xAAAB, s15;
	s17 =	sshll.u32 s17, $0x7;
	s14 =	sadd.s32 s16, s14;
	vm0 =	vgt.s32 v6, $0x0;
	v21 =	vshll.u32 v15, $0x1F;
	v15 =	vshll.u32 v15, $0x10  }
0x41f: {  	s16 =	sand.u32 $0xC00, s17;
	s17 =	sshrl.u32 s18, $0x11;
	s14 =	sshll.u32 s14, $0x7;
	v8 =	vtrunc.f32 v8;
	v6 =	vnsel vm0, $0x0, v6;
	v22 =	vld [tilespmem:s7+$0xA420];
	v21 =	vor.u32 $0x437FE000, v21  }
0x420: {  	s15 =	sshrl.u32 s15, $0x11;
	s7 =	sadd.s32 s16, s5;
	s14 =	sand.u32 $0xC00, s14;
	v8 =	vcvt.f32.s32 v8;
	v23 =	vld [tilespmem:s22+$0xEC70];
	v6 =	vmin.u32 v6, $0x7FF;
	v18 =	vmul.f32 v21, v18  }
0x421: {  	v4 =	vshll.u32 v4, $0x10;
	v24 =	vor.u32 $0x1, v5;
	s15 =	sand.u32 $0x18, s15;
	s16 =	sand.u32 $0x18, s20;
	s7 =	sor.u32 s6, s7;
	v21 =	vor.u32 v2, v6  }
0x422: {  	v13 =	vor.u32 $0x1, v13;
	s12 =	sadd.s32 s15, s12;
	s11 =	sadd.s32 s16, s11;
	s16 =	sand.u32 $0x18, s17;
	vm0 =	vgt.s32 v8, $0x0;
	v5 =	vld [tilespmem:s7+$0xEC10];
	v18 =	vadd.f32 $2.568750000e+02, v18  }
0x423: {  	s12 =	sshll.u32 s12, $0x7;
	s11 =	sshll.u32 s11, $0x7;
	s10 =	sadd.s32 s16, s10;
	v6 =	vor.u32 $0x1, v7;
	v7 =	vnsel vm0, $0x0, v8;
	v8 =	vor.u32 $0x1, v4;
	[tilespmem:v16+s3+$0x0] =	vst.idx.add.s32.msk $0xffff, v13  }
0x424: {  	s10 =	sshll.u32 s10, $0x7;
	v7 =	vmin.u32 v7, $0x7FF;
	v13 =	vld [tilespmem:s7+$0xA410];
	s7 =	sand.u32 $0xC00, s11;
	s11 =	sand.u32 $0xC00, s12;
	v10 =	vmul.f32 v10, v22;
	v18 =	vtrunc.f32 v18  }
0x425: {  	v9 =	vcvt.f32.s32 v9;
	v12 =	vor.u32 $0x1, v12;
	s10 =	sand.u32 $0xC00, s10;
	s7 =	sadd.s32 s7, s5;
	s11 =	sadd.s32 s11, s5;
	[tilespmem:v17+s3+$0x0] =	vst.idx.add.s32.msk $0xffff, v24;
	v16 =	vcvt.f32.s32 v18;
	v4 =	vmovc v23  }
0x426: {  	v20 =	vor.u32 $0x1, v20;
	s10 =	sadd.s32 s10, s5;
	v22 =	vor.u32 v2, v7;
	s7 =	sor.u32 s6, s7;
	s11 =	sor.u32 s6, s11;
	v17 =	vshll.u32 v4, $0x1F;
	[tilespmem:v11+s3+$0x0] =	vst.idx.add.s32.msk $0xffff, v12  }
0x427: {  	s9 =	smul.u32 $0xAAAB, s9;
	s12 =	sshll.u32 s13, $0x7;
	s10 =	sor.u32 s6, s10;
	v11 =	vor.u32 $0x1, v15;
	v12 =	vshll.u32 v5, $0x1F;
	v7 =	vld [tilespmem:s7+$0xEC20];
	vm0 =	vgt.s32 v16, $0x0  }
0x428: {  	s13 =	sadd.s32 s14, s5;
	s12 =	sand.u32 $0xFF80, s12;
	v10 =	vadd.f32 $2.568750000e+02, v10;
	v17 =	vor.u32 $0x437FE000, v17;
	v15 =	vor.u32 $0x437FE000, v12;
	v12 =	vld [tilespmem:s10+$0xEC40]  }
.Ltmp10:
0x429: {  	s9 =	sshrl.u32 s9, $0x11;
	s12 =	sadd.s32 s12, s5;
	v17 =	vmul.f32 v17, v19;
	v15 =	vmul.f32 v15, v13;
	[tilespmem:v21+s3+$0x0] =	vst.idx.add.s32.msk $0xffff, v14;
	v14 =	vnsel vm0, $0x0, v16;
	(pc) =	sbr.rel @p1 .LBB2_18-.Ltmp10, $4  }
0x42a: {  	s9 =	sand.u32 $0x18, s9;
	s13 =	sor.u32 s6, s13;
	s18 =	sor.u32 s6, s12;
	v10 =	vtrunc.f32 v10;
	vm0 =	vgt.s32 v9, $0x0;
	v13 =	vld [tilespmem:s10+$0xA440];
	v14 =	vmin.u32 v14, $0x7FF  }
0x42b: {  	s8 =	sadd.s32 s9, s8;
	v18 =	vcvt.f32.s32 v10;
	v21 =	vadd.f32 $2.568750000e+02, v17;
	v19 =	vadd.f32 $2.568750000e+02, v15;
	v15 =	vld [tilespmem:s11+$0xEC50]  }
0x42c: {  	s8 =	sshll.u32 s8, $0x7;
	v17 =	vnsel vm0, $0x0, v9;
	v14 =	vor.u32 v2, v14;
	v10 =	vshll.u32 v7, $0x1F;
	[tilespmem:v22+s3+$0x0] =	vst.idx.add.s32.msk $0xffff, v20  }
0x42d: {  	s16 =	sand.u32 $0xC00, s8;
	v9 =	vtrunc.f32 v21;
	v10 =	vor.u32 $0x437FE000, v10;
	v20 =	vshll.u32 v12, $0x1F;
	v16 =	vld [tilespmem:s11+$0xA450]  }
0x42e: {  	v19 =	vtrunc.f32 v19;
	v20 =	vor.u32 $0x437FE000, v20  }
0x42f: {  	vm0 =	vgt.s32 v18, $0x0;
	v17 =	vmin.u32 v17, $0x7FF;
	v12 =	vshll.u32 v12, $0x10  }
0x430: {  	v5 =	vshll.u32 v5, $0x10;
	v9 =	vcvt.f32.s32 v9;
	v4 =	vshll.u32 v4, $0x10  }
0x431: {  	v19 =	vcvt.f32.s32 v19;
	v13 =	vmul.f32 v20, v13;
	v18 =	vnsel vm0, $0x0, v18  }
0x432: {  	v23 =	vld [tilespmem:s13+$0xEC30];
	v17 =	vor.u32 v2, v17;
	v5 =	vor.u32 $0x1, v5;
	v4 =	vor.u32 $0x1, v4  }
0x433: {  	v55 =	vld [tilespmem:s7+$0xA420];
	v21 =	vshll.u32 v15, $0x1F;
	v15 =	vshll.u32 v15, $0x10;
	v18 =	vmin.u32 v18, $0x7FF  }
0x434: {  	s4 =	sadd.s32 s16, s5;
	v20 =	vld [tilespmem:s18+$0xEC00];
	vm14 =	vgt.s32 v9, $0x0;
	vm8 =	vgt.s32 v19, $0x0;
	v21 =	vor.u32 $0x437FE000, v21  }
0x435: {  	v24 =	vld [tilespmem:s13+$0xA430];
	s4 =	sor.u32 s6, s4;
	v13 =	vadd.f32 $2.568750000e+02, v13;
	v18 =	vor.u32 v2, v18;
	v9 =	vnsel vm14, $0x0, v9  }
0x436: {  	v54 =	vld [tilespmem:s4+$0xEC60];
	v19 =	vnsel vm8, $0x0, v19;
	v16 =	vmul.f32 v21, v16;
	v9 =	vmin.u32 v9, $0x7FF  }
0x437: {  	v22 =	vld [tilespmem:s18+$0xA400];
	v19 =	vmin.u32 v19, $0x7FF;
	v13 =	vtrunc.f32 v13;
	v25 =	vshll.u32 v23, $0x1F  }
0x438: {  	v10 =	vmul.f32 v10, v55;
	v9 =	vor.u32 v2, v9;
	v16 =	vadd.f32 $2.568750000e+02, v16  }
0x439: {  	v26 =	vld [tilespmem:s4+$0xA460];
	v53 =	vshll.u32 v20, $0x1F;
	v13 =	vcvt.f32.s32 v13;
	v25 =	vor.u32 $0x437FE000, v25  }
0x43a: {  	v19 =	vor.u32 v2, v19;
	v21 =	vor.u32 $0x437FE000, v53;
	v24 =	vmul.f32 v25, v24  }
0x43b: {  	v27 =	vshll.u32 v54, $0x1F;
	v10 =	vadd.f32 $2.568750000e+02, v10;
	v16 =	vtrunc.f32 v16  }
0x43c: {  	v21 =	vmul.f32 v21, v22;
	vm9 =	vgt.s32 v13, $0x0;
	v27 =	vor.u32 $0x437FE000, v27  }
0x43d: {  	v16 =	vcvt.f32.s32 v16;
	v13 =	vnsel vm9, $0x0, v13;
	v24 =	vadd.f32 $2.568750000e+02, v24  }
0x43e: {  	v26 =	vmul.f32 v27, v26;
	v10 =	vtrunc.f32 v10;
	v21 =	vadd.f32 $2.568750000e+02, v21  }
0x43f: {  	v13 =	vmin.u32 v13, $0x7FF;
	v10 =	vcvt.f32.s32 v10;
	vm10 =	vgt.s32 v16, $0x0  }
0x440: {  	v13 =	vor.u32 v2, v13;
	v24 =	vtrunc.f32 v24;
	v26 =	vadd.f32 $2.568750000e+02, v26  }
0x441: {  	v21 =	vtrunc.f32 v21;
	v16 =	vnsel vm10, $0x0, v16;
	v24 =	vcvt.f32.s32 v24  }
0x442: {  	vm15 =	vgt.s32 v10, $0x0;
	v21 =	vcvt.f32.s32 v21;
	v56 =	vtrunc.f32 v26  }
0x443: {  	v16 =	vmin.u32 v16, $0x7FF;
	vm12 =	vgt.s32 v24, $0x0;
	v25 =	vcvt.f32.s32 v56  }
0x444: {  	[tilespmem:v14+s3+$0x0] =	vst.idx.add.s32.msk $0xffff, v11;
	v16 =	vor.u32 v2, v16;
	vm11 =	vgt.s32 v21, $0x0;
	v24 =	vnsel vm12, $0x0, v24  }
0x445: {  	[tilespmem:v17+s3+$0x0] =	vst.idx.add.s32.msk $0xffff, v8;
	v21 =	vnsel vm11, $0x0, v21;
	v11 =	vmin.u32 v24, $0x7FF;
	vm13 =	vgt.s32 v25, $0x0  }
0x446: {  	[tilespmem:v18+s3+$0x0] =	vst.idx.add.s32.msk $0xffff, v6;
	s3 =	simm.s32 $0x0;
	v21 =	vmin.u32 v21, $0x7FF;
	v8 =	vor.u32 v2, v11;
	v11 =	vnsel vm13, $0x0, v25  }
0x447: {  	[tilespmem:v9+s3+$0x0] =	vst.idx.add.s32.msk $0xffff, v4;
	v10 =	vnsel vm15, $0x0, v10;
	v21 =	vor.u32 v2, v21;
	v6 =	vmin.u32 v11, $0x7FF  }
0x448: {  	[tilespmem:v19+s3+$0x0] =	vst.idx.add.s32.msk $0xffff, v5;
	v5 =	vor.u32 $0x1, v12;
	v10 =	vmin.u32 v10, $0x7FF;
	v6 =	vor.u32 v2, v6  }
0x449: {  	v15 =	vor.u32 $0x1, v15;
	v12 =	vshll.u32 v23, $0x10;
	[tilespmem:v13+s3+$0x0] =	vst.idx.add.s32.msk $0xffff, v5;
	v5 =	vor.u32 v2, v10  }
0x44a: {  	v20 =	vshll.u32 v20, $0x10;
	v12 =	vor.u32 $0x1, v12;
	[tilespmem:v16+s3+$0x0] =	vst.idx.add.s32.msk $0xffff, v15  }
0x44b: {  	v10 =	vshll.u32 v54, $0x10;
	v11 =	vor.u32 $0x1, v20;
	[tilespmem:v8+s3+$0x0] =	vst.idx.add.s32.msk $0xffff, v12  }
0x44c: {  	v7 =	vshll.u32 v7, $0x10;
	v10 =	vor.u32 $0x1, v10;
	[tilespmem:v21+s3+$0x0] =	vst.idx.add.s32.msk $0xffff, v11  }
0x44d: {  	[tilespmem:v6+s3+$0x0] =	vst.idx.add.s32.msk $0xffff, v10;
	v6 =	vor.u32 $0x1, v7  }
0x44e: {  	s5 =	sand.u32 $0x7E0, s3;
	[tilespmem:v5+s3+$0x0] =	vst.idx.add.s32.msk $0xffff, v6  }
0x44f: {  	v4 =	vld [tilespmem:s5+$0x7800]  }
0x450: {  	v6 =	vld [tilespmem:s5+$0x7000]  }
0x451: {  	v5 =	vld [tilespmem:s5+$0x6800]  }
0x452: {  	v7 =	vld [tilespmem:s5+$0x6000]  }
0x453: {  	v12 =	vld [tilespmem:s5+$0x5800]  }
0x454: {  	v11 =	vld [tilespmem:s5+$0x5000]  }
0x455: {  	v16 =	vld [tilespmem:s5+$0x800]  }
0x456: {  	v10 =	vld [tilespmem:s5+$0x4000]  }
0x457: {  	s4 =	simm.s32 $0x0;
	v13 =	vld [tilespmem:s5+$0x4800]  }
0x458: {  	v15 =	vld [tilespmem:s4+$0x3810]  }
0x459: {  	v14 =	vld [tilespmem:s4+$0x3010]  }
0x45a: {  	v17 =	vld [tilespmem:s4+$0x2810]  }
0x45b: {  	v9 =	vld [tilespmem:s4+$0x2010]  }
0x45c: {  	v8 =	vld [tilespmem:s4+$0x1810]  }
0x45d: {  	v18 =	vld [tilespmem:s4+$0x1010]  }
0x45e: {  	v19 =	vld [tilespmem:s4+$0x10]  }
0x45f: {  	v20 =	vld [tilespmem:s4+$0x810]  }
0x460: {  	v21 =	vld [tilespmem:s4+$0x4010]  }
0x461: {  	v57 =	vld [tilespmem:s4+$0x4810]  }
0x462: {  	v58 =	vld [tilespmem:s4+$0x5010]  }
0x463: {  	v59 =	vld [tilespmem:s4+$0x5810]  }
0x464: {  	v60 =	vld [tilespmem:s4+$0x6010]  }
0x465: {  	v61 =	vld [tilespmem:s4+$0x6810]  }
0x466: {  	v62 =	vld [tilespmem:s4+$0x7010];
	v19 =	vadd.s32 v19, v20;
	v20 =	vadd.s32 v21, v57  }
0x467: {  	v63 =	vld [tilespmem:s4+$0x7810];
	v18 =	vadd.s32 v18, v19;
	v19 =	vadd.s32 v58, v20  }
0x468: {  	v20 =	vld [tilespmem:s4+$0x0];
	v18 =	vadd.s32 v8, v18;
	v19 =	vadd.s32 v59, v19  }
0x469: {  	v8 =	vld [tilespmem:s5+$0x1000];
	v18 =	vadd.s32 v9, v18;
	v19 =	vadd.s32 v60, v19  }
0x46a: {  	v13 =	vadd.s32 v10, v13;
	v9 =	vld [tilespmem:s5+$0x1800];
	v17 =	vadd.s32 v17, v18;
	v18 =	vadd.s32 v61, v19  }
0x46b: {  	v10 =	vld [tilespmem:s5+$0x2000];
	v13 =	vadd.s32 v11, v13;
	v17 =	vadd.s32 v14, v17;
	v18 =	vadd.s32 v62, v18  }
0x46c: {  	v11 =	vld [tilespmem:s5+$0x2800];
	v14 =	vadd.s32 v12, v13;
	v15 =	vadd.s32 v15, v17;
	v13 =	vadd.s32 v63, v18  }
0x46d: {  	s7 =	simm.s32 $0x20;
	s6 =	simm.s32 $0x0;
	v12 =	vld [tilespmem:s5+$0x3000];
	v18 =	vadd.s32 v20, v16;
	v16 =	vshra.s32 v15, $0x10;
	v17 =	vshra.s32 v13, $0x10  }
.LBB2_20:
0x46e: {  	v19 =	vld [tilespmem:s5+$0x3800];
	s5 =	sand.u32 $0x7E0, s7;
	v8 =	vadd.s32 v8, v18;
	v15 =	vand.u32 $0xFFFF, v15;
	v16 =	vadd.s32 v16, v17  }
0x46f: {  	v7 =	vadd.s32 v7, v14;
	v17 =	vld [tilespmem:s5+$0x7800];
	v8 =	vadd.s32 v9, v8;
	v9 =	vand.u32 $0xFFFF, v13;
	[tilespmem:s4+$0x11810] =	vst v16  }
0x470: {  	v7 =	vadd.s32 v5, v7;
	v13 =	vld [tilespmem:s5+$0x7000];
	v8 =	vadd.s32 v10, v8;
	v9 =	vadd.s32 v15, v9  }
0x471: {  	v6 =	vadd.s32 v6, v7;
	v5 =	vld [tilespmem:s5+$0x6800];
	v8 =	vadd.s32 v11, v8;
	[tilespmem:s4+$0x11010] =	vst v9  }
0x472: {  	v14 =	vadd.s32 v4, v6;
	v7 =	vld [tilespmem:s5+$0x6000];
	v8 =	vadd.s32 v12, v8  }
0x473: {  	v12 =	vld [tilespmem:s5+$0x5800];
	v18 =	vadd.s32 v19, v8;
	v8 =	vand.u32 $0xFFFF, v14  }
0x474: {  	v10 =	vshra.s32 v14, $0x10;
	v11 =	vld [tilespmem:s5+$0x5000];
	v9 =	vand.u32 $0xFFFF, v18;
	v15 =	vshra.s32 v18, $0x10;
	v4 =	vmovc v17  }
0x475: {  	v16 =	vld [tilespmem:s5+$0x800];
	v8 =	vadd.s32 v9, v8;
	v9 =	vadd.s32 v15, v10;
	v6 =	vmov v13  }
0x476: {  	s3 =	sadd.s32 $0x80, s3;
	v10 =	vld [tilespmem:s5+$0x4000];
	[tilespmem:s4+$0x11000] =	vst v8  }
0x477: {  	v13 =	vld [tilespmem:s5+$0x4800];
	[tilespmem:s4+$0x11800] =	vst v9;
	s4 =	sshra.s32 s3, $0x2  }
0x478: {  	v15 =	vld [tilespmem:s4+$0x3810]  }
0x479: {  	v14 =	vld [tilespmem:s4+$0x3010]  }
0x47a: {  	v17 =	vld [tilespmem:s4+$0x2810]  }
0x47b: {  	v9 =	vld [tilespmem:s4+$0x2010]  }
0x47c: {  	v8 =	vld [tilespmem:s4+$0x1810]  }
0x47d: {  	v18 =	vld [tilespmem:s4+$0x1010]  }
0x47e: {  	v19 =	vld [tilespmem:s4+$0x10]  }
0x47f: {  	v20 =	vld [tilespmem:s4+$0x810]  }
0x480: {  	s6 =	sadd.s32 $0x2, s6;
	v21 =	vld [tilespmem:s4+$0x4010]  }
0x481: {  	p1 =	slt.u32 s6, $0x7E;
	v22 =	vld [tilespmem:s4+$0x4810]  }
0x482: {  	v23 =	vld [tilespmem:s4+$0x5010]  }
0x483: {  	v24 =	vld [tilespmem:s4+$0x5810]  }
0x484: {  	v25 =	vld [tilespmem:s4+$0x6010]  }
0x485: {  	v26 =	vld [tilespmem:s4+$0x6810]  }
0x486: {  	v19 =	vadd.s32 v19, v20;
	v27 =	vld [tilespmem:s4+$0x7010];
	v20 =	vadd.s32 v21, v22  }
0x487: {  	v18 =	vadd.s32 v18, v19;
	v21 =	vld [tilespmem:s4+$0x7810];
	v19 =	vadd.s32 v23, v20  }
0x488: {  	v18 =	vadd.s32 v8, v18;
	v20 =	vld [tilespmem:s4+$0x0];
	v19 =	vadd.s32 v24, v19  }
.Ltmp11:
0x489: {  	v18 =	vadd.s32 v9, v18;
	v8 =	vld [tilespmem:s5+$0x1000];
	v19 =	vadd.s32 v25, v19;
	(pc) =	sbr.rel @p1 .LBB2_20-.Ltmp11, $4  }
0x48a: {  	v13 =	vadd.s32 v10, v13;
	v17 =	vadd.s32 v17, v18;
	v9 =	vld [tilespmem:s5+$0x1800];
	v18 =	vadd.s32 v26, v19  }
0x48b: {  	v13 =	vadd.s32 v11, v13;
	v17 =	vadd.s32 v14, v17;
	v10 =	vld [tilespmem:s5+$0x2000];
	v18 =	vadd.s32 v27, v18  }
0x48c: {  	v14 =	vadd.s32 v12, v13;
	v15 =	vadd.s32 v15, v17;
	v11 =	vld [tilespmem:s5+$0x2800];
	v13 =	vadd.s32 v21, v18  }
0x48d: {  	s7 =	sadd.s32 $0x20, s7;
	v12 =	vld [tilespmem:s5+$0x3000];
	v18 =	vadd.s32 v20, v16;
	v16 =	vshra.s32 v15, $0x10;
	v17 =	vshra.s32 v13, $0x10  }
0x48e: {  	v19 =	vld [tilespmem:s5+$0x3800];
	v8 =	vadd.s32 v8, v18  }
0x48f: {  	v8 =	vadd.s32 v9, v8  }
0x490: {  	v7 =	vadd.s32 v7, v14;
	v8 =	vadd.s32 v10, v8  }
0x491: {  	v55 =	vand.u32 $0xFFFF, v15;
	v5 =	vadd.s32 v5, v7;
	v56 =	vadd.s32 v11, v8  }
0x492: {  	v57 =	vadd.s32 v16, v17;
	v5 =	vadd.s32 v6, v5;
	v58 =	vadd.s32 v12, v56  }
0x493: {  	v59 =	vand.u32 $0xFFFF, v13;
	v4 =	vadd.s32 v4, v5;
	v5 =	vadd.s32 v19, v58  }
0x494: {  	[tilespmem:s4+$0x11810] =	vst v57;
	v60 =	vadd.s32 v55, v59;
	v61 =	vand.u32 $0xFFFF, v4;
	v62 =	vand.u32 $0xFFFF, v5  }
0x495: {  	[tilespmem:s4+$0x11010] =	vst v60;
	v4 =	vshra.s32 v4, $0x10;
	v5 =	vshra.s32 v5, $0x10;
	v63 =	vadd.s32 v62, v61  }
0x496: {  	v4 =	vadd.s32 v5, v4;
	[tilespmem:s4+$0x11000] =	vst v63  }
0x497: {  	s22 =	simm.s32 $0x400;
	[tilespmem:s4+$0x11800] =	vst v4  }
0x498: {  	s23 =	simm.s32 $0x11000;
	s12 =	simm.s32 $0x5;
	s3 =	rddreg [dreg:$0x16]  }
0x499: {  	[spmem:s3] =	stream.strided.scatter [tilespmem:s23], [sflag:$0x5], $0x800, s22, s21, $0x38;
	[tilespmem:$0x14080] =	vst v63  }
0x49a: {  	_ =	swait.ge [sflag:s12], $0x800  }
0x49b: {  	[sflag:s12] =	ssyncset.done $0x0  }
0x49c: {  	s26 =	simm.s32 $0x11800;
	s25 =	rddreg [dreg:$0x17];
	[sflag:s12] =	ssyncadd.s32 $0xFFFFF800  }
0x49d: {  	[spmem:s25] =	stream.strided.scatter [tilespmem:s26], [sflag:$0x5], $0x800, s22, s21, $0x38;
	[tilespmem:$0x14080] =	vst v63  }
.Ltmp12:
0x49e: {  	_ =	swait.ge [sflag:s12], $0x800;
	(pc) =	sbr.rel @p0 .LBB2_27-.Ltmp12, $4  }
0x49f: {  	[sflag:s12] =	ssyncset.done $0x0  }
0x4a0: {  	[sflag:s12] =	ssyncadd.s32 $0xFFFFF800  }
0x4a1: {  	s28 =	simm.s32 $0xC800;
	[bflag:$0x0] =	sbarrier.arrive $0xFFFF  }
0x4a2: {  	s29 =	simm.s32 $0xA400;
	s30 =	simm.s32 $0xEC00;
	s23 =	simm.s32 $0x8000  }
0x4a3: {  	s3 =	rddreg [dreg:$0x18];
	s4 =	simm.s32 $0x400;
	s5 =	simm.s32 $0x12000  }
0x4a4: {  	[tilespmem:s5], [sflag:$0x5] =	stream.strided.gather [spmem:s3], $0x800, s4, s21, $0x38;
	[tilespmem:$0x14080] =	vst v63  }
0x4a5: {  	_ =	swait.ge [sflag:s12], $0x800  }
0x4a6: {  	[sflag:s12] =	ssyncset.done $0x0  }
0x4a7: {  	s25 =	simm.s32 $0x12800;
	s22 =	rddreg [dreg:$0x19];
	[sflag:s12] =	ssyncadd.s32 $0xFFFFF800  }
0x4a8: {  	[tilespmem:s25], [sflag:$0x5] =	stream.strided.gather [spmem:s22], $0x800, s4, s21, $0x38;
	[tilespmem:$0x14080] =	vst v63  }
0x4a9: {  	_ =	swait.ge [sflag:s12], $0x800  }
0x4aa: {  	[sflag:s12] =	ssyncset.done $0x0  }
0x4ab: {  	s26 =	simm.s32 $0x11820;
	[sflag:s12] =	ssyncadd.s32 $0xFFFFF800  }
0x4ac: {  	s3 =	simm.s32 $0x12820;
	v4 =	vld [tilespmem:s26+$0xFFFFFFE0]  }
0x4ad: {  	v5 =	vld [tilespmem:s3+$0xFFFFFFE0]  }
0x4ae: {  	v9 =	vld [tilespmem:s26+$0xFFFFFFF0]  }
0x4af: {  	v8 =	vld [tilespmem:s3+$0xFFFFFFF0]  }
0x4b0: {  	v7 =	vimm.s32 $0x0;
	v6 =	vld [tilespmem:s26+$0x0]  }
0x4b1: {  	v4 =	vadd.s32 v7, v4;
	v7 =	vld [tilespmem:s3+$0x0]  }
0x4b2: {  	v4 =	vadd.s32 v5, v4;
	v5 =	vld [tilespmem:s26+$0x10]  }
0x4b3: {  	s5 =	simm.s32 $0x11860;
	s4 =	simm.s32 $0x0;
	v9 =	vadd.s32 v9, v4;
	v4 =	vld [tilespmem:s3+$0x10]  }
.LBB2_23:
0x4b4: {  	v10 =	vld [tilespmem:s5+$0xFFFFFFE0];
	s4 =	sadd.s32 $0x4, s4;
	v8 =	vadd.s32 v8, v9;
	s3 =	sadd.s32 $0x40, s3  }
0x4b5: {  	v9 =	vld [tilespmem:s3+$0xFFFFFFE0];
	p1 =	slt.u32 s4, $0x7C;
	v6 =	vadd.s32 v6, v8  }
0x4b6: {  	v11 =	vld [tilespmem:s5+$0xFFFFFFF0];
	v6 =	vadd.s32 v7, v6  }
.Ltmp13:
0x4b7: {  	v8 =	vld [tilespmem:s3+$0xFFFFFFF0];
	v5 =	vadd.s32 v5, v6;
	(pc) =	sbr.rel @p1 .LBB2_23-.Ltmp13, $4  }
0x4b8: {  	v6 =	vld [tilespmem:s5+$0x0];
	v4 =	vadd.s32 v4, v5  }
0x4b9: {  	v4 =	vadd.s32 v4, v10;
	v7 =	vld [tilespmem:s3+$0x0]  }
0x4ba: {  	v4 =	vadd.s32 v9, v4;
	v5 =	vld [tilespmem:s5+$0x10]  }
0x4bb: {  	s5 =	sadd.s32 $0x40, s5;
	v9 =	vadd.s32 v11, v4;
	v4 =	vld [tilespmem:s3+$0x10]  }
0x4bc: {  	s3 =	simm.s32 $0x127F0  }
0x4bd: {  	s4 =	simm.s32 $0x117F0;
	v10 =	vld [tilespmem:s3+$0xFFFFFFF0]  }
0x4be: {  	s5 =	simm.s32 $0x12FF0;
	v11 =	vld [tilespmem:s4+$0xFFFFFFF0]  }
0x4bf: {  	s6 =	simm.s32 $0x11FF0;
	v13 =	vld [tilespmem:s5+$0x0]  }
0x4c0: {  	v14 =	vld [tilespmem:s6+$0x0]  }
0x4c1: {  	v8 =	vadd.s32 v8, v9;
	s7 =	simm.s32 $0x7E0  }
0x4c2: {  	v6 =	vadd.s32 v6, v8;
	v8 =	vmul.u32 $0xFFFFFFFF, v0;
	v12 =	vmov s7  }
0x4c3: {  	v6 =	vadd.s32 v7, v6;
	vm0 =	veq.s32 v12, v0;
	v9 =	vadd.s32 v11, v10  }
0x4c4: {  	v5 =	vadd.s32 v5, v6;
	v6 =	vadd.s32 $0xF, v8;
	v9 =	vsel vm0, $0x0, v9  }
0x4c5: {  	v7 =	vld [tilespmem:s3+$0x0];
	v4 =	vadd.s32 v4, v5;
	v5 =	vperm.xlane v9, v6;
	v9 =	vadd.s32 v14, v13  }
0x4c6: {  	v8 =	vld [tilespmem:s4+$0x0];
	(xrf0) =	vadd.scan.msk.s32 $0xffff, v4;
	v4 =	vperm.xlane v9, v6  }
0x4c7: {  	(xrf0) =	vadd.scan.msk.s32 $0xffff, v5  }
0x4c8: {  	(xrf0) =	vadd.scan.msk.s32 $0xffff, v4;
	_ =	sdelay $0x1  }
0x4c9: {  	v5 =	vld [tilespmem:s5+$0xFFFFFFF0]  }
0x4ca: {  	s20 =	simm.s32 $0x117D0;
	v4 =	vadd.s32 v8, v7;
	v7 =	vld [tilespmem:s6+$0xFFFFFFF0]  }
0x4cb: {  	s18 =	simm.s32 $0x127D0;
	v10 =	vld [tilespmem:s20+$0xFFFFFFF0];
	v8, _, _ =	vpop (xrf0);
	v4 =	vperm.xlane v4, v6  }
0x4cc: {  	s25 =	simm.s32 $0x11FD0;
	v9 =	vld [tilespmem:s18+$0xFFFFFFF0];
	v11, _, _ =	vpop (xrf0)  }
0x4cd: {  	s22 =	simm.s32 $0x12FD0;
	v15 =	vld [tilespmem:s25+$0x0];
	(xrf0) =	vadd.scan.msk.s32 $0xffff, v4;
	v14, _, _ =	vpop (xrf0)  }
0x4ce: {  	v13 =	vld [tilespmem:s22+$0x0];
	(v2sf) =	vpush v14, $0xF  }
0x4cf: {  	s26 =	simm.s32 $0x7C0;
	v16 =	vld [tilespmem:s20+$0x0];
	v4 =	vadd.s32 v7, v5  }
0x4d0: {  	v5 =	vld [tilespmem:s18+$0x0];
	v7 =	vsel vm0, $0x0, v4;
	v4 =	vmov s26  }
0x4d1: {  	v9 =	vadd.s32 v10, v9;
	vm0 =	veq.s32 v4, v0  }
0x4d2: {  	v7 =	vperm.xlane v7, v6;
	v9 =	vsel vm0, $0x0, v9  }
0x4d3: {  	v10 =	vadd.s32 v15, v13;
	v18, _, _ =	vpop (xrf0);
	v9 =	vperm.xlane v9, v6  }
0x4d4: {  	(xrf0) =	vadd.scan.msk.s32 $0xffff, v7;
	v7 =	vperm.xlane v10, v6;
	(v2sf) =	vpush v18, $0xF  }
0x4d5: {  	s11 =	simm.s32 $0x11FB0;
	v5 =	vadd.s32 v16, v5;
	(xrf0) =	vadd.scan.msk.s32 $0xffff, v9  }
0x4d6: {  	v23 =	vld [tilespmem:s11+$0xFFFFFFF0];
	v5 =	vperm.xlane v5, v6;
	(xrf0) =	vadd.scan.msk.s32 $0xffff, v7  }
0x4d7: {  	v27 =	vld [tilespmem:s11+$0x0];
	(v2sf) =	vpush v11, $0xF  }
0x4d8: {  	v10 =	vld [tilespmem:s25+$0xFFFFFFF0];
	(xrf0) =	vadd.scan.msk.s32 $0xffff, v5  }
0x4d9: {  	s5 =	simm.s32 $0x12FB0;
	v9 =	vld [tilespmem:s22+$0xFFFFFFF0]  }
0x4da: {  	s9 =	simm.s32 $0x0;
	s7 =	simm.s32 $0x117B0;
	v15 =	vld [tilespmem:s5+$0x0];
	v13, _, _ =	vpop (xrf0)  }
0x4db: {  	v24 =	vmov s9;
	v25 =	vld [tilespmem:s7+$0x0];
	s6 =	simm.s32 $0x127B0;
	(v2sf) =	vpush v13, $0xF;
	v19, _, _ =	vpop (xrf0)  }
0x4dc: {  	v24 =	vsub.s32 $0x0, v24;
	v21 =	vld [tilespmem:s6+$0x0];
	v17, _, _ =	vpop (xrf0)  }
0x4dd: {  	v24 =	vbroadcast v24, $0x0;
	vm1 =	veq.s32 v12, v6;
	v16 =	vld [tilespmem:s6+$0xFFFFFFF0];
	s10 =	spop (v2sf);
	(v2sf) =	vpush v17, $0xF  }
0x4de: {  	vm1 =	vmmov vm1;
	vm2 =	veq.s32 v4, v6;
	v5 =	vadd.s32 v10, v9;
	v9 =	vld [tilespmem:s7+$0xFFFFFFF0];
	v22, _, _ =	vpop (xrf0)  }
0x4df: {  	v15 =	vadd.s32 v27, v15;
	v10 =	vld [tilespmem:s5+$0xFFFFFFF0];
	v5 =	vsel vm0, $0x0, v5;
	(v2sf) =	vpush v22, $0xF  }
0x4e0: {  	v15 =	vperm.xlane v15, v6;
	v18 =	vadd.s32 s9, v18;
	v20 =	vperm.xlane v5, v6;
	s8 =	sadd.s32 $0x0, s10  }
0x4e1: {  	v7 =	vbroadcast v8, $0xF;
	vm0 =	vmmov vm1;
	v5 =	vmov s8  }
0x4e2: {  	s13 =	simm.s32 $0x7A0;
	vm1 =	vmmov vm2;
	(xrf0) =	vadd.scan.msk.s32 $0xffff, v20;
	v20 =	vadd.s32 v25, v21;
	v26 =	vsub.s32 $0x0, v5  }
0x4e3: {  	v9 =	vadd.s32 v9, v16;
	s14 =	spop (v2sf);
	v5 =	vmov s13;
	v26 =	vbroadcast v26, $0x0  }
0x4e4: {  	v10 =	vadd.s32 v23, v10;
	(v2sf) =	vpush v19, $0xF;
	vm2 =	veq.s32 v5, v0;
	s15 =	sadd.s32 $0x0, s14  }
0x4e5: {  	v11 =	vadd.s32 s15, v11;
	v9 =	vsel vm2, $0x0, v9;
	v16 =	vadd.s32 v7, v26  }
0x4e6: {  	s16 =	spop (v2sf);
	v10 =	vsel vm2, $0x0, v10;
	v9 =	vperm.xlane v9, v6;
	v16 =	vadd.s32 v11, v16  }
0x4e7: {  	s18 =	sadd.s32 s15, s16;
	v13 =	vsub.s32 v16, v13;
	v16 =	vperm.xlane v20, v6;
	v20 =	vadd.s32 v7, v24  }
0x4e8: {  	(xrf0) =	vadd.scan.msk.s32 $0xffff, v9;
	v9 =	vadd.s32 s18, v22;
	vm3 =	vgt.s32 v13, $0x1;
	v20 =	vadd.s32 v18, v20  }
0x4e9: {  	v22 =	vperm.xlane v10, v6;
	v13 =	vnsel vm3, $0x1, v13;
	v10 =	vsub.s32 v20, v14  }
0x4ea: {  	s17 =	simm.s32 $0x12F90;
	(xrf0) =	vadd.scan.msk.s32 $0xffff, v15;
	s20 =	spop (v2sf);
	v13 =	vcvt.s32.f32 v13;
	vm4 =	vgt.s32 v10, $0x1  }
0x4eb: {  	v55 =	vld [tilespmem:s17+$0xFFFFFFF0];
	vm15 =	veq.s32 v12, v3;
	s4 =	simm.s32 $0x11790;
	v12 =	vimm.f32 $0.0e+00;
	s7 =	sadd.s32 s8, s20;
	(xrf0) =	vadd.scan.msk.s32 $0xffff, v16;
	v16, _, _ =	vpop (xrf0);
	v10 =	vnsel vm4, $0x1, v10  }
0x4ec: {  	s3 =	simm.s32 $0x12790;
	v23 =	vld [tilespmem:s4+$0xFFFFFFF0];
	(erf) = vrcp.f32 v13;
	v13 =	vmov s7;
	(v2sf) =	vpush v16, $0xF;
	s9 =	spop (v2sf)  }
0x4ed: {  	s22 =	simm.s32 $0x11F90;
	vm2 =	veq.s32 v5, v6;
	v20 =	vld [tilespmem:s3+$0xFFFFFFF0];
	v14 =	vcvt.s32.f32 v10;
	v13 =	vsub.s32 $0x0, v13;
	s7 =	sadd.s32 s7, s9  }
0x4ee: {  	v58 =	vld [tilespmem:s22+$0xFFFFFFF0];
	v28 =	vcvt.s32.f32 v11;
	vm3 =	vmmov vm0;
	s25 =	spop (v2sf);
	v11 =	vmov s7  }
0x4ef: {  	v30 =	vld [tilespmem:s22+$0x0];
	vm0 =	vmmov vm1;
	v15, _, _ =	vpop (xrf0);
	(erf) = vrcp.f32 v14;
	s6 =	sadd.s32 s18, s25;
	v14 =	vsub.s32 $0x0, v11  }
0x4f0: {  	s5 =	simm.s32 $0x780;
	v21 =	vld [tilespmem:s17+$0x0];
	v57 =	vbroadcast v13, $0x0;
	v13, _, _ =	vpop (xrf0);
	v11 =	vadd.s32 s6, v19;
	v19 =	vbroadcast v14, $0x0  }
0x4f1: {  	v56 =	vld [tilespmem:s3+$0x0];
	vm1 =	vmmov vm2;
	v10 =	vmov s5;
	(v2sf) =	vpush v13, $0xF  }
0x4f2: {  	v29 =	vld [tilespmem:s4+$0x0];
	vm2 =	veq.s32 v10, v0;
	v20 =	vadd.s32 v23, v20;
	v31, _, _ =	vpop (xrf0);
	v19 =	vadd.s32 v7, v19  }
0x4f3: {  	v23 =	vadd.s32 v58, v55;
	(v2sf) =	vpush v31, $0xF;
	v19 =	vadd.s32 v11, v19  }
0x4f4: {  	v20 =	vsel vm2, $0x0, v20;
	(v2sf) =	vpush v15, $0xF;
	v16 =	vsub.s32 v19, v16  }
0x4f5: {  	v20 =	vperm.xlane v20, v6;
	v19 =	vadd.s32 v30, v21;
	vm14 =	vgt.s32 v16, $0x1  }
0x4f6: {  	v60 =	vperm.xlane v19, v6;
	v19 =	vsel vm2, $0x0, v23;
	v23 =	vnsel vm14, $0x1, v16  }
0x4f7: {  	v59 =	vadd.s32 v29, v56;
	s26 =	spop (v2sf);
	v62 =	vpop (erf);
	v16 =	vperm.xlane v19, v6;
	v19 =	vcvt.s32.f32 v23  }
0x4f8: {  	v8 =	vimm.f32 $0.0e+00;
	(xrf0) =	vadd.scan.msk.s32 $0xffff, v22;
	v61 =	vadd.s32 v7, v57;
	s6 =	sadd.s32 s6, s26;
	v63 =	vmul.f32 v28, v62  }
0x4f9: {  	v14 =	vadd.s32 s6, v31;
	(xrf0) =	vadd.scan.msk.s32 $0xffff, v20;
	v20 =	vcvt.s32.f32 v18;
	v21 =	vperm.xlane v59, v6  }
0x4fa: {  	s10 =	simm.s32 $0x12F70;
	vm2 =	veq.s32 v10, v6;
	v18 =	vsel vm3, $0x0, v63;
	v23 =	vadd.s32 v9, v61  }
0x4fb: {  	s8 =	simm.s32 $0x6;
	s9 =	simm.s32 $0x11F70;
	(xrf0) =	vadd.scan.msk.s32 $0xffff, v60;
	v22 =	vsub.s32 v23, v17;
	v17 =	vnsel vm15, $0x0, v63;
	(erf) = vrcp.f32 v19;
	s11 =	spop (v2sf);
	v19 =	vpop (erf)  }
.LBB2_25:
0x4fc: {  	vm4 =	vgt.s32 v22, $0x1  }
0x4fd: {  	v23 =	vld [tilespmem:s10+$0x0];
	s4 =	sadd.s32 $0xFFFFFFE0, s4;
	s3 =	sadd.s32 $0xFFFFFFE0, s3;
	s7 =	sadd.s32 s7, s11;
	v24 =	vmovc v10;
	v25 =	vmovc v9;
	v9 =	vmov v14;
	vm3 =	vmmov vm0;
	vm0 =	vmmov vm1  }
0x4fe: {  	s8 =	sadd.s32 $0x2, s8;
	v19 =	vmul.f32 v20, v19;
	v26 =	vld [tilespmem:s3+$0xFFFFFFF0];
	(xrf0) =	vadd.scan.msk.s32 $0xffff, v21;
	v10 =	vmov s7;
	v21, _, _ =	vpop (xrf0);
	v14 =	vnsel vm4, $0x1, v22  }
0x4ff: {  	p1 =	slt.u32 s8, $0x7E;
	v20 =	vld [tilespmem:s4+$0xFFFFFFF0];
	v22, _, _ =	vpop (xrf0);
	v10 =	vsub.s32 $0x0, v10;
	(v2sf) =	vpush v21, $0xF;
	v14 =	vcvt.s32.f32 v14  }
0x500: {  	s5 =	sadd.s32 $0xFFFFFFE0, s5;
	vm1 =	vmmov vm2;
	v27 =	vld [tilespmem:s10+$0xFFFFFFF0];
	v28 =	vbroadcast v10, $0x0;
	s11 =	spop (v2sf)  }
0x501: {  	v31 =	vcvt.s32.f32 v11;
	v8 =	vadd.f32 v19, v8;
	v29 =	vld [tilespmem:s3+$0x0];
	v30, _, _ =	vpop (xrf0);
	s7 =	sadd.s32 s7, s11;
	(erf) = vrcp.f32 v14  }
0x502: {  	v10 =	vmov s5;
	v19 =	vld [tilespmem:s9+$0xFFFFFFF0];
	v11 =	vmov s7;
	s11 =	spop (v2sf)  }
0x503: {  	vm2 =	veq.s32 v10, v0;
	v32 =	vld [tilespmem:s4+$0x0];
	(v2sf) =	vpush v30, $0xF;
	s6 =	sadd.s32 s6, s11;
	v14 =	vsub.s32 $0x0, v11;
	s11 =	spop (v2sf)  }
0x504: {  	v12 =	vadd.f32 v17, v12;
	v33 =	vld [tilespmem:s9+$0x0];
	v34, _, _ =	vpop (xrf0);
	v11 =	vadd.s32 s6, v15;
	v35 =	vbroadcast v14, $0x0;
	s6 =	sadd.s32 s6, s11  }
0x505: {  	v8 =	vadd.f32 v18, v8;
	v14 =	vadd.s32 s6, v34;
	(v2sf) =	vpush v34, $0xF;
	v17 =	vpop (erf)  }
0x506: {  	v18 =	vadd.s32 v20, v26;
	v15 =	vmovc v22;
	(v2sf) =	vpush v22, $0xF;
	v20 =	vadd.s32 v7, v35  }
0x507: {  	v18 =	vsel vm2, $0x0, v18;
	v19 =	vadd.s32 v19, v27;
	v20 =	vadd.s32 v11, v20  }
0x508: {  	v18 =	vperm.xlane v18, v6;
	v22 =	vadd.s32 v32, v29;
	v20 =	vsub.s32 v20, v21  }
0x509: {  	v23 =	vadd.s32 v33, v23;
	v21 =	vperm.xlane v22, v6;
	vm4 =	vgt.s32 v20, $0x1  }
.Ltmp14:
0x50a: {  	v22 =	vperm.xlane v23, v6;
	v23 =	vsel vm2, $0x0, v19;
	(xrf0) =	vadd.scan.msk.s32 $0xffff, v16;
	v20 =	vnsel vm4, $0x1, v20;
	v19 =	vpop (erf);
	(pc) =	sbr.rel @p1 .LBB2_25-.Ltmp14, $4  }
0x50b: {  	v16 =	vperm.xlane v23, v6;
	(xrf0) =	vadd.scan.msk.s32 $0xffff, v18;
	v18 =	vadd.s32 v7, v28;
	v23 =	vcvt.s32.f32 v20  }
0x50c: {  	v17 =	vmul.f32 v31, v17;
	vm2 =	veq.s32 v10, v6;
	v18 =	vadd.s32 v9, v18  }
0x50d: {  	vm4 =	veq.s32 v4, v3;
	v20 =	vcvt.s32.f32 v25;
	(xrf0) =	vadd.scan.msk.s32 $0xffff, v22;
	v22 =	vsub.s32 v18, v13;
	v13 =	vmovc v30  }
0x50e: {  	s10 =	sadd.s32 $0xFFFFFFE0, s10;
	s9 =	sadd.s32 $0xFFFFFFE0, s9;
	v4 =	vmovc v5;
	v5 =	vmovc v24;
	v18 =	vsel vm3, $0x0, v17;
	v17 =	vnsel vm4, $0x0, v17;
	(erf) = vrcp.f32 v23;
	s11 =	spop (v2sf)  }
.Ltmp15:
0x50f: {  	_ = 	snop;
	(pc) =	sbr.rel .LBB2_26-.Ltmp15, $1  }
0x510: {  	_ =	sdelay $0x3  }
.LBB2_28:
0x511: {  	_ =	sfence.sel $0x180000  }
0x512: {  	[bflag:$0x0] =	sbarrier.arrive $0xFFFF  }
0x513: {  	_ =	strace $0x90000047  }
0x514: {  	s0 =	stileid.u32;
	[bflag:$0x2] =	sbarrier.arrive $0xFFFF  }
0x515: {  	p0 =	sne.s32 s0, $0x0;
	s0 =	rddreg [dreg:$0x5]  }
0x516: {  	s0 =	sadd.s32 @!p0 $0x100000, s0  }
0x517: {  	[sflag:s0] =	ssyncadd.tile.s32 @!p0 $0x1;
	_ =	shalt  }
.Lfunc_end2:
_tile_overlayer_lowered:
.L_overlay_start_2:
0x518: {  	(tag) =	ssettag $0x2  }
0x519: {  	s0 =	rddreg [dreg:$0x0];
	s2 =	stileid.u32  }
0x51a: {  	s1 =	rddreg [dreg:$0x1];
	p0 =	sne.s32 s2, $0x0  }
0x51b: {  	s3 =	rddreg [dreg:$0x2];
	[bflag:$0x3] =	sbarrier.arrive $0xFFFF;
	s2 =	simm.s32 @!p0 $0x1C05  }
0x51c: {  	[timem:s3], [sflag:s2] =	dma.local @!p0 [hbm:s0], s1  }
0x51d: {  	s0 =	simm.s32 @!p0 $0x5  }
0x51e: {  	_ =	swait.ge @!p0 [sflag:s0], s1  }
0x51f: {  	s1 =	ssub.s32 @!p0 $0x0, s1;
	[sflag:s0] =	ssyncset.done @!p0 $0x0  }
0x520: {  	[sflag:s0] =	ssyncadd.s32 @!p0 s1  }
0x521: {  	[bflag:$0x3] =	sbarrier.arrive $0xFFFF  }
0x522: {  	_ =	shalt  }

</sc_bundles>
